<compile_context>
chip_gen: v7x
topology: tpu7x:2x2x1
jax: 0.10.2.dev20260603
libtpu: 0.0.44.dev20260713+nightly
codegen_flags: <defaults>
</compile_context>

<pallas_src>
import functools

import jax
import jax.numpy as jnp
from jax import lax
from jax.experimental import pallas as pl
from jax.experimental.pallas import tpu as pltpu
from jax.experimental.pallas import tpu_sc as plsc

N_NODES = 10000
N_EDGES = 320000
D = 128
NUM_SEG = 64

NC = 2
NS = 16
NW = NC * NS
CH = 80
NCH = 125
EPW = NCH * CH
EPAD = NW * EPW
DUMP = N_NODES
NP = 10240
RPT = NP // NS
ZCH = 80
CW = 16

BLK = 1000
NBLK = N_NODES // BLK


def _ln_body(x_ref, w_ref, b_ref, o_ref):
    xv = x_ref[...]
    mu = jnp.mean(xv, axis=-1, keepdims=True)
    var = jnp.mean((xv - mu) ** 2, axis=-1, keepdims=True)
    o_ref[...] = (xv - mu) * lax.rsqrt(var + 1e-5) * w_ref[...] + b_ref[...]


def _layernorm(x, w, b):
    return pl.pallas_call(
        _ln_body,
        grid=(NBLK,),
        in_specs=[
            pl.BlockSpec((BLK, D), lambda i: (i, 0)),
            pl.BlockSpec((1, D), lambda i: (0, 0)),
            pl.BlockSpec((1, D), lambda i: (0, 0)),
        ],
        out_specs=pl.BlockSpec((BLK, D), lambda i: (i, 0)),
        out_shape=jax.ShapeDtypeStruct((N_NODES, D), jnp.float32),
    )(x, w.reshape(1, D), b.reshape(1, D))


def _sc_agg_body(h_hbm, src3_hbm, dst3_hbm, zc_hbm, zn_hbm, ones_hbm,
                 agg_out, cnt_out, agg_sh, cnt_sh,
                 sidx, didx, rows0, rows1, ones_v,
                 semi0, semi1, semi2, semi3, semg0, semg1):
    c = lax.axis_index("c")
    s = lax.axis_index("s")
    wid = c * NS + s
    r0 = s * RPT
    rowsb = (rows0, rows1)
    semi = (semi0, semi1, semi2, semi3)
    semg = (semg0, semg1)

    def fetch_idx(ci, b):
        pltpu.async_copy(src3_hbm.at[wid, ci], sidx.at[b], semi[b])
        pltpu.async_copy(dst3_hbm.at[wid, ci], didx.at[b], semi[b])

    def wait_idx(ci, b):
        pltpu.make_async_copy(src3_hbm.at[wid, ci], sidx.at[b], semi[b]).wait()
        pltpu.make_async_copy(dst3_hbm.at[wid, ci], didx.at[b], semi[b]).wait()

    def start_gather(b, rb):
        pltpu.async_copy(h_hbm.at[sidx.at[b]], rowsb[rb], semg[rb])

    def wait_gather(b, rb):
        pltpu.make_async_copy(h_hbm.at[sidx.at[b]], rowsb[rb], semg[rb]).wait()

    def scatter(b, rb):
        pltpu.sync_copy(rowsb[rb], agg_sh.at[didx.at[b]], add=True)
        pltpu.sync_copy(ones_v, cnt_sh.at[didx.at[b]], add=True)

    pltpu.sync_copy(zc_hbm, rows0)
    pltpu.sync_copy(zn_hbm, ones_v)
    for j in range(RPT // ZCH):
        pltpu.sync_copy(rows0.at[pl.ds(0, ZCH)],
                        agg_sh.at[pl.ds(r0 + j * ZCH, ZCH)])
        pltpu.sync_copy(ones_v.at[pl.ds(0, ZCH)],
                        cnt_sh.at[pl.ds(r0 + j * ZCH, ZCH)])
    pltpu.sync_copy(ones_hbm, ones_v)
    plsc.subcore_barrier()

    for x in range(4):
        fetch_idx(x, x)
    wait_idx(0, 0)
    start_gather(0, 0)
    wait_idx(1, 1)
    start_gather(1, 1)

    def step(x, off, do_fetch, do_gather):
        b = off % 4
        rb = off % 2
        wait_gather(b, rb)
        scatter(b, rb)
        if do_fetch:
            fetch_idx(x + 4, b)
        if do_gather:
            wait_idx(x + 2, (off + 2) % 4)
            start_gather((off + 2) % 4, rb)

    def body(m, carry):
        x0 = 4 * m
        for off in range(4):
            step(x0 + off, off, True, True)
        return carry

    lax.fori_loop(0, (NCH - 5) // 4, body, 0)
    base = NCH - 5
    step(base + 0, 0, True, True)
    step(base + 1, 1, False, True)
    step(base + 2, 2, False, True)
    step(base + 3, 3, False, False)
    step(base + 4, 0, False, False)
    plsc.subcore_barrier()
    for j in range(RPT // ZCH):
        pltpu.sync_copy(agg_sh.at[pl.ds(r0 + j * ZCH, ZCH)],
                        rows0.at[pl.ds(0, ZCH)])
        pltpu.sync_copy(rows0.at[pl.ds(0, ZCH)],
                        agg_out.at[c, pl.ds(r0 + j * ZCH, ZCH)])
        pltpu.sync_copy(cnt_sh.at[pl.ds(r0 + j * ZCH, ZCH)],
                        ones_v.at[pl.ds(0, ZCH)])
        pltpu.sync_copy(ones_v.at[pl.ds(0, ZCH)],
                        cnt_out.at[c, pl.ds(r0 + j * ZCH, ZCH)])


@functools.cache
def _sc_agg_kernel():
    return pl.kernel(
        _sc_agg_body,
        out_type=[
            jax.ShapeDtypeStruct((NC, NP, D), jnp.float32),
            jax.ShapeDtypeStruct((NC, NP, CW), jnp.float32),
        ],
        mesh=plsc.VectorSubcoreMesh(core_axis_name="c", subcore_axis_name="s",
                                    num_cores=NC, num_subcores=NS),
        scratch_types=[
            pltpu.VMEM_SHARED((NP, D), jnp.float32),
            pltpu.VMEM_SHARED((NP, CW), jnp.float32),
            pltpu.VMEM((4, CH), jnp.int32),
            pltpu.VMEM((4, CH), jnp.int32),
            pltpu.VMEM((CH, D), jnp.float32),
            pltpu.VMEM((CH, D), jnp.float32),
            pltpu.VMEM((CH, CW), jnp.float32),
            pltpu.SemaphoreType.DMA,
            pltpu.SemaphoreType.DMA,
            pltpu.SemaphoreType.DMA,
            pltpu.SemaphoreType.DMA,
            pltpu.SemaphoreType.DMA,
            pltpu.SemaphoreType.DMA,
        ],
        compiler_params=pltpu.CompilerParams(use_tc_tiling_on_sc=False),
    )


def _combine_body(aggp_ref, cntp_ref, h_ref, seg_ref, wl_ref, wr_ref, bl_ref,
                  n1w_ref, n1b_ref, o_ref, acc, cacc):
    i = pl.program_id(0)
    agg = aggp_ref[0] + aggp_ref[1]
    cnt = cntp_ref[0, :, 0:1] + cntp_ref[1, :, 0:1]
    mean_agg = agg / jnp.maximum(cnt, 1.0)
    h = h_ref[...]
    h2 = (
        lax.dot_general(mean_agg, wl_ref[...], (((1,), (1,)), ((), ())),
                        preferred_element_type=jnp.float32)
        + bl_ref[...]
        + lax.dot_general(h, wr_ref[...], (((1,), (1,)), ((), ())),
                          preferred_element_type=jnp.float32)
    )
    h2 = jnp.maximum(h2, 0.0)
    mu = jnp.mean(h2, axis=-1, keepdims=True)
    var = jnp.mean((h2 - mu) ** 2, axis=-1, keepdims=True)
    h2 = (h2 - mu) * lax.rsqrt(var + 1e-5) * n1w_ref[...] + n1b_ref[...]

    seg = seg_ref[0, 0, :]
    onehot = (seg[:, None]
              == lax.broadcasted_iota(jnp.int32, (BLK, NUM_SEG), 1)
              ).astype(jnp.float32)

    @pl.when(i == 0)
    def _():
        acc[...] = jnp.zeros_like(acc)
        cacc[...] = jnp.zeros_like(cacc)

    acc[...] += lax.dot_general(onehot, h2, (((0,), (0,)), ((), ())),
                                preferred_element_type=jnp.float32)
    cacc[...] += lax.dot_general(onehot, jnp.ones_like(h2),
                                 (((0,), (0,)), ((), ())),
                                 preferred_element_type=jnp.float32)

    @pl.when(i == NBLK - 1)
    def _():
        o_ref[...] = acc[...] / jnp.maximum(cacc[...], 1.0)


def _combine(aggp, cntp, h, seg3, W_l, W_r, b_l, n1w, n1b):
    return pl.pallas_call(
        _combine_body,
        grid=(NBLK,),
        in_specs=[
            pl.BlockSpec((NC, BLK, D), lambda i: (0, i, 0)),
            pl.BlockSpec((NC, BLK, CW), lambda i: (0, i, 0)),
            pl.BlockSpec((BLK, D), lambda i: (i, 0)),
            pl.BlockSpec((1, 1, BLK), lambda i: (i, 0, 0)),
            pl.BlockSpec((D, D), lambda i: (0, 0)),
            pl.BlockSpec((D, D), lambda i: (0, 0)),
            pl.BlockSpec((1, D), lambda i: (0, 0)),
            pl.BlockSpec((1, D), lambda i: (0, 0)),
            pl.BlockSpec((1, D), lambda i: (0, 0)),
        ],
        out_specs=pl.BlockSpec((NUM_SEG, D), lambda i: (0, 0)),
        out_shape=jax.ShapeDtypeStruct((NUM_SEG, D), jnp.float32),
        scratch_shapes=[
            pltpu.VMEM((NUM_SEG, D), jnp.float32),
            pltpu.VMEM((NUM_SEG, D), jnp.float32),
        ],
    )(aggp, cntp, h, seg3, W_l, W_r, b_l.reshape(1, D), n1w.reshape(1, D),
      n1b.reshape(1, D))


def kernel(x, edge_patch, superpixel_attri, W_l, b_l, W_r,
           norm_w, norm_b, norm1_w, norm1_b):
    pad = EPAD - N_EDGES
    src3 = jnp.concatenate(
        [edge_patch[0].astype(jnp.int32), jnp.zeros((pad,), jnp.int32)]
    ).reshape(NW, NCH, CH)
    dst3 = jnp.concatenate(
        [edge_patch[1].astype(jnp.int32), jnp.full((pad,), DUMP, jnp.int32)]
    ).reshape(NW, NCH, CH)
    seg3 = superpixel_attri.astype(jnp.int32).reshape(NBLK, 1, BLK)
    zc = jnp.zeros((CH, D), jnp.float32)
    zn = jnp.zeros((CH, CW), jnp.float32)
    ones = jnp.ones((CH, CW), jnp.float32)

    h = _layernorm(x, norm_w, norm_b)
    aggp, cntp = _sc_agg_kernel()(h, src3, dst3, zc, zn, ones)
    return _combine(aggp, cntp, h, seg3, W_l, W_r, b_l, norm1_w, norm1_b)

# --- scband reference (transcript-rebuilt; emitter-appended) ---
"""Pipeline reference for scband-intra-gcn-52329881534579 (READ-ONLY COPY).

The authoritative reference and input builder live on the scoring server;
editing this copy changes nothing except your own understanding.
"""

import jax, jax.numpy as jnp
import numpy as np

N_NODES = 10000
N_EDGES = 320000
D = 128
NUM_SEG = 64


def _layer_norm(h, w, b, eps=1e-5):
    mu = jnp.mean(h, axis=-1, keepdims=True)
    var = jnp.mean((h - mu) ** 2, axis=-1, keepdims=True)
    return (h - mu) / jnp.sqrt(var + eps) * w + b


def setup_inputs(seed: int = 0) -> dict:
    key = jax.random.key(seed)
    ks = jax.random.split(key, 10)
    x = jax.random.normal(ks[0], (N_NODES, D), dtype=jnp.float32)
    edge_patch = jax.random.randint(ks[1], (2, N_EDGES), 0, N_NODES, dtype=jnp.int64)
    superpixel_attri = jnp.sort(jax.random.randint(ks[2], (N_NODES,), 0, NUM_SEG, dtype=jnp.int64))
    scale = 1.0 / np.sqrt(D)
    W_l = jax.random.uniform(ks[3], (D, D), dtype=jnp.float32, minval=-scale, maxval=scale)
    b_l = jnp.zeros((D,), dtype=jnp.float32)
    W_r = jax.random.uniform(ks[4], (D, D), dtype=jnp.float32, minval=-scale, maxval=scale)
    norm_w = jnp.ones((D,), dtype=jnp.float32)
    norm_b = jnp.zeros((D,), dtype=jnp.float32)
    norm1_w = jnp.ones((D,), dtype=jnp.float32)
    norm1_b = jnp.zeros((D,), dtype=jnp.float32)
    return {"x": x, "edge_patch": edge_patch, "superpixel_attri": superpixel_attri,
            "W_l": W_l, "b_l": b_l, "W_r": W_r,
            "norm_w": norm_w, "norm_b": norm_b, "norm1_w": norm1_w, "norm1_b": norm1_b}


def reference(x, edge_patch, superpixel_attri, W_l, b_l, W_r, norm_w, norm_b, norm1_w, norm1_b):
    # LayerNorm(in_feats)
    h = _layer_norm(x, norm_w, norm_b)
    # SAGEConv: out = lin_l(mean_{j in N(i)} h_j) + lin_r(h_i)
    src = edge_patch[0]
    dst = edge_patch[1]
    msg = jnp.take(h, src, axis=0)
    agg = jax.ops.segment_sum(msg, dst, num_segments=N_NODES)
    cnt = jax.ops.segment_sum(jnp.ones((N_EDGES,), dtype=jnp.float32), dst, num_segments=N_NODES)
    cnt = jnp.clip(cnt, 1.0, None)
    mean_agg = agg / cnt[:, None]
    h2 = mean_agg @ W_l.T + b_l + h @ W_r.T
    # ReLU
    h2 = jax.nn.relu(h2)
    # LayerNorm(n_hidden)
    h2 = _layer_norm(h2, norm1_w, norm1_b)
    # dropout: eval mode -> identity
    # global_mean_pool over superpixel ids
    pooled = jax.ops.segment_sum(h2, superpixel_attri, num_segments=NUM_SEG)
    seg_cnt = jax.ops.segment_sum(jnp.ones((N_NODES,), dtype=jnp.float32), superpixel_attri, num_segments=NUM_SEG)
    seg_cnt = jnp.clip(seg_cnt, 1.0, None)
    fea = pooled / seg_cnt[:, None]
    return fea

if __name__ == "__main__":
    import jax
    _d = setup_inputs()
    print(jax.jit(kernel)(*tuple(_d.values())))

</pallas_src>

<mosaic_0001>
#map = affine_map<(d0, d1) -> (0, 0)>
#map1 = affine_map<(d0, d1) -> (0, 0, 0)>
module attributes {stable_mosaic.version = 14 : i64} {
  func.func @_sc_agg_body(%arg0: i32, %arg1: i32, %arg2: memref<10000x128xf32, #tpu.memory_space<hbm>>, %arg3: memref<32x125x80xi32, #tpu.memory_space<hbm>>, %arg4: memref<32x125x80xi32, #tpu.memory_space<hbm>>, %arg5: memref<80x128xf32, #tpu.memory_space<hbm>>, %arg6: memref<80x16xf32, #tpu.memory_space<hbm>>, %arg7: memref<80x16xf32, #tpu.memory_space<hbm>>, %arg8: memref<2x10240x128xf32, #tpu.memory_space<hbm>>, %arg9: memref<2x10240x16xf32, #tpu.memory_space<hbm>>, %arg10: memref<10240x128xf32, #tpu.memory_space<vmem_shared>>, %arg11: memref<10240x16xf32, #tpu.memory_space<vmem_shared>>, %arg12: memref<4x80xi32, #tpu.memory_space<vmem>>, %arg13: memref<4x80xi32, #tpu.memory_space<vmem>>, %arg14: memref<80x128xf32, #tpu.memory_space<vmem>>, %arg15: memref<80x128xf32, #tpu.memory_space<vmem>>, %arg16: memref<80x16xf32, #tpu.memory_space<vmem>>, %arg17: memref<!tpu.dma_semaphore, #tpu.memory_space<semaphore_mem>>, %arg18: memref<!tpu.dma_semaphore, #tpu.memory_space<semaphore_mem>>, %arg19: memref<!tpu.dma_semaphore, #tpu.memory_space<semaphore_mem>>, %arg20: memref<!tpu.dma_semaphore, #tpu.memory_space<semaphore_mem>>, %arg21: memref<!tpu.dma_semaphore, #tpu.memory_space<semaphore_mem>>, %arg22: memref<!tpu.dma_semaphore, #tpu.memory_space<semaphore_mem>>) attributes {dimension_semantics = [#tpu.dimension_semantics<core_parallel>, #tpu.dimension_semantics<subcore_parallel>], iteration_bounds = array<i64: 2, 16>, scalar_prefetch = 0 : i64, scratch_operands = 13 : i64, tpu.core_type = #tpu.core_type<sc_vector_subcore>, window_params = [{transform_indices = #map}, {transform_indices = #map1}, {transform_indices = #map1}, {transform_indices = #map}, {transform_indices = #map}, {transform_indices = #map}, {transform_indices = #map1}, {transform_indices = #map1}]} {
    %mul3A = arith.constant 16 : i32
    %mul3A_0 = arith.muli %arg0, %mul3A : i32
    %add3A = arith.addi %mul3A_0, %arg1 : i32
    %mul3A_1 = arith.constant 640 : i32
    %mul3A_2 = arith.muli %arg1, %mul3A_1 : i32
    "tpu.region"() ({
      %run_scoped3A_462 = tpu.sem_alloc : memref<!tpu.dma_semaphore, #tpu.memory_space<semaphore_mem>>
      tpu.enqueue_dma source(%arg5 : memref<80x128xf32, #tpu.memory_space<hbm>>) target(%arg14 : memref<80x128xf32, #tpu.memory_space<vmem>>) target_semaphore(%run_scoped3A_462 : memref<!tpu.dma_semaphore, #tpu.memory_space<semaphore_mem>>)
      tpu.wait_dma2 semaphore(%run_scoped3A_462 : memref<!tpu.dma_semaphore, #tpu.memory_space<semaphore_mem>>) src(%arg5 : memref<80x128xf32, #tpu.memory_space<hbm>>) dst(%arg14 : memref<80x128xf32, #tpu.memory_space<vmem>>)
      tpu.yield
    }) : () -> ()
    "tpu.region"() ({
      %run_scoped3A_462 = tpu.sem_alloc : memref<!tpu.dma_semaphore, #tpu.memory_space<semaphore_mem>>
      tpu.enqueue_dma source(%arg6 : memref<80x16xf32, #tpu.memory_space<hbm>>) target(%arg16 : memref<80x16xf32, #tpu.memory_space<vmem>>) target_semaphore(%run_scoped3A_462 : memref<!tpu.dma_semaphore, #tpu.memory_space<semaphore_mem>>)
      tpu.wait_dma2 semaphore(%run_scoped3A_462 : memref<!tpu.dma_semaphore, #tpu.memory_space<semaphore_mem>>) src(%arg6 : memref<80x16xf32, #tpu.memory_space<hbm>>) dst(%arg16 : memref<80x16xf32, #tpu.memory_space<vmem>>)
      tpu.yield
    }) : () -> ()
    %add3A_3 = arith.constant 0 : i32
    %add3A_4 = arith.addi %mul3A_2, %add3A_3 : i32
    "tpu.region"() ({
      %run_scoped3A_462 = tpu.sem_alloc : memref<!tpu.dma_semaphore, #tpu.memory_space<semaphore_mem>>
      %dma_start3A_463 = arith.constant 0 : i32
      %dma_start3A_464 = arith.constant 0 : i32
      %dma_start3A_465 = tpu.memref_slice %arg14[%dma_start3A_463, %dma_start3A_464] : memref<80x128xf32, #tpu.memory_space<vmem>> -> memref<80x128xf32, #tpu.memory_space<vmem>>
      %dma_start3A_466 = arith.constant 0 : i32
      %dma_start3A_467 = tpu.memref_slice %arg10[%add3A_4, %dma_start3A_466] : memref<10240x128xf32, #tpu.memory_space<vmem_shared>> -> memref<80x128xf32, #tpu.memory_space<vmem_shared>>
      %dma_start3A_468 = arith.constant 0 : i32
      %dma_start3A_469 = tpu.memref_slice %arg10[%add3A_4, %dma_start3A_468] : memref<10240x128xf32, #tpu.memory_space<vmem_shared>> -> memref<80x128xf32, #tpu.memory_space<vmem_shared>>
      %dma_start3A_470 = arith.constant 0 : i32
      %dma_start3A_471 = arith.constant 0 : i32
      %dma_start3A_472 = tpu.memref_slice %arg14[%dma_start3A_470, %dma_start3A_471] : memref<80x128xf32, #tpu.memory_space<vmem>> -> memref<80x128xf32, #tpu.memory_space<vmem>>
      tpu.enqueue_dma source(%dma_start3A_472 : memref<80x128xf32, #tpu.memory_space<vmem>>) target(%dma_start3A_469 : memref<80x128xf32, #tpu.memory_space<vmem_shared>>) target_semaphore(%run_scoped3A_462 : memref<!tpu.dma_semaphore, #tpu.memory_space<semaphore_mem>>)
      %dma_wait3A_473 = arith.constant 0 : i32
      %dma_wait3A_474 = arith.constant 0 : i32
      %dma_wait3A_475 = tpu.memref_slice %arg14[%dma_wait3A_473, %dma_wait3A_474] : memref<80x128xf32, #tpu.memory_space<vmem>> -> memref<80x128xf32, #tpu.memory_space<vmem>>
      %dma_wait3A_476 = arith.constant 0 : i32
      %dma_wait3A_477 = tpu.memref_slice %arg10[%add3A_4, %dma_wait3A_476] : memref<10240x128xf32, #tpu.memory_space<vmem_shared>> -> memref<80x128xf32, #tpu.memory_space<vmem_shared>>
      %dma_wait3A_478 = arith.constant 0 : i32
      %dma_wait3A_479 = tpu.memref_slice %arg10[%add3A_4, %dma_wait3A_478] : memref<10240x128xf32, #tpu.memory_space<vmem_shared>> -> memref<80x128xf32, #tpu.memory_space<vmem_shared>>
      %dma_wait3A_480 = arith.constant 0 : i32
      %dma_wait3A_481 = arith.constant 0 : i32
      %dma_wait3A_482 = tpu.memref_slice %arg14[%dma_wait3A_480, %dma_wait3A_481] : memref<80x128xf32, #tpu.memory_space<vmem>> -> memref<80x128xf32, #tpu.memory_space<vmem>>
      tpu.wait_dma2 semaphore(%run_scoped3A_462 : memref<!tpu.dma_semaphore, #tpu.memory_space<semaphore_mem>>) src(%dma_wait3A_482 : memref<80x128xf32, #tpu.memory_space<vmem>>) dst(%dma_wait3A_479 : memref<80x128xf32, #tpu.memory_space<vmem_shared>>)
      tpu.yield
    }) : () -> ()
    %add3A_5 = arith.constant 0 : i32
    %add3A_6 = arith.addi %mul3A_2, %add3A_5 : i32
    "tpu.region"() ({
      %run_scoped3A_462 = tpu.sem_alloc : memref<!tpu.dma_semaphore, #tpu.memory_space<semaphore_mem>>
      %dma_start3A_463 = arith.constant 0 : i32
      %dma_start3A_464 = arith.constant 0 : i32
      %dma_start3A_465 = tpu.memref_slice %arg16[%dma_start3A_463, %dma_start3A_464] : memref<80x16xf32, #tpu.memory_space<vmem>> -> memref<80x16xf32, #tpu.memory_space<vmem>>
      %dma_start3A_466 = arith.constant 0 : i32
      %dma_start3A_467 = tpu.memref_slice %arg11[%add3A_6, %dma_start3A_466] : memref<10240x16xf32, #tpu.memory_space<vmem_shared>> -> memref<80x16xf32, #tpu.memory_space<vmem_shared>>
      %dma_start3A_468 = arith.constant 0 : i32
      %dma_start3A_469 = tpu.memref_slice %arg11[%add3A_6, %dma_start3A_468] : memref<10240x16xf32, #tpu.memory_space<vmem_shared>> -> memref<80x16xf32, #tpu.memory_space<vmem_shared>>
      %dma_start3A_470 = arith.constant 0 : i32
      %dma_start3A_471 = arith.constant 0 : i32
      %dma_start3A_472 = tpu.memref_slice %arg16[%dma_start3A_470, %dma_start3A_471] : memref<80x16xf32, #tpu.memory_space<vmem>> -> memref<80x16xf32, #tpu.memory_space<vmem>>
      tpu.enqueue_dma source(%dma_start3A_472 : memref<80x16xf32, #tpu.memory_space<vmem>>) target(%dma_start3A_469 : memref<80x16xf32, #tpu.memory_space<vmem_shared>>) target_semaphore(%run_scoped3A_462 : memref<!tpu.dma_semaphore, #tpu.memory_space<semaphore_mem>>)
      %dma_wait3A_473 = arith.constant 0 : i32
      %dma_wait3A_474 = arith.constant 0 : i32
      %dma_wait3A_475 = tpu.memref_slice %arg16[%dma_wait3A_473, %dma_wait3A_474] : memref<80x16xf32, #tpu.memory_space<vmem>> -> memref<80x16xf32, #tpu.memory_space<vmem>>
      %dma_wait3A_476 = arith.constant 0 : i32
      %dma_wait3A_477 = tpu.memref_slice %arg11[%add3A_6, %dma_wait3A_476] : memref<10240x16xf32, #tpu.memory_space<vmem_shared>> -> memref<80x16xf32, #tpu.memory_space<vmem_shared>>
      %dma_wait3A_478 = arith.constant 0 : i32
      %dma_wait3A_479 = tpu.memref_slice %arg11[%add3A_6, %dma_wait3A_478] : memref<10240x16xf32, #tpu.memory_space<vmem_shared>> -> memref<80x16xf32, #tpu.memory_space<vmem_shared>>
      %dma_wait3A_480 = arith.constant 0 : i32
      %dma_wait3A_481 = arith.constant 0 : i32
      %dma_wait3A_482 = tpu.memref_slice %arg16[%dma_wait3A_480, %dma_wait3A_481] : memref<80x16xf32, #tpu.memory_space<vmem>> -> memref<80x16xf32, #tpu.memory_space<vmem>>
      tpu.wait_dma2 semaphore(%run_scoped3A_462 : memref<!tpu.dma_semaphore, #tpu.memory_space<semaphore_mem>>) src(%dma_wait3A_482 : memref<80x16xf32, #tpu.memory_space<vmem>>) dst(%dma_wait3A_479 : memref<80x16xf32, #tpu.memory_space<vmem_shared>>)
      tpu.yield
    }) : () -> ()
    %add3A_7 = arith.constant 80 : i32
    %add3A_8 = arith.addi %mul3A_2, %add3A_7 : i32
    "tpu.region"() ({
      %run_scoped3A_462 = tpu.sem_alloc : memref<!tpu.dma_semaphore, #tpu.memory_space<semaphore_mem>>
      %dma_start3A_463 = arith.constant 0 : i32
      %dma_start3A_464 = arith.constant 0 : i32
      %dma_start3A_465 = tpu.memref_slice %arg14[%dma_start3A_463, %dma_start3A_464] : memref<80x128xf32, #tpu.memory_space<vmem>> -> memref<80x128xf32, #tpu.memory_space<vmem>>
      %dma_start3A_466 = arith.constant 0 : i32
      %dma_start3A_467 = tpu.memref_slice %arg10[%add3A_8, %dma_start3A_466] : memref<10240x128xf32, #tpu.memory_space<vmem_shared>> -> memref<80x128xf32, #tpu.memory_space<vmem_shared>>
      %dma_start3A_468 = arith.constant 0 : i32
      %dma_start3A_469 = tpu.memref_slice %arg10[%add3A_8, %dma_start3A_468] : memref<10240x128xf32, #tpu.memory_space<vmem_shared>> -> memref<80x128xf32, #tpu.memory_space<vmem_shared>>
      %dma_start3A_470 = arith.constant 0 : i32
      %dma_start3A_471 = arith.constant 0 : i32
      %dma_start3A_472 = tpu.memref_slice %arg14[%dma_start3A_470, %dma_start3A_471] : memref<80x128xf32, #tpu.memory_space<vmem>> -> memref<80x128xf32, #tpu.memory_space<vmem>>
      tpu.enqueue_dma source(%dma_start3A_472 : memref<80x128xf32, #tpu.memory_space<vmem>>) target(%dma_start3A_469 : memref<80x128xf32, #tpu.memory_space<vmem_shared>>) target_semaphore(%run_scoped3A_462 : memref<!tpu.dma_semaphore, #tpu.memory_space<semaphore_mem>>)
      %dma_wait3A_473 = arith.constant 0 : i32
      %dma_wait3A_474 = arith.constant 0 : i32
      %dma_wait3A_475 = tpu.memref_slice %arg14[%dma_wait3A_473, %dma_wait3A_474] : memref<80x128xf32, #tpu.memory_space<vmem>> -> memref<80x128xf32, #tpu.memory_space<vmem>>
      %dma_wait3A_476 = arith.constant 0 : i32
      %dma_wait3A_477 = tpu.memref_slice %arg10[%add3A_8, %dma_wait3A_476] : memref<10240x128xf32, #tpu.memory_space<vmem_shared>> -> memref<80x128xf32, #tpu.memory_space<vmem_shared>>
      %dma_wait3A_478 = arith.constant 0 : i32
      %dma_wait3A_479 = tpu.memref_slice %arg10[%add3A_8, %dma_wait3A_478] : memref<10240x128xf32, #tpu.memory_space<vmem_shared>> -> memref<80x128xf32, #tpu.memory_space<vmem_shared>>
      %dma_wait3A_480 = arith.constant 0 : i32
      %dma_wait3A_481 = arith.constant 0 : i32
      %dma_wait3A_482 = tpu.memref_slice %arg14[%dma_wait3A_480, %dma_wait3A_481] : memref<80x128xf32, #tpu.memory_space<vmem>> -> memref<80x128xf32, #tpu.memory_space<vmem>>
      tpu.wait_dma2 semaphore(%run_scoped3A_462 : memref<!tpu.dma_semaphore, #tpu.memory_space<semaphore_mem>>) src(%dma_wait3A_482 : memref<80x128xf32, #tpu.memory_space<vmem>>) dst(%dma_wait3A_479 : memref<80x128xf32, #tpu.memory_space<vmem_shared>>)
      tpu.yield
    }) : () -> ()
    %add3A_9 = arith.constant 80 : i32
    %add3A_10 = arith.addi %mul3A_2, %add3A_9 : i32
    "tpu.region"() ({
      %run_scoped3A_462 = tpu.sem_alloc : memref<!tpu.dma_semaphore, #tpu.memory_space<semaphore_mem>>
      %dma_start3A_463 = arith.constant 0 : i32
      %dma_start3A_464 = arith.constant 0 : i32
      %dma_start3A_465 = tpu.memref_slice %arg16[%dma_start3A_463, %dma_start3A_464] : memref<80x16xf32, #tpu.memory_space<vmem>> -> memref<80x16xf32, #tpu.memory_space<vmem>>
      %dma_start3A_466 = arith.constant 0 : i32
      %dma_start3A_467 = tpu.memref_slice %arg11[%add3A_10, %dma_start3A_466] : memref<10240x16xf32, #tpu.memory_space<vmem_shared>> -> memref<80x16xf32, #tpu.memory_space<vmem_shared>>
      %dma_start3A_468 = arith.constant 0 : i32
      %dma_start3A_469 = tpu.memref_slice %arg11[%add3A_10, %dma_start3A_468] : memref<10240x16xf32, #tpu.memory_space<vmem_shared>> -> memref<80x16xf32, #tpu.memory_space<vmem_shared>>
      %dma_start3A_470 = arith.constant 0 : i32
      %dma_start3A_471 = arith.constant 0 : i32
      %dma_start3A_472 = tpu.memref_slice %arg16[%dma_start3A_470, %dma_start3A_471] : memref<80x16xf32, #tpu.memory_space<vmem>> -> memref<80x16xf32, #tpu.memory_space<vmem>>
      tpu.enqueue_dma source(%dma_start3A_472 : memref<80x16xf32, #tpu.memory_space<vmem>>) target(%dma_start3A_469 : memref<80x16xf32, #tpu.memory_space<vmem_shared>>) target_semaphore(%run_scoped3A_462 : memref<!tpu.dma_semaphore, #tpu.memory_space<semaphore_mem>>)
      %dma_wait3A_473 = arith.constant 0 : i32
      %dma_wait3A_474 = arith.constant 0 : i32
      %dma_wait3A_475 = tpu.memref_slice %arg16[%dma_wait3A_473, %dma_wait3A_474] : memref<80x16xf32, #tpu.memory_space<vmem>> -> memref<80x16xf32, #tpu.memory_space<vmem>>
      %dma_wait3A_476 = arith.constant 0 : i32
      %dma_wait3A_477 = tpu.memref_slice %arg11[%add3A_10, %dma_wait3A_476] : memref<10240x16xf32, #tpu.memory_space<vmem_shared>> -> memref<80x16xf32, #tpu.memory_space<vmem_shared>>
      %dma_wait3A_478 = arith.constant 0 : i32
      %dma_wait3A_479 = tpu.memref_slice %arg11[%add3A_10, %dma_wait3A_478] : memref<10240x16xf32, #tpu.memory_space<vmem_shared>> -> memref<80x16xf32, #tpu.memory_space<vmem_shared>>
      %dma_wait3A_480 = arith.constant 0 : i32
      %dma_wait3A_481 = arith.constant 0 : i32
      %dma_wait3A_482 = tpu.memref_slice %arg16[%dma_wait3A_480, %dma_wait3A_481] : memref<80x16xf32, #tpu.memory_space<vmem>> -> memref<80x16xf32, #tpu.memory_space<vmem>>
      tpu.wait_dma2 semaphore(%run_scoped3A_462 : memref<!tpu.dma_semaphore, #tpu.memory_space<semaphore_mem>>) src(%dma_wait3A_482 : memref<80x16xf32, #tpu.memory_space<vmem>>) dst(%dma_wait3A_479 : memref<80x16xf32, #tpu.memory_space<vmem_shared>>)
      tpu.yield
    }) : () -> ()
    %add3A_11 = arith.constant 160 : i32
    %add3A_12 = arith.addi %mul3A_2, %add3A_11 : i32
    "tpu.region"() ({
      %run_scoped3A_462 = tpu.sem_alloc : memref<!tpu.dma_semaphore, #tpu.memory_space<semaphore_mem>>
      %dma_start3A_463 = arith.constant 0 : i32
      %dma_start3A_464 = arith.constant 0 : i32
      %dma_start3A_465 = tpu.memref_slice %arg14[%dma_start3A_463, %dma_start3A_464] : memref<80x128xf32, #tpu.memory_space<vmem>> -> memref<80x128xf32, #tpu.memory_space<vmem>>
      %dma_start3A_466 = arith.constant 0 : i32
      %dma_start3A_467 = tpu.memref_slice %arg10[%add3A_12, %dma_start3A_466] : memref<10240x128xf32, #tpu.memory_space<vmem_shared>> -> memref<80x128xf32, #tpu.memory_space<vmem_shared>>
      %dma_start3A_468 = arith.constant 0 : i32
      %dma_start3A_469 = tpu.memref_slice %arg10[%add3A_12, %dma_start3A_468] : memref<10240x128xf32, #tpu.memory_space<vmem_shared>> -> memref<80x128xf32, #tpu.memory_space<vmem_shared>>
      %dma_start3A_470 = arith.constant 0 : i32
      %dma_start3A_471 = arith.constant 0 : i32
      %dma_start3A_472 = tpu.memref_slice %arg14[%dma_start3A_470, %dma_start3A_471] : memref<80x128xf32, #tpu.memory_space<vmem>> -> memref<80x128xf32, #tpu.memory_space<vmem>>
      tpu.enqueue_dma source(%dma_start3A_472 : memref<80x128xf32, #tpu.memory_space<vmem>>) target(%dma_start3A_469 : memref<80x128xf32, #tpu.memory_space<vmem_shared>>) target_semaphore(%run_scoped3A_462 : memref<!tpu.dma_semaphore, #tpu.memory_space<semaphore_mem>>)
      %dma_wait3A_473 = arith.constant 0 : i32
      %dma_wait3A_474 = arith.constant 0 : i32
      %dma_wait3A_475 = tpu.memref_slice %arg14[%dma_wait3A_473, %dma_wait3A_474] : memref<80x128xf32, #tpu.memory_space<vmem>> -> memref<80x128xf32, #tpu.memory_space<vmem>>
      %dma_wait3A_476 = arith.constant 0 : i32
      %dma_wait3A_477 = tpu.memref_slice %arg10[%add3A_12, %dma_wait3A_476] : memref<10240x128xf32, #tpu.memory_space<vmem_shared>> -> memref<80x128xf32, #tpu.memory_space<vmem_shared>>
      %dma_wait3A_478 = arith.constant 0 : i32
      %dma_wait3A_479 = tpu.memref_slice %arg10[%add3A_12, %dma_wait3A_478] : memref<10240x128xf32, #tpu.memory_space<vmem_shared>> -> memref<80x128xf32, #tpu.memory_space<vmem_shared>>
      %dma_wait3A_480 = arith.constant 0 : i32
      %dma_wait3A_481 = arith.constant 0 : i32
      %dma_wait3A_482 = tpu.memref_slice %arg14[%dma_wait3A_480, %dma_wait3A_481] : memref<80x128xf32, #tpu.memory_space<vmem>> -> memref<80x128xf32, #tpu.memory_space<vmem>>
      tpu.wait_dma2 semaphore(%run_scoped3A_462 : memref<!tpu.dma_semaphore, #tpu.memory_space<semaphore_mem>>) src(%dma_wait3A_482 : memref<80x128xf32, #tpu.memory_space<vmem>>) dst(%dma_wait3A_479 : memref<80x128xf32, #tpu.memory_space<vmem_shared>>)
      tpu.yield
    }) : () -> ()
    %add3A_13 = arith.constant 160 : i32
    %add3A_14 = arith.addi %mul3A_2, %add3A_13 : i32
    "tpu.region"() ({
      %run_scoped3A_462 = tpu.sem_alloc : memref<!tpu.dma_semaphore, #tpu.memory_space<semaphore_mem>>
      %dma_start3A_463 = arith.constant 0 : i32
      %dma_start3A_464 = arith.constant 0 : i32
      %dma_start3A_465 = tpu.memref_slice %arg16[%dma_start3A_463, %dma_start3A_464] : memref<80x16xf32, #tpu.memory_space<vmem>> -> memref<80x16xf32, #tpu.memory_space<vmem>>
      %dma_start3A_466 = arith.constant 0 : i32
      %dma_start3A_467 = tpu.memref_slice %arg11[%add3A_14, %dma_start3A_466] : memref<10240x16xf32, #tpu.memory_space<vmem_shared>> -> memref<80x16xf32, #tpu.memory_space<vmem_shared>>
      %dma_start3A_468 = arith.constant 0 : i32
      %dma_start3A_469 = tpu.memref_slice %arg11[%add3A_14, %dma_start3A_468] : memref<10240x16xf32, #tpu.memory_space<vmem_shared>> -> memref<80x16xf32, #tpu.memory_space<vmem_shared>>
      %dma_start3A_470 = arith.constant 0 : i32
      %dma_start3A_471 = arith.constant 0 : i32
      %dma_start3A_472 = tpu.memref_slice %arg16[%dma_start3A_470, %dma_start3A_471] : memref<80x16xf32, #tpu.memory_space<vmem>> -> memref<80x16xf32, #tpu.memory_space<vmem>>
      tpu.enqueue_dma source(%dma_start3A_472 : memref<80x16xf32, #tpu.memory_space<vmem>>) target(%dma_start3A_469 : memref<80x16xf32, #tpu.memory_space<vmem_shared>>) target_semaphore(%run_scoped3A_462 : memref<!tpu.dma_semaphore, #tpu.memory_space<semaphore_mem>>)
      %dma_wait3A_473 = arith.constant 0 : i32
      %dma_wait3A_474 = arith.constant 0 : i32
      %dma_wait3A_475 = tpu.memref_slice %arg16[%dma_wait3A_473, %dma_wait3A_474] : memref<80x16xf32, #tpu.memory_space<vmem>> -> memref<80x16xf32, #tpu.memory_space<vmem>>
      %dma_wait3A_476 = arith.constant 0 : i32
      %dma_wait3A_477 = tpu.memref_slice %arg11[%add3A_14, %dma_wait3A_476] : memref<10240x16xf32, #tpu.memory_space<vmem_shared>> -> memref<80x16xf32, #tpu.memory_space<vmem_shared>>
      %dma_wait3A_478 = arith.constant 0 : i32
      %dma_wait3A_479 = tpu.memref_slice %arg11[%add3A_14, %dma_wait3A_478] : memref<10240x16xf32, #tpu.memory_space<vmem_shared>> -> memref<80x16xf32, #tpu.memory_space<vmem_shared>>
      %dma_wait3A_480 = arith.constant 0 : i32
      %dma_wait3A_481 = arith.constant 0 : i32
      %dma_wait3A_482 = tpu.memref_slice %arg16[%dma_wait3A_480, %dma_wait3A_481] : memref<80x16xf32, #tpu.memory_space<vmem>> -> memref<80x16xf32, #tpu.memory_space<vmem>>
      tpu.wait_dma2 semaphore(%run_scoped3A_462 : memref<!tpu.dma_semaphore, #tpu.memory_space<semaphore_mem>>) src(%dma_wait3A_482 : memref<80x16xf32, #tpu.memory_space<vmem>>) dst(%dma_wait3A_479 : memref<80x16xf32, #tpu.memory_space<vmem_shared>>)
      tpu.yield
    }) : () -> ()
    %add3A_15 = arith.constant 240 : i32
    %add3A_16 = arith.addi %mul3A_2, %add3A_15 : i32
    "tpu.region"() ({
      %run_scoped3A_462 = tpu.sem_alloc : memref<!tpu.dma_semaphore, #tpu.memory_space<semaphore_mem>>
      %dma_start3A_463 = arith.constant 0 : i32
      %dma_start3A_464 = arith.constant 0 : i32
      %dma_start3A_465 = tpu.memref_slice %arg14[%dma_start3A_463, %dma_start3A_464] : memref<80x128xf32, #tpu.memory_space<vmem>> -> memref<80x128xf32, #tpu.memory_space<vmem>>
      %dma_start3A_466 = arith.constant 0 : i32
      %dma_start3A_467 = tpu.memref_slice %arg10[%add3A_16, %dma_start3A_466] : memref<10240x128xf32, #tpu.memory_space<vmem_shared>> -> memref<80x128xf32, #tpu.memory_space<vmem_shared>>
      %dma_start3A_468 = arith.constant 0 : i32
      %dma_start3A_469 = tpu.memref_slice %arg10[%add3A_16, %dma_start3A_468] : memref<10240x128xf32, #tpu.memory_space<vmem_shared>> -> memref<80x128xf32, #tpu.memory_space<vmem_shared>>
      %dma_start3A_470 = arith.constant 0 : i32
      %dma_start3A_471 = arith.constant 0 : i32
      %dma_start3A_472 = tpu.memref_slice %arg14[%dma_start3A_470, %dma_start3A_471] : memref<80x128xf32, #tpu.memory_space<vmem>> -> memref<80x128xf32, #tpu.memory_space<vmem>>
      tpu.enqueue_dma source(%dma_start3A_472 : memref<80x128xf32, #tpu.memory_space<vmem>>) target(%dma_start3A_469 : memref<80x128xf32, #tpu.memory_space<vmem_shared>>) target_semaphore(%run_scoped3A_462 : memref<!tpu.dma_semaphore, #tpu.memory_space<semaphore_mem>>)
      %dma_wait3A_473 = arith.constant 0 : i32
      %dma_wait3A_474 = arith.constant 0 : i32
      %dma_wait3A_475 = tpu.memref_slice %arg14[%dma_wait3A_473, %dma_wait3A_474] : memref<80x128xf32, #tpu.memory_space<vmem>> -> memref<80x128xf32, #tpu.memory_space<vmem>>
      %dma_wait3A_476 = arith.constant 0 : i32
      %dma_wait3A_477 = tpu.memref_slice %arg10[%add3A_16, %dma_wait3A_476] : memref<10240x128xf32, #tpu.memory_space<vmem_shared>> -> memref<80x128xf32, #tpu.memory_space<vmem_shared>>
      %dma_wait3A_478 = arith.constant 0 : i32
      %dma_wait3A_479 = tpu.memref_slice %arg10[%add3A_16, %dma_wait3A_478] : memref<10240x128xf32, #tpu.memory_space<vmem_shared>> -> memref<80x128xf32, #tpu.memory_space<vmem_shared>>
      %dma_wait3A_480 = arith.constant 0 : i32
      %dma_wait3A_481 = arith.constant 0 : i32
      %dma_wait3A_482 = tpu.memref_slice %arg14[%dma_wait3A_480, %dma_wait3A_481] : memref<80x128xf32, #tpu.memory_space<vmem>> -> memref<80x128xf32, #tpu.memory_space<vmem>>
      tpu.wait_dma2 semaphore(%run_scoped3A_462 : memref<!tpu.dma_semaphore, #tpu.memory_space<semaphore_mem>>) src(%dma_wait3A_482 : memref<80x128xf32, #tpu.memory_space<vmem>>) dst(%dma_wait3A_479 : memref<80x128xf32, #tpu.memory_space<vmem_shared>>)
      tpu.yield
    }) : () -> ()
    %add3A_17 = arith.constant 240 : i32
    %add3A_18 = arith.addi %mul3A_2, %add3A_17 : i32
    "tpu.region"() ({
      %run_scoped3A_462 = tpu.sem_alloc : memref<!tpu.dma_semaphore, #tpu.memory_space<semaphore_mem>>
      %dma_start3A_463 = arith.constant 0 : i32
      %dma_start3A_464 = arith.constant 0 : i32
      %dma_start3A_465 = tpu.memref_slice %arg16[%dma_start3A_463, %dma_start3A_464] : memref<80x16xf32, #tpu.memory_space<vmem>> -> memref<80x16xf32, #tpu.memory_space<vmem>>
      %dma_start3A_466 = arith.constant 0 : i32
      %dma_start3A_467 = tpu.memref_slice %arg11[%add3A_18, %dma_start3A_466] : memref<10240x16xf32, #tpu.memory_space<vmem_shared>> -> memref<80x16xf32, #tpu.memory_space<vmem_shared>>
      %dma_start3A_468 = arith.constant 0 : i32
      %dma_start3A_469 = tpu.memref_slice %arg11[%add3A_18, %dma_start3A_468] : memref<10240x16xf32, #tpu.memory_space<vmem_shared>> -> memref<80x16xf32, #tpu.memory_space<vmem_shared>>
      %dma_start3A_470 = arith.constant 0 : i32
      %dma_start3A_471 = arith.constant 0 : i32
      %dma_start3A_472 = tpu.memref_slice %arg16[%dma_start3A_470, %dma_start3A_471] : memref<80x16xf32, #tpu.memory_space<vmem>> -> memref<80x16xf32, #tpu.memory_space<vmem>>
      tpu.enqueue_dma source(%dma_start3A_472 : memref<80x16xf32, #tpu.memory_space<vmem>>) target(%dma_start3A_469 : memref<80x16xf32, #tpu.memory_space<vmem_shared>>) target_semaphore(%run_scoped3A_462 : memref<!tpu.dma_semaphore, #tpu.memory_space<semaphore_mem>>)
      %dma_wait3A_473 = arith.constant 0 : i32
      %dma_wait3A_474 = arith.constant 0 : i32
      %dma_wait3A_475 = tpu.memref_slice %arg16[%dma_wait3A_473, %dma_wait3A_474] : memref<80x16xf32, #tpu.memory_space<vmem>> -> memref<80x16xf32, #tpu.memory_space<vmem>>
      %dma_wait3A_476 = arith.constant 0 : i32
      %dma_wait3A_477 = tpu.memref_slice %arg11[%add3A_18, %dma_wait3A_476] : memref<10240x16xf32, #tpu.memory_space<vmem_shared>> -> memref<80x16xf32, #tpu.memory_space<vmem_shared>>
      %dma_wait3A_478 = arith.constant 0 : i32
      %dma_wait3A_479 = tpu.memref_slice %arg11[%add3A_18, %dma_wait3A_478] : memref<10240x16xf32, #tpu.memory_space<vmem_shared>> -> memref<80x16xf32, #tpu.memory_space<vmem_shared>>
      %dma_wait3A_480 = arith.constant 0 : i32
      %dma_wait3A_481 = arith.constant 0 : i32
      %dma_wait3A_482 = tpu.memref_slice %arg16[%dma_wait3A_480, %dma_wait3A_481] : memref<80x16xf32, #tpu.memory_space<vmem>> -> memref<80x16xf32, #tpu.memory_space<vmem>>
      tpu.wait_dma2 semaphore(%run_scoped3A_462 : memref<!tpu.dma_semaphore, #tpu.memory_space<semaphore_mem>>) src(%dma_wait3A_482 : memref<80x16xf32, #tpu.memory_space<vmem>>) dst(%dma_wait3A_479 : memref<80x16xf32, #tpu.memory_space<vmem_shared>>)
      tpu.yield
    }) : () -> ()
    %add3A_19 = arith.constant 320 : i32
    %add3A_20 = arith.addi %mul3A_2, %add3A_19 : i32
    "tpu.region"() ({
      %run_scoped3A_462 = tpu.sem_alloc : memref<!tpu.dma_semaphore, #tpu.memory_space<semaphore_mem>>
      %dma_start3A_463 = arith.constant 0 : i32
      %dma_start3A_464 = arith.constant 0 : i32
      %dma_start3A_465 = tpu.memref_slice %arg14[%dma_start3A_463, %dma_start3A_464] : memref<80x128xf32, #tpu.memory_space<vmem>> -> memref<80x128xf32, #tpu.memory_space<vmem>>
      %dma_start3A_466 = arith.constant 0 : i32
      %dma_start3A_467 = tpu.memref_slice %arg10[%add3A_20, %dma_start3A_466] : memref<10240x128xf32, #tpu.memory_space<vmem_shared>> -> memref<80x128xf32, #tpu.memory_space<vmem_shared>>
      %dma_start3A_468 = arith.constant 0 : i32
      %dma_start3A_469 = tpu.memref_slice %arg10[%add3A_20, %dma_start3A_468] : memref<10240x128xf32, #tpu.memory_space<vmem_shared>> -> memref<80x128xf32, #tpu.memory_space<vmem_shared>>
      %dma_start3A_470 = arith.constant 0 : i32
      %dma_start3A_471 = arith.constant 0 : i32
      %dma_start3A_472 = tpu.memref_slice %arg14[%dma_start3A_470, %dma_start3A_471] : memref<80x128xf32, #tpu.memory_space<vmem>> -> memref<80x128xf32, #tpu.memory_space<vmem>>
      tpu.enqueue_dma source(%dma_start3A_472 : memref<80x128xf32, #tpu.memory_space<vmem>>) target(%dma_start3A_469 : memref<80x128xf32, #tpu.memory_space<vmem_shared>>) target_semaphore(%run_scoped3A_462 : memref<!tpu.dma_semaphore, #tpu.memory_space<semaphore_mem>>)
      %dma_wait3A_473 = arith.constant 0 : i32
      %dma_wait3A_474 = arith.constant 0 : i32
      %dma_wait3A_475 = tpu.memref_slice %arg14[%dma_wait3A_473, %dma_wait3A_474] : memref<80x128xf32, #tpu.memory_space<vmem>> -> memref<80x128xf32, #tpu.memory_space<vmem>>
      %dma_wait3A_476 = arith.constant 0 : i32
      %dma_wait3A_477 = tpu.memref_slice %arg10[%add3A_20, %dma_wait3A_476] : memref<10240x128xf32, #tpu.memory_space<vmem_shared>> -> memref<80x128xf32, #tpu.memory_space<vmem_shared>>
      %dma_wait3A_478 = arith.constant 0 : i32
      %dma_wait3A_479 = tpu.memref_slice %arg10[%add3A_20, %dma_wait3A_478] : memref<10240x128xf32, #tpu.memory_space<vmem_shared>> -> memref<80x128xf32, #tpu.memory_space<vmem_shared>>
      %dma_wait3A_480 = arith.constant 0 : i32
      %dma_wait3A_481 = arith.constant 0 : i32
      %dma_wait3A_482 = tpu.memref_slice %arg14[%dma_wait3A_480, %dma_wait3A_481] : memref<80x128xf32, #tpu.memory_space<vmem>> -> memref<80x128xf32, #tpu.memory_space<vmem>>
      tpu.wait_dma2 semaphore(%run_scoped3A_462 : memref<!tpu.dma_semaphore, #tpu.memory_space<semaphore_mem>>) src(%dma_wait3A_482 : memref<80x128xf32, #tpu.memory_space<vmem>>) dst(%dma_wait3A_479 : memref<80x128xf32, #tpu.memory_space<vmem_shared>>)
      tpu.yield
    }) : () -> ()
    %add3A_21 = arith.constant 320 : i32
    %add3A_22 = arith.addi %mul3A_2, %add3A_21 : i32
    "tpu.region"() ({
      %run_scoped3A_462 = tpu.sem_alloc : memref<!tpu.dma_semaphore, #tpu.memory_space<semaphore_mem>>
      %dma_start3A_463 = arith.constant 0 : i32
      %dma_start3A_464 = arith.constant 0 : i32
      %dma_start3A_465 = tpu.memref_slice %arg16[%dma_start3A_463, %dma_start3A_464] : memref<80x16xf32, #tpu.memory_space<vmem>> -> memref<80x16xf32, #tpu.memory_space<vmem>>
      %dma_start3A_466 = arith.constant 0 : i32
      %dma_start3A_467 = tpu.memref_slice %arg11[%add3A_22, %dma_start3A_466] : memref<10240x16xf32, #tpu.memory_space<vmem_shared>> -> memref<80x16xf32, #tpu.memory_space<vmem_shared>>
      %dma_start3A_468 = arith.constant 0 : i32
      %dma_start3A_469 = tpu.memref_slice %arg11[%add3A_22, %dma_start3A_468] : memref<10240x16xf32, #tpu.memory_space<vmem_shared>> -> memref<80x16xf32, #tpu.memory_space<vmem_shared>>
      %dma_start3A_470 = arith.constant 0 : i32
      %dma_start3A_471 = arith.constant 0 : i32
      %dma_start3A_472 = tpu.memref_slice %arg16[%dma_start3A_470, %dma_start3A_471] : memref<80x16xf32, #tpu.memory_space<vmem>> -> memref<80x16xf32, #tpu.memory_space<vmem>>
      tpu.enqueue_dma source(%dma_start3A_472 : memref<80x16xf32, #tpu.memory_space<vmem>>) target(%dma_start3A_469 : memref<80x16xf32, #tpu.memory_space<vmem_shared>>) target_semaphore(%run_scoped3A_462 : memref<!tpu.dma_semaphore, #tpu.memory_space<semaphore_mem>>)
      %dma_wait3A_473 = arith.constant 0 : i32
      %dma_wait3A_474 = arith.constant 0 : i32
      %dma_wait3A_475 = tpu.memref_slice %arg16[%dma_wait3A_473, %dma_wait3A_474] : memref<80x16xf32, #tpu.memory_space<vmem>> -> memref<80x16xf32, #tpu.memory_space<vmem>>
      %dma_wait3A_476 = arith.constant 0 : i32
      %dma_wait3A_477 = tpu.memref_slice %arg11[%add3A_22, %dma_wait3A_476] : memref<10240x16xf32, #tpu.memory_space<vmem_shared>> -> memref<80x16xf32, #tpu.memory_space<vmem_shared>>
      %dma_wait3A_478 = arith.constant 0 : i32
      %dma_wait3A_479 = tpu.memref_slice %arg11[%add3A_22, %dma_wait3A_478] : memref<10240x16xf32, #tpu.memory_space<vmem_shared>> -> memref<80x16xf32, #tpu.memory_space<vmem_shared>>
      %dma_wait3A_480 = arith.constant 0 : i32
      %dma_wait3A_481 = arith.constant 0 : i32
      %dma_wait3A_482 = tpu.memref_slice %arg16[%dma_wait3A_480, %dma_wait3A_481] : memref<80x16xf32, #tpu.memory_space<vmem>> -> memref<80x16xf32, #tpu.memory_space<vmem>>
      tpu.wait_dma2 semaphore(%run_scoped3A_462 : memref<!tpu.dma_semaphore, #tpu.memory_space<semaphore_mem>>) src(%dma_wait3A_482 : memref<80x16xf32, #tpu.memory_space<vmem>>) dst(%dma_wait3A_479 : memref<80x16xf32, #tpu.memory_space<vmem_shared>>)
      tpu.yield
    }) : () -> ()
    %add3A_23 = arith.constant 400 : i32
    %add3A_24 = arith.addi %mul3A_2, %add3A_23 : i32
    "tpu.region"() ({
      %run_scoped3A_462 = tpu.sem_alloc : memref<!tpu.dma_semaphore, #tpu.memory_space<semaphore_mem>>
      %dma_start3A_463 = arith.constant 0 : i32
      %dma_start3A_464 = arith.constant 0 : i32
      %dma_start3A_465 = tpu.memref_slice %arg14[%dma_start3A_463, %dma_start3A_464] : memref<80x128xf32, #tpu.memory_space<vmem>> -> memref<80x128xf32, #tpu.memory_space<vmem>>
      %dma_start3A_466 = arith.constant 0 : i32
      %dma_start3A_467 = tpu.memref_slice %arg10[%add3A_24, %dma_start3A_466] : memref<10240x128xf32, #tpu.memory_space<vmem_shared>> -> memref<80x128xf32, #tpu.memory_space<vmem_shared>>
      %dma_start3A_468 = arith.constant 0 : i32
      %dma_start3A_469 = tpu.memref_slice %arg10[%add3A_24, %dma_start3A_468] : memref<10240x128xf32, #tpu.memory_space<vmem_shared>> -> memref<80x128xf32, #tpu.memory_space<vmem_shared>>
      %dma_start3A_470 = arith.constant 0 : i32
      %dma_start3A_471 = arith.constant 0 : i32
      %dma_start3A_472 = tpu.memref_slice %arg14[%dma_start3A_470, %dma_start3A_471] : memref<80x128xf32, #tpu.memory_space<vmem>> -> memref<80x128xf32, #tpu.memory_space<vmem>>
      tpu.enqueue_dma source(%dma_start3A_472 : memref<80x128xf32, #tpu.memory_space<vmem>>) target(%dma_start3A_469 : memref<80x128xf32, #tpu.memory_space<vmem_shared>>) target_semaphore(%run_scoped3A_462 : memref<!tpu.dma_semaphore, #tpu.memory_space<semaphore_mem>>)
      %dma_wait3A_473 = arith.constant 0 : i32
      %dma_wait3A_474 = arith.constant 0 : i32
      %dma_wait3A_475 = tpu.memref_slice %arg14[%dma_wait3A_473, %dma_wait3A_474] : memref<80x128xf32, #tpu.memory_space<vmem>> -> memref<80x128xf32, #tpu.memory_space<vmem>>
      %dma_wait3A_476 = arith.constant 0 : i32
      %dma_wait3A_477 = tpu.memref_slice %arg10[%add3A_24, %dma_wait3A_476] : memref<10240x128xf32, #tpu.memory_space<vmem_shared>> -> memref<80x128xf32, #tpu.memory_space<vmem_shared>>
      %dma_wait3A_478 = arith.constant 0 : i32
      %dma_wait3A_479 = tpu.memref_slice %arg10[%add3A_24, %dma_wait3A_478] : memref<10240x128xf32, #tpu.memory_space<vmem_shared>> -> memref<80x128xf32, #tpu.memory_space<vmem_shared>>
      %dma_wait3A_480 = arith.constant 0 : i32
      %dma_wait3A_481 = arith.constant 0 : i32
      %dma_wait3A_482 = tpu.memref_slice %arg14[%dma_wait3A_480, %dma_wait3A_481] : memref<80x128xf32, #tpu.memory_space<vmem>> -> memref<80x128xf32, #tpu.memory_space<vmem>>
      tpu.wait_dma2 semaphore(%run_scoped3A_462 : memref<!tpu.dma_semaphore, #tpu.memory_space<semaphore_mem>>) src(%dma_wait3A_482 : memref<80x128xf32, #tpu.memory_space<vmem>>) dst(%dma_wait3A_479 : memref<80x128xf32, #tpu.memory_space<vmem_shared>>)
      tpu.yield
    }) : () -> ()
    %add3A_25 = arith.constant 400 : i32
    %add3A_26 = arith.addi %mul3A_2, %add3A_25 : i32
    "tpu.region"() ({
      %run_scoped3A_462 = tpu.sem_alloc : memref<!tpu.dma_semaphore, #tpu.memory_space<semaphore_mem>>
      %dma_start3A_463 = arith.constant 0 : i32
      %dma_start3A_464 = arith.constant 0 : i32
      %dma_start3A_465 = tpu.memref_slice %arg16[%dma_start3A_463, %dma_start3A_464] : memref<80x16xf32, #tpu.memory_space<vmem>> -> memref<80x16xf32, #tpu.memory_space<vmem>>
      %dma_start3A_466 = arith.constant 0 : i32
      %dma_start3A_467 = tpu.memref_slice %arg11[%add3A_26, %dma_start3A_466] : memref<10240x16xf32, #tpu.memory_space<vmem_shared>> -> memref<80x16xf32, #tpu.memory_space<vmem_shared>>
      %dma_start3A_468 = arith.constant 0 : i32
      %dma_start3A_469 = tpu.memref_slice %arg11[%add3A_26, %dma_start3A_468] : memref<10240x16xf32, #tpu.memory_space<vmem_shared>> -> memref<80x16xf32, #tpu.memory_space<vmem_shared>>
      %dma_start3A_470 = arith.constant 0 : i32
      %dma_start3A_471 = arith.constant 0 : i32
      %dma_start3A_472 = tpu.memref_slice %arg16[%dma_start3A_470, %dma_start3A_471] : memref<80x16xf32, #tpu.memory_space<vmem>> -> memref<80x16xf32, #tpu.memory_space<vmem>>
      tpu.enqueue_dma source(%dma_start3A_472 : memref<80x16xf32, #tpu.memory_space<vmem>>) target(%dma_start3A_469 : memref<80x16xf32, #tpu.memory_space<vmem_shared>>) target_semaphore(%run_scoped3A_462 : memref<!tpu.dma_semaphore, #tpu.memory_space<semaphore_mem>>)
      %dma_wait3A_473 = arith.constant 0 : i32
      %dma_wait3A_474 = arith.constant 0 : i32
      %dma_wait3A_475 = tpu.memref_slice %arg16[%dma_wait3A_473, %dma_wait3A_474] : memref<80x16xf32, #tpu.memory_space<vmem>> -> memref<80x16xf32, #tpu.memory_space<vmem>>
      %dma_wait3A_476 = arith.constant 0 : i32
      %dma_wait3A_477 = tpu.memref_slice %arg11[%add3A_26, %dma_wait3A_476] : memref<10240x16xf32, #tpu.memory_space<vmem_shared>> -> memref<80x16xf32, #tpu.memory_space<vmem_shared>>
      %dma_wait3A_478 = arith.constant 0 : i32
      %dma_wait3A_479 = tpu.memref_slice %arg11[%add3A_26, %dma_wait3A_478] : memref<10240x16xf32, #tpu.memory_space<vmem_shared>> -> memref<80x16xf32, #tpu.memory_space<vmem_shared>>
      %dma_wait3A_480 = arith.constant 0 : i32
      %dma_wait3A_481 = arith.constant 0 : i32
      %dma_wait3A_482 = tpu.memref_slice %arg16[%dma_wait3A_480, %dma_wait3A_481] : memref<80x16xf32, #tpu.memory_space<vmem>> -> memref<80x16xf32, #tpu.memory_space<vmem>>
      tpu.wait_dma2 semaphore(%run_scoped3A_462 : memref<!tpu.dma_semaphore, #tpu.memory_space<semaphore_mem>>) src(%dma_wait3A_482 : memref<80x16xf32, #tpu.memory_space<vmem>>) dst(%dma_wait3A_479 : memref<80x16xf32, #tpu.memory_space<vmem_shared>>)
      tpu.yield
    }) : () -> ()
    %add3A_27 = arith.constant 480 : i32
    %add3A_28 = arith.addi %mul3A_2, %add3A_27 : i32
    "tpu.region"() ({
      %run_scoped3A_462 = tpu.sem_alloc : memref<!tpu.dma_semaphore, #tpu.memory_space<semaphore_mem>>
      %dma_start3A_463 = arith.constant 0 : i32
      %dma_start3A_464 = arith.constant 0 : i32
      %dma_start3A_465 = tpu.memref_slice %arg14[%dma_start3A_463, %dma_start3A_464] : memref<80x128xf32, #tpu.memory_space<vmem>> -> memref<80x128xf32, #tpu.memory_space<vmem>>
      %dma_start3A_466 = arith.constant 0 : i32
      %dma_start3A_467 = tpu.memref_slice %arg10[%add3A_28, %dma_start3A_466] : memref<10240x128xf32, #tpu.memory_space<vmem_shared>> -> memref<80x128xf32, #tpu.memory_space<vmem_shared>>
      %dma_start3A_468 = arith.constant 0 : i32
      %dma_start3A_469 = tpu.memref_slice %arg10[%add3A_28, %dma_start3A_468] : memref<10240x128xf32, #tpu.memory_space<vmem_shared>> -> memref<80x128xf32, #tpu.memory_space<vmem_shared>>
      %dma_start3A_470 = arith.constant 0 : i32
      %dma_start3A_471 = arith.constant 0 : i32
      %dma_start3A_472 = tpu.memref_slice %arg14[%dma_start3A_470, %dma_start3A_471] : memref<80x128xf32, #tpu.memory_space<vmem>> -> memref<80x128xf32, #tpu.memory_space<vmem>>
      tpu.enqueue_dma source(%dma_start3A_472 : memref<80x128xf32, #tpu.memory_space<vmem>>) target(%dma_start3A_469 : memref<80x128xf32, #tpu.memory_space<vmem_shared>>) target_semaphore(%run_scoped3A_462 : memref<!tpu.dma_semaphore, #tpu.memory_space<semaphore_mem>>)
      %dma_wait3A_473 = arith.constant 0 : i32
      %dma_wait3A_474 = arith.constant 0 : i32
      %dma_wait3A_475 = tpu.memref_slice %arg14[%dma_wait3A_473, %dma_wait3A_474] : memref<80x128xf32, #tpu.memory_space<vmem>> -> memref<80x128xf32, #tpu.memory_space<vmem>>
      %dma_wait3A_476 = arith.constant 0 : i32
      %dma_wait3A_477 = tpu.memref_slice %arg10[%add3A_28, %dma_wait3A_476] : memref<10240x128xf32, #tpu.memory_space<vmem_shared>> -> memref<80x128xf32, #tpu.memory_space<vmem_shared>>
      %dma_wait3A_478 = arith.constant 0 : i32
      %dma_wait3A_479 = tpu.memref_slice %arg10[%add3A_28, %dma_wait3A_478] : memref<10240x128xf32, #tpu.memory_space<vmem_shared>> -> memref<80x128xf32, #tpu.memory_space<vmem_shared>>
      %dma_wait3A_480 = arith.constant 0 : i32
      %dma_wait3A_481 = arith.constant 0 : i32
      %dma_wait3A_482 = tpu.memref_slice %arg14[%dma_wait3A_480, %dma_wait3A_481] : memref<80x128xf32, #tpu.memory_space<vmem>> -> memref<80x128xf32, #tpu.memory_space<vmem>>
      tpu.wait_dma2 semaphore(%run_scoped3A_462 : memref<!tpu.dma_semaphore, #tpu.memory_space<semaphore_mem>>) src(%dma_wait3A_482 : memref<80x128xf32, #tpu.memory_space<vmem>>) dst(%dma_wait3A_479 : memref<80x128xf32, #tpu.memory_space<vmem_shared>>)
      tpu.yield
    }) : () -> ()
    %add3A_29 = arith.constant 480 : i32
    %add3A_30 = arith.addi %mul3A_2, %add3A_29 : i32
    "tpu.region"() ({
      %run_scoped3A_462 = tpu.sem_alloc : memref<!tpu.dma_semaphore, #tpu.memory_space<semaphore_mem>>
      %dma_start3A_463 = arith.constant 0 : i32
      %dma_start3A_464 = arith.constant 0 : i32
      %dma_start3A_465 = tpu.memref_slice %arg16[%dma_start3A_463, %dma_start3A_464] : memref<80x16xf32, #tpu.memory_space<vmem>> -> memref<80x16xf32, #tpu.memory_space<vmem>>
      %dma_start3A_466 = arith.constant 0 : i32
      %dma_start3A_467 = tpu.memref_slice %arg11[%add3A_30, %dma_start3A_466] : memref<10240x16xf32, #tpu.memory_space<vmem_shared>> -> memref<80x16xf32, #tpu.memory_space<vmem_shared>>
      %dma_start3A_468 = arith.constant 0 : i32
      %dma_start3A_469 = tpu.memref_slice %arg11[%add3A_30, %dma_start3A_468] : memref<10240x16xf32, #tpu.memory_space<vmem_shared>> -> memref<80x16xf32, #tpu.memory_space<vmem_shared>>
      %dma_start3A_470 = arith.constant 0 : i32
      %dma_start3A_471 = arith.constant 0 : i32
      %dma_start3A_472 = tpu.memref_slice %arg16[%dma_start3A_470, %dma_start3A_471] : memref<80x16xf32, #tpu.memory_space<vmem>> -> memref<80x16xf32, #tpu.memory_space<vmem>>
      tpu.enqueue_dma source(%dma_start3A_472 : memref<80x16xf32, #tpu.memory_space<vmem>>) target(%dma_start3A_469 : memref<80x16xf32, #tpu.memory_space<vmem_shared>>) target_semaphore(%run_scoped3A_462 : memref<!tpu.dma_semaphore, #tpu.memory_space<semaphore_mem>>)
      %dma_wait3A_473 = arith.constant 0 : i32
      %dma_wait3A_474 = arith.constant 0 : i32
      %dma_wait3A_475 = tpu.memref_slice %arg16[%dma_wait3A_473, %dma_wait3A_474] : memref<80x16xf32, #tpu.memory_space<vmem>> -> memref<80x16xf32, #tpu.memory_space<vmem>>
      %dma_wait3A_476 = arith.constant 0 : i32
      %dma_wait3A_477 = tpu.memref_slice %arg11[%add3A_30, %dma_wait3A_476] : memref<10240x16xf32, #tpu.memory_space<vmem_shared>> -> memref<80x16xf32, #tpu.memory_space<vmem_shared>>
      %dma_wait3A_478 = arith.constant 0 : i32
      %dma_wait3A_479 = tpu.memref_slice %arg11[%add3A_30, %dma_wait3A_478] : memref<10240x16xf32, #tpu.memory_space<vmem_shared>> -> memref<80x16xf32, #tpu.memory_space<vmem_shared>>
      %dma_wait3A_480 = arith.constant 0 : i32
      %dma_wait3A_481 = arith.constant 0 : i32
      %dma_wait3A_482 = tpu.memref_slice %arg16[%dma_wait3A_480, %dma_wait3A_481] : memref<80x16xf32, #tpu.memory_space<vmem>> -> memref<80x16xf32, #tpu.memory_space<vmem>>
      tpu.wait_dma2 semaphore(%run_scoped3A_462 : memref<!tpu.dma_semaphore, #tpu.memory_space<semaphore_mem>>) src(%dma_wait3A_482 : memref<80x16xf32, #tpu.memory_space<vmem>>) dst(%dma_wait3A_479 : memref<80x16xf32, #tpu.memory_space<vmem_shared>>)
      tpu.yield
    }) : () -> ()
    %add3A_31 = arith.constant 560 : i32
    %add3A_32 = arith.addi %mul3A_2, %add3A_31 : i32
    "tpu.region"() ({
      %run_scoped3A_462 = tpu.sem_alloc : memref<!tpu.dma_semaphore, #tpu.memory_space<semaphore_mem>>
      %dma_start3A_463 = arith.constant 0 : i32
      %dma_start3A_464 = arith.constant 0 : i32
      %dma_start3A_465 = tpu.memref_slice %arg14[%dma_start3A_463, %dma_start3A_464] : memref<80x128xf32, #tpu.memory_space<vmem>> -> memref<80x128xf32, #tpu.memory_space<vmem>>
      %dma_start3A_466 = arith.constant 0 : i32
      %dma_start3A_467 = tpu.memref_slice %arg10[%add3A_32, %dma_start3A_466] : memref<10240x128xf32, #tpu.memory_space<vmem_shared>> -> memref<80x128xf32, #tpu.memory_space<vmem_shared>>
      %dma_start3A_468 = arith.constant 0 : i32
      %dma_start3A_469 = tpu.memref_slice %arg10[%add3A_32, %dma_start3A_468] : memref<10240x128xf32, #tpu.memory_space<vmem_shared>> -> memref<80x128xf32, #tpu.memory_space<vmem_shared>>
      %dma_start3A_470 = arith.constant 0 : i32
      %dma_start3A_471 = arith.constant 0 : i32
      %dma_start3A_472 = tpu.memref_slice %arg14[%dma_start3A_470, %dma_start3A_471] : memref<80x128xf32, #tpu.memory_space<vmem>> -> memref<80x128xf32, #tpu.memory_space<vmem>>
      tpu.enqueue_dma source(%dma_start3A_472 : memref<80x128xf32, #tpu.memory_space<vmem>>) target(%dma_start3A_469 : memref<80x128xf32, #tpu.memory_space<vmem_shared>>) target_semaphore(%run_scoped3A_462 : memref<!tpu.dma_semaphore, #tpu.memory_space<semaphore_mem>>)
      %dma_wait3A_473 = arith.constant 0 : i32
      %dma_wait3A_474 = arith.constant 0 : i32
      %dma_wait3A_475 = tpu.memref_slice %arg14[%dma_wait3A_473, %dma_wait3A_474] : memref<80x128xf32, #tpu.memory_space<vmem>> -> memref<80x128xf32, #tpu.memory_space<vmem>>
      %dma_wait3A_476 = arith.constant 0 : i32
      %dma_wait3A_477 = tpu.memref_slice %arg10[%add3A_32, %dma_wait3A_476] : memref<10240x128xf32, #tpu.memory_space<vmem_shared>> -> memref<80x128xf32, #tpu.memory_space<vmem_shared>>
      %dma_wait3A_478 = arith.constant 0 : i32
      %dma_wait3A_479 = tpu.memref_slice %arg10[%add3A_32, %dma_wait3A_478] : memref<10240x128xf32, #tpu.memory_space<vmem_shared>> -> memref<80x128xf32, #tpu.memory_space<vmem_shared>>
      %dma_wait3A_480 = arith.constant 0 : i32
      %dma_wait3A_481 = arith.constant 0 : i32
      %dma_wait3A_482 = tpu.memref_slice %arg14[%dma_wait3A_480, %dma_wait3A_481] : memref<80x128xf32, #tpu.memory_space<vmem>> -> memref<80x128xf32, #tpu.memory_space<vmem>>
      tpu.wait_dma2 semaphore(%run_scoped3A_462 : memref<!tpu.dma_semaphore, #tpu.memory_space<semaphore_mem>>) src(%dma_wait3A_482 : memref<80x128xf32, #tpu.memory_space<vmem>>) dst(%dma_wait3A_479 : memref<80x128xf32, #tpu.memory_space<vmem_shared>>)
      tpu.yield
    }) : () -> ()
    %add3A_33 = arith.constant 560 : i32
    %add3A_34 = arith.addi %mul3A_2, %add3A_33 : i32
    "tpu.region"() ({
      %run_scoped3A_462 = tpu.sem_alloc : memref<!tpu.dma_semaphore, #tpu.memory_space<semaphore_mem>>
      %dma_start3A_463 = arith.constant 0 : i32
      %dma_start3A_464 = arith.constant 0 : i32
      %dma_start3A_465 = tpu.memref_slice %arg16[%dma_start3A_463, %dma_start3A_464] : memref<80x16xf32, #tpu.memory_space<vmem>> -> memref<80x16xf32, #tpu.memory_space<vmem>>
      %dma_start3A_466 = arith.constant 0 : i32
      %dma_start3A_467 = tpu.memref_slice %arg11[%add3A_34, %dma_start3A_466] : memref<10240x16xf32, #tpu.memory_space<vmem_shared>> -> memref<80x16xf32, #tpu.memory_space<vmem_shared>>
      %dma_start3A_468 = arith.constant 0 : i32
      %dma_start3A_469 = tpu.memref_slice %arg11[%add3A_34, %dma_start3A_468] : memref<10240x16xf32, #tpu.memory_space<vmem_shared>> -> memref<80x16xf32, #tpu.memory_space<vmem_shared>>
      %dma_start3A_470 = arith.constant 0 : i32
      %dma_start3A_471 = arith.constant 0 : i32
      %dma_start3A_472 = tpu.memref_slice %arg16[%dma_start3A_470, %dma_start3A_471] : memref<80x16xf32, #tpu.memory_space<vmem>> -> memref<80x16xf32, #tpu.memory_space<vmem>>
      tpu.enqueue_dma source(%dma_start3A_472 : memref<80x16xf32, #tpu.memory_space<vmem>>) target(%dma_start3A_469 : memref<80x16xf32, #tpu.memory_space<vmem_shared>>) target_semaphore(%run_scoped3A_462 : memref<!tpu.dma_semaphore, #tpu.memory_space<semaphore_mem>>)
      %dma_wait3A_473 = arith.constant 0 : i32
      %dma_wait3A_474 = arith.constant 0 : i32
      %dma_wait3A_475 = tpu.memref_slice %arg16[%dma_wait3A_473, %dma_wait3A_474] : memref<80x16xf32, #tpu.memory_space<vmem>> -> memref<80x16xf32, #tpu.memory_space<vmem>>
      %dma_wait3A_476 = arith.constant 0 : i32
      %dma_wait3A_477 = tpu.memref_slice %arg11[%add3A_34, %dma_wait3A_476] : memref<10240x16xf32, #tpu.memory_space<vmem_shared>> -> memref<80x16xf32, #tpu.memory_space<vmem_shared>>
      %dma_wait3A_478 = arith.constant 0 : i32
      %dma_wait3A_479 = tpu.memref_slice %arg11[%add3A_34, %dma_wait3A_478] : memref<10240x16xf32, #tpu.memory_space<vmem_shared>> -> memref<80x16xf32, #tpu.memory_space<vmem_shared>>
      %dma_wait3A_480 = arith.constant 0 : i32
      %dma_wait3A_481 = arith.constant 0 : i32
      %dma_wait3A_482 = tpu.memref_slice %arg16[%dma_wait3A_480, %dma_wait3A_481] : memref<80x16xf32, #tpu.memory_space<vmem>> -> memref<80x16xf32, #tpu.memory_space<vmem>>
      tpu.wait_dma2 semaphore(%run_scoped3A_462 : memref<!tpu.dma_semaphore, #tpu.memory_space<semaphore_mem>>) src(%dma_wait3A_482 : memref<80x16xf32, #tpu.memory_space<vmem>>) dst(%dma_wait3A_479 : memref<80x16xf32, #tpu.memory_space<vmem_shared>>)
      tpu.yield
    }) : () -> ()
    "tpu.region"() ({
      %run_scoped3A_462 = tpu.sem_alloc : memref<!tpu.dma_semaphore, #tpu.memory_space<semaphore_mem>>
      tpu.enqueue_dma source(%arg7 : memref<80x16xf32, #tpu.memory_space<hbm>>) target(%arg16 : memref<80x16xf32, #tpu.memory_space<vmem>>) target_semaphore(%run_scoped3A_462 : memref<!tpu.dma_semaphore, #tpu.memory_space<semaphore_mem>>)
      tpu.wait_dma2 semaphore(%run_scoped3A_462 : memref<!tpu.dma_semaphore, #tpu.memory_space<semaphore_mem>>) src(%arg7 : memref<80x16xf32, #tpu.memory_space<hbm>>) dst(%arg16 : memref<80x16xf32, #tpu.memory_space<vmem>>)
      tpu.yield
    }) : () -> ()
    %barrier3A = arith.constant 0 : index
    tpu.barrier barrier_id(%barrier3A)
    %dma_start3A = arith.constant 0 : i32
    %dma_start3A_35 = arith.constant 0 : i32
    %dma_start3A_36 = arith.constant 0 : i32
    %dma_start3A_37 = tpu.memref_slice %arg12[%dma_start3A_35, %dma_start3A_36] : memref<4x80xi32, #tpu.memory_space<vmem>> -> memref<1x80xi32, #tpu.memory_space<vmem>>
    %dma_start3A_38 = tpu.memref_squeeze %dma_start3A_37 : memref<1x80xi32, #tpu.memory_space<vmem>> -> memref<80xi32, #tpu.memory_space<vmem>>
    %dma_start3A_39 = arith.constant 0 : i32
    %dma_start3A_40 = tpu.memref_slice %arg3[%add3A, %dma_start3A, %dma_start3A_39] : memref<32x125x80xi32, #tpu.memory_space<hbm>> -> memref<1x1x80xi32, #tpu.memory_space<hbm>>
    %dma_start3A_41 = tpu.memref_squeeze %dma_start3A_40 : memref<1x1x80xi32, #tpu.memory_space<hbm>> -> memref<80xi32, #tpu.memory_space<hbm>>
    %dma_start3A_42 = arith.constant 0 : i32
    %dma_start3A_43 = tpu.memref_slice %arg12[%dma_start3A_35, %dma_start3A_42] : memref<4x80xi32, #tpu.memory_space<vmem>> -> memref<1x80xi32, #tpu.memory_space<vmem>>
    %dma_start3A_44 = tpu.memref_squeeze %dma_start3A_43 : memref<1x80xi32, #tpu.memory_space<vmem>> -> memref<80xi32, #tpu.memory_space<vmem>>
    %dma_start3A_45 = arith.constant 0 : i32
    %dma_start3A_46 = tpu.memref_slice %arg3[%add3A, %dma_start3A, %dma_start3A_45] : memref<32x125x80xi32, #tpu.memory_space<hbm>> -> memref<1x1x80xi32, #tpu.memory_space<hbm>>
    %dma_start3A_47 = tpu.memref_squeeze %dma_start3A_46 : memref<1x1x80xi32, #tpu.memory_space<hbm>> -> memref<80xi32, #tpu.memory_space<hbm>>
    tpu.enqueue_dma source(%dma_start3A_47 : memref<80xi32, #tpu.memory_space<hbm>>) target(%dma_start3A_44 : memref<80xi32, #tpu.memory_space<vmem>>) target_semaphore(%arg17 : memref<!tpu.dma_semaphore, #tpu.memory_space<semaphore_mem>>)
    %dma_start3A_48 = arith.constant 0 : i32
    %dma_start3A_49 = arith.constant 0 : i32
    %dma_start3A_50 = arith.constant 0 : i32
    %dma_start3A_51 = tpu.memref_slice %arg13[%dma_start3A_49, %dma_start3A_50] : memref<4x80xi32, #tpu.memory_space<vmem>> -> memref<1x80xi32, #tpu.memory_space<vmem>>
    %dma_start3A_52 = tpu.memref_squeeze %dma_start3A_51 : memref<1x80xi32, #tpu.memory_space<vmem>> -> memref<80xi32, #tpu.memory_space<vmem>>
    %dma_start3A_53 = arith.constant 0 : i32
    %dma_start3A_54 = tpu.memref_slice %arg4[%add3A, %dma_start3A_48, %dma_start3A_53] : memref<32x125x80xi32, #tpu.memory_space<hbm>> -> memref<1x1x80xi32, #tpu.memory_space<hbm>>
    %dma_start3A_55 = tpu.memref_squeeze %dma_start3A_54 : memref<1x1x80xi32, #tpu.memory_space<hbm>> -> memref<80xi32, #tpu.memory_space<hbm>>
    %dma_start3A_56 = arith.constant 0 : i32
    %dma_start3A_57 = tpu.memref_slice %arg13[%dma_start3A_49, %dma_start3A_56] : memref<4x80xi32, #tpu.memory_space<vmem>> -> memref<1x80xi32, #tpu.memory_space<vmem>>
    %dma_start3A_58 = tpu.memref_squeeze %dma_start3A_57 : memref<1x80xi32, #tpu.memory_space<vmem>> -> memref<80xi32, #tpu.memory_space<vmem>>
    %dma_start3A_59 = arith.constant 0 : i32
    %dma_start3A_60 = tpu.memref_slice %arg4[%add3A, %dma_start3A_48, %dma_start3A_59] : memref<32x125x80xi32, #tpu.memory_space<hbm>> -> memref<1x1x80xi32, #tpu.memory_space<hbm>>
    %dma_start3A_61 = tpu.memref_squeeze %dma_start3A_60 : memref<1x1x80xi32, #tpu.memory_space<hbm>> -> memref<80xi32, #tpu.memory_space<hbm>>
    tpu.enqueue_dma source(%dma_start3A_61 : memref<80xi32, #tpu.memory_space<hbm>>) target(%dma_start3A_58 : memref<80xi32, #tpu.memory_space<vmem>>) target_semaphore(%arg17 : memref<!tpu.dma_semaphore, #tpu.memory_space<semaphore_mem>>)
    %dma_start3A_62 = arith.constant 1 : i32
    %dma_start3A_63 = arith.constant 1 : i32
    %dma_start3A_64 = arith.constant 0 : i32
    %dma_start3A_65 = tpu.memref_slice %arg12[%dma_start3A_63, %dma_start3A_64] : memref<4x80xi32, #tpu.memory_space<vmem>> -> memref<1x80xi32, #tpu.memory_space<vmem>>
    %dma_start3A_66 = tpu.memref_squeeze %dma_start3A_65 : memref<1x80xi32, #tpu.memory_space<vmem>> -> memref<80xi32, #tpu.memory_space<vmem>>
    %dma_start3A_67 = arith.constant 0 : i32
    %dma_start3A_68 = tpu.memref_slice %arg3[%add3A, %dma_start3A_62, %dma_start3A_67] : memref<32x125x80xi32, #tpu.memory_space<hbm>> -> memref<1x1x80xi32, #tpu.memory_space<hbm>>
    %dma_start3A_69 = tpu.memref_squeeze %dma_start3A_68 : memref<1x1x80xi32, #tpu.memory_space<hbm>> -> memref<80xi32, #tpu.memory_space<hbm>>
    %dma_start3A_70 = arith.constant 0 : i32
    %dma_start3A_71 = tpu.memref_slice %arg12[%dma_start3A_63, %dma_start3A_70] : memref<4x80xi32, #tpu.memory_space<vmem>> -> memref<1x80xi32, #tpu.memory_space<vmem>>
    %dma_start3A_72 = tpu.memref_squeeze %dma_start3A_71 : memref<1x80xi32, #tpu.memory_space<vmem>> -> memref<80xi32, #tpu.memory_space<vmem>>
    %dma_start3A_73 = arith.constant 0 : i32
    %dma_start3A_74 = tpu.memref_slice %arg3[%add3A, %dma_start3A_62, %dma_start3A_73] : memref<32x125x80xi32, #tpu.memory_space<hbm>> -> memref<1x1x80xi32, #tpu.memory_space<hbm>>
    %dma_start3A_75 = tpu.memref_squeeze %dma_start3A_74 : memref<1x1x80xi32, #tpu.memory_space<hbm>> -> memref<80xi32, #tpu.memory_space<hbm>>
    tpu.enqueue_dma source(%dma_start3A_75 : memref<80xi32, #tpu.memory_space<hbm>>) target(%dma_start3A_72 : memref<80xi32, #tpu.memory_space<vmem>>) target_semaphore(%arg18 : memref<!tpu.dma_semaphore, #tpu.memory_space<semaphore_mem>>)
    %dma_start3A_76 = arith.constant 1 : i32
    %dma_start3A_77 = arith.constant 1 : i32
    %dma_start3A_78 = arith.constant 0 : i32
    %dma_start3A_79 = tpu.memref_slice %arg13[%dma_start3A_77, %dma_start3A_78] : memref<4x80xi32, #tpu.memory_space<vmem>> -> memref<1x80xi32, #tpu.memory_space<vmem>>
    %dma_start3A_80 = tpu.memref_squeeze %dma_start3A_79 : memref<1x80xi32, #tpu.memory_space<vmem>> -> memref<80xi32, #tpu.memory_space<vmem>>
    %dma_start3A_81 = arith.constant 0 : i32
    %dma_start3A_82 = tpu.memref_slice %arg4[%add3A, %dma_start3A_76, %dma_start3A_81] : memref<32x125x80xi32, #tpu.memory_space<hbm>> -> memref<1x1x80xi32, #tpu.memory_space<hbm>>
    %dma_start3A_83 = tpu.memref_squeeze %dma_start3A_82 : memref<1x1x80xi32, #tpu.memory_space<hbm>> -> memref<80xi32, #tpu.memory_space<hbm>>
    %dma_start3A_84 = arith.constant 0 : i32
    %dma_start3A_85 = tpu.memref_slice %arg13[%dma_start3A_77, %dma_start3A_84] : memref<4x80xi32, #tpu.memory_space<vmem>> -> memref<1x80xi32, #tpu.memory_space<vmem>>
    %dma_start3A_86 = tpu.memref_squeeze %dma_start3A_85 : memref<1x80xi32, #tpu.memory_space<vmem>> -> memref<80xi32, #tpu.memory_space<vmem>>
    %dma_start3A_87 = arith.constant 0 : i32
    %dma_start3A_88 = tpu.memref_slice %arg4[%add3A, %dma_start3A_76, %dma_start3A_87] : memref<32x125x80xi32, #tpu.memory_space<hbm>> -> memref<1x1x80xi32, #tpu.memory_space<hbm>>
    %dma_start3A_89 = tpu.memref_squeeze %dma_start3A_88 : memref<1x1x80xi32, #tpu.memory_space<hbm>> -> memref<80xi32, #tpu.memory_space<hbm>>
    tpu.enqueue_dma source(%dma_start3A_89 : memref<80xi32, #tpu.memory_space<hbm>>) target(%dma_start3A_86 : memref<80xi32, #tpu.memory_space<vmem>>) target_semaphore(%arg18 : memref<!tpu.dma_semaphore, #tpu.memory_space<semaphore_mem>>)
    %dma_start3A_90 = arith.constant 2 : i32
    %dma_start3A_91 = arith.constant 2 : i32
    %dma_start3A_92 = arith.constant 0 : i32
    %dma_start3A_93 = tpu.memref_slice %arg12[%dma_start3A_91, %dma_start3A_92] : memref<4x80xi32, #tpu.memory_space<vmem>> -> memref<1x80xi32, #tpu.memory_space<vmem>>
    %dma_start3A_94 = tpu.memref_squeeze %dma_start3A_93 : memref<1x80xi32, #tpu.memory_space<vmem>> -> memref<80xi32, #tpu.memory_space<vmem>>
    %dma_start3A_95 = arith.constant 0 : i32
    %dma_start3A_96 = tpu.memref_slice %arg3[%add3A, %dma_start3A_90, %dma_start3A_95] : memref<32x125x80xi32, #tpu.memory_space<hbm>> -> memref<1x1x80xi32, #tpu.memory_space<hbm>>
    %dma_start3A_97 = tpu.memref_squeeze %dma_start3A_96 : memref<1x1x80xi32, #tpu.memory_space<hbm>> -> memref<80xi32, #tpu.memory_space<hbm>>
    %dma_start3A_98 = arith.constant 0 : i32
    %dma_start3A_99 = tpu.memref_slice %arg12[%dma_start3A_91, %dma_start3A_98] : memref<4x80xi32, #tpu.memory_space<vmem>> -> memref<1x80xi32, #tpu.memory_space<vmem>>
    %dma_start3A_100 = tpu.memref_squeeze %dma_start3A_99 : memref<1x80xi32, #tpu.memory_space<vmem>> -> memref<80xi32, #tpu.memory_space<vmem>>
    %dma_start3A_101 = arith.constant 0 : i32
    %dma_start3A_102 = tpu.memref_slice %arg3[%add3A, %dma_start3A_90, %dma_start3A_101] : memref<32x125x80xi32, #tpu.memory_space<hbm>> -> memref<1x1x80xi32, #tpu.memory_space<hbm>>
    %dma_start3A_103 = tpu.memref_squeeze %dma_start3A_102 : memref<1x1x80xi32, #tpu.memory_space<hbm>> -> memref<80xi32, #tpu.memory_space<hbm>>
    tpu.enqueue_dma source(%dma_start3A_103 : memref<80xi32, #tpu.memory_space<hbm>>) target(%dma_start3A_100 : memref<80xi32, #tpu.memory_space<vmem>>) target_semaphore(%arg19 : memref<!tpu.dma_semaphore, #tpu.memory_space<semaphore_mem>>)
    %dma_start3A_104 = arith.constant 2 : i32
    %dma_start3A_105 = arith.constant 2 : i32
    %dma_start3A_106 = arith.constant 0 : i32
    %dma_start3A_107 = tpu.memref_slice %arg13[%dma_start3A_105, %dma_start3A_106] : memref<4x80xi32, #tpu.memory_space<vmem>> -> memref<1x80xi32, #tpu.memory_space<vmem>>
    %dma_start3A_108 = tpu.memref_squeeze %dma_start3A_107 : memref<1x80xi32, #tpu.memory_space<vmem>> -> memref<80xi32, #tpu.memory_space<vmem>>
    %dma_start3A_109 = arith.constant 0 : i32
    %dma_start3A_110 = tpu.memref_slice %arg4[%add3A, %dma_start3A_104, %dma_start3A_109] : memref<32x125x80xi32, #tpu.memory_space<hbm>> -> memref<1x1x80xi32, #tpu.memory_space<hbm>>
    %dma_start3A_111 = tpu.memref_squeeze %dma_start3A_110 : memref<1x1x80xi32, #tpu.memory_space<hbm>> -> memref<80xi32, #tpu.memory_space<hbm>>
    %dma_start3A_112 = arith.constant 0 : i32
    %dma_start3A_113 = tpu.memref_slice %arg13[%dma_start3A_105, %dma_start3A_112] : memref<4x80xi32, #tpu.memory_space<vmem>> -> memref<1x80xi32, #tpu.memory_space<vmem>>
    %dma_start3A_114 = tpu.memref_squeeze %dma_start3A_113 : memref<1x80xi32, #tpu.memory_space<vmem>> -> memref<80xi32, #tpu.memory_space<vmem>>
    %dma_start3A_115 = arith.constant 0 : i32
    %dma_start3A_116 = tpu.memref_slice %arg4[%add3A, %dma_start3A_104, %dma_start3A_115] : memref<32x125x80xi32, #tpu.memory_space<hbm>> -> memref<1x1x80xi32, #tpu.memory_space<hbm>>
    %dma_start3A_117 = tpu.memref_squeeze %dma_start3A_116 : memref<1x1x80xi32, #tpu.memory_space<hbm>> -> memref<80xi32, #tpu.memory_space<hbm>>
    tpu.enqueue_dma source(%dma_start3A_117 : memref<80xi32, #tpu.memory_space<hbm>>) target(%dma_start3A_114 : memref<80xi32, #tpu.memory_space<vmem>>) target_semaphore(%arg19 : memref<!tpu.dma_semaphore, #tpu.memory_space<semaphore_mem>>)
    %dma_start3A_118 = arith.constant 3 : i32
    %dma_start3A_119 = arith.constant 3 : i32
    %dma_start3A_120 = arith.constant 0 : i32
    %dma_start3A_121 = tpu.memref_slice %arg12[%dma_start3A_119, %dma_start3A_120] : memref<4x80xi32, #tpu.memory_space<vmem>> -> memref<1x80xi32, #tpu.memory_space<vmem>>
    %dma_start3A_122 = tpu.memref_squeeze %dma_start3A_121 : memref<1x80xi32, #tpu.memory_space<vmem>> -> memref<80xi32, #tpu.memory_space<vmem>>
    %dma_start3A_123 = arith.constant 0 : i32
    %dma_start3A_124 = tpu.memref_slice %arg3[%add3A, %dma_start3A_118, %dma_start3A_123] : memref<32x125x80xi32, #tpu.memory_space<hbm>> -> memref<1x1x80xi32, #tpu.memory_space<hbm>>
    %dma_start3A_125 = tpu.memref_squeeze %dma_start3A_124 : memref<1x1x80xi32, #tpu.memory_space<hbm>> -> memref<80xi32, #tpu.memory_space<hbm>>
    %dma_start3A_126 = arith.constant 0 : i32
    %dma_start3A_127 = tpu.memref_slice %arg12[%dma_start3A_119, %dma_start3A_126] : memref<4x80xi32, #tpu.memory_space<vmem>> -> memref<1x80xi32, #tpu.memory_space<vmem>>
    %dma_start3A_128 = tpu.memref_squeeze %dma_start3A_127 : memref<1x80xi32, #tpu.memory_space<vmem>> -> memref<80xi32, #tpu.memory_space<vmem>>
    %dma_start3A_129 = arith.constant 0 : i32
    %dma_start3A_130 = tpu.memref_slice %arg3[%add3A, %dma_start3A_118, %dma_start3A_129] : memref<32x125x80xi32, #tpu.memory_space<hbm>> -> memref<1x1x80xi32, #tpu.memory_space<hbm>>
    %dma_start3A_131 = tpu.memref_squeeze %dma_start3A_130 : memref<1x1x80xi32, #tpu.memory_space<hbm>> -> memref<80xi32, #tpu.memory_space<hbm>>
    tpu.enqueue_dma source(%dma_start3A_131 : memref<80xi32, #tpu.memory_space<hbm>>) target(%dma_start3A_128 : memref<80xi32, #tpu.memory_space<vmem>>) target_semaphore(%arg20 : memref<!tpu.dma_semaphore, #tpu.memory_space<semaphore_mem>>)
    %dma_start3A_132 = arith.constant 3 : i32
    %dma_start3A_133 = arith.constant 3 : i32
    %dma_start3A_134 = arith.constant 0 : i32
    %dma_start3A_135 = tpu.memref_slice %arg13[%dma_start3A_133, %dma_start3A_134] : memref<4x80xi32, #tpu.memory_space<vmem>> -> memref<1x80xi32, #tpu.memory_space<vmem>>
    %dma_start3A_136 = tpu.memref_squeeze %dma_start3A_135 : memref<1x80xi32, #tpu.memory_space<vmem>> -> memref<80xi32, #tpu.memory_space<vmem>>
    %dma_start3A_137 = arith.constant 0 : i32
    %dma_start3A_138 = tpu.memref_slice %arg4[%add3A, %dma_start3A_132, %dma_start3A_137] : memref<32x125x80xi32, #tpu.memory_space<hbm>> -> memref<1x1x80xi32, #tpu.memory_space<hbm>>
    %dma_start3A_139 = tpu.memref_squeeze %dma_start3A_138 : memref<1x1x80xi32, #tpu.memory_space<hbm>> -> memref<80xi32, #tpu.memory_space<hbm>>
    %dma_start3A_140 = arith.constant 0 : i32
    %dma_start3A_141 = tpu.memref_slice %arg13[%dma_start3A_133, %dma_start3A_140] : memref<4x80xi32, #tpu.memory_space<vmem>> -> memref<1x80xi32, #tpu.memory_space<vmem>>
    %dma_start3A_142 = tpu.memref_squeeze %dma_start3A_141 : memref<1x80xi32, #tpu.memory_space<vmem>> -> memref<80xi32, #tpu.memory_space<vmem>>
    %dma_start3A_143 = arith.constant 0 : i32
    %dma_start3A_144 = tpu.memref_slice %arg4[%add3A, %dma_start3A_132, %dma_start3A_143] : memref<32x125x80xi32, #tpu.memory_space<hbm>> -> memref<1x1x80xi32, #tpu.memory_space<hbm>>
    %dma_start3A_145 = tpu.memref_squeeze %dma_start3A_144 : memref<1x1x80xi32, #tpu.memory_space<hbm>> -> memref<80xi32, #tpu.memory_space<hbm>>
    tpu.enqueue_dma source(%dma_start3A_145 : memref<80xi32, #tpu.memory_space<hbm>>) target(%dma_start3A_142 : memref<80xi32, #tpu.memory_space<vmem>>) target_semaphore(%arg20 : memref<!tpu.dma_semaphore, #tpu.memory_space<semaphore_mem>>)
    %dma_wait3A = arith.constant 0 : i32
    %dma_wait3A_146 = arith.constant 0 : i32
    %dma_wait3A_147 = arith.constant 0 : i32
    %dma_wait3A_148 = tpu.memref_slice %arg12[%dma_wait3A_146, %dma_wait3A_147] : memref<4x80xi32, #tpu.memory_space<vmem>> -> memref<1x80xi32, #tpu.memory_space<vmem>>
    %dma_wait3A_149 = tpu.memref_squeeze %dma_wait3A_148 : memref<1x80xi32, #tpu.memory_space<vmem>> -> memref<80xi32, #tpu.memory_space<vmem>>
    %dma_wait3A_150 = arith.constant 0 : i32
    %dma_wait3A_151 = tpu.memref_slice %arg3[%add3A, %dma_wait3A, %dma_wait3A_150] : memref<32x125x80xi32, #tpu.memory_space<hbm>> -> memref<1x1x80xi32, #tpu.memory_space<hbm>>
    %dma_wait3A_152 = tpu.memref_squeeze %dma_wait3A_151 : memref<1x1x80xi32, #tpu.memory_space<hbm>> -> memref<80xi32, #tpu.memory_space<hbm>>
    %dma_wait3A_153 = arith.constant 0 : i32
    %dma_wait3A_154 = tpu.memref_slice %arg12[%dma_wait3A_146, %dma_wait3A_153] : memref<4x80xi32, #tpu.memory_space<vmem>> -> memref<1x80xi32, #tpu.memory_space<vmem>>
    %dma_wait3A_155 = tpu.memref_squeeze %dma_wait3A_154 : memref<1x80xi32, #tpu.memory_space<vmem>> -> memref<80xi32, #tpu.memory_space<vmem>>
    %dma_wait3A_156 = arith.constant 0 : i32
    %dma_wait3A_157 = tpu.memref_slice %arg3[%add3A, %dma_wait3A, %dma_wait3A_156] : memref<32x125x80xi32, #tpu.memory_space<hbm>> -> memref<1x1x80xi32, #tpu.memory_space<hbm>>
    %dma_wait3A_158 = tpu.memref_squeeze %dma_wait3A_157 : memref<1x1x80xi32, #tpu.memory_space<hbm>> -> memref<80xi32, #tpu.memory_space<hbm>>
    tpu.wait_dma2 semaphore(%arg17 : memref<!tpu.dma_semaphore, #tpu.memory_space<semaphore_mem>>) src(%dma_wait3A_158 : memref<80xi32, #tpu.memory_space<hbm>>) dst(%dma_wait3A_155 : memref<80xi32, #tpu.memory_space<vmem>>)
    %dma_wait3A_159 = arith.constant 0 : i32
    %dma_wait3A_160 = arith.constant 0 : i32
    %dma_wait3A_161 = arith.constant 0 : i32
    %dma_wait3A_162 = tpu.memref_slice %arg13[%dma_wait3A_160, %dma_wait3A_161] : memref<4x80xi32, #tpu.memory_space<vmem>> -> memref<1x80xi32, #tpu.memory_space<vmem>>
    %dma_wait3A_163 = tpu.memref_squeeze %dma_wait3A_162 : memref<1x80xi32, #tpu.memory_space<vmem>> -> memref<80xi32, #tpu.memory_space<vmem>>
    %dma_wait3A_164 = arith.constant 0 : i32
    %dma_wait3A_165 = tpu.memref_slice %arg4[%add3A, %dma_wait3A_159, %dma_wait3A_164] : memref<32x125x80xi32, #tpu.memory_space<hbm>> -> memref<1x1x80xi32, #tpu.memory_space<hbm>>
    %dma_wait3A_166 = tpu.memref_squeeze %dma_wait3A_165 : memref<1x1x80xi32, #tpu.memory_space<hbm>> -> memref<80xi32, #tpu.memory_space<hbm>>
    %dma_wait3A_167 = arith.constant 0 : i32
    %dma_wait3A_168 = tpu.memref_slice %arg13[%dma_wait3A_160, %dma_wait3A_167] : memref<4x80xi32, #tpu.memory_space<vmem>> -> memref<1x80xi32, #tpu.memory_space<vmem>>
    %dma_wait3A_169 = tpu.memref_squeeze %dma_wait3A_168 : memref<1x80xi32, #tpu.memory_space<vmem>> -> memref<80xi32, #tpu.memory_space<vmem>>
    %dma_wait3A_170 = arith.constant 0 : i32
    %dma_wait3A_171 = tpu.memref_slice %arg4[%add3A, %dma_wait3A_159, %dma_wait3A_170] : memref<32x125x80xi32, #tpu.memory_space<hbm>> -> memref<1x1x80xi32, #tpu.memory_space<hbm>>
    %dma_wait3A_172 = tpu.memref_squeeze %dma_wait3A_171 : memref<1x1x80xi32, #tpu.memory_space<hbm>> -> memref<80xi32, #tpu.memory_space<hbm>>
    tpu.wait_dma2 semaphore(%arg17 : memref<!tpu.dma_semaphore, #tpu.memory_space<semaphore_mem>>) src(%dma_wait3A_172 : memref<80xi32, #tpu.memory_space<hbm>>) dst(%dma_wait3A_169 : memref<80xi32, #tpu.memory_space<vmem>>)
    %dma_start3A_173 = arith.constant 0 : i32
    %dma_start3A_174 = arith.constant 0 : i32
    %dma_start3A_175 = tpu.memref_slice %arg12[%dma_start3A_173, %dma_start3A_174] : memref<4x80xi32, #tpu.memory_space<vmem>> -> memref<1x80xi32, #tpu.memory_space<vmem>>
    %dma_start3A_176 = tpu.memref_squeeze %dma_start3A_175 : memref<1x80xi32, #tpu.memory_space<vmem>> -> memref<80xi32, #tpu.memory_space<vmem>>
    %dma_start3A_177 = arith.constant 0 : i32
    %dma_start3A_178 = arith.constant 0 : i32
    %dma_start3A_179 = tpu.memref_slice %arg2[%dma_start3A_177, %dma_start3A_178] : memref<10000x128xf32, #tpu.memory_space<hbm>> -> memref<10000x128xf32, #tpu.memory_space<hbm>>
    tpu.enqueue_indirect_dma source(%dma_start3A_179 : memref<10000x128xf32, #tpu.memory_space<hbm>>) target(%arg14 : memref<80x128xf32, #tpu.memory_space<vmem>>) offsets(%dma_start3A_176 : memref<80xi32, #tpu.memory_space<vmem>>) semaphore(%arg21 : memref<!tpu.dma_semaphore, #tpu.memory_space<semaphore_mem>>)
    %dma_wait3A_180 = arith.constant 1 : i32
    %dma_wait3A_181 = arith.constant 1 : i32
    %dma_wait3A_182 = arith.constant 0 : i32
    %dma_wait3A_183 = tpu.memref_slice %arg12[%dma_wait3A_181, %dma_wait3A_182] : memref<4x80xi32, #tpu.memory_space<vmem>> -> memref<1x80xi32, #tpu.memory_space<vmem>>
    %dma_wait3A_184 = tpu.memref_squeeze %dma_wait3A_183 : memref<1x80xi32, #tpu.memory_space<vmem>> -> memref<80xi32, #tpu.memory_space<vmem>>
    %dma_wait3A_185 = arith.constant 0 : i32
    %dma_wait3A_186 = tpu.memref_slice %arg3[%add3A, %dma_wait3A_180, %dma_wait3A_185] : memref<32x125x80xi32, #tpu.memory_space<hbm>> -> memref<1x1x80xi32, #tpu.memory_space<hbm>>
    %dma_wait3A_187 = tpu.memref_squeeze %dma_wait3A_186 : memref<1x1x80xi32, #tpu.memory_space<hbm>> -> memref<80xi32, #tpu.memory_space<hbm>>
    %dma_wait3A_188 = arith.constant 0 : i32
    %dma_wait3A_189 = tpu.memref_slice %arg12[%dma_wait3A_181, %dma_wait3A_188] : memref<4x80xi32, #tpu.memory_space<vmem>> -> memref<1x80xi32, #tpu.memory_space<vmem>>
    %dma_wait3A_190 = tpu.memref_squeeze %dma_wait3A_189 : memref<1x80xi32, #tpu.memory_space<vmem>> -> memref<80xi32, #tpu.memory_space<vmem>>
    %dma_wait3A_191 = arith.constant 0 : i32
    %dma_wait3A_192 = tpu.memref_slice %arg3[%add3A, %dma_wait3A_180, %dma_wait3A_191] : memref<32x125x80xi32, #tpu.memory_space<hbm>> -> memref<1x1x80xi32, #tpu.memory_space<hbm>>
    %dma_wait3A_193 = tpu.memref_squeeze %dma_wait3A_192 : memref<1x1x80xi32, #tpu.memory_space<hbm>> -> memref<80xi32, #tpu.memory_space<hbm>>
    tpu.wait_dma2 semaphore(%arg18 : memref<!tpu.dma_semaphore, #tpu.memory_space<semaphore_mem>>) src(%dma_wait3A_193 : memref<80xi32, #tpu.memory_space<hbm>>) dst(%dma_wait3A_190 : memref<80xi32, #tpu.memory_space<vmem>>)
    %dma_wait3A_194 = arith.constant 1 : i32
    %dma_wait3A_195 = arith.constant 1 : i32
    %dma_wait3A_196 = arith.constant 0 : i32
    %dma_wait3A_197 = tpu.memref_slice %arg13[%dma_wait3A_195, %dma_wait3A_196] : memref<4x80xi32, #tpu.memory_space<vmem>> -> memref<1x80xi32, #tpu.memory_space<vmem>>
    %dma_wait3A_198 = tpu.memref_squeeze %dma_wait3A_197 : memref<1x80xi32, #tpu.memory_space<vmem>> -> memref<80xi32, #tpu.memory_space<vmem>>
    %dma_wait3A_199 = arith.constant 0 : i32
    %dma_wait3A_200 = tpu.memref_slice %arg4[%add3A, %dma_wait3A_194, %dma_wait3A_199] : memref<32x125x80xi32, #tpu.memory_space<hbm>> -> memref<1x1x80xi32, #tpu.memory_space<hbm>>
    %dma_wait3A_201 = tpu.memref_squeeze %dma_wait3A_200 : memref<1x1x80xi32, #tpu.memory_space<hbm>> -> memref<80xi32, #tpu.memory_space<hbm>>
    %dma_wait3A_202 = arith.constant 0 : i32
    %dma_wait3A_203 = tpu.memref_slice %arg13[%dma_wait3A_195, %dma_wait3A_202] : memref<4x80xi32, #tpu.memory_space<vmem>> -> memref<1x80xi32, #tpu.memory_space<vmem>>
    %dma_wait3A_204 = tpu.memref_squeeze %dma_wait3A_203 : memref<1x80xi32, #tpu.memory_space<vmem>> -> memref<80xi32, #tpu.memory_space<vmem>>
    %dma_wait3A_205 = arith.constant 0 : i32
    %dma_wait3A_206 = tpu.memref_slice %arg4[%add3A, %dma_wait3A_194, %dma_wait3A_205] : memref<32x125x80xi32, #tpu.memory_space<hbm>> -> memref<1x1x80xi32, #tpu.memory_space<hbm>>
    %dma_wait3A_207 = tpu.memref_squeeze %dma_wait3A_206 : memref<1x1x80xi32, #tpu.memory_space<hbm>> -> memref<80xi32, #tpu.memory_space<hbm>>
    tpu.wait_dma2 semaphore(%arg18 : memref<!tpu.dma_semaphore, #tpu.memory_space<semaphore_mem>>) src(%dma_wait3A_207 : memref<80xi32, #tpu.memory_space<hbm>>) dst(%dma_wait3A_204 : memref<80xi32, #tpu.memory_space<vmem>>)
    %dma_start3A_208 = arith.constant 1 : i32
    %dma_start3A_209 = arith.constant 0 : i32
    %dma_start3A_210 = tpu.memref_slice %arg12[%dma_start3A_208, %dma_start3A_209] : memref<4x80xi32, #tpu.memory_space<vmem>> -> memref<1x80xi32, #tpu.memory_space<vmem>>
    %dma_start3A_211 = tpu.memref_squeeze %dma_start3A_210 : memref<1x80xi32, #tpu.memory_space<vmem>> -> memref<80xi32, #tpu.memory_space<vmem>>
    %dma_start3A_212 = arith.constant 0 : i32
    %dma_start3A_213 = arith.constant 0 : i32
    %dma_start3A_214 = tpu.memref_slice %arg2[%dma_start3A_212, %dma_start3A_213] : memref<10000x128xf32, #tpu.memory_space<hbm>> -> memref<10000x128xf32, #tpu.memory_space<hbm>>
    tpu.enqueue_indirect_dma source(%dma_start3A_214 : memref<10000x128xf32, #tpu.memory_space<hbm>>) target(%arg15 : memref<80x128xf32, #tpu.memory_space<vmem>>) offsets(%dma_start3A_211 : memref<80xi32, #tpu.memory_space<vmem>>) semaphore(%arg22 : memref<!tpu.dma_semaphore, #tpu.memory_space<semaphore_mem>>)
    %scan3A = arith.constant 0 : i32
    %scan3A_215 = arith.constant 0 : i32
    %scan3A_216 = arith.constant 30 : i32
    %scan3A_217 = arith.addi %scan3A_215, %scan3A_216 : i32
    %scan3A_218 = arith.constant 1 : i32
    scf.for %scan3A_462 = %scan3A_215 to %scan3A_217 step %scan3A_218  : i32 {
      %mul3A_463 = arith.constant 4 : i32
      %mul3A_464 = arith.muli %mul3A_463, %scan3A_462 : i32
      %add3A_465 = arith.constant 0 : i32
      %add3A_466 = arith.addi %mul3A_464, %add3A_465 : i32
      %dma_wait3A_467 = arith.constant 0 : i32
      %dma_wait3A_468 = arith.constant 0 : i32
      %dma_wait3A_469 = tpu.memref_slice %arg12[%dma_wait3A_467, %dma_wait3A_468] : memref<4x80xi32, #tpu.memory_space<vmem>> -> memref<1x80xi32, #tpu.memory_space<vmem>>
      %dma_wait3A_470 = tpu.memref_squeeze %dma_wait3A_469 : memref<1x80xi32, #tpu.memory_space<vmem>> -> memref<80xi32, #tpu.memory_space<vmem>>
      %dma_wait3A_471 = arith.constant 0 : i32
      %dma_wait3A_472 = arith.constant 0 : i32
      %dma_wait3A_473 = tpu.memref_slice %arg2[%dma_wait3A_471, %dma_wait3A_472] : memref<10000x128xf32, #tpu.memory_space<hbm>> -> memref<10000x128xf32, #tpu.memory_space<hbm>>
      tpu.wait_indirect_dma semaphore(%arg21 : memref<!tpu.dma_semaphore, #tpu.memory_space<semaphore_mem>>) src(%dma_wait3A_473 : memref<10000x128xf32, #tpu.memory_space<hbm>>) dst(%arg14 : memref<80x128xf32, #tpu.memory_space<vmem>>)
      %run_scoped3A_474 = arith.constant 0 : i32
      "tpu.region"() ({
        %run_scoped3A_761 = tpu.sem_alloc : memref<!tpu.dma_semaphore, #tpu.memory_space<semaphore_mem>>
        %dma_start3A_762 = arith.constant 0 : i32
        %dma_start3A_763 = tpu.memref_slice %arg13[%run_scoped3A_474, %dma_start3A_762] : memref<4x80xi32, #tpu.memory_space<vmem>> -> memref<1x80xi32, #tpu.memory_space<vmem>>
        %dma_start3A_764 = tpu.memref_squeeze %dma_start3A_763 : memref<1x80xi32, #tpu.memory_space<vmem>> -> memref<80xi32, #tpu.memory_space<vmem>>
        %dma_start3A_765 = arith.constant 0 : i32
        %dma_start3A_766 = arith.constant 0 : i32
        %dma_start3A_767 = tpu.memref_slice %arg10[%dma_start3A_765, %dma_start3A_766] : memref<10240x128xf32, #tpu.memory_space<vmem_shared>> -> memref<10240x128xf32, #tpu.memory_space<vmem_shared>>
        tpu.enqueue_indirect_dma source(%arg14 : memref<80x128xf32, #tpu.memory_space<vmem>>) target(%dma_start3A_767 : memref<10240x128xf32, #tpu.memory_space<vmem_shared>>) offsets(%dma_start3A_764 : memref<80xi32, #tpu.memory_space<vmem>>) semaphore(%run_scoped3A_761 : memref<!tpu.dma_semaphore, #tpu.memory_space<semaphore_mem>>) {add = true}
        %dma_wait3A_768 = arith.constant 0 : i32
        %dma_wait3A_769 = tpu.memref_slice %arg13[%run_scoped3A_474, %dma_wait3A_768] : memref<4x80xi32, #tpu.memory_space<vmem>> -> memref<1x80xi32, #tpu.memory_space<vmem>>
        %dma_wait3A_770 = tpu.memref_squeeze %dma_wait3A_769 : memref<1x80xi32, #tpu.memory_space<vmem>> -> memref<80xi32, #tpu.memory_space<vmem>>
        %dma_wait3A_771 = arith.constant 0 : i32
        %dma_wait3A_772 = arith.constant 0 : i32
        %dma_wait3A_773 = tpu.memref_slice %arg10[%dma_wait3A_771, %dma_wait3A_772] : memref<10240x128xf32, #tpu.memory_space<vmem_shared>> -> memref<10240x128xf32, #tpu.memory_space<vmem_shared>>
        tpu.wait_indirect_dma semaphore(%run_scoped3A_761 : memref<!tpu.dma_semaphore, #tpu.memory_space<semaphore_mem>>) src(%arg14 : memref<80x128xf32, #tpu.memory_space<vmem>>) dst(%dma_wait3A_773 : memref<10240x128xf32, #tpu.memory_space<vmem_shared>>)
        tpu.yield
      }) : () -> ()
      %run_scoped3A_475 = arith.constant 0 : i32
      "tpu.region"() ({
        %run_scoped3A_761 = tpu.sem_alloc : memref<!tpu.dma_semaphore, #tpu.memory_space<semaphore_mem>>
        %dma_start3A_762 = arith.constant 0 : i32
        %dma_start3A_763 = tpu.memref_slice %arg13[%run_scoped3A_475, %dma_start3A_762] : memref<4x80xi32, #tpu.memory_space<vmem>> -> memref<1x80xi32, #tpu.memory_space<vmem>>
        %dma_start3A_764 = tpu.memref_squeeze %dma_start3A_763 : memref<1x80xi32, #tpu.memory_space<vmem>> -> memref<80xi32, #tpu.memory_space<vmem>>
        %dma_start3A_765 = arith.constant 0 : i32
        %dma_start3A_766 = arith.constant 0 : i32
        %dma_start3A_767 = tpu.memref_slice %arg11[%dma_start3A_765, %dma_start3A_766] : memref<10240x16xf32, #tpu.memory_space<vmem_shared>> -> memref<10240x16xf32, #tpu.memory_space<vmem_shared>>
        tpu.enqueue_indirect_dma source(%arg16 : memref<80x16xf32, #tpu.memory_space<vmem>>) target(%dma_start3A_767 : memref<10240x16xf32, #tpu.memory_space<vmem_shared>>) offsets(%dma_start3A_764 : memref<80xi32, #tpu.memory_space<vmem>>) semaphore(%run_scoped3A_761 : memref<!tpu.dma_semaphore, #tpu.memory_space<semaphore_mem>>) {add = true}
        %dma_wait3A_768 = arith.constant 0 : i32
        %dma_wait3A_769 = tpu.memref_slice %arg13[%run_scoped3A_475, %dma_wait3A_768] : memref<4x80xi32, #tpu.memory_space<vmem>> -> memref<1x80xi32, #tpu.memory_space<vmem>>
        %dma_wait3A_770 = tpu.memref_squeeze %dma_wait3A_769 : memref<1x80xi32, #tpu.memory_space<vmem>> -> memref<80xi32, #tpu.memory_space<vmem>>
        %dma_wait3A_771 = arith.constant 0 : i32
        %dma_wait3A_772 = arith.constant 0 : i32
        %dma_wait3A_773 = tpu.memref_slice %arg11[%dma_wait3A_771, %dma_wait3A_772] : memref<10240x16xf32, #tpu.memory_space<vmem_shared>> -> memref<10240x16xf32, #tpu.memory_space<vmem_shared>>
        tpu.wait_indirect_dma semaphore(%run_scoped3A_761 : memref<!tpu.dma_semaphore, #tpu.memory_space<semaphore_mem>>) src(%arg16 : memref<80x16xf32, #tpu.memory_space<vmem>>) dst(%dma_wait3A_773 : memref<10240x16xf32, #tpu.memory_space<vmem_shared>>)
        tpu.yield
      }) : () -> ()
      %add3A_476 = arith.constant 4 : i32
      %add3A_477 = arith.addi %add3A_466, %add3A_476 : i32
      %dma_start3A_478 = arith.constant 0 : i32
      %dma_start3A_479 = arith.constant 0 : i32
      %dma_start3A_480 = tpu.memref_slice %arg12[%dma_start3A_478, %dma_start3A_479] : memref<4x80xi32, #tpu.memory_space<vmem>> -> memref<1x80xi32, #tpu.memory_space<vmem>>
      %dma_start3A_481 = tpu.memref_squeeze %dma_start3A_480 : memref<1x80xi32, #tpu.memory_space<vmem>> -> memref<80xi32, #tpu.memory_space<vmem>>
      %dma_start3A_482 = arith.constant 0 : i32
      %dma_start3A_483 = tpu.memref_slice %arg3[%add3A, %add3A_477, %dma_start3A_482] : memref<32x125x80xi32, #tpu.memory_space<hbm>> -> memref<1x1x80xi32, #tpu.memory_space<hbm>>
      %dma_start3A_484 = tpu.memref_squeeze %dma_start3A_483 : memref<1x1x80xi32, #tpu.memory_space<hbm>> -> memref<80xi32, #tpu.memory_space<hbm>>
      %dma_start3A_485 = arith.constant 0 : i32
      %dma_start3A_486 = tpu.memref_slice %arg12[%dma_start3A_478, %dma_start3A_485] : memref<4x80xi32, #tpu.memory_space<vmem>> -> memref<1x80xi32, #tpu.memory_space<vmem>>
      %dma_start3A_487 = tpu.memref_squeeze %dma_start3A_486 : memref<1x80xi32, #tpu.memory_space<vmem>> -> memref<80xi32, #tpu.memory_space<vmem>>
      %dma_start3A_488 = arith.constant 0 : i32
      %dma_start3A_489 = tpu.memref_slice %arg3[%add3A, %add3A_477, %dma_start3A_488] : memref<32x125x80xi32, #tpu.memory_space<hbm>> -> memref<1x1x80xi32, #tpu.memory_space<hbm>>
      %dma_start3A_490 = tpu.memref_squeeze %dma_start3A_489 : memref<1x1x80xi32, #tpu.memory_space<hbm>> -> memref<80xi32, #tpu.memory_space<hbm>>
      tpu.enqueue_dma source(%dma_start3A_490 : memref<80xi32, #tpu.memory_space<hbm>>) target(%dma_start3A_487 : memref<80xi32, #tpu.memory_space<vmem>>) target_semaphore(%arg17 : memref<!tpu.dma_semaphore, #tpu.memory_space<semaphore_mem>>)
      %dma_start3A_491 = arith.constant 0 : i32
      %dma_start3A_492 = arith.constant 0 : i32
      %dma_start3A_493 = tpu.memref_slice %arg13[%dma_start3A_491, %dma_start3A_492] : memref<4x80xi32, #tpu.memory_space<vmem>> -> memref<1x80xi32, #tpu.memory_space<vmem>>
      %dma_start3A_494 = tpu.memref_squeeze %dma_start3A_493 : memref<1x80xi32, #tpu.memory_space<vmem>> -> memref<80xi32, #tpu.memory_space<vmem>>
      %dma_start3A_495 = arith.constant 0 : i32
      %dma_start3A_496 = tpu.memref_slice %arg4[%add3A, %add3A_477, %dma_start3A_495] : memref<32x125x80xi32, #tpu.memory_space<hbm>> -> memref<1x1x80xi32, #tpu.memory_space<hbm>>
      %dma_start3A_497 = tpu.memref_squeeze %dma_start3A_496 : memref<1x1x80xi32, #tpu.memory_space<hbm>> -> memref<80xi32, #tpu.memory_space<hbm>>
      %dma_start3A_498 = arith.constant 0 : i32
      %dma_start3A_499 = tpu.memref_slice %arg13[%dma_start3A_491, %dma_start3A_498] : memref<4x80xi32, #tpu.memory_space<vmem>> -> memref<1x80xi32, #tpu.memory_space<vmem>>
      %dma_start3A_500 = tpu.memref_squeeze %dma_start3A_499 : memref<1x80xi32, #tpu.memory_space<vmem>> -> memref<80xi32, #tpu.memory_space<vmem>>
      %dma_start3A_501 = arith.constant 0 : i32
      %dma_start3A_502 = tpu.memref_slice %arg4[%add3A, %add3A_477, %dma_start3A_501] : memref<32x125x80xi32, #tpu.memory_space<hbm>> -> memref<1x1x80xi32, #tpu.memory_space<hbm>>
      %dma_start3A_503 = tpu.memref_squeeze %dma_start3A_502 : memref<1x1x80xi32, #tpu.memory_space<hbm>> -> memref<80xi32, #tpu.memory_space<hbm>>
      tpu.enqueue_dma source(%dma_start3A_503 : memref<80xi32, #tpu.memory_space<hbm>>) target(%dma_start3A_500 : memref<80xi32, #tpu.memory_space<vmem>>) target_semaphore(%arg17 : memref<!tpu.dma_semaphore, #tpu.memory_space<semaphore_mem>>)
      %add3A_504 = arith.constant 2 : i32
      %add3A_505 = arith.addi %add3A_466, %add3A_504 : i32
      %dma_wait3A_506 = arith.constant 2 : i32
      %dma_wait3A_507 = arith.constant 0 : i32
      %dma_wait3A_508 = tpu.memref_slice %arg12[%dma_wait3A_506, %dma_wait3A_507] : memref<4x80xi32, #tpu.memory_space<vmem>> -> memref<1x80xi32, #tpu.memory_space<vmem>>
      %dma_wait3A_509 = tpu.memref_squeeze %dma_wait3A_508 : memref<1x80xi32, #tpu.memory_space<vmem>> -> memref<80xi32, #tpu.memory_space<vmem>>
      %dma_wait3A_510 = arith.constant 0 : i32
      %dma_wait3A_511 = tpu.memref_slice %arg3[%add3A, %add3A_505, %dma_wait3A_510] : memref<32x125x80xi32, #tpu.memory_space<hbm>> -> memref<1x1x80xi32, #tpu.memory_space<hbm>>
      %dma_wait3A_512 = tpu.memref_squeeze %dma_wait3A_511 : memref<1x1x80xi32, #tpu.memory_space<hbm>> -> memref<80xi32, #tpu.memory_space<hbm>>
      %dma_wait3A_513 = arith.constant 0 : i32
      %dma_wait3A_514 = tpu.memref_slice %arg12[%dma_wait3A_506, %dma_wait3A_513] : memref<4x80xi32, #tpu.memory_space<vmem>> -> memref<1x80xi32, #tpu.memory_space<vmem>>
      %dma_wait3A_515 = tpu.memref_squeeze %dma_wait3A_514 : memref<1x80xi32, #tpu.memory_space<vmem>> -> memref<80xi32, #tpu.memory_space<vmem>>
      %dma_wait3A_516 = arith.constant 0 : i32
      %dma_wait3A_517 = tpu.memref_slice %arg3[%add3A, %add3A_505, %dma_wait3A_516] : memref<32x125x80xi32, #tpu.memory_space<hbm>> -> memref<1x1x80xi32, #tpu.memory_space<hbm>>
      %dma_wait3A_518 = tpu.memref_squeeze %dma_wait3A_517 : memref<1x1x80xi32, #tpu.memory_space<hbm>> -> memref<80xi32, #tpu.memory_space<hbm>>
      tpu.wait_dma2 semaphore(%arg19 : memref<!tpu.dma_semaphore, #tpu.memory_space<semaphore_mem>>) src(%dma_wait3A_518 : memref<80xi32, #tpu.memory_space<hbm>>) dst(%dma_wait3A_515 : memref<80xi32, #tpu.memory_space<vmem>>)
      %dma_wait3A_519 = arith.constant 2 : i32
      %dma_wait3A_520 = arith.constant 0 : i32
      %dma_wait3A_521 = tpu.memref_slice %arg13[%dma_wait3A_519, %dma_wait3A_520] : memref<4x80xi32, #tpu.memory_space<vmem>> -> memref<1x80xi32, #tpu.memory_space<vmem>>
      %dma_wait3A_522 = tpu.memref_squeeze %dma_wait3A_521 : memref<1x80xi32, #tpu.memory_space<vmem>> -> memref<80xi32, #tpu.memory_space<vmem>>
      %dma_wait3A_523 = arith.constant 0 : i32
      %dma_wait3A_524 = tpu.memref_slice %arg4[%add3A, %add3A_505, %dma_wait3A_523] : memref<32x125x80xi32, #tpu.memory_space<hbm>> -> memref<1x1x80xi32, #tpu.memory_space<hbm>>
      %dma_wait3A_525 = tpu.memref_squeeze %dma_wait3A_524 : memref<1x1x80xi32, #tpu.memory_space<hbm>> -> memref<80xi32, #tpu.memory_space<hbm>>
      %dma_wait3A_526 = arith.constant 0 : i32
      %dma_wait3A_527 = tpu.memref_slice %arg13[%dma_wait3A_519, %dma_wait3A_526] : memref<4x80xi32, #tpu.memory_space<vmem>> -> memref<1x80xi32, #tpu.memory_space<vmem>>
      %dma_wait3A_528 = tpu.memref_squeeze %dma_wait3A_527 : memref<1x80xi32, #tpu.memory_space<vmem>> -> memref<80xi32, #tpu.memory_space<vmem>>
      %dma_wait3A_529 = arith.constant 0 : i32
      %dma_wait3A_530 = tpu.memref_slice %arg4[%add3A, %add3A_505, %dma_wait3A_529] : memref<32x125x80xi32, #tpu.memory_space<hbm>> -> memref<1x1x80xi32, #tpu.memory_space<hbm>>
      %dma_wait3A_531 = tpu.memref_squeeze %dma_wait3A_530 : memref<1x1x80xi32, #tpu.memory_space<hbm>> -> memref<80xi32, #tpu.memory_space<hbm>>
      tpu.wait_dma2 semaphore(%arg19 : memref<!tpu.dma_semaphore, #tpu.memory_space<semaphore_mem>>) src(%dma_wait3A_531 : memref<80xi32, #tpu.memory_space<hbm>>) dst(%dma_wait3A_528 : memref<80xi32, #tpu.memory_space<vmem>>)
      %dma_start3A_532 = arith.constant 2 : i32
      %dma_start3A_533 = arith.constant 0 : i32
      %dma_start3A_534 = tpu.memref_slice %arg12[%dma_start3A_532, %dma_start3A_533] : memref<4x80xi32, #tpu.memory_space<vmem>> -> memref<1x80xi32, #tpu.memory_space<vmem>>
      %dma_start3A_535 = tpu.memref_squeeze %dma_start3A_534 : memref<1x80xi32, #tpu.memory_space<vmem>> -> memref<80xi32, #tpu.memory_space<vmem>>
      %dma_start3A_536 = arith.constant 0 : i32
      %dma_start3A_537 = arith.constant 0 : i32
      %dma_start3A_538 = tpu.memref_slice %arg2[%dma_start3A_536, %dma_start3A_537] : memref<10000x128xf32, #tpu.memory_space<hbm>> -> memref<10000x128xf32, #tpu.memory_space<hbm>>
      tpu.enqueue_indirect_dma source(%dma_start3A_538 : memref<10000x128xf32, #tpu.memory_space<hbm>>) target(%arg14 : memref<80x128xf32, #tpu.memory_space<vmem>>) offsets(%dma_start3A_535 : memref<80xi32, #tpu.memory_space<vmem>>) semaphore(%arg21 : memref<!tpu.dma_semaphore, #tpu.memory_space<semaphore_mem>>)
      %add3A_539 = arith.constant 1 : i32
      %add3A_540 = arith.addi %mul3A_464, %add3A_539 : i32
      %dma_wait3A_541 = arith.constant 1 : i32
      %dma_wait3A_542 = arith.constant 0 : i32
      %dma_wait3A_543 = tpu.memref_slice %arg12[%dma_wait3A_541, %dma_wait3A_542] : memref<4x80xi32, #tpu.memory_space<vmem>> -> memref<1x80xi32, #tpu.memory_space<vmem>>
      %dma_wait3A_544 = tpu.memref_squeeze %dma_wait3A_543 : memref<1x80xi32, #tpu.memory_space<vmem>> -> memref<80xi32, #tpu.memory_space<vmem>>
      %dma_wait3A_545 = arith.constant 0 : i32
      %dma_wait3A_546 = arith.constant 0 : i32
      %dma_wait3A_547 = tpu.memref_slice %arg2[%dma_wait3A_545, %dma_wait3A_546] : memref<10000x128xf32, #tpu.memory_space<hbm>> -> memref<10000x128xf32, #tpu.memory_space<hbm>>
      tpu.wait_indirect_dma semaphore(%arg22 : memref<!tpu.dma_semaphore, #tpu.memory_space<semaphore_mem>>) src(%dma_wait3A_547 : memref<10000x128xf32, #tpu.memory_space<hbm>>) dst(%arg15 : memref<80x128xf32, #tpu.memory_space<vmem>>)
      %run_scoped3A_548 = arith.constant 1 : i32
      "tpu.region"() ({
        %run_scoped3A_761 = tpu.sem_alloc : memref<!tpu.dma_semaphore, #tpu.memory_space<semaphore_mem>>
        %dma_start3A_762 = arith.constant 0 : i32
        %dma_start3A_763 = tpu.memref_slice %arg13[%run_scoped3A_548, %dma_start3A_762] : memref<4x80xi32, #tpu.memory_space<vmem>> -> memref<1x80xi32, #tpu.memory_space<vmem>>
        %dma_start3A_764 = tpu.memref_squeeze %dma_start3A_763 : memref<1x80xi32, #tpu.memory_space<vmem>> -> memref<80xi32, #tpu.memory_space<vmem>>
        %dma_start3A_765 = arith.constant 0 : i32
        %dma_start3A_766 = arith.constant 0 : i32
        %dma_start3A_767 = tpu.memref_slice %arg10[%dma_start3A_765, %dma_start3A_766] : memref<10240x128xf32, #tpu.memory_space<vmem_shared>> -> memref<10240x128xf32, #tpu.memory_space<vmem_shared>>
        tpu.enqueue_indirect_dma source(%arg15 : memref<80x128xf32, #tpu.memory_space<vmem>>) target(%dma_start3A_767 : memref<10240x128xf32, #tpu.memory_space<vmem_shared>>) offsets(%dma_start3A_764 : memref<80xi32, #tpu.memory_space<vmem>>) semaphore(%run_scoped3A_761 : memref<!tpu.dma_semaphore, #tpu.memory_space<semaphore_mem>>) {add = true}
        %dma_wait3A_768 = arith.constant 0 : i32
        %dma_wait3A_769 = tpu.memref_slice %arg13[%run_scoped3A_548, %dma_wait3A_768] : memref<4x80xi32, #tpu.memory_space<vmem>> -> memref<1x80xi32, #tpu.memory_space<vmem>>
        %dma_wait3A_770 = tpu.memref_squeeze %dma_wait3A_769 : memref<1x80xi32, #tpu.memory_space<vmem>> -> memref<80xi32, #tpu.memory_space<vmem>>
        %dma_wait3A_771 = arith.constant 0 : i32
        %dma_wait3A_772 = arith.constant 0 : i32
        %dma_wait3A_773 = tpu.memref_slice %arg10[%dma_wait3A_771, %dma_wait3A_772] : memref<10240x128xf32, #tpu.memory_space<vmem_shared>> -> memref<10240x128xf32, #tpu.memory_space<vmem_shared>>
        tpu.wait_indirect_dma semaphore(%run_scoped3A_761 : memref<!tpu.dma_semaphore, #tpu.memory_space<semaphore_mem>>) src(%arg15 : memref<80x128xf32, #tpu.memory_space<vmem>>) dst(%dma_wait3A_773 : memref<10240x128xf32, #tpu.memory_space<vmem_shared>>)
        tpu.yield
      }) : () -> ()
      %run_scoped3A_549 = arith.constant 1 : i32
      "tpu.region"() ({
        %run_scoped3A_761 = tpu.sem_alloc : memref<!tpu.dma_semaphore, #tpu.memory_space<semaphore_mem>>
        %dma_start3A_762 = arith.constant 0 : i32
        %dma_start3A_763 = tpu.memref_slice %arg13[%run_scoped3A_549, %dma_start3A_762] : memref<4x80xi32, #tpu.memory_space<vmem>> -> memref<1x80xi32, #tpu.memory_space<vmem>>
        %dma_start3A_764 = tpu.memref_squeeze %dma_start3A_763 : memref<1x80xi32, #tpu.memory_space<vmem>> -> memref<80xi32, #tpu.memory_space<vmem>>
        %dma_start3A_765 = arith.constant 0 : i32
        %dma_start3A_766 = arith.constant 0 : i32
        %dma_start3A_767 = tpu.memref_slice %arg11[%dma_start3A_765, %dma_start3A_766] : memref<10240x16xf32, #tpu.memory_space<vmem_shared>> -> memref<10240x16xf32, #tpu.memory_space<vmem_shared>>
        tpu.enqueue_indirect_dma source(%arg16 : memref<80x16xf32, #tpu.memory_space<vmem>>) target(%dma_start3A_767 : memref<10240x16xf32, #tpu.memory_space<vmem_shared>>) offsets(%dma_start3A_764 : memref<80xi32, #tpu.memory_space<vmem>>) semaphore(%run_scoped3A_761 : memref<!tpu.dma_semaphore, #tpu.memory_space<semaphore_mem>>) {add = true}
        %dma_wait3A_768 = arith.constant 0 : i32
        %dma_wait3A_769 = tpu.memref_slice %arg13[%run_scoped3A_549, %dma_wait3A_768] : memref<4x80xi32, #tpu.memory_space<vmem>> -> memref<1x80xi32, #tpu.memory_space<vmem>>
        %dma_wait3A_770 = tpu.memref_squeeze %dma_wait3A_769 : memref<1x80xi32, #tpu.memory_space<vmem>> -> memref<80xi32, #tpu.memory_space<vmem>>
        %dma_wait3A_771 = arith.constant 0 : i32
        %dma_wait3A_772 = arith.constant 0 : i32
        %dma_wait3A_773 = tpu.memref_slice %arg11[%dma_wait3A_771, %dma_wait3A_772] : memref<10240x16xf32, #tpu.memory_space<vmem_shared>> -> memref<10240x16xf32, #tpu.memory_space<vmem_shared>>
        tpu.wait_indirect_dma semaphore(%run_scoped3A_761 : memref<!tpu.dma_semaphore, #tpu.memory_space<semaphore_mem>>) src(%arg16 : memref<80x16xf32, #tpu.memory_space<vmem>>) dst(%dma_wait3A_773 : memref<10240x16xf32, #tpu.memory_space<vmem_shared>>)
        tpu.yield
      }) : () -> ()
      %add3A_550 = arith.constant 4 : i32
      %add3A_551 = arith.addi %add3A_540, %add3A_550 : i32
      %dma_start3A_552 = arith.constant 1 : i32
      %dma_start3A_553 = arith.constant 0 : i32
      %dma_start3A_554 = tpu.memref_slice %arg12[%dma_start3A_552, %dma_start3A_553] : memref<4x80xi32, #tpu.memory_space<vmem>> -> memref<1x80xi32, #tpu.memory_space<vmem>>
      %dma_start3A_555 = tpu.memref_squeeze %dma_start3A_554 : memref<1x80xi32, #tpu.memory_space<vmem>> -> memref<80xi32, #tpu.memory_space<vmem>>
      %dma_start3A_556 = arith.constant 0 : i32
      %dma_start3A_557 = tpu.memref_slice %arg3[%add3A, %add3A_551, %dma_start3A_556] : memref<32x125x80xi32, #tpu.memory_space<hbm>> -> memref<1x1x80xi32, #tpu.memory_space<hbm>>
      %dma_start3A_558 = tpu.memref_squeeze %dma_start3A_557 : memref<1x1x80xi32, #tpu.memory_space<hbm>> -> memref<80xi32, #tpu.memory_space<hbm>>
      %dma_start3A_559 = arith.constant 0 : i32
      %dma_start3A_560 = tpu.memref_slice %arg12[%dma_start3A_552, %dma_start3A_559] : memref<4x80xi32, #tpu.memory_space<vmem>> -> memref<1x80xi32, #tpu.memory_space<vmem>>
      %dma_start3A_561 = tpu.memref_squeeze %dma_start3A_560 : memref<1x80xi32, #tpu.memory_space<vmem>> -> memref<80xi32, #tpu.memory_space<vmem>>
      %dma_start3A_562 = arith.constant 0 : i32
      %dma_start3A_563 = tpu.memref_slice %arg3[%add3A, %add3A_551, %dma_start3A_562] : memref<32x125x80xi32, #tpu.memory_space<hbm>> -> memref<1x1x80xi32, #tpu.memory_space<hbm>>
      %dma_start3A_564 = tpu.memref_squeeze %dma_start3A_563 : memref<1x1x80xi32, #tpu.memory_space<hbm>> -> memref<80xi32, #tpu.memory_space<hbm>>
      tpu.enqueue_dma source(%dma_start3A_564 : memref<80xi32, #tpu.memory_space<hbm>>) target(%dma_start3A_561 : memref<80xi32, #tpu.memory_space<vmem>>) target_semaphore(%arg18 : memref<!tpu.dma_semaphore, #tpu.memory_space<semaphore_mem>>)
      %dma_start3A_565 = arith.constant 1 : i32
      %dma_start3A_566 = arith.constant 0 : i32
      %dma_start3A_567 = tpu.memref_slice %arg13[%dma_start3A_565, %dma_start3A_566] : memref<4x80xi32, #tpu.memory_space<vmem>> -> memref<1x80xi32, #tpu.memory_space<vmem>>
      %dma_start3A_568 = tpu.memref_squeeze %dma_start3A_567 : memref<1x80xi32, #tpu.memory_space<vmem>> -> memref<80xi32, #tpu.memory_space<vmem>>
      %dma_start3A_569 = arith.constant 0 : i32
      %dma_start3A_570 = tpu.memref_slice %arg4[%add3A, %add3A_551, %dma_start3A_569] : memref<32x125x80xi32, #tpu.memory_space<hbm>> -> memref<1x1x80xi32, #tpu.memory_space<hbm>>
      %dma_start3A_571 = tpu.memref_squeeze %dma_start3A_570 : memref<1x1x80xi32, #tpu.memory_space<hbm>> -> memref<80xi32, #tpu.memory_space<hbm>>
      %dma_start3A_572 = arith.constant 0 : i32
      %dma_start3A_573 = tpu.memref_slice %arg13[%dma_start3A_565, %dma_start3A_572] : memref<4x80xi32, #tpu.memory_space<vmem>> -> memref<1x80xi32, #tpu.memory_space<vmem>>
      %dma_start3A_574 = tpu.memref_squeeze %dma_start3A_573 : memref<1x80xi32, #tpu.memory_space<vmem>> -> memref<80xi32, #tpu.memory_space<vmem>>
      %dma_start3A_575 = arith.constant 0 : i32
      %dma_start3A_576 = tpu.memref_slice %arg4[%add3A, %add3A_551, %dma_start3A_575] : memref<32x125x80xi32, #tpu.memory_space<hbm>> -> memref<1x1x80xi32, #tpu.memory_space<hbm>>
      %dma_start3A_577 = tpu.memref_squeeze %dma_start3A_576 : memref<1x1x80xi32, #tpu.memory_space<hbm>> -> memref<80xi32, #tpu.memory_space<hbm>>
      tpu.enqueue_dma source(%dma_start3A_577 : memref<80xi32, #tpu.memory_space<hbm>>) target(%dma_start3A_574 : memref<80xi32, #tpu.memory_space<vmem>>) target_semaphore(%arg18 : memref<!tpu.dma_semaphore, #tpu.memory_space<semaphore_mem>>)
      %add3A_578 = arith.constant 2 : i32
      %add3A_579 = arith.addi %add3A_540, %add3A_578 : i32
      %dma_wait3A_580 = arith.constant 3 : i32
      %dma_wait3A_581 = arith.constant 0 : i32
      %dma_wait3A_582 = tpu.memref_slice %arg12[%dma_wait3A_580, %dma_wait3A_581] : memref<4x80xi32, #tpu.memory_space<vmem>> -> memref<1x80xi32, #tpu.memory_space<vmem>>
      %dma_wait3A_583 = tpu.memref_squeeze %dma_wait3A_582 : memref<1x80xi32, #tpu.memory_space<vmem>> -> memref<80xi32, #tpu.memory_space<vmem>>
      %dma_wait3A_584 = arith.constant 0 : i32
      %dma_wait3A_585 = tpu.memref_slice %arg3[%add3A, %add3A_579, %dma_wait3A_584] : memref<32x125x80xi32, #tpu.memory_space<hbm>> -> memref<1x1x80xi32, #tpu.memory_space<hbm>>
      %dma_wait3A_586 = tpu.memref_squeeze %dma_wait3A_585 : memref<1x1x80xi32, #tpu.memory_space<hbm>> -> memref<80xi32, #tpu.memory_space<hbm>>
      %dma_wait3A_587 = arith.constant 0 : i32
      %dma_wait3A_588 = tpu.memref_slice %arg12[%dma_wait3A_580, %dma_wait3A_587] : memref<4x80xi32, #tpu.memory_space<vmem>> -> memref<1x80xi32, #tpu.memory_space<vmem>>
      %dma_wait3A_589 = tpu.memref_squeeze %dma_wait3A_588 : memref<1x80xi32, #tpu.memory_space<vmem>> -> memref<80xi32, #tpu.memory_space<vmem>>
      %dma_wait3A_590 = arith.constant 0 : i32
      %dma_wait3A_591 = tpu.memref_slice %arg3[%add3A, %add3A_579, %dma_wait3A_590] : memref<32x125x80xi32, #tpu.memory_space<hbm>> -> memref<1x1x80xi32, #tpu.memory_space<hbm>>
      %dma_wait3A_592 = tpu.memref_squeeze %dma_wait3A_591 : memref<1x1x80xi32, #tpu.memory_space<hbm>> -> memref<80xi32, #tpu.memory_space<hbm>>
      tpu.wait_dma2 semaphore(%arg20 : memref<!tpu.dma_semaphore, #tpu.memory_space<semaphore_mem>>) src(%dma_wait3A_592 : memref<80xi32, #tpu.memory_space<hbm>>) dst(%dma_wait3A_589 : memref<80xi32, #tpu.memory_space<vmem>>)
      %dma_wait3A_593 = arith.constant 3 : i32
      %dma_wait3A_594 = arith.constant 0 : i32
      %dma_wait3A_595 = tpu.memref_slice %arg13[%dma_wait3A_593, %dma_wait3A_594] : memref<4x80xi32, #tpu.memory_space<vmem>> -> memref<1x80xi32, #tpu.memory_space<vmem>>
      %dma_wait3A_596 = tpu.memref_squeeze %dma_wait3A_595 : memref<1x80xi32, #tpu.memory_space<vmem>> -> memref<80xi32, #tpu.memory_space<vmem>>
      %dma_wait3A_597 = arith.constant 0 : i32
      %dma_wait3A_598 = tpu.memref_slice %arg4[%add3A, %add3A_579, %dma_wait3A_597] : memref<32x125x80xi32, #tpu.memory_space<hbm>> -> memref<1x1x80xi32, #tpu.memory_space<hbm>>
      %dma_wait3A_599 = tpu.memref_squeeze %dma_wait3A_598 : memref<1x1x80xi32, #tpu.memory_space<hbm>> -> memref<80xi32, #tpu.memory_space<hbm>>
      %dma_wait3A_600 = arith.constant 0 : i32
      %dma_wait3A_601 = tpu.memref_slice %arg13[%dma_wait3A_593, %dma_wait3A_600] : memref<4x80xi32, #tpu.memory_space<vmem>> -> memref<1x80xi32, #tpu.memory_space<vmem>>
      %dma_wait3A_602 = tpu.memref_squeeze %dma_wait3A_601 : memref<1x80xi32, #tpu.memory_space<vmem>> -> memref<80xi32, #tpu.memory_space<vmem>>
      %dma_wait3A_603 = arith.constant 0 : i32
      %dma_wait3A_604 = tpu.memref_slice %arg4[%add3A, %add3A_579, %dma_wait3A_603] : memref<32x125x80xi32, #tpu.memory_space<hbm>> -> memref<1x1x80xi32, #tpu.memory_space<hbm>>
      %dma_wait3A_605 = tpu.memref_squeeze %dma_wait3A_604 : memref<1x1x80xi32, #tpu.memory_space<hbm>> -> memref<80xi32, #tpu.memory_space<hbm>>
      tpu.wait_dma2 semaphore(%arg20 : memref<!tpu.dma_semaphore, #tpu.memory_space<semaphore_mem>>) src(%dma_wait3A_605 : memref<80xi32, #tpu.memory_space<hbm>>) dst(%dma_wait3A_602 : memref<80xi32, #tpu.memory_space<vmem>>)
      %dma_start3A_606 = arith.constant 3 : i32
      %dma_start3A_607 = arith.constant 0 : i32
      %dma_start3A_608 = tpu.memref_slice %arg12[%dma_start3A_606, %dma_start3A_607] : memref<4x80xi32, #tpu.memory_space<vmem>> -> memref<1x80xi32, #tpu.memory_space<vmem>>
      %dma_start3A_609 = tpu.memref_squeeze %dma_start3A_608 : memref<1x80xi32, #tpu.memory_space<vmem>> -> memref<80xi32, #tpu.memory_space<vmem>>
      %dma_start3A_610 = arith.constant 0 : i32
      %dma_start3A_611 = arith.constant 0 : i32
      %dma_start3A_612 = tpu.memref_slice %arg2[%dma_start3A_610, %dma_start3A_611] : memref<10000x128xf32, #tpu.memory_space<hbm>> -> memref<10000x128xf32, #tpu.memory_space<hbm>>
      tpu.enqueue_indirect_dma source(%dma_start3A_612 : memref<10000x128xf32, #tpu.memory_space<hbm>>) target(%arg15 : memref<80x128xf32, #tpu.memory_space<vmem>>) offsets(%dma_start3A_609 : memref<80xi32, #tpu.memory_space<vmem>>) semaphore(%arg22 : memref<!tpu.dma_semaphore, #tpu.memory_space<semaphore_mem>>)
      %add3A_613 = arith.constant 2 : i32
      %add3A_614 = arith.addi %mul3A_464, %add3A_613 : i32
      %dma_wait3A_615 = arith.constant 2 : i32
      %dma_wait3A_616 = arith.constant 0 : i32
      %dma_wait3A_617 = tpu.memref_slice %arg12[%dma_wait3A_615, %dma_wait3A_616] : memref<4x80xi32, #tpu.memory_space<vmem>> -> memref<1x80xi32, #tpu.memory_space<vmem>>
      %dma_wait3A_618 = tpu.memref_squeeze %dma_wait3A_617 : memref<1x80xi32, #tpu.memory_space<vmem>> -> memref<80xi32, #tpu.memory_space<vmem>>
      %dma_wait3A_619 = arith.constant 0 : i32
      %dma_wait3A_620 = arith.constant 0 : i32
      %dma_wait3A_621 = tpu.memref_slice %arg2[%dma_wait3A_619, %dma_wait3A_620] : memref<10000x128xf32, #tpu.memory_space<hbm>> -> memref<10000x128xf32, #tpu.memory_space<hbm>>
      tpu.wait_indirect_dma semaphore(%arg21 : memref<!tpu.dma_semaphore, #tpu.memory_space<semaphore_mem>>) src(%dma_wait3A_621 : memref<10000x128xf32, #tpu.memory_space<hbm>>) dst(%arg14 : memref<80x128xf32, #tpu.memory_space<vmem>>)
      %run_scoped3A_622 = arith.constant 2 : i32
      "tpu.region"() ({
        %run_scoped3A_761 = tpu.sem_alloc : memref<!tpu.dma_semaphore, #tpu.memory_space<semaphore_mem>>
        %dma_start3A_762 = arith.constant 0 : i32
        %dma_start3A_763 = tpu.memref_slice %arg13[%run_scoped3A_622, %dma_start3A_762] : memref<4x80xi32, #tpu.memory_space<vmem>> -> memref<1x80xi32, #tpu.memory_space<vmem>>
        %dma_start3A_764 = tpu.memref_squeeze %dma_start3A_763 : memref<1x80xi32, #tpu.memory_space<vmem>> -> memref<80xi32, #tpu.memory_space<vmem>>
        %dma_start3A_765 = arith.constant 0 : i32
        %dma_start3A_766 = arith.constant 0 : i32
        %dma_start3A_767 = tpu.memref_slice %arg10[%dma_start3A_765, %dma_start3A_766] : memref<10240x128xf32, #tpu.memory_space<vmem_shared>> -> memref<10240x128xf32, #tpu.memory_space<vmem_shared>>
        tpu.enqueue_indirect_dma source(%arg14 : memref<80x128xf32, #tpu.memory_space<vmem>>) target(%dma_start3A_767 : memref<10240x128xf32, #tpu.memory_space<vmem_shared>>) offsets(%dma_start3A_764 : memref<80xi32, #tpu.memory_space<vmem>>) semaphore(%run_scoped3A_761 : memref<!tpu.dma_semaphore, #tpu.memory_space<semaphore_mem>>) {add = true}
        %dma_wait3A_768 = arith.constant 0 : i32
        %dma_wait3A_769 = tpu.memref_slice %arg13[%run_scoped3A_622, %dma_wait3A_768] : memref<4x80xi32, #tpu.memory_space<vmem>> -> memref<1x80xi32, #tpu.memory_space<vmem>>
        %dma_wait3A_770 = tpu.memref_squeeze %dma_wait3A_769 : memref<1x80xi32, #tpu.memory_space<vmem>> -> memref<80xi32, #tpu.memory_space<vmem>>
        %dma_wait3A_771 = arith.constant 0 : i32
        %dma_wait3A_772 = arith.constant 0 : i32
        %dma_wait3A_773 = tpu.memref_slice %arg10[%dma_wait3A_771, %dma_wait3A_772] : memref<10240x128xf32, #tpu.memory_space<vmem_shared>> -> memref<10240x128xf32, #tpu.memory_space<vmem_shared>>
        tpu.wait_indirect_dma semaphore(%run_scoped3A_761 : memref<!tpu.dma_semaphore, #tpu.memory_space<semaphore_mem>>) src(%arg14 : memref<80x128xf32, #tpu.memory_space<vmem>>) dst(%dma_wait3A_773 : memref<10240x128xf32, #tpu.memory_space<vmem_shared>>)
        tpu.yield
      }) : () -> ()
      %run_scoped3A_623 = arith.constant 2 : i32
      "tpu.region"() ({
        %run_scoped3A_761 = tpu.sem_alloc : memref<!tpu.dma_semaphore, #tpu.memory_space<semaphore_mem>>
        %dma_start3A_762 = arith.constant 0 : i32
        %dma_start3A_763 = tpu.memref_slice %arg13[%run_scoped3A_623, %dma_start3A_762] : memref<4x80xi32, #tpu.memory_space<vmem>> -> memref<1x80xi32, #tpu.memory_space<vmem>>
        %dma_start3A_764 = tpu.memref_squeeze %dma_start3A_763 : memref<1x80xi32, #tpu.memory_space<vmem>> -> memref<80xi32, #tpu.memory_space<vmem>>
        %dma_start3A_765 = arith.constant 0 : i32
        %dma_start3A_766 = arith.constant 0 : i32
        %dma_start3A_767 = tpu.memref_slice %arg11[%dma_start3A_765, %dma_start3A_766] : memref<10240x16xf32, #tpu.memory_space<vmem_shared>> -> memref<10240x16xf32, #tpu.memory_space<vmem_shared>>
        tpu.enqueue_indirect_dma source(%arg16 : memref<80x16xf32, #tpu.memory_space<vmem>>) target(%dma_start3A_767 : memref<10240x16xf32, #tpu.memory_space<vmem_shared>>) offsets(%dma_start3A_764 : memref<80xi32, #tpu.memory_space<vmem>>) semaphore(%run_scoped3A_761 : memref<!tpu.dma_semaphore, #tpu.memory_space<semaphore_mem>>) {add = true}
        %dma_wait3A_768 = arith.constant 0 : i32
        %dma_wait3A_769 = tpu.memref_slice %arg13[%run_scoped3A_623, %dma_wait3A_768] : memref<4x80xi32, #tpu.memory_space<vmem>> -> memref<1x80xi32, #tpu.memory_space<vmem>>
        %dma_wait3A_770 = tpu.memref_squeeze %dma_wait3A_769 : memref<1x80xi32, #tpu.memory_space<vmem>> -> memref<80xi32, #tpu.memory_space<vmem>>
        %dma_wait3A_771 = arith.constant 0 : i32
        %dma_wait3A_772 = arith.constant 0 : i32
        %dma_wait3A_773 = tpu.memref_slice %arg11[%dma_wait3A_771, %dma_wait3A_772] : memref<10240x16xf32, #tpu.memory_space<vmem_shared>> -> memref<10240x16xf32, #tpu.memory_space<vmem_shared>>
        tpu.wait_indirect_dma semaphore(%run_scoped3A_761 : memref<!tpu.dma_semaphore, #tpu.memory_space<semaphore_mem>>) src(%arg16 : memref<80x16xf32, #tpu.memory_space<vmem>>) dst(%dma_wait3A_773 : memref<10240x16xf32, #tpu.memory_space<vmem_shared>>)
        tpu.yield
      }) : () -> ()
      %add3A_624 = arith.constant 4 : i32
      %add3A_625 = arith.addi %add3A_614, %add3A_624 : i32
      %dma_start3A_626 = arith.constant 2 : i32
      %dma_start3A_627 = arith.constant 0 : i32
      %dma_start3A_628 = tpu.memref_slice %arg12[%dma_start3A_626, %dma_start3A_627] : memref<4x80xi32, #tpu.memory_space<vmem>> -> memref<1x80xi32, #tpu.memory_space<vmem>>
      %dma_start3A_629 = tpu.memref_squeeze %dma_start3A_628 : memref<1x80xi32, #tpu.memory_space<vmem>> -> memref<80xi32, #tpu.memory_space<vmem>>
      %dma_start3A_630 = arith.constant 0 : i32
      %dma_start3A_631 = tpu.memref_slice %arg3[%add3A, %add3A_625, %dma_start3A_630] : memref<32x125x80xi32, #tpu.memory_space<hbm>> -> memref<1x1x80xi32, #tpu.memory_space<hbm>>
      %dma_start3A_632 = tpu.memref_squeeze %dma_start3A_631 : memref<1x1x80xi32, #tpu.memory_space<hbm>> -> memref<80xi32, #tpu.memory_space<hbm>>
      %dma_start3A_633 = arith.constant 0 : i32
      %dma_start3A_634 = tpu.memref_slice %arg12[%dma_start3A_626, %dma_start3A_633] : memref<4x80xi32, #tpu.memory_space<vmem>> -> memref<1x80xi32, #tpu.memory_space<vmem>>
      %dma_start3A_635 = tpu.memref_squeeze %dma_start3A_634 : memref<1x80xi32, #tpu.memory_space<vmem>> -> memref<80xi32, #tpu.memory_space<vmem>>
      %dma_start3A_636 = arith.constant 0 : i32
      %dma_start3A_637 = tpu.memref_slice %arg3[%add3A, %add3A_625, %dma_start3A_636] : memref<32x125x80xi32, #tpu.memory_space<hbm>> -> memref<1x1x80xi32, #tpu.memory_space<hbm>>
      %dma_start3A_638 = tpu.memref_squeeze %dma_start3A_637 : memref<1x1x80xi32, #tpu.memory_space<hbm>> -> memref<80xi32, #tpu.memory_space<hbm>>
      tpu.enqueue_dma source(%dma_start3A_638 : memref<80xi32, #tpu.memory_space<hbm>>) target(%dma_start3A_635 : memref<80xi32, #tpu.memory_space<vmem>>) target_semaphore(%arg19 : memref<!tpu.dma_semaphore, #tpu.memory_space<semaphore_mem>>)
      %dma_start3A_639 = arith.constant 2 : i32
      %dma_start3A_640 = arith.constant 0 : i32
      %dma_start3A_641 = tpu.memref_slice %arg13[%dma_start3A_639, %dma_start3A_640] : memref<4x80xi32, #tpu.memory_space<vmem>> -> memref<1x80xi32, #tpu.memory_space<vmem>>
      %dma_start3A_642 = tpu.memref_squeeze %dma_start3A_641 : memref<1x80xi32, #tpu.memory_space<vmem>> -> memref<80xi32, #tpu.memory_space<vmem>>
      %dma_start3A_643 = arith.constant 0 : i32
      %dma_start3A_644 = tpu.memref_slice %arg4[%add3A, %add3A_625, %dma_start3A_643] : memref<32x125x80xi32, #tpu.memory_space<hbm>> -> memref<1x1x80xi32, #tpu.memory_space<hbm>>
      %dma_start3A_645 = tpu.memref_squeeze %dma_start3A_644 : memref<1x1x80xi32, #tpu.memory_space<hbm>> -> memref<80xi32, #tpu.memory_space<hbm>>
      %dma_start3A_646 = arith.constant 0 : i32
      %dma_start3A_647 = tpu.memref_slice %arg13[%dma_start3A_639, %dma_start3A_646] : memref<4x80xi32, #tpu.memory_space<vmem>> -> memref<1x80xi32, #tpu.memory_space<vmem>>
      %dma_start3A_648 = tpu.memref_squeeze %dma_start3A_647 : memref<1x80xi32, #tpu.memory_space<vmem>> -> memref<80xi32, #tpu.memory_space<vmem>>
      %dma_start3A_649 = arith.constant 0 : i32
      %dma_start3A_650 = tpu.memref_slice %arg4[%add3A, %add3A_625, %dma_start3A_649] : memref<32x125x80xi32, #tpu.memory_space<hbm>> -> memref<1x1x80xi32, #tpu.memory_space<hbm>>
      %dma_start3A_651 = tpu.memref_squeeze %dma_start3A_650 : memref<1x1x80xi32, #tpu.memory_space<hbm>> -> memref<80xi32, #tpu.memory_space<hbm>>
      tpu.enqueue_dma source(%dma_start3A_651 : memref<80xi32, #tpu.memory_space<hbm>>) target(%dma_start3A_648 : memref<80xi32, #tpu.memory_space<vmem>>) target_semaphore(%arg19 : memref<!tpu.dma_semaphore, #tpu.memory_space<semaphore_mem>>)
      %add3A_652 = arith.constant 2 : i32
      %add3A_653 = arith.addi %add3A_614, %add3A_652 : i32
      %dma_wait3A_654 = arith.constant 0 : i32
      %dma_wait3A_655 = arith.constant 0 : i32
      %dma_wait3A_656 = tpu.memref_slice %arg12[%dma_wait3A_654, %dma_wait3A_655] : memref<4x80xi32, #tpu.memory_space<vmem>> -> memref<1x80xi32, #tpu.memory_space<vmem>>
      %dma_wait3A_657 = tpu.memref_squeeze %dma_wait3A_656 : memref<1x80xi32, #tpu.memory_space<vmem>> -> memref<80xi32, #tpu.memory_space<vmem>>
      %dma_wait3A_658 = arith.constant 0 : i32
      %dma_wait3A_659 = tpu.memref_slice %arg3[%add3A, %add3A_653, %dma_wait3A_658] : memref<32x125x80xi32, #tpu.memory_space<hbm>> -> memref<1x1x80xi32, #tpu.memory_space<hbm>>
      %dma_wait3A_660 = tpu.memref_squeeze %dma_wait3A_659 : memref<1x1x80xi32, #tpu.memory_space<hbm>> -> memref<80xi32, #tpu.memory_space<hbm>>
      %dma_wait3A_661 = arith.constant 0 : i32
      %dma_wait3A_662 = tpu.memref_slice %arg12[%dma_wait3A_654, %dma_wait3A_661] : memref<4x80xi32, #tpu.memory_space<vmem>> -> memref<1x80xi32, #tpu.memory_space<vmem>>
      %dma_wait3A_663 = tpu.memref_squeeze %dma_wait3A_662 : memref<1x80xi32, #tpu.memory_space<vmem>> -> memref<80xi32, #tpu.memory_space<vmem>>
      %dma_wait3A_664 = arith.constant 0 : i32
      %dma_wait3A_665 = tpu.memref_slice %arg3[%add3A, %add3A_653, %dma_wait3A_664] : memref<32x125x80xi32, #tpu.memory_space<hbm>> -> memref<1x1x80xi32, #tpu.memory_space<hbm>>
      %dma_wait3A_666 = tpu.memref_squeeze %dma_wait3A_665 : memref<1x1x80xi32, #tpu.memory_space<hbm>> -> memref<80xi32, #tpu.memory_space<hbm>>
      tpu.wait_dma2 semaphore(%arg17 : memref<!tpu.dma_semaphore, #tpu.memory_space<semaphore_mem>>) src(%dma_wait3A_666 : memref<80xi32, #tpu.memory_space<hbm>>) dst(%dma_wait3A_663 : memref<80xi32, #tpu.memory_space<vmem>>)
      %dma_wait3A_667 = arith.constant 0 : i32
      %dma_wait3A_668 = arith.constant 0 : i32
      %dma_wait3A_669 = tpu.memref_slice %arg13[%dma_wait3A_667, %dma_wait3A_668] : memref<4x80xi32, #tpu.memory_space<vmem>> -> memref<1x80xi32, #tpu.memory_space<vmem>>
      %dma_wait3A_670 = tpu.memref_squeeze %dma_wait3A_669 : memref<1x80xi32, #tpu.memory_space<vmem>> -> memref<80xi32, #tpu.memory_space<vmem>>
      %dma_wait3A_671 = arith.constant 0 : i32
      %dma_wait3A_672 = tpu.memref_slice %arg4[%add3A, %add3A_653, %dma_wait3A_671] : memref<32x125x80xi32, #tpu.memory_space<hbm>> -> memref<1x1x80xi32, #tpu.memory_space<hbm>>
      %dma_wait3A_673 = tpu.memref_squeeze %dma_wait3A_672 : memref<1x1x80xi32, #tpu.memory_space<hbm>> -> memref<80xi32, #tpu.memory_space<hbm>>
      %dma_wait3A_674 = arith.constant 0 : i32
      %dma_wait3A_675 = tpu.memref_slice %arg13[%dma_wait3A_667, %dma_wait3A_674] : memref<4x80xi32, #tpu.memory_space<vmem>> -> memref<1x80xi32, #tpu.memory_space<vmem>>
      %dma_wait3A_676 = tpu.memref_squeeze %dma_wait3A_675 : memref<1x80xi32, #tpu.memory_space<vmem>> -> memref<80xi32, #tpu.memory_space<vmem>>
      %dma_wait3A_677 = arith.constant 0 : i32
      %dma_wait3A_678 = tpu.memref_slice %arg4[%add3A, %add3A_653, %dma_wait3A_677] : memref<32x125x80xi32, #tpu.memory_space<hbm>> -> memref<1x1x80xi32, #tpu.memory_space<hbm>>
      %dma_wait3A_679 = tpu.memref_squeeze %dma_wait3A_678 : memref<1x1x80xi32, #tpu.memory_space<hbm>> -> memref<80xi32, #tpu.memory_space<hbm>>
      tpu.wait_dma2 semaphore(%arg17 : memref<!tpu.dma_semaphore, #tpu.memory_space<semaphore_mem>>) src(%dma_wait3A_679 : memref<80xi32, #tpu.memory_space<hbm>>) dst(%dma_wait3A_676 : memref<80xi32, #tpu.memory_space<vmem>>)
      %dma_start3A_680 = arith.constant 0 : i32
      %dma_start3A_681 = arith.constant 0 : i32
      %dma_start3A_682 = tpu.memref_slice %arg12[%dma_start3A_680, %dma_start3A_681] : memref<4x80xi32, #tpu.memory_space<vmem>> -> memref<1x80xi32, #tpu.memory_space<vmem>>
      %dma_start3A_683 = tpu.memref_squeeze %dma_start3A_682 : memref<1x80xi32, #tpu.memory_space<vmem>> -> memref<80xi32, #tpu.memory_space<vmem>>
      %dma_start3A_684 = arith.constant 0 : i32
      %dma_start3A_685 = arith.constant 0 : i32
      %dma_start3A_686 = tpu.memref_slice %arg2[%dma_start3A_684, %dma_start3A_685] : memref<10000x128xf32, #tpu.memory_space<hbm>> -> memref<10000x128xf32, #tpu.memory_space<hbm>>
      tpu.enqueue_indirect_dma source(%dma_start3A_686 : memref<10000x128xf32, #tpu.memory_space<hbm>>) target(%arg14 : memref<80x128xf32, #tpu.memory_space<vmem>>) offsets(%dma_start3A_683 : memref<80xi32, #tpu.memory_space<vmem>>) semaphore(%arg21 : memref<!tpu.dma_semaphore, #tpu.memory_space<semaphore_mem>>)
      %add3A_687 = arith.constant 3 : i32
      %add3A_688 = arith.addi %mul3A_464, %add3A_687 : i32
      %dma_wait3A_689 = arith.constant 3 : i32
      %dma_wait3A_690 = arith.constant 0 : i32
      %dma_wait3A_691 = tpu.memref_slice %arg12[%dma_wait3A_689, %dma_wait3A_690] : memref<4x80xi32, #tpu.memory_space<vmem>> -> memref<1x80xi32, #tpu.memory_space<vmem>>
      %dma_wait3A_692 = tpu.memref_squeeze %dma_wait3A_691 : memref<1x80xi32, #tpu.memory_space<vmem>> -> memref<80xi32, #tpu.memory_space<vmem>>
      %dma_wait3A_693 = arith.constant 0 : i32
      %dma_wait3A_694 = arith.constant 0 : i32
      %dma_wait3A_695 = tpu.memref_slice %arg2[%dma_wait3A_693, %dma_wait3A_694] : memref<10000x128xf32, #tpu.memory_space<hbm>> -> memref<10000x128xf32, #tpu.memory_space<hbm>>
      tpu.wait_indirect_dma semaphore(%arg22 : memref<!tpu.dma_semaphore, #tpu.memory_space<semaphore_mem>>) src(%dma_wait3A_695 : memref<10000x128xf32, #tpu.memory_space<hbm>>) dst(%arg15 : memref<80x128xf32, #tpu.memory_space<vmem>>)
      %run_scoped3A_696 = arith.constant 3 : i32
      "tpu.region"() ({
        %run_scoped3A_761 = tpu.sem_alloc : memref<!tpu.dma_semaphore, #tpu.memory_space<semaphore_mem>>
        %dma_start3A_762 = arith.constant 0 : i32
        %dma_start3A_763 = tpu.memref_slice %arg13[%run_scoped3A_696, %dma_start3A_762] : memref<4x80xi32, #tpu.memory_space<vmem>> -> memref<1x80xi32, #tpu.memory_space<vmem>>
        %dma_start3A_764 = tpu.memref_squeeze %dma_start3A_763 : memref<1x80xi32, #tpu.memory_space<vmem>> -> memref<80xi32, #tpu.memory_space<vmem>>
        %dma_start3A_765 = arith.constant 0 : i32
        %dma_start3A_766 = arith.constant 0 : i32
        %dma_start3A_767 = tpu.memref_slice %arg10[%dma_start3A_765, %dma_start3A_766] : memref<10240x128xf32, #tpu.memory_space<vmem_shared>> -> memref<10240x128xf32, #tpu.memory_space<vmem_shared>>
        tpu.enqueue_indirect_dma source(%arg15 : memref<80x128xf32, #tpu.memory_space<vmem>>) target(%dma_start3A_767 : memref<10240x128xf32, #tpu.memory_space<vmem_shared>>) offsets(%dma_start3A_764 : memref<80xi32, #tpu.memory_space<vmem>>) semaphore(%run_scoped3A_761 : memref<!tpu.dma_semaphore, #tpu.memory_space<semaphore_mem>>) {add = true}
        %dma_wait3A_768 = arith.constant 0 : i32
        %dma_wait3A_769 = tpu.memref_slice %arg13[%run_scoped3A_696, %dma_wait3A_768] : memref<4x80xi32, #tpu.memory_space<vmem>> -> memref<1x80xi32, #tpu.memory_space<vmem>>
        %dma_wait3A_770 = tpu.memref_squeeze %dma_wait3A_769 : memref<1x80xi32, #tpu.memory_space<vmem>> -> memref<80xi32, #tpu.memory_space<vmem>>
        %dma_wait3A_771 = arith.constant 0 : i32
        %dma_wait3A_772 = arith.constant 0 : i32
        %dma_wait3A_773 = tpu.memref_slice %arg10[%dma_wait3A_771, %dma_wait3A_772] : memref<10240x128xf32, #tpu.memory_space<vmem_shared>> -> memref<10240x128xf32, #tpu.memory_space<vmem_shared>>
        tpu.wait_indirect_dma semaphore(%run_scoped3A_761 : memref<!tpu.dma_semaphore, #tpu.memory_space<semaphore_mem>>) src(%arg15 : memref<80x128xf32, #tpu.memory_space<vmem>>) dst(%dma_wait3A_773 : memref<10240x128xf32, #tpu.memory_space<vmem_shared>>)
        tpu.yield
      }) : () -> ()
      %run_scoped3A_697 = arith.constant 3 : i32
      "tpu.region"() ({
        %run_scoped3A_761 = tpu.sem_alloc : memref<!tpu.dma_semaphore, #tpu.memory_space<semaphore_mem>>
        %dma_start3A_762 = arith.constant 0 : i32
        %dma_start3A_763 = tpu.memref_slice %arg13[%run_scoped3A_697, %dma_start3A_762] : memref<4x80xi32, #tpu.memory_space<vmem>> -> memref<1x80xi32, #tpu.memory_space<vmem>>
        %dma_start3A_764 = tpu.memref_squeeze %dma_start3A_763 : memref<1x80xi32, #tpu.memory_space<vmem>> -> memref<80xi32, #tpu.memory_space<vmem>>
        %dma_start3A_765 = arith.constant 0 : i32
        %dma_start3A_766 = arith.constant 0 : i32
        %dma_start3A_767 = tpu.memref_slice %arg11[%dma_start3A_765, %dma_start3A_766] : memref<10240x16xf32, #tpu.memory_space<vmem_shared>> -> memref<10240x16xf32, #tpu.memory_space<vmem_shared>>
        tpu.enqueue_indirect_dma source(%arg16 : memref<80x16xf32, #tpu.memory_space<vmem>>) target(%dma_start3A_767 : memref<10240x16xf32, #tpu.memory_space<vmem_shared>>) offsets(%dma_start3A_764 : memref<80xi32, #tpu.memory_space<vmem>>) semaphore(%run_scoped3A_761 : memref<!tpu.dma_semaphore, #tpu.memory_space<semaphore_mem>>) {add = true}
        %dma_wait3A_768 = arith.constant 0 : i32
        %dma_wait3A_769 = tpu.memref_slice %arg13[%run_scoped3A_697, %dma_wait3A_768] : memref<4x80xi32, #tpu.memory_space<vmem>> -> memref<1x80xi32, #tpu.memory_space<vmem>>
        %dma_wait3A_770 = tpu.memref_squeeze %dma_wait3A_769 : memref<1x80xi32, #tpu.memory_space<vmem>> -> memref<80xi32, #tpu.memory_space<vmem>>
        %dma_wait3A_771 = arith.constant 0 : i32
        %dma_wait3A_772 = arith.constant 0 : i32
        %dma_wait3A_773 = tpu.memref_slice %arg11[%dma_wait3A_771, %dma_wait3A_772] : memref<10240x16xf32, #tpu.memory_space<vmem_shared>> -> memref<10240x16xf32, #tpu.memory_space<vmem_shared>>
        tpu.wait_indirect_dma semaphore(%run_scoped3A_761 : memref<!tpu.dma_semaphore, #tpu.memory_space<semaphore_mem>>) src(%arg16 : memref<80x16xf32, #tpu.memory_space<vmem>>) dst(%dma_wait3A_773 : memref<10240x16xf32, #tpu.memory_space<vmem_shared>>)
        tpu.yield
      }) : () -> ()
      %add3A_698 = arith.constant 4 : i32
      %add3A_699 = arith.addi %add3A_688, %add3A_698 : i32
      %dma_start3A_700 = arith.constant 3 : i32
      %dma_start3A_701 = arith.constant 0 : i32
      %dma_start3A_702 = tpu.memref_slice %arg12[%dma_start3A_700, %dma_start3A_701] : memref<4x80xi32, #tpu.memory_space<vmem>> -> memref<1x80xi32, #tpu.memory_space<vmem>>
      %dma_start3A_703 = tpu.memref_squeeze %dma_start3A_702 : memref<1x80xi32, #tpu.memory_space<vmem>> -> memref<80xi32, #tpu.memory_space<vmem>>
      %dma_start3A_704 = arith.constant 0 : i32
      %dma_start3A_705 = tpu.memref_slice %arg3[%add3A, %add3A_699, %dma_start3A_704] : memref<32x125x80xi32, #tpu.memory_space<hbm>> -> memref<1x1x80xi32, #tpu.memory_space<hbm>>
      %dma_start3A_706 = tpu.memref_squeeze %dma_start3A_705 : memref<1x1x80xi32, #tpu.memory_space<hbm>> -> memref<80xi32, #tpu.memory_space<hbm>>
      %dma_start3A_707 = arith.constant 0 : i32
      %dma_start3A_708 = tpu.memref_slice %arg12[%dma_start3A_700, %dma_start3A_707] : memref<4x80xi32, #tpu.memory_space<vmem>> -> memref<1x80xi32, #tpu.memory_space<vmem>>
      %dma_start3A_709 = tpu.memref_squeeze %dma_start3A_708 : memref<1x80xi32, #tpu.memory_space<vmem>> -> memref<80xi32, #tpu.memory_space<vmem>>
      %dma_start3A_710 = arith.constant 0 : i32
      %dma_start3A_711 = tpu.memref_slice %arg3[%add3A, %add3A_699, %dma_start3A_710] : memref<32x125x80xi32, #tpu.memory_space<hbm>> -> memref<1x1x80xi32, #tpu.memory_space<hbm>>
      %dma_start3A_712 = tpu.memref_squeeze %dma_start3A_711 : memref<1x1x80xi32, #tpu.memory_space<hbm>> -> memref<80xi32, #tpu.memory_space<hbm>>
      tpu.enqueue_dma source(%dma_start3A_712 : memref<80xi32, #tpu.memory_space<hbm>>) target(%dma_start3A_709 : memref<80xi32, #tpu.memory_space<vmem>>) target_semaphore(%arg20 : memref<!tpu.dma_semaphore, #tpu.memory_space<semaphore_mem>>)
      %dma_start3A_713 = arith.constant 3 : i32
      %dma_start3A_714 = arith.constant 0 : i32
      %dma_start3A_715 = tpu.memref_slice %arg13[%dma_start3A_713, %dma_start3A_714] : memref<4x80xi32, #tpu.memory_space<vmem>> -> memref<1x80xi32, #tpu.memory_space<vmem>>
      %dma_start3A_716 = tpu.memref_squeeze %dma_start3A_715 : memref<1x80xi32, #tpu.memory_space<vmem>> -> memref<80xi32, #tpu.memory_space<vmem>>
      %dma_start3A_717 = arith.constant 0 : i32
      %dma_start3A_718 = tpu.memref_slice %arg4[%add3A, %add3A_699, %dma_start3A_717] : memref<32x125x80xi32, #tpu.memory_space<hbm>> -> memref<1x1x80xi32, #tpu.memory_space<hbm>>
      %dma_start3A_719 = tpu.memref_squeeze %dma_start3A_718 : memref<1x1x80xi32, #tpu.memory_space<hbm>> -> memref<80xi32, #tpu.memory_space<hbm>>
      %dma_start3A_720 = arith.constant 0 : i32
      %dma_start3A_721 = tpu.memref_slice %arg13[%dma_start3A_713, %dma_start3A_720] : memref<4x80xi32, #tpu.memory_space<vmem>> -> memref<1x80xi32, #tpu.memory_space<vmem>>
      %dma_start3A_722 = tpu.memref_squeeze %dma_start3A_721 : memref<1x80xi32, #tpu.memory_space<vmem>> -> memref<80xi32, #tpu.memory_space<vmem>>
      %dma_start3A_723 = arith.constant 0 : i32
      %dma_start3A_724 = tpu.memref_slice %arg4[%add3A, %add3A_699, %dma_start3A_723] : memref<32x125x80xi32, #tpu.memory_space<hbm>> -> memref<1x1x80xi32, #tpu.memory_space<hbm>>
      %dma_start3A_725 = tpu.memref_squeeze %dma_start3A_724 : memref<1x1x80xi32, #tpu.memory_space<hbm>> -> memref<80xi32, #tpu.memory_space<hbm>>
      tpu.enqueue_dma source(%dma_start3A_725 : memref<80xi32, #tpu.memory_space<hbm>>) target(%dma_start3A_722 : memref<80xi32, #tpu.memory_space<vmem>>) target_semaphore(%arg20 : memref<!tpu.dma_semaphore, #tpu.memory_space<semaphore_mem>>)
      %add3A_726 = arith.constant 2 : i32
      %add3A_727 = arith.addi %add3A_688, %add3A_726 : i32
      %dma_wait3A_728 = arith.constant 1 : i32
      %dma_wait3A_729 = arith.constant 0 : i32
      %dma_wait3A_730 = tpu.memref_slice %arg12[%dma_wait3A_728, %dma_wait3A_729] : memref<4x80xi32, #tpu.memory_space<vmem>> -> memref<1x80xi32, #tpu.memory_space<vmem>>
      %dma_wait3A_731 = tpu.memref_squeeze %dma_wait3A_730 : memref<1x80xi32, #tpu.memory_space<vmem>> -> memref<80xi32, #tpu.memory_space<vmem>>
      %dma_wait3A_732 = arith.constant 0 : i32
      %dma_wait3A_733 = tpu.memref_slice %arg3[%add3A, %add3A_727, %dma_wait3A_732] : memref<32x125x80xi32, #tpu.memory_space<hbm>> -> memref<1x1x80xi32, #tpu.memory_space<hbm>>
      %dma_wait3A_734 = tpu.memref_squeeze %dma_wait3A_733 : memref<1x1x80xi32, #tpu.memory_space<hbm>> -> memref<80xi32, #tpu.memory_space<hbm>>
      %dma_wait3A_735 = arith.constant 0 : i32
      %dma_wait3A_736 = tpu.memref_slice %arg12[%dma_wait3A_728, %dma_wait3A_735] : memref<4x80xi32, #tpu.memory_space<vmem>> -> memref<1x80xi32, #tpu.memory_space<vmem>>
      %dma_wait3A_737 = tpu.memref_squeeze %dma_wait3A_736 : memref<1x80xi32, #tpu.memory_space<vmem>> -> memref<80xi32, #tpu.memory_space<vmem>>
      %dma_wait3A_738 = arith.constant 0 : i32
      %dma_wait3A_739 = tpu.memref_slice %arg3[%add3A, %add3A_727, %dma_wait3A_738] : memref<32x125x80xi32, #tpu.memory_space<hbm>> -> memref<1x1x80xi32, #tpu.memory_space<hbm>>
      %dma_wait3A_740 = tpu.memref_squeeze %dma_wait3A_739 : memref<1x1x80xi32, #tpu.memory_space<hbm>> -> memref<80xi32, #tpu.memory_space<hbm>>
      tpu.wait_dma2 semaphore(%arg18 : memref<!tpu.dma_semaphore, #tpu.memory_space<semaphore_mem>>) src(%dma_wait3A_740 : memref<80xi32, #tpu.memory_space<hbm>>) dst(%dma_wait3A_737 : memref<80xi32, #tpu.memory_space<vmem>>)
      %dma_wait3A_741 = arith.constant 1 : i32
      %dma_wait3A_742 = arith.constant 0 : i32
      %dma_wait3A_743 = tpu.memref_slice %arg13[%dma_wait3A_741, %dma_wait3A_742] : memref<4x80xi32, #tpu.memory_space<vmem>> -> memref<1x80xi32, #tpu.memory_space<vmem>>
      %dma_wait3A_744 = tpu.memref_squeeze %dma_wait3A_743 : memref<1x80xi32, #tpu.memory_space<vmem>> -> memref<80xi32, #tpu.memory_space<vmem>>
      %dma_wait3A_745 = arith.constant 0 : i32
      %dma_wait3A_746 = tpu.memref_slice %arg4[%add3A, %add3A_727, %dma_wait3A_745] : memref<32x125x80xi32, #tpu.memory_space<hbm>> -> memref<1x1x80xi32, #tpu.memory_space<hbm>>
      %dma_wait3A_747 = tpu.memref_squeeze %dma_wait3A_746 : memref<1x1x80xi32, #tpu.memory_space<hbm>> -> memref<80xi32, #tpu.memory_space<hbm>>
      %dma_wait3A_748 = arith.constant 0 : i32
      %dma_wait3A_749 = tpu.memref_slice %arg13[%dma_wait3A_741, %dma_wait3A_748] : memref<4x80xi32, #tpu.memory_space<vmem>> -> memref<1x80xi32, #tpu.memory_space<vmem>>
      %dma_wait3A_750 = tpu.memref_squeeze %dma_wait3A_749 : memref<1x80xi32, #tpu.memory_space<vmem>> -> memref<80xi32, #tpu.memory_space<vmem>>
      %dma_wait3A_751 = arith.constant 0 : i32
      %dma_wait3A_752 = tpu.memref_slice %arg4[%add3A, %add3A_727, %dma_wait3A_751] : memref<32x125x80xi32, #tpu.memory_space<hbm>> -> memref<1x1x80xi32, #tpu.memory_space<hbm>>
      %dma_wait3A_753 = tpu.memref_squeeze %dma_wait3A_752 : memref<1x1x80xi32, #tpu.memory_space<hbm>> -> memref<80xi32, #tpu.memory_space<hbm>>
      tpu.wait_dma2 semaphore(%arg18 : memref<!tpu.dma_semaphore, #tpu.memory_space<semaphore_mem>>) src(%dma_wait3A_753 : memref<80xi32, #tpu.memory_space<hbm>>) dst(%dma_wait3A_750 : memref<80xi32, #tpu.memory_space<vmem>>)
      %dma_start3A_754 = arith.constant 1 : i32
      %dma_start3A_755 = arith.constant 0 : i32
      %dma_start3A_756 = tpu.memref_slice %arg12[%dma_start3A_754, %dma_start3A_755] : memref<4x80xi32, #tpu.memory_space<vmem>> -> memref<1x80xi32, #tpu.memory_space<vmem>>
      %dma_start3A_757 = tpu.memref_squeeze %dma_start3A_756 : memref<1x80xi32, #tpu.memory_space<vmem>> -> memref<80xi32, #tpu.memory_space<vmem>>
      %dma_start3A_758 = arith.constant 0 : i32
      %dma_start3A_759 = arith.constant 0 : i32
      %dma_start3A_760 = tpu.memref_slice %arg2[%dma_start3A_758, %dma_start3A_759] : memref<10000x128xf32, #tpu.memory_space<hbm>> -> memref<10000x128xf32, #tpu.memory_space<hbm>>
      tpu.enqueue_indirect_dma source(%dma_start3A_760 : memref<10000x128xf32, #tpu.memory_space<hbm>>) target(%arg15 : memref<80x128xf32, #tpu.memory_space<vmem>>) offsets(%dma_start3A_757 : memref<80xi32, #tpu.memory_space<vmem>>) semaphore(%arg22 : memref<!tpu.dma_semaphore, #tpu.memory_space<semaphore_mem>>)
    }
    %scan3A_219 = arith.constant 30 : i32
    %dma_wait3A_220 = arith.constant 0 : i32
    %dma_wait3A_221 = arith.constant 0 : i32
    %dma_wait3A_222 = tpu.memref_slice %arg12[%dma_wait3A_220, %dma_wait3A_221] : memref<4x80xi32, #tpu.memory_space<vmem>> -> memref<1x80xi32, #tpu.memory_space<vmem>>
    %dma_wait3A_223 = tpu.memref_squeeze %dma_wait3A_222 : memref<1x80xi32, #tpu.memory_space<vmem>> -> memref<80xi32, #tpu.memory_space<vmem>>
    %dma_wait3A_224 = arith.constant 0 : i32
    %dma_wait3A_225 = arith.constant 0 : i32
    %dma_wait3A_226 = tpu.memref_slice %arg2[%dma_wait3A_224, %dma_wait3A_225] : memref<10000x128xf32, #tpu.memory_space<hbm>> -> memref<10000x128xf32, #tpu.memory_space<hbm>>
    tpu.wait_indirect_dma semaphore(%arg21 : memref<!tpu.dma_semaphore, #tpu.memory_space<semaphore_mem>>) src(%dma_wait3A_226 : memref<10000x128xf32, #tpu.memory_space<hbm>>) dst(%arg14 : memref<80x128xf32, #tpu.memory_space<vmem>>)
    %run_scoped3A = arith.constant 0 : i32
    "tpu.region"() ({
      %run_scoped3A_462 = tpu.sem_alloc : memref<!tpu.dma_semaphore, #tpu.memory_space<semaphore_mem>>
      %dma_start3A_463 = arith.constant 0 : i32
      %dma_start3A_464 = tpu.memref_slice %arg13[%run_scoped3A, %dma_start3A_463] : memref<4x80xi32, #tpu.memory_space<vmem>> -> memref<1x80xi32, #tpu.memory_space<vmem>>
      %dma_start3A_465 = tpu.memref_squeeze %dma_start3A_464 : memref<1x80xi32, #tpu.memory_space<vmem>> -> memref<80xi32, #tpu.memory_space<vmem>>
      %dma_start3A_466 = arith.constant 0 : i32
      %dma_start3A_467 = arith.constant 0 : i32
      %dma_start3A_468 = tpu.memref_slice %arg10[%dma_start3A_466, %dma_start3A_467] : memref<10240x128xf32, #tpu.memory_space<vmem_shared>> -> memref<10240x128xf32, #tpu.memory_space<vmem_shared>>
      tpu.enqueue_indirect_dma source(%arg14 : memref<80x128xf32, #tpu.memory_space<vmem>>) target(%dma_start3A_468 : memref<10240x128xf32, #tpu.memory_space<vmem_shared>>) offsets(%dma_start3A_465 : memref<80xi32, #tpu.memory_space<vmem>>) semaphore(%run_scoped3A_462 : memref<!tpu.dma_semaphore, #tpu.memory_space<semaphore_mem>>) {add = true}
      %dma_wait3A_469 = arith.constant 0 : i32
      %dma_wait3A_470 = tpu.memref_slice %arg13[%run_scoped3A, %dma_wait3A_469] : memref<4x80xi32, #tpu.memory_space<vmem>> -> memref<1x80xi32, #tpu.memory_space<vmem>>
      %dma_wait3A_471 = tpu.memref_squeeze %dma_wait3A_470 : memref<1x80xi32, #tpu.memory_space<vmem>> -> memref<80xi32, #tpu.memory_space<vmem>>
      %dma_wait3A_472 = arith.constant 0 : i32
      %dma_wait3A_473 = arith.constant 0 : i32
      %dma_wait3A_474 = tpu.memref_slice %arg10[%dma_wait3A_472, %dma_wait3A_473] : memref<10240x128xf32, #tpu.memory_space<vmem_shared>> -> memref<10240x128xf32, #tpu.memory_space<vmem_shared>>
      tpu.wait_indirect_dma semaphore(%run_scoped3A_462 : memref<!tpu.dma_semaphore, #tpu.memory_space<semaphore_mem>>) src(%arg14 : memref<80x128xf32, #tpu.memory_space<vmem>>) dst(%dma_wait3A_474 : memref<10240x128xf32, #tpu.memory_space<vmem_shared>>)
      tpu.yield
    }) : () -> ()
    %run_scoped3A_227 = arith.constant 0 : i32
    "tpu.region"() ({
      %run_scoped3A_462 = tpu.sem_alloc : memref<!tpu.dma_semaphore, #tpu.memory_space<semaphore_mem>>
      %dma_start3A_463 = arith.constant 0 : i32
      %dma_start3A_464 = tpu.memref_slice %arg13[%run_scoped3A_227, %dma_start3A_463] : memref<4x80xi32, #tpu.memory_space<vmem>> -> memref<1x80xi32, #tpu.memory_space<vmem>>
      %dma_start3A_465 = tpu.memref_squeeze %dma_start3A_464 : memref<1x80xi32, #tpu.memory_space<vmem>> -> memref<80xi32, #tpu.memory_space<vmem>>
      %dma_start3A_466 = arith.constant 0 : i32
      %dma_start3A_467 = arith.constant 0 : i32
      %dma_start3A_468 = tpu.memref_slice %arg11[%dma_start3A_466, %dma_start3A_467] : memref<10240x16xf32, #tpu.memory_space<vmem_shared>> -> memref<10240x16xf32, #tpu.memory_space<vmem_shared>>
      tpu.enqueue_indirect_dma source(%arg16 : memref<80x16xf32, #tpu.memory_space<vmem>>) target(%dma_start3A_468 : memref<10240x16xf32, #tpu.memory_space<vmem_shared>>) offsets(%dma_start3A_465 : memref<80xi32, #tpu.memory_space<vmem>>) semaphore(%run_scoped3A_462 : memref<!tpu.dma_semaphore, #tpu.memory_space<semaphore_mem>>) {add = true}
      %dma_wait3A_469 = arith.constant 0 : i32
      %dma_wait3A_470 = tpu.memref_slice %arg13[%run_scoped3A_227, %dma_wait3A_469] : memref<4x80xi32, #tpu.memory_space<vmem>> -> memref<1x80xi32, #tpu.memory_space<vmem>>
      %dma_wait3A_471 = tpu.memref_squeeze %dma_wait3A_470 : memref<1x80xi32, #tpu.memory_space<vmem>> -> memref<80xi32, #tpu.memory_space<vmem>>
      %dma_wait3A_472 = arith.constant 0 : i32
      %dma_wait3A_473 = arith.constant 0 : i32
      %dma_wait3A_474 = tpu.memref_slice %arg11[%dma_wait3A_472, %dma_wait3A_473] : memref<10240x16xf32, #tpu.memory_space<vmem_shared>> -> memref<10240x16xf32, #tpu.memory_space<vmem_shared>>
      tpu.wait_indirect_dma semaphore(%run_scoped3A_462 : memref<!tpu.dma_semaphore, #tpu.memory_space<semaphore_mem>>) src(%arg16 : memref<80x16xf32, #tpu.memory_space<vmem>>) dst(%dma_wait3A_474 : memref<10240x16xf32, #tpu.memory_space<vmem_shared>>)
      tpu.yield
    }) : () -> ()
    %dma_start3A_228 = arith.constant 124 : i32
    %dma_start3A_229 = arith.constant 0 : i32
    %dma_start3A_230 = arith.constant 0 : i32
    %dma_start3A_231 = tpu.memref_slice %arg12[%dma_start3A_229, %dma_start3A_230] : memref<4x80xi32, #tpu.memory_space<vmem>> -> memref<1x80xi32, #tpu.memory_space<vmem>>
    %dma_start3A_232 = tpu.memref_squeeze %dma_start3A_231 : memref<1x80xi32, #tpu.memory_space<vmem>> -> memref<80xi32, #tpu.memory_space<vmem>>
    %dma_start3A_233 = arith.constant 0 : i32
    %dma_start3A_234 = tpu.memref_slice %arg3[%add3A, %dma_start3A_228, %dma_start3A_233] : memref<32x125x80xi32, #tpu.memory_space<hbm>> -> memref<1x1x80xi32, #tpu.memory_space<hbm>>
    %dma_start3A_235 = tpu.memref_squeeze %dma_start3A_234 : memref<1x1x80xi32, #tpu.memory_space<hbm>> -> memref<80xi32, #tpu.memory_space<hbm>>
    %dma_start3A_236 = arith.constant 0 : i32
    %dma_start3A_237 = tpu.memref_slice %arg12[%dma_start3A_229, %dma_start3A_236] : memref<4x80xi32, #tpu.memory_space<vmem>> -> memref<1x80xi32, #tpu.memory_space<vmem>>
    %dma_start3A_238 = tpu.memref_squeeze %dma_start3A_237 : memref<1x80xi32, #tpu.memory_space<vmem>> -> memref<80xi32, #tpu.memory_space<vmem>>
    %dma_start3A_239 = arith.constant 0 : i32
    %dma_start3A_240 = tpu.memref_slice %arg3[%add3A, %dma_start3A_228, %dma_start3A_239] : memref<32x125x80xi32, #tpu.memory_space<hbm>> -> memref<1x1x80xi32, #tpu.memory_space<hbm>>
    %dma_start3A_241 = tpu.memref_squeeze %dma_start3A_240 : memref<1x1x80xi32, #tpu.memory_space<hbm>> -> memref<80xi32, #tpu.memory_space<hbm>>
    tpu.enqueue_dma source(%dma_start3A_241 : memref<80xi32, #tpu.memory_space<hbm>>) target(%dma_start3A_238 : memref<80xi32, #tpu.memory_space<vmem>>) target_semaphore(%arg17 : memref<!tpu.dma_semaphore, #tpu.memory_space<semaphore_mem>>)
    %dma_start3A_242 = arith.constant 124 : i32
    %dma_start3A_243 = arith.constant 0 : i32
    %dma_start3A_244 = arith.constant 0 : i32
    %dma_start3A_245 = tpu.memref_slice %arg13[%dma_start3A_243, %dma_start3A_244] : memref<4x80xi32, #tpu.memory_space<vmem>> -> memref<1x80xi32, #tpu.memory_space<vmem>>
    %dma_start3A_246 = tpu.memref_squeeze %dma_start3A_245 : memref<1x80xi32, #tpu.memory_space<vmem>> -> memref<80xi32, #tpu.memory_space<vmem>>
    %dma_start3A_247 = arith.constant 0 : i32
    %dma_start3A_248 = tpu.memref_slice %arg4[%add3A, %dma_start3A_242, %dma_start3A_247] : memref<32x125x80xi32, #tpu.memory_space<hbm>> -> memref<1x1x80xi32, #tpu.memory_space<hbm>>
    %dma_start3A_249 = tpu.memref_squeeze %dma_start3A_248 : memref<1x1x80xi32, #tpu.memory_space<hbm>> -> memref<80xi32, #tpu.memory_space<hbm>>
    %dma_start3A_250 = arith.constant 0 : i32
    %dma_start3A_251 = tpu.memref_slice %arg13[%dma_start3A_243, %dma_start3A_250] : memref<4x80xi32, #tpu.memory_space<vmem>> -> memref<1x80xi32, #tpu.memory_space<vmem>>
    %dma_start3A_252 = tpu.memref_squeeze %dma_start3A_251 : memref<1x80xi32, #tpu.memory_space<vmem>> -> memref<80xi32, #tpu.memory_space<vmem>>
    %dma_start3A_253 = arith.constant 0 : i32
    %dma_start3A_254 = tpu.memref_slice %arg4[%add3A, %dma_start3A_242, %dma_start3A_253] : memref<32x125x80xi32, #tpu.memory_space<hbm>> -> memref<1x1x80xi32, #tpu.memory_space<hbm>>
    %dma_start3A_255 = tpu.memref_squeeze %dma_start3A_254 : memref<1x1x80xi32, #tpu.memory_space<hbm>> -> memref<80xi32, #tpu.memory_space<hbm>>
    tpu.enqueue_dma source(%dma_start3A_255 : memref<80xi32, #tpu.memory_space<hbm>>) target(%dma_start3A_252 : memref<80xi32, #tpu.memory_space<vmem>>) target_semaphore(%arg17 : memref<!tpu.dma_semaphore, #tpu.memory_space<semaphore_mem>>)
    %dma_wait3A_256 = arith.constant 122 : i32
    %dma_wait3A_257 = arith.constant 2 : i32
    %dma_wait3A_258 = arith.constant 0 : i32
    %dma_wait3A_259 = tpu.memref_slice %arg12[%dma_wait3A_257, %dma_wait3A_258] : memref<4x80xi32, #tpu.memory_space<vmem>> -> memref<1x80xi32, #tpu.memory_space<vmem>>
    %dma_wait3A_260 = tpu.memref_squeeze %dma_wait3A_259 : memref<1x80xi32, #tpu.memory_space<vmem>> -> memref<80xi32, #tpu.memory_space<vmem>>
    %dma_wait3A_261 = arith.constant 0 : i32
    %dma_wait3A_262 = tpu.memref_slice %arg3[%add3A, %dma_wait3A_256, %dma_wait3A_261] : memref<32x125x80xi32, #tpu.memory_space<hbm>> -> memref<1x1x80xi32, #tpu.memory_space<hbm>>
    %dma_wait3A_263 = tpu.memref_squeeze %dma_wait3A_262 : memref<1x1x80xi32, #tpu.memory_space<hbm>> -> memref<80xi32, #tpu.memory_space<hbm>>
    %dma_wait3A_264 = arith.constant 0 : i32
    %dma_wait3A_265 = tpu.memref_slice %arg12[%dma_wait3A_257, %dma_wait3A_264] : memref<4x80xi32, #tpu.memory_space<vmem>> -> memref<1x80xi32, #tpu.memory_space<vmem>>
    %dma_wait3A_266 = tpu.memref_squeeze %dma_wait3A_265 : memref<1x80xi32, #tpu.memory_space<vmem>> -> memref<80xi32, #tpu.memory_space<vmem>>
    %dma_wait3A_267 = arith.constant 0 : i32
    %dma_wait3A_268 = tpu.memref_slice %arg3[%add3A, %dma_wait3A_256, %dma_wait3A_267] : memref<32x125x80xi32, #tpu.memory_space<hbm>> -> memref<1x1x80xi32, #tpu.memory_space<hbm>>
    %dma_wait3A_269 = tpu.memref_squeeze %dma_wait3A_268 : memref<1x1x80xi32, #tpu.memory_space<hbm>> -> memref<80xi32, #tpu.memory_space<hbm>>
    tpu.wait_dma2 semaphore(%arg19 : memref<!tpu.dma_semaphore, #tpu.memory_space<semaphore_mem>>) src(%dma_wait3A_269 : memref<80xi32, #tpu.memory_space<hbm>>) dst(%dma_wait3A_266 : memref<80xi32, #tpu.memory_space<vmem>>)
    %dma_wait3A_270 = arith.constant 122 : i32
    %dma_wait3A_271 = arith.constant 2 : i32
    %dma_wait3A_272 = arith.constant 0 : i32
    %dma_wait3A_273 = tpu.memref_slice %arg13[%dma_wait3A_271, %dma_wait3A_272] : memref<4x80xi32, #tpu.memory_space<vmem>> -> memref<1x80xi32, #tpu.memory_space<vmem>>
    %dma_wait3A_274 = tpu.memref_squeeze %dma_wait3A_273 : memref<1x80xi32, #tpu.memory_space<vmem>> -> memref<80xi32, #tpu.memory_space<vmem>>
    %dma_wait3A_275 = arith.constant 0 : i32
    %dma_wait3A_276 = tpu.memref_slice %arg4[%add3A, %dma_wait3A_270, %dma_wait3A_275] : memref<32x125x80xi32, #tpu.memory_space<hbm>> -> memref<1x1x80xi32, #tpu.memory_space<hbm>>
    %dma_wait3A_277 = tpu.memref_squeeze %dma_wait3A_276 : memref<1x1x80xi32, #tpu.memory_space<hbm>> -> memref<80xi32, #tpu.memory_space<hbm>>
    %dma_wait3A_278 = arith.constant 0 : i32
    %dma_wait3A_279 = tpu.memref_slice %arg13[%dma_wait3A_271, %dma_wait3A_278] : memref<4x80xi32, #tpu.memory_space<vmem>> -> memref<1x80xi32, #tpu.memory_space<vmem>>
    %dma_wait3A_280 = tpu.memref_squeeze %dma_wait3A_279 : memref<1x80xi32, #tpu.memory_space<vmem>> -> memref<80xi32, #tpu.memory_space<vmem>>
    %dma_wait3A_281 = arith.constant 0 : i32
    %dma_wait3A_282 = tpu.memref_slice %arg4[%add3A, %dma_wait3A_270, %dma_wait3A_281] : memref<32x125x80xi32, #tpu.memory_space<hbm>> -> memref<1x1x80xi32, #tpu.memory_space<hbm>>
    %dma_wait3A_283 = tpu.memref_squeeze %dma_wait3A_282 : memref<1x1x80xi32, #tpu.memory_space<hbm>> -> memref<80xi32, #tpu.memory_space<hbm>>
    tpu.wait_dma2 semaphore(%arg19 : memref<!tpu.dma_semaphore, #tpu.memory_space<semaphore_mem>>) src(%dma_wait3A_283 : memref<80xi32, #tpu.memory_space<hbm>>) dst(%dma_wait3A_280 : memref<80xi32, #tpu.memory_space<vmem>>)
    %dma_start3A_284 = arith.constant 2 : i32
    %dma_start3A_285 = arith.constant 0 : i32
    %dma_start3A_286 = tpu.memref_slice %arg12[%dma_start3A_284, %dma_start3A_285] : memref<4x80xi32, #tpu.memory_space<vmem>> -> memref<1x80xi32, #tpu.memory_space<vmem>>
    %dma_start3A_287 = tpu.memref_squeeze %dma_start3A_286 : memref<1x80xi32, #tpu.memory_space<vmem>> -> memref<80xi32, #tpu.memory_space<vmem>>
    %dma_start3A_288 = arith.constant 0 : i32
    %dma_start3A_289 = arith.constant 0 : i32
    %dma_start3A_290 = tpu.memref_slice %arg2[%dma_start3A_288, %dma_start3A_289] : memref<10000x128xf32, #tpu.memory_space<hbm>> -> memref<10000x128xf32, #tpu.memory_space<hbm>>
    tpu.enqueue_indirect_dma source(%dma_start3A_290 : memref<10000x128xf32, #tpu.memory_space<hbm>>) target(%arg14 : memref<80x128xf32, #tpu.memory_space<vmem>>) offsets(%dma_start3A_287 : memref<80xi32, #tpu.memory_space<vmem>>) semaphore(%arg21 : memref<!tpu.dma_semaphore, #tpu.memory_space<semaphore_mem>>)
    %dma_wait3A_291 = arith.constant 1 : i32
    %dma_wait3A_292 = arith.constant 0 : i32
    %dma_wait3A_293 = tpu.memref_slice %arg12[%dma_wait3A_291, %dma_wait3A_292] : memref<4x80xi32, #tpu.memory_space<vmem>> -> memref<1x80xi32, #tpu.memory_space<vmem>>
    %dma_wait3A_294 = tpu.memref_squeeze %dma_wait3A_293 : memref<1x80xi32, #tpu.memory_space<vmem>> -> memref<80xi32, #tpu.memory_space<vmem>>
    %dma_wait3A_295 = arith.constant 0 : i32
    %dma_wait3A_296 = arith.constant 0 : i32
    %dma_wait3A_297 = tpu.memref_slice %arg2[%dma_wait3A_295, %dma_wait3A_296] : memref<10000x128xf32, #tpu.memory_space<hbm>> -> memref<10000x128xf32, #tpu.memory_space<hbm>>
    tpu.wait_indirect_dma semaphore(%arg22 : memref<!tpu.dma_semaphore, #tpu.memory_space<semaphore_mem>>) src(%dma_wait3A_297 : memref<10000x128xf32, #tpu.memory_space<hbm>>) dst(%arg15 : memref<80x128xf32, #tpu.memory_space<vmem>>)
    %run_scoped3A_298 = arith.constant 1 : i32
    "tpu.region"() ({
      %run_scoped3A_462 = tpu.sem_alloc : memref<!tpu.dma_semaphore, #tpu.memory_space<semaphore_mem>>
      %dma_start3A_463 = arith.constant 0 : i32
      %dma_start3A_464 = tpu.memref_slice %arg13[%run_scoped3A_298, %dma_start3A_463] : memref<4x80xi32, #tpu.memory_space<vmem>> -> memref<1x80xi32, #tpu.memory_space<vmem>>
      %dma_start3A_465 = tpu.memref_squeeze %dma_start3A_464 : memref<1x80xi32, #tpu.memory_space<vmem>> -> memref<80xi32, #tpu.memory_space<vmem>>
      %dma_start3A_466 = arith.constant 0 : i32
      %dma_start3A_467 = arith.constant 0 : i32
      %dma_start3A_468 = tpu.memref_slice %arg10[%dma_start3A_466, %dma_start3A_467] : memref<10240x128xf32, #tpu.memory_space<vmem_shared>> -> memref<10240x128xf32, #tpu.memory_space<vmem_shared>>
      tpu.enqueue_indirect_dma source(%arg15 : memref<80x128xf32, #tpu.memory_space<vmem>>) target(%dma_start3A_468 : memref<10240x128xf32, #tpu.memory_space<vmem_shared>>) offsets(%dma_start3A_465 : memref<80xi32, #tpu.memory_space<vmem>>) semaphore(%run_scoped3A_462 : memref<!tpu.dma_semaphore, #tpu.memory_space<semaphore_mem>>) {add = true}
      %dma_wait3A_469 = arith.constant 0 : i32
      %dma_wait3A_470 = tpu.memref_slice %arg13[%run_scoped3A_298, %dma_wait3A_469] : memref<4x80xi32, #tpu.memory_space<vmem>> -> memref<1x80xi32, #tpu.memory_space<vmem>>
      %dma_wait3A_471 = tpu.memref_squeeze %dma_wait3A_470 : memref<1x80xi32, #tpu.memory_space<vmem>> -> memref<80xi32, #tpu.memory_space<vmem>>
      %dma_wait3A_472 = arith.constant 0 : i32
      %dma_wait3A_473 = arith.constant 0 : i32
      %dma_wait3A_474 = tpu.memref_slice %arg10[%dma_wait3A_472, %dma_wait3A_473] : memref<10240x128xf32, #tpu.memory_space<vmem_shared>> -> memref<10240x128xf32, #tpu.memory_space<vmem_shared>>
      tpu.wait_indirect_dma semaphore(%run_scoped3A_462 : memref<!tpu.dma_semaphore, #tpu.memory_space<semaphore_mem>>) src(%arg15 : memref<80x128xf32, #tpu.memory_space<vmem>>) dst(%dma_wait3A_474 : memref<10240x128xf32, #tpu.memory_space<vmem_shared>>)
      tpu.yield
    }) : () -> ()
    %run_scoped3A_299 = arith.constant 1 : i32
    "tpu.region"() ({
      %run_scoped3A_462 = tpu.sem_alloc : memref<!tpu.dma_semaphore, #tpu.memory_space<semaphore_mem>>
      %dma_start3A_463 = arith.constant 0 : i32
      %dma_start3A_464 = tpu.memref_slice %arg13[%run_scoped3A_299, %dma_start3A_463] : memref<4x80xi32, #tpu.memory_space<vmem>> -> memref<1x80xi32, #tpu.memory_space<vmem>>
      %dma_start3A_465 = tpu.memref_squeeze %dma_start3A_464 : memref<1x80xi32, #tpu.memory_space<vmem>> -> memref<80xi32, #tpu.memory_space<vmem>>
      %dma_start3A_466 = arith.constant 0 : i32
      %dma_start3A_467 = arith.constant 0 : i32
      %dma_start3A_468 = tpu.memref_slice %arg11[%dma_start3A_466, %dma_start3A_467] : memref<10240x16xf32, #tpu.memory_space<vmem_shared>> -> memref<10240x16xf32, #tpu.memory_space<vmem_shared>>
      tpu.enqueue_indirect_dma source(%arg16 : memref<80x16xf32, #tpu.memory_space<vmem>>) target(%dma_start3A_468 : memref<10240x16xf32, #tpu.memory_space<vmem_shared>>) offsets(%dma_start3A_465 : memref<80xi32, #tpu.memory_space<vmem>>) semaphore(%run_scoped3A_462 : memref<!tpu.dma_semaphore, #tpu.memory_space<semaphore_mem>>) {add = true}
      %dma_wait3A_469 = arith.constant 0 : i32
      %dma_wait3A_470 = tpu.memref_slice %arg13[%run_scoped3A_299, %dma_wait3A_469] : memref<4x80xi32, #tpu.memory_space<vmem>> -> memref<1x80xi32, #tpu.memory_space<vmem>>
      %dma_wait3A_471 = tpu.memref_squeeze %dma_wait3A_470 : memref<1x80xi32, #tpu.memory_space<vmem>> -> memref<80xi32, #tpu.memory_space<vmem>>
      %dma_wait3A_472 = arith.constant 0 : i32
      %dma_wait3A_473 = arith.constant 0 : i32
      %dma_wait3A_474 = tpu.memref_slice %arg11[%dma_wait3A_472, %dma_wait3A_473] : memref<10240x16xf32, #tpu.memory_space<vmem_shared>> -> memref<10240x16xf32, #tpu.memory_space<vmem_shared>>
      tpu.wait_indirect_dma semaphore(%run_scoped3A_462 : memref<!tpu.dma_semaphore, #tpu.memory_space<semaphore_mem>>) src(%arg16 : memref<80x16xf32, #tpu.memory_space<vmem>>) dst(%dma_wait3A_474 : memref<10240x16xf32, #tpu.memory_space<vmem_shared>>)
      tpu.yield
    }) : () -> ()
    %dma_wait3A_300 = arith.constant 123 : i32
    %dma_wait3A_301 = arith.constant 3 : i32
    %dma_wait3A_302 = arith.constant 0 : i32
    %dma_wait3A_303 = tpu.memref_slice %arg12[%dma_wait3A_301, %dma_wait3A_302] : memref<4x80xi32, #tpu.memory_space<vmem>> -> memref<1x80xi32, #tpu.memory_space<vmem>>
    %dma_wait3A_304 = tpu.memref_squeeze %dma_wait3A_303 : memref<1x80xi32, #tpu.memory_space<vmem>> -> memref<80xi32, #tpu.memory_space<vmem>>
    %dma_wait3A_305 = arith.constant 0 : i32
    %dma_wait3A_306 = tpu.memref_slice %arg3[%add3A, %dma_wait3A_300, %dma_wait3A_305] : memref<32x125x80xi32, #tpu.memory_space<hbm>> -> memref<1x1x80xi32, #tpu.memory_space<hbm>>
    %dma_wait3A_307 = tpu.memref_squeeze %dma_wait3A_306 : memref<1x1x80xi32, #tpu.memory_space<hbm>> -> memref<80xi32, #tpu.memory_space<hbm>>
    %dma_wait3A_308 = arith.constant 0 : i32
    %dma_wait3A_309 = tpu.memref_slice %arg12[%dma_wait3A_301, %dma_wait3A_308] : memref<4x80xi32, #tpu.memory_space<vmem>> -> memref<1x80xi32, #tpu.memory_space<vmem>>
    %dma_wait3A_310 = tpu.memref_squeeze %dma_wait3A_309 : memref<1x80xi32, #tpu.memory_space<vmem>> -> memref<80xi32, #tpu.memory_space<vmem>>
    %dma_wait3A_311 = arith.constant 0 : i32
    %dma_wait3A_312 = tpu.memref_slice %arg3[%add3A, %dma_wait3A_300, %dma_wait3A_311] : memref<32x125x80xi32, #tpu.memory_space<hbm>> -> memref<1x1x80xi32, #tpu.memory_space<hbm>>
    %dma_wait3A_313 = tpu.memref_squeeze %dma_wait3A_312 : memref<1x1x80xi32, #tpu.memory_space<hbm>> -> memref<80xi32, #tpu.memory_space<hbm>>
    tpu.wait_dma2 semaphore(%arg20 : memref<!tpu.dma_semaphore, #tpu.memory_space<semaphore_mem>>) src(%dma_wait3A_313 : memref<80xi32, #tpu.memory_space<hbm>>) dst(%dma_wait3A_310 : memref<80xi32, #tpu.memory_space<vmem>>)
    %dma_wait3A_314 = arith.constant 123 : i32
    %dma_wait3A_315 = arith.constant 3 : i32
    %dma_wait3A_316 = arith.constant 0 : i32
    %dma_wait3A_317 = tpu.memref_slice %arg13[%dma_wait3A_315, %dma_wait3A_316] : memref<4x80xi32, #tpu.memory_space<vmem>> -> memref<1x80xi32, #tpu.memory_space<vmem>>
    %dma_wait3A_318 = tpu.memref_squeeze %dma_wait3A_317 : memref<1x80xi32, #tpu.memory_space<vmem>> -> memref<80xi32, #tpu.memory_space<vmem>>
    %dma_wait3A_319 = arith.constant 0 : i32
    %dma_wait3A_320 = tpu.memref_slice %arg4[%add3A, %dma_wait3A_314, %dma_wait3A_319] : memref<32x125x80xi32, #tpu.memory_space<hbm>> -> memref<1x1x80xi32, #tpu.memory_space<hbm>>
    %dma_wait3A_321 = tpu.memref_squeeze %dma_wait3A_320 : memref<1x1x80xi32, #tpu.memory_space<hbm>> -> memref<80xi32, #tpu.memory_space<hbm>>
    %dma_wait3A_322 = arith.constant 0 : i32
    %dma_wait3A_323 = tpu.memref_slice %arg13[%dma_wait3A_315, %dma_wait3A_322] : memref<4x80xi32, #tpu.memory_space<vmem>> -> memref<1x80xi32, #tpu.memory_space<vmem>>
    %dma_wait3A_324 = tpu.memref_squeeze %dma_wait3A_323 : memref<1x80xi32, #tpu.memory_space<vmem>> -> memref<80xi32, #tpu.memory_space<vmem>>
    %dma_wait3A_325 = arith.constant 0 : i32
    %dma_wait3A_326 = tpu.memref_slice %arg4[%add3A, %dma_wait3A_314, %dma_wait3A_325] : memref<32x125x80xi32, #tpu.memory_space<hbm>> -> memref<1x1x80xi32, #tpu.memory_space<hbm>>
    %dma_wait3A_327 = tpu.memref_squeeze %dma_wait3A_326 : memref<1x1x80xi32, #tpu.memory_space<hbm>> -> memref<80xi32, #tpu.memory_space<hbm>>
    tpu.wait_dma2 semaphore(%arg20 : memref<!tpu.dma_semaphore, #tpu.memory_space<semaphore_mem>>) src(%dma_wait3A_327 : memref<80xi32, #tpu.memory_space<hbm>>) dst(%dma_wait3A_324 : memref<80xi32, #tpu.memory_space<vmem>>)
    %dma_start3A_328 = arith.constant 3 : i32
    %dma_start3A_329 = arith.constant 0 : i32
    %dma_start3A_330 = tpu.memref_slice %arg12[%dma_start3A_328, %dma_start3A_329] : memref<4x80xi32, #tpu.memory_space<vmem>> -> memref<1x80xi32, #tpu.memory_space<vmem>>
    %dma_start3A_331 = tpu.memref_squeeze %dma_start3A_330 : memref<1x80xi32, #tpu.memory_space<vmem>> -> memref<80xi32, #tpu.memory_space<vmem>>
    %dma_start3A_332 = arith.constant 0 : i32
    %dma_start3A_333 = arith.constant 0 : i32
    %dma_start3A_334 = tpu.memref_slice %arg2[%dma_start3A_332, %dma_start3A_333] : memref<10000x128xf32, #tpu.memory_space<hbm>> -> memref<10000x128xf32, #tpu.memory_space<hbm>>
    tpu.enqueue_indirect_dma source(%dma_start3A_334 : memref<10000x128xf32, #tpu.memory_space<hbm>>) target(%arg15 : memref<80x128xf32, #tpu.memory_space<vmem>>) offsets(%dma_start3A_331 : memref<80xi32, #tpu.memory_space<vmem>>) semaphore(%arg22 : memref<!tpu.dma_semaphore, #tpu.memory_space<semaphore_mem>>)
    %dma_wait3A_335 = arith.constant 2 : i32
    %dma_wait3A_336 = arith.constant 0 : i32
    %dma_wait3A_337 = tpu.memref_slice %arg12[%dma_wait3A_335, %dma_wait3A_336] : memref<4x80xi32, #tpu.memory_space<vmem>> -> memref<1x80xi32, #tpu.memory_space<vmem>>
    %dma_wait3A_338 = tpu.memref_squeeze %dma_wait3A_337 : memref<1x80xi32, #tpu.memory_space<vmem>> -> memref<80xi32, #tpu.memory_space<vmem>>
    %dma_wait3A_339 = arith.constant 0 : i32
    %dma_wait3A_340 = arith.constant 0 : i32
    %dma_wait3A_341 = tpu.memref_slice %arg2[%dma_wait3A_339, %dma_wait3A_340] : memref<10000x128xf32, #tpu.memory_space<hbm>> -> memref<10000x128xf32, #tpu.memory_space<hbm>>
    tpu.wait_indirect_dma semaphore(%arg21 : memref<!tpu.dma_semaphore, #tpu.memory_space<semaphore_mem>>) src(%dma_wait3A_341 : memref<10000x128xf32, #tpu.memory_space<hbm>>) dst(%arg14 : memref<80x128xf32, #tpu.memory_space<vmem>>)
    %run_scoped3A_342 = arith.constant 2 : i32
    "tpu.region"() ({
      %run_scoped3A_462 = tpu.sem_alloc : memref<!tpu.dma_semaphore, #tpu.memory_space<semaphore_mem>>
      %dma_start3A_463 = arith.constant 0 : i32
      %dma_start3A_464 = tpu.memref_slice %arg13[%run_scoped3A_342, %dma_start3A_463] : memref<4x80xi32, #tpu.memory_space<vmem>> -> memref<1x80xi32, #tpu.memory_space<vmem>>
      %dma_start3A_465 = tpu.memref_squeeze %dma_start3A_464 : memref<1x80xi32, #tpu.memory_space<vmem>> -> memref<80xi32, #tpu.memory_space<vmem>>
      %dma_start3A_466 = arith.constant 0 : i32
      %dma_start3A_467 = arith.constant 0 : i32
      %dma_start3A_468 = tpu.memref_slice %arg10[%dma_start3A_466, %dma_start3A_467] : memref<10240x128xf32, #tpu.memory_space<vmem_shared>> -> memref<10240x128xf32, #tpu.memory_space<vmem_shared>>
      tpu.enqueue_indirect_dma source(%arg14 : memref<80x128xf32, #tpu.memory_space<vmem>>) target(%dma_start3A_468 : memref<10240x128xf32, #tpu.memory_space<vmem_shared>>) offsets(%dma_start3A_465 : memref<80xi32, #tpu.memory_space<vmem>>) semaphore(%run_scoped3A_462 : memref<!tpu.dma_semaphore, #tpu.memory_space<semaphore_mem>>) {add = true}
      %dma_wait3A_469 = arith.constant 0 : i32
      %dma_wait3A_470 = tpu.memref_slice %arg13[%run_scoped3A_342, %dma_wait3A_469] : memref<4x80xi32, #tpu.memory_space<vmem>> -> memref<1x80xi32, #tpu.memory_space<vmem>>
      %dma_wait3A_471 = tpu.memref_squeeze %dma_wait3A_470 : memref<1x80xi32, #tpu.memory_space<vmem>> -> memref<80xi32, #tpu.memory_space<vmem>>
      %dma_wait3A_472 = arith.constant 0 : i32
      %dma_wait3A_473 = arith.constant 0 : i32
      %dma_wait3A_474 = tpu.memref_slice %arg10[%dma_wait3A_472, %dma_wait3A_473] : memref<10240x128xf32, #tpu.memory_space<vmem_shared>> -> memref<10240x128xf32, #tpu.memory_space<vmem_shared>>
      tpu.wait_indirect_dma semaphore(%run_scoped3A_462 : memref<!tpu.dma_semaphore, #tpu.memory_space<semaphore_mem>>) src(%arg14 : memref<80x128xf32, #tpu.memory_space<vmem>>) dst(%dma_wait3A_474 : memref<10240x128xf32, #tpu.memory_space<vmem_shared>>)
      tpu.yield
    }) : () -> ()
    %run_scoped3A_343 = arith.constant 2 : i32
    "tpu.region"() ({
      %run_scoped3A_462 = tpu.sem_alloc : memref<!tpu.dma_semaphore, #tpu.memory_space<semaphore_mem>>
      %dma_start3A_463 = arith.constant 0 : i32
      %dma_start3A_464 = tpu.memref_slice %arg13[%run_scoped3A_343, %dma_start3A_463] : memref<4x80xi32, #tpu.memory_space<vmem>> -> memref<1x80xi32, #tpu.memory_space<vmem>>
      %dma_start3A_465 = tpu.memref_squeeze %dma_start3A_464 : memref<1x80xi32, #tpu.memory_space<vmem>> -> memref<80xi32, #tpu.memory_space<vmem>>
      %dma_start3A_466 = arith.constant 0 : i32
      %dma_start3A_467 = arith.constant 0 : i32
      %dma_start3A_468 = tpu.memref_slice %arg11[%dma_start3A_466, %dma_start3A_467] : memref<10240x16xf32, #tpu.memory_space<vmem_shared>> -> memref<10240x16xf32, #tpu.memory_space<vmem_shared>>
      tpu.enqueue_indirect_dma source(%arg16 : memref<80x16xf32, #tpu.memory_space<vmem>>) target(%dma_start3A_468 : memref<10240x16xf32, #tpu.memory_space<vmem_shared>>) offsets(%dma_start3A_465 : memref<80xi32, #tpu.memory_space<vmem>>) semaphore(%run_scoped3A_462 : memref<!tpu.dma_semaphore, #tpu.memory_space<semaphore_mem>>) {add = true}
      %dma_wait3A_469 = arith.constant 0 : i32
      %dma_wait3A_470 = tpu.memref_slice %arg13[%run_scoped3A_343, %dma_wait3A_469] : memref<4x80xi32, #tpu.memory_space<vmem>> -> memref<1x80xi32, #tpu.memory_space<vmem>>
      %dma_wait3A_471 = tpu.memref_squeeze %dma_wait3A_470 : memref<1x80xi32, #tpu.memory_space<vmem>> -> memref<80xi32, #tpu.memory_space<vmem>>
      %dma_wait3A_472 = arith.constant 0 : i32
      %dma_wait3A_473 = arith.constant 0 : i32
      %dma_wait3A_474 = tpu.memref_slice %arg11[%dma_wait3A_472, %dma_wait3A_473] : memref<10240x16xf32, #tpu.memory_space<vmem_shared>> -> memref<10240x16xf32, #tpu.memory_space<vmem_shared>>
      tpu.wait_indirect_dma semaphore(%run_scoped3A_462 : memref<!tpu.dma_semaphore, #tpu.memory_space<semaphore_mem>>) src(%arg16 : memref<80x16xf32, #tpu.memory_space<vmem>>) dst(%dma_wait3A_474 : memref<10240x16xf32, #tpu.memory_space<vmem_shared>>)
      tpu.yield
    }) : () -> ()
    %dma_wait3A_344 = arith.constant 124 : i32
    %dma_wait3A_345 = arith.constant 0 : i32
    %dma_wait3A_346 = arith.constant 0 : i32
    %dma_wait3A_347 = tpu.memref_slice %arg12[%dma_wait3A_345, %dma_wait3A_346] : memref<4x80xi32, #tpu.memory_space<vmem>> -> memref<1x80xi32, #tpu.memory_space<vmem>>
    %dma_wait3A_348 = tpu.memref_squeeze %dma_wait3A_347 : memref<1x80xi32, #tpu.memory_space<vmem>> -> memref<80xi32, #tpu.memory_space<vmem>>
    %dma_wait3A_349 = arith.constant 0 : i32
    %dma_wait3A_350 = tpu.memref_slice %arg3[%add3A, %dma_wait3A_344, %dma_wait3A_349] : memref<32x125x80xi32, #tpu.memory_space<hbm>> -> memref<1x1x80xi32, #tpu.memory_space<hbm>>
    %dma_wait3A_351 = tpu.memref_squeeze %dma_wait3A_350 : memref<1x1x80xi32, #tpu.memory_space<hbm>> -> memref<80xi32, #tpu.memory_space<hbm>>
    %dma_wait3A_352 = arith.constant 0 : i32
    %dma_wait3A_353 = tpu.memref_slice %arg12[%dma_wait3A_345, %dma_wait3A_352] : memref<4x80xi32, #tpu.memory_space<vmem>> -> memref<1x80xi32, #tpu.memory_space<vmem>>
    %dma_wait3A_354 = tpu.memref_squeeze %dma_wait3A_353 : memref<1x80xi32, #tpu.memory_space<vmem>> -> memref<80xi32, #tpu.memory_space<vmem>>
    %dma_wait3A_355 = arith.constant 0 : i32
    %dma_wait3A_356 = tpu.memref_slice %arg3[%add3A, %dma_wait3A_344, %dma_wait3A_355] : memref<32x125x80xi32, #tpu.memory_space<hbm>> -> memref<1x1x80xi32, #tpu.memory_space<hbm>>
    %dma_wait3A_357 = tpu.memref_squeeze %dma_wait3A_356 : memref<1x1x80xi32, #tpu.memory_space<hbm>> -> memref<80xi32, #tpu.memory_space<hbm>>
    tpu.wait_dma2 semaphore(%arg17 : memref<!tpu.dma_semaphore, #tpu.memory_space<semaphore_mem>>) src(%dma_wait3A_357 : memref<80xi32, #tpu.memory_space<hbm>>) dst(%dma_wait3A_354 : memref<80xi32, #tpu.memory_space<vmem>>)
    %dma_wait3A_358 = arith.constant 124 : i32
    %dma_wait3A_359 = arith.constant 0 : i32
    %dma_wait3A_360 = arith.constant 0 : i32
    %dma_wait3A_361 = tpu.memref_slice %arg13[%dma_wait3A_359, %dma_wait3A_360] : memref<4x80xi32, #tpu.memory_space<vmem>> -> memref<1x80xi32, #tpu.memory_space<vmem>>
    %dma_wait3A_362 = tpu.memref_squeeze %dma_wait3A_361 : memref<1x80xi32, #tpu.memory_space<vmem>> -> memref<80xi32, #tpu.memory_space<vmem>>
    %dma_wait3A_363 = arith.constant 0 : i32
    %dma_wait3A_364 = tpu.memref_slice %arg4[%add3A, %dma_wait3A_358, %dma_wait3A_363] : memref<32x125x80xi32, #tpu.memory_space<hbm>> -> memref<1x1x80xi32, #tpu.memory_space<hbm>>
    %dma_wait3A_365 = tpu.memref_squeeze %dma_wait3A_364 : memref<1x1x80xi32, #tpu.memory_space<hbm>> -> memref<80xi32, #tpu.memory_space<hbm>>
    %dma_wait3A_366 = arith.constant 0 : i32
    %dma_wait3A_367 = tpu.memref_slice %arg13[%dma_wait3A_359, %dma_wait3A_366] : memref<4x80xi32, #tpu.memory_space<vmem>> -> memref<1x80xi32, #tpu.memory_space<vmem>>
    %dma_wait3A_368 = tpu.memref_squeeze %dma_wait3A_367 : memref<1x80xi32, #tpu.memory_space<vmem>> -> memref<80xi32, #tpu.memory_space<vmem>>
    %dma_wait3A_369 = arith.constant 0 : i32
    %dma_wait3A_370 = tpu.memref_slice %arg4[%add3A, %dma_wait3A_358, %dma_wait3A_369] : memref<32x125x80xi32, #tpu.memory_space<hbm>> -> memref<1x1x80xi32, #tpu.memory_space<hbm>>
    %dma_wait3A_371 = tpu.memref_squeeze %dma_wait3A_370 : memref<1x1x80xi32, #tpu.memory_space<hbm>> -> memref<80xi32, #tpu.memory_space<hbm>>
    tpu.wait_dma2 semaphore(%arg17 : memref<!tpu.dma_semaphore, #tpu.memory_space<semaphore_mem>>) src(%dma_wait3A_371 : memref<80xi32, #tpu.memory_space<hbm>>) dst(%dma_wait3A_368 : memref<80xi32, #tpu.memory_space<vmem>>)
    %dma_start3A_372 = arith.constant 0 : i32
    %dma_start3A_373 = arith.constant 0 : i32
    %dma_start3A_374 = tpu.memref_slice %arg12[%dma_start3A_372, %dma_start3A_373] : memref<4x80xi32, #tpu.memory_space<vmem>> -> memref<1x80xi32, #tpu.memory_space<vmem>>
    %dma_start3A_375 = tpu.memref_squeeze %dma_start3A_374 : memref<1x80xi32, #tpu.memory_space<vmem>> -> memref<80xi32, #tpu.memory_space<vmem>>
    %dma_start3A_376 = arith.constant 0 : i32
    %dma_start3A_377 = arith.constant 0 : i32
    %dma_start3A_378 = tpu.memref_slice %arg2[%dma_start3A_376, %dma_start3A_377] : memref<10000x128xf32, #tpu.memory_space<hbm>> -> memref<10000x128xf32, #tpu.memory_space<hbm>>
    tpu.enqueue_indirect_dma source(%dma_start3A_378 : memref<10000x128xf32, #tpu.memory_space<hbm>>) target(%arg14 : memref<80x128xf32, #tpu.memory_space<vmem>>) offsets(%dma_start3A_375 : memref<80xi32, #tpu.memory_space<vmem>>) semaphore(%arg21 : memref<!tpu.dma_semaphore, #tpu.memory_space<semaphore_mem>>)
    %dma_wait3A_379 = arith.constant 3 : i32
    %dma_wait3A_380 = arith.constant 0 : i32
    %dma_wait3A_381 = tpu.memref_slice %arg12[%dma_wait3A_379, %dma_wait3A_380] : memref<4x80xi32, #tpu.memory_space<vmem>> -> memref<1x80xi32, #tpu.memory_space<vmem>>
    %dma_wait3A_382 = tpu.memref_squeeze %dma_wait3A_381 : memref<1x80xi32, #tpu.memory_space<vmem>> -> memref<80xi32, #tpu.memory_space<vmem>>
    %dma_wait3A_383 = arith.constant 0 : i32
    %dma_wait3A_384 = arith.constant 0 : i32
    %dma_wait3A_385 = tpu.memref_slice %arg2[%dma_wait3A_383, %dma_wait3A_384] : memref<10000x128xf32, #tpu.memory_space<hbm>> -> memref<10000x128xf32, #tpu.memory_space<hbm>>
    tpu.wait_indirect_dma semaphore(%arg22 : memref<!tpu.dma_semaphore, #tpu.memory_space<semaphore_mem>>) src(%dma_wait3A_385 : memref<10000x128xf32, #tpu.memory_space<hbm>>) dst(%arg15 : memref<80x128xf32, #tpu.memory_space<vmem>>)
    %run_scoped3A_386 = arith.constant 3 : i32
    "tpu.region"() ({
      %run_scoped3A_462 = tpu.sem_alloc : memref<!tpu.dma_semaphore, #tpu.memory_space<semaphore_mem>>
      %dma_start3A_463 = arith.constant 0 : i32
      %dma_start3A_464 = tpu.memref_slice %arg13[%run_scoped3A_386, %dma_start3A_463] : memref<4x80xi32, #tpu.memory_space<vmem>> -> memref<1x80xi32, #tpu.memory_space<vmem>>
      %dma_start3A_465 = tpu.memref_squeeze %dma_start3A_464 : memref<1x80xi32, #tpu.memory_space<vmem>> -> memref<80xi32, #tpu.memory_space<vmem>>
      %dma_start3A_466 = arith.constant 0 : i32
      %dma_start3A_467 = arith.constant 0 : i32
      %dma_start3A_468 = tpu.memref_slice %arg10[%dma_start3A_466, %dma_start3A_467] : memref<10240x128xf32, #tpu.memory_space<vmem_shared>> -> memref<10240x128xf32, #tpu.memory_space<vmem_shared>>
      tpu.enqueue_indirect_dma source(%arg15 : memref<80x128xf32, #tpu.memory_space<vmem>>) target(%dma_start3A_468 : memref<10240x128xf32, #tpu.memory_space<vmem_shared>>) offsets(%dma_start3A_465 : memref<80xi32, #tpu.memory_space<vmem>>) semaphore(%run_scoped3A_462 : memref<!tpu.dma_semaphore, #tpu.memory_space<semaphore_mem>>) {add = true}
      %dma_wait3A_469 = arith.constant 0 : i32
      %dma_wait3A_470 = tpu.memref_slice %arg13[%run_scoped3A_386, %dma_wait3A_469] : memref<4x80xi32, #tpu.memory_space<vmem>> -> memref<1x80xi32, #tpu.memory_space<vmem>>
      %dma_wait3A_471 = tpu.memref_squeeze %dma_wait3A_470 : memref<1x80xi32, #tpu.memory_space<vmem>> -> memref<80xi32, #tpu.memory_space<vmem>>
      %dma_wait3A_472 = arith.constant 0 : i32
      %dma_wait3A_473 = arith.constant 0 : i32
      %dma_wait3A_474 = tpu.memref_slice %arg10[%dma_wait3A_472, %dma_wait3A_473] : memref<10240x128xf32, #tpu.memory_space<vmem_shared>> -> memref<10240x128xf32, #tpu.memory_space<vmem_shared>>
      tpu.wait_indirect_dma semaphore(%run_scoped3A_462 : memref<!tpu.dma_semaphore, #tpu.memory_space<semaphore_mem>>) src(%arg15 : memref<80x128xf32, #tpu.memory_space<vmem>>) dst(%dma_wait3A_474 : memref<10240x128xf32, #tpu.memory_space<vmem_shared>>)
      tpu.yield
    }) : () -> ()
    %run_scoped3A_387 = arith.constant 3 : i32
    "tpu.region"() ({
      %run_scoped3A_462 = tpu.sem_alloc : memref<!tpu.dma_semaphore, #tpu.memory_space<semaphore_mem>>
      %dma_start3A_463 = arith.constant 0 : i32
      %dma_start3A_464 = tpu.memref_slice %arg13[%run_scoped3A_387, %dma_start3A_463] : memref<4x80xi32, #tpu.memory_space<vmem>> -> memref<1x80xi32, #tpu.memory_space<vmem>>
      %dma_start3A_465 = tpu.memref_squeeze %dma_start3A_464 : memref<1x80xi32, #tpu.memory_space<vmem>> -> memref<80xi32, #tpu.memory_space<vmem>>
      %dma_start3A_466 = arith.constant 0 : i32
      %dma_start3A_467 = arith.constant 0 : i32
      %dma_start3A_468 = tpu.memref_slice %arg11[%dma_start3A_466, %dma_start3A_467] : memref<10240x16xf32, #tpu.memory_space<vmem_shared>> -> memref<10240x16xf32, #tpu.memory_space<vmem_shared>>
      tpu.enqueue_indirect_dma source(%arg16 : memref<80x16xf32, #tpu.memory_space<vmem>>) target(%dma_start3A_468 : memref<10240x16xf32, #tpu.memory_space<vmem_shared>>) offsets(%dma_start3A_465 : memref<80xi32, #tpu.memory_space<vmem>>) semaphore(%run_scoped3A_462 : memref<!tpu.dma_semaphore, #tpu.memory_space<semaphore_mem>>) {add = true}
      %dma_wait3A_469 = arith.constant 0 : i32
      %dma_wait3A_470 = tpu.memref_slice %arg13[%run_scoped3A_387, %dma_wait3A_469] : memref<4x80xi32, #tpu.memory_space<vmem>> -> memref<1x80xi32, #tpu.memory_space<vmem>>
      %dma_wait3A_471 = tpu.memref_squeeze %dma_wait3A_470 : memref<1x80xi32, #tpu.memory_space<vmem>> -> memref<80xi32, #tpu.memory_space<vmem>>
      %dma_wait3A_472 = arith.constant 0 : i32
      %dma_wait3A_473 = arith.constant 0 : i32
      %dma_wait3A_474 = tpu.memref_slice %arg11[%dma_wait3A_472, %dma_wait3A_473] : memref<10240x16xf32, #tpu.memory_space<vmem_shared>> -> memref<10240x16xf32, #tpu.memory_space<vmem_shared>>
      tpu.wait_indirect_dma semaphore(%run_scoped3A_462 : memref<!tpu.dma_semaphore, #tpu.memory_space<semaphore_mem>>) src(%arg16 : memref<80x16xf32, #tpu.memory_space<vmem>>) dst(%dma_wait3A_474 : memref<10240x16xf32, #tpu.memory_space<vmem_shared>>)
      tpu.yield
    }) : () -> ()
    %dma_wait3A_388 = arith.constant 0 : i32
    %dma_wait3A_389 = arith.constant 0 : i32
    %dma_wait3A_390 = tpu.memref_slice %arg12[%dma_wait3A_388, %dma_wait3A_389] : memref<4x80xi32, #tpu.memory_space<vmem>> -> memref<1x80xi32, #tpu.memory_space<vmem>>
    %dma_wait3A_391 = tpu.memref_squeeze %dma_wait3A_390 : memref<1x80xi32, #tpu.memory_space<vmem>> -> memref<80xi32, #tpu.memory_space<vmem>>
    %dma_wait3A_392 = arith.constant 0 : i32
    %dma_wait3A_393 = arith.constant 0 : i32
    %dma_wait3A_394 = tpu.memref_slice %arg2[%dma_wait3A_392, %dma_wait3A_393] : memref<10000x128xf32, #tpu.memory_space<hbm>> -> memref<10000x128xf32, #tpu.memory_space<hbm>>
    tpu.wait_indirect_dma semaphore(%arg21 : memref<!tpu.dma_semaphore, #tpu.memory_space<semaphore_mem>>) src(%dma_wait3A_394 : memref<10000x128xf32, #tpu.memory_space<hbm>>) dst(%arg14 : memref<80x128xf32, #tpu.memory_space<vmem>>)
    %run_scoped3A_395 = arith.constant 0 : i32
    "tpu.region"() ({
      %run_scoped3A_462 = tpu.sem_alloc : memref<!tpu.dma_semaphore, #tpu.memory_space<semaphore_mem>>
      %dma_start3A_463 = arith.constant 0 : i32
      %dma_start3A_464 = tpu.memref_slice %arg13[%run_scoped3A_395, %dma_start3A_463] : memref<4x80xi32, #tpu.memory_space<vmem>> -> memref<1x80xi32, #tpu.memory_space<vmem>>
      %dma_start3A_465 = tpu.memref_squeeze %dma_start3A_464 : memref<1x80xi32, #tpu.memory_space<vmem>> -> memref<80xi32, #tpu.memory_space<vmem>>
      %dma_start3A_466 = arith.constant 0 : i32
      %dma_start3A_467 = arith.constant 0 : i32
      %dma_start3A_468 = tpu.memref_slice %arg10[%dma_start3A_466, %dma_start3A_467] : memref<10240x128xf32, #tpu.memory_space<vmem_shared>> -> memref<10240x128xf32, #tpu.memory_space<vmem_shared>>
      tpu.enqueue_indirect_dma source(%arg14 : memref<80x128xf32, #tpu.memory_space<vmem>>) target(%dma_start3A_468 : memref<10240x128xf32, #tpu.memory_space<vmem_shared>>) offsets(%dma_start3A_465 : memref<80xi32, #tpu.memory_space<vmem>>) semaphore(%run_scoped3A_462 : memref<!tpu.dma_semaphore, #tpu.memory_space<semaphore_mem>>) {add = true}
      %dma_wait3A_469 = arith.constant 0 : i32
      %dma_wait3A_470 = tpu.memref_slice %arg13[%run_scoped3A_395, %dma_wait3A_469] : memref<4x80xi32, #tpu.memory_space<vmem>> -> memref<1x80xi32, #tpu.memory_space<vmem>>
      %dma_wait3A_471 = tpu.memref_squeeze %dma_wait3A_470 : memref<1x80xi32, #tpu.memory_space<vmem>> -> memref<80xi32, #tpu.memory_space<vmem>>
      %dma_wait3A_472 = arith.constant 0 : i32
      %dma_wait3A_473 = arith.constant 0 : i32
      %dma_wait3A_474 = tpu.memref_slice %arg10[%dma_wait3A_472, %dma_wait3A_473] : memref<10240x128xf32, #tpu.memory_space<vmem_shared>> -> memref<10240x128xf32, #tpu.memory_space<vmem_shared>>
      tpu.wait_indirect_dma semaphore(%run_scoped3A_462 : memref<!tpu.dma_semaphore, #tpu.memory_space<semaphore_mem>>) src(%arg14 : memref<80x128xf32, #tpu.memory_space<vmem>>) dst(%dma_wait3A_474 : memref<10240x128xf32, #tpu.memory_space<vmem_shared>>)
      tpu.yield
    }) : () -> ()
    %run_scoped3A_396 = arith.constant 0 : i32
    "tpu.region"() ({
      %run_scoped3A_462 = tpu.sem_alloc : memref<!tpu.dma_semaphore, #tpu.memory_space<semaphore_mem>>
      %dma_start3A_463 = arith.constant 0 : i32
      %dma_start3A_464 = tpu.memref_slice %arg13[%run_scoped3A_396, %dma_start3A_463] : memref<4x80xi32, #tpu.memory_space<vmem>> -> memref<1x80xi32, #tpu.memory_space<vmem>>
      %dma_start3A_465 = tpu.memref_squeeze %dma_start3A_464 : memref<1x80xi32, #tpu.memory_space<vmem>> -> memref<80xi32, #tpu.memory_space<vmem>>
      %dma_start3A_466 = arith.constant 0 : i32
      %dma_start3A_467 = arith.constant 0 : i32
      %dma_start3A_468 = tpu.memref_slice %arg11[%dma_start3A_466, %dma_start3A_467] : memref<10240x16xf32, #tpu.memory_space<vmem_shared>> -> memref<10240x16xf32, #tpu.memory_space<vmem_shared>>
      tpu.enqueue_indirect_dma source(%arg16 : memref<80x16xf32, #tpu.memory_space<vmem>>) target(%dma_start3A_468 : memref<10240x16xf32, #tpu.memory_space<vmem_shared>>) offsets(%dma_start3A_465 : memref<80xi32, #tpu.memory_space<vmem>>) semaphore(%run_scoped3A_462 : memref<!tpu.dma_semaphore, #tpu.memory_space<semaphore_mem>>) {add = true}
      %dma_wait3A_469 = arith.constant 0 : i32
      %dma_wait3A_470 = tpu.memref_slice %arg13[%run_scoped3A_396, %dma_wait3A_469] : memref<4x80xi32, #tpu.memory_space<vmem>> -> memref<1x80xi32, #tpu.memory_space<vmem>>
      %dma_wait3A_471 = tpu.memref_squeeze %dma_wait3A_470 : memref<1x80xi32, #tpu.memory_space<vmem>> -> memref<80xi32, #tpu.memory_space<vmem>>
      %dma_wait3A_472 = arith.constant 0 : i32
      %dma_wait3A_473 = arith.constant 0 : i32
      %dma_wait3A_474 = tpu.memref_slice %arg11[%dma_wait3A_472, %dma_wait3A_473] : memref<10240x16xf32, #tpu.memory_space<vmem_shared>> -> memref<10240x16xf32, #tpu.memory_space<vmem_shared>>
      tpu.wait_indirect_dma semaphore(%run_scoped3A_462 : memref<!tpu.dma_semaphore, #tpu.memory_space<semaphore_mem>>) src(%arg16 : memref<80x16xf32, #tpu.memory_space<vmem>>) dst(%dma_wait3A_474 : memref<10240x16xf32, #tpu.memory_space<vmem_shared>>)
      tpu.yield
    }) : () -> ()
    %barrier3A_397 = arith.constant 0 : index
    tpu.barrier barrier_id(%barrier3A_397)
    %add3A_398 = arith.constant 0 : i32
    %add3A_399 = arith.addi %mul3A_2, %add3A_398 : i32
    "tpu.region"() ({
      %run_scoped3A_462 = tpu.sem_alloc : memref<!tpu.dma_semaphore, #tpu.memory_space<semaphore_mem>>
      %dma_start3A_463 = arith.constant 0 : i32
      %dma_start3A_464 = arith.constant 0 : i32
      %dma_start3A_465 = tpu.memref_slice %arg14[%dma_start3A_463, %dma_start3A_464] : memref<80x128xf32, #tpu.memory_space<vmem>> -> memref<80x128xf32, #tpu.memory_space<vmem>>
      %dma_start3A_466 = arith.constant 0 : i32
      %dma_start3A_467 = tpu.memref_slice %arg10[%add3A_399, %dma_start3A_466] : memref<10240x128xf32, #tpu.memory_space<vmem_shared>> -> memref<80x128xf32, #tpu.memory_space<vmem_shared>>
      %dma_start3A_468 = arith.constant 0 : i32
      %dma_start3A_469 = arith.constant 0 : i32
      %dma_start3A_470 = tpu.memref_slice %arg14[%dma_start3A_468, %dma_start3A_469] : memref<80x128xf32, #tpu.memory_space<vmem>> -> memref<80x128xf32, #tpu.memory_space<vmem>>
      %dma_start3A_471 = arith.constant 0 : i32
      %dma_start3A_472 = tpu.memref_slice %arg10[%add3A_399, %dma_start3A_471] : memref<10240x128xf32, #tpu.memory_space<vmem_shared>> -> memref<80x128xf32, #tpu.memory_space<vmem_shared>>
      tpu.enqueue_dma source(%dma_start3A_472 : memref<80x128xf32, #tpu.memory_space<vmem_shared>>) target(%dma_start3A_470 : memref<80x128xf32, #tpu.memory_space<vmem>>) target_semaphore(%run_scoped3A_462 : memref<!tpu.dma_semaphore, #tpu.memory_space<semaphore_mem>>)
      %dma_wait3A_473 = arith.constant 0 : i32
      %dma_wait3A_474 = arith.constant 0 : i32
      %dma_wait3A_475 = tpu.memref_slice %arg14[%dma_wait3A_473, %dma_wait3A_474] : memref<80x128xf32, #tpu.memory_space<vmem>> -> memref<80x128xf32, #tpu.memory_space<vmem>>
      %dma_wait3A_476 = arith.constant 0 : i32
      %dma_wait3A_477 = tpu.memref_slice %arg10[%add3A_399, %dma_wait3A_476] : memref<10240x128xf32, #tpu.memory_space<vmem_shared>> -> memref<80x128xf32, #tpu.memory_space<vmem_shared>>
      %dma_wait3A_478 = arith.constant 0 : i32
      %dma_wait3A_479 = arith.constant 0 : i32
      %dma_wait3A_480 = tpu.memref_slice %arg14[%dma_wait3A_478, %dma_wait3A_479] : memref<80x128xf32, #tpu.memory_space<vmem>> -> memref<80x128xf32, #tpu.memory_space<vmem>>
      %dma_wait3A_481 = arith.constant 0 : i32
      %dma_wait3A_482 = tpu.memref_slice %arg10[%add3A_399, %dma_wait3A_481] : memref<10240x128xf32, #tpu.memory_space<vmem_shared>> -> memref<80x128xf32, #tpu.memory_space<vmem_shared>>
      tpu.wait_dma2 semaphore(%run_scoped3A_462 : memref<!tpu.dma_semaphore, #tpu.memory_space<semaphore_mem>>) src(%dma_wait3A_482 : memref<80x128xf32, #tpu.memory_space<vmem_shared>>) dst(%dma_wait3A_480 : memref<80x128xf32, #tpu.memory_space<vmem>>)
      tpu.yield
    }) : () -> ()
    %add3A_400 = arith.constant 0 : i32
    %add3A_401 = arith.addi %mul3A_2, %add3A_400 : i32
    "tpu.region"() ({
      %run_scoped3A_462 = tpu.sem_alloc : memref<!tpu.dma_semaphore, #tpu.memory_space<semaphore_mem>>
      %dma_start3A_463 = arith.constant 0 : i32
      %dma_start3A_464 = arith.constant 0 : i32
      %dma_start3A_465 = tpu.memref_slice %arg14[%dma_start3A_463, %dma_start3A_464] : memref<80x128xf32, #tpu.memory_space<vmem>> -> memref<80x128xf32, #tpu.memory_space<vmem>>
      %dma_start3A_466 = arith.constant 0 : i32
      %dma_start3A_467 = tpu.memref_slice %arg8[%arg0, %add3A_401, %dma_start3A_466] : memref<2x10240x128xf32, #tpu.memory_space<hbm>> -> memref<1x80x128xf32, #tpu.memory_space<hbm>>
      %dma_start3A_468 = tpu.memref_squeeze %dma_start3A_467 : memref<1x80x128xf32, #tpu.memory_space<hbm>> -> memref<80x128xf32, #tpu.memory_space<hbm>>
      %dma_start3A_469 = arith.constant 0 : i32
      %dma_start3A_470 = tpu.memref_slice %arg8[%arg0, %add3A_401, %dma_start3A_469] : memref<2x10240x128xf32, #tpu.memory_space<hbm>> -> memref<1x80x128xf32, #tpu.memory_space<hbm>>
      %dma_start3A_471 = tpu.memref_squeeze %dma_start3A_470 : memref<1x80x128xf32, #tpu.memory_space<hbm>> -> memref<80x128xf32, #tpu.memory_space<hbm>>
      %dma_start3A_472 = arith.constant 0 : i32
      %dma_start3A_473 = arith.constant 0 : i32
      %dma_start3A_474 = tpu.memref_slice %arg14[%dma_start3A_472, %dma_start3A_473] : memref<80x128xf32, #tpu.memory_space<vmem>> -> memref<80x128xf32, #tpu.memory_space<vmem>>
      tpu.enqueue_dma source(%dma_start3A_474 : memref<80x128xf32, #tpu.memory_space<vmem>>) target(%dma_start3A_471 : memref<80x128xf32, #tpu.memory_space<hbm>>) target_semaphore(%run_scoped3A_462 : memref<!tpu.dma_semaphore, #tpu.memory_space<semaphore_mem>>)
      %dma_wait3A_475 = arith.constant 0 : i32
      %dma_wait3A_476 = arith.constant 0 : i32
      %dma_wait3A_477 = tpu.memref_slice %arg14[%dma_wait3A_475, %dma_wait3A_476] : memref<80x128xf32, #tpu.memory_space<vmem>> -> memref<80x128xf32, #tpu.memory_space<vmem>>
      %dma_wait3A_478 = arith.constant 0 : i32
      %dma_wait3A_479 = tpu.memref_slice %arg8[%arg0, %add3A_401, %dma_wait3A_478] : memref<2x10240x128xf32, #tpu.memory_space<hbm>> -> memref<1x80x128xf32, #tpu.memory_space<hbm>>
      %dma_wait3A_480 = tpu.memref_squeeze %dma_wait3A_479 : memref<1x80x128xf32, #tpu.memory_space<hbm>> -> memref<80x128xf32, #tpu.memory_space<hbm>>
      %dma_wait3A_481 = arith.constant 0 : i32
      %dma_wait3A_482 = tpu.memref_slice %arg8[%arg0, %add3A_401, %dma_wait3A_481] : memref<2x10240x128xf32, #tpu.memory_space<hbm>> -> memref<1x80x128xf32, #tpu.memory_space<hbm>>
      %dma_wait3A_483 = tpu.memref_squeeze %dma_wait3A_482 : memref<1x80x128xf32, #tpu.memory_space<hbm>> -> memref<80x128xf32, #tpu.memory_space<hbm>>
      %dma_wait3A_484 = arith.constant 0 : i32
      %dma_wait3A_485 = arith.constant 0 : i32
      %dma_wait3A_486 = tpu.memref_slice %arg14[%dma_wait3A_484, %dma_wait3A_485] : memref<80x128xf32, #tpu.memory_space<vmem>> -> memref<80x128xf32, #tpu.memory_space<vmem>>
      tpu.wait_dma2 semaphore(%run_scoped3A_462 : memref<!tpu.dma_semaphore, #tpu.memory_space<semaphore_mem>>) src(%dma_wait3A_486 : memref<80x128xf32, #tpu.memory_space<vmem>>) dst(%dma_wait3A_483 : memref<80x128xf32, #tpu.memory_space<hbm>>)
      tpu.yield
    }) : () -> ()
    %add3A_402 = arith.constant 0 : i32
    %add3A_403 = arith.addi %mul3A_2, %add3A_402 : i32
    "tpu.region"() ({
      %run_scoped3A_462 = tpu.sem_alloc : memref<!tpu.dma_semaphore, #tpu.memory_space<semaphore_mem>>
      %dma_start3A_463 = arith.constant 0 : i32
      %dma_start3A_464 = arith.constant 0 : i32
      %dma_start3A_465 = tpu.memref_slice %arg16[%dma_start3A_463, %dma_start3A_464] : memref<80x16xf32, #tpu.memory_space<vmem>> -> memref<80x16xf32, #tpu.memory_space<vmem>>
      %dma_start3A_466 = arith.constant 0 : i32
      %dma_start3A_467 = tpu.memref_slice %arg11[%add3A_403, %dma_start3A_466] : memref<10240x16xf32, #tpu.memory_space<vmem_shared>> -> memref<80x16xf32, #tpu.memory_space<vmem_shared>>
      %dma_start3A_468 = arith.constant 0 : i32
      %dma_start3A_469 = arith.constant 0 : i32
      %dma_start3A_470 = tpu.memref_slice %arg16[%dma_start3A_468, %dma_start3A_469] : memref<80x16xf32, #tpu.memory_space<vmem>> -> memref<80x16xf32, #tpu.memory_space<vmem>>
      %dma_start3A_471 = arith.constant 0 : i32
      %dma_start3A_472 = tpu.memref_slice %arg11[%add3A_403, %dma_start3A_471] : memref<10240x16xf32, #tpu.memory_space<vmem_shared>> -> memref<80x16xf32, #tpu.memory_space<vmem_shared>>
      tpu.enqueue_dma source(%dma_start3A_472 : memref<80x16xf32, #tpu.memory_space<vmem_shared>>) target(%dma_start3A_470 : memref<80x16xf32, #tpu.memory_space<vmem>>) target_semaphore(%run_scoped3A_462 : memref<!tpu.dma_semaphore, #tpu.memory_space<semaphore_mem>>)
      %dma_wait3A_473 = arith.constant 0 : i32
      %dma_wait3A_474 = arith.constant 0 : i32
      %dma_wait3A_475 = tpu.memref_slice %arg16[%dma_wait3A_473, %dma_wait3A_474] : memref<80x16xf32, #tpu.memory_space<vmem>> -> memref<80x16xf32, #tpu.memory_space<vmem>>
      %dma_wait3A_476 = arith.constant 0 : i32
      %dma_wait3A_477 = tpu.memref_slice %arg11[%add3A_403, %dma_wait3A_476] : memref<10240x16xf32, #tpu.memory_space<vmem_shared>> -> memref<80x16xf32, #tpu.memory_space<vmem_shared>>
      %dma_wait3A_478 = arith.constant 0 : i32
      %dma_wait3A_479 = arith.constant 0 : i32
      %dma_wait3A_480 = tpu.memref_slice %arg16[%dma_wait3A_478, %dma_wait3A_479] : memref<80x16xf32, #tpu.memory_space<vmem>> -> memref<80x16xf32, #tpu.memory_space<vmem>>
      %dma_wait3A_481 = arith.constant 0 : i32
      %dma_wait3A_482 = tpu.memref_slice %arg11[%add3A_403, %dma_wait3A_481] : memref<10240x16xf32, #tpu.memory_space<vmem_shared>> -> memref<80x16xf32, #tpu.memory_space<vmem_shared>>
      tpu.wait_dma2 semaphore(%run_scoped3A_462 : memref<!tpu.dma_semaphore, #tpu.memory_space<semaphore_mem>>) src(%dma_wait3A_482 : memref<80x16xf32, #tpu.memory_space<vmem_shared>>) dst(%dma_wait3A_480 : memref<80x16xf32, #tpu.memory_space<vmem>>)
      tpu.yield
    }) : () -> ()
    %add3A_404 = arith.constant 0 : i32
    %add3A_405 = arith.addi %mul3A_2, %add3A_404 : i32
    "tpu.region"() ({
      %run_scoped3A_462 = tpu.sem_alloc : memref<!tpu.dma_semaphore, #tpu.memory_space<semaphore_mem>>
      %dma_start3A_463 = arith.constant 0 : i32
      %dma_start3A_464 = arith.constant 0 : i32
      %dma_start3A_465 = tpu.memref_slice %arg16[%dma_start3A_463, %dma_start3A_464] : memref<80x16xf32, #tpu.memory_space<vmem>> -> memref<80x16xf32, #tpu.memory_space<vmem>>
      %dma_start3A_466 = arith.constant 0 : i32
      %dma_start3A_467 = tpu.memref_slice %arg9[%arg0, %add3A_405, %dma_start3A_466] : memref<2x10240x16xf32, #tpu.memory_space<hbm>> -> memref<1x80x16xf32, #tpu.memory_space<hbm>>
      %dma_start3A_468 = tpu.memref_squeeze %dma_start3A_467 : memref<1x80x16xf32, #tpu.memory_space<hbm>> -> memref<80x16xf32, #tpu.memory_space<hbm>>
      %dma_start3A_469 = arith.constant 0 : i32
      %dma_start3A_470 = tpu.memref_slice %arg9[%arg0, %add3A_405, %dma_start3A_469] : memref<2x10240x16xf32, #tpu.memory_space<hbm>> -> memref<1x80x16xf32, #tpu.memory_space<hbm>>
      %dma_start3A_471 = tpu.memref_squeeze %dma_start3A_470 : memref<1x80x16xf32, #tpu.memory_space<hbm>> -> memref<80x16xf32, #tpu.memory_space<hbm>>
      %dma_start3A_472 = arith.constant 0 : i32
      %dma_start3A_473 = arith.constant 0 : i32
      %dma_start3A_474 = tpu.memref_slice %arg16[%dma_start3A_472, %dma_start3A_473] : memref<80x16xf32, #tpu.memory_space<vmem>> -> memref<80x16xf32, #tpu.memory_space<vmem>>
      tpu.enqueue_dma source(%dma_start3A_474 : memref<80x16xf32, #tpu.memory_space<vmem>>) target(%dma_start3A_471 : memref<80x16xf32, #tpu.memory_space<hbm>>) target_semaphore(%run_scoped3A_462 : memref<!tpu.dma_semaphore, #tpu.memory_space<semaphore_mem>>)
      %dma_wait3A_475 = arith.constant 0 : i32
      %dma_wait3A_476 = arith.constant 0 : i32
      %dma_wait3A_477 = tpu.memref_slice %arg16[%dma_wait3A_475, %dma_wait3A_476] : memref<80x16xf32, #tpu.memory_space<vmem>> -> memref<80x16xf32, #tpu.memory_space<vmem>>
      %dma_wait3A_478 = arith.constant 0 : i32
      %dma_wait3A_479 = tpu.memref_slice %arg9[%arg0, %add3A_405, %dma_wait3A_478] : memref<2x10240x16xf32, #tpu.memory_space<hbm>> -> memref<1x80x16xf32, #tpu.memory_space<hbm>>
      %dma_wait3A_480 = tpu.memref_squeeze %dma_wait3A_479 : memref<1x80x16xf32, #tpu.memory_space<hbm>> -> memref<80x16xf32, #tpu.memory_space<hbm>>
      %dma_wait3A_481 = arith.constant 0 : i32
      %dma_wait3A_482 = tpu.memref_slice %arg9[%arg0, %add3A_405, %dma_wait3A_481] : memref<2x10240x16xf32, #tpu.memory_space<hbm>> -> memref<1x80x16xf32, #tpu.memory_space<hbm>>
      %dma_wait3A_483 = tpu.memref_squeeze %dma_wait3A_482 : memref<1x80x16xf32, #tpu.memory_space<hbm>> -> memref<80x16xf32, #tpu.memory_space<hbm>>
      %dma_wait3A_484 = arith.constant 0 : i32
      %dma_wait3A_485 = arith.constant 0 : i32
      %dma_wait3A_486 = tpu.memref_slice %arg16[%dma_wait3A_484, %dma_wait3A_485] : memref<80x16xf32, #tpu.memory_space<vmem>> -> memref<80x16xf32, #tpu.memory_space<vmem>>
      tpu.wait_dma2 semaphore(%run_scoped3A_462 : memref<!tpu.dma_semaphore, #tpu.memory_space<semaphore_mem>>) src(%dma_wait3A_486 : memref<80x16xf32, #tpu.memory_space<vmem>>) dst(%dma_wait3A_483 : memref<80x16xf32, #tpu.memory_space<hbm>>)
      tpu.yield
    }) : () -> ()
    %add3A_406 = arith.constant 80 : i32
    %add3A_407 = arith.addi %mul3A_2, %add3A_406 : i32
    "tpu.region"() ({
      %run_scoped3A_462 = tpu.sem_alloc : memref<!tpu.dma_semaphore, #tpu.memory_space<semaphore_mem>>
      %dma_start3A_463 = arith.constant 0 : i32
      %dma_start3A_464 = arith.constant 0 : i32
      %dma_start3A_465 = tpu.memref_slice %arg14[%dma_start3A_463, %dma_start3A_464] : memref<80x128xf32, #tpu.memory_space<vmem>> -> memref<80x128xf32, #tpu.memory_space<vmem>>
      %dma_start3A_466 = arith.constant 0 : i32
      %dma_start3A_467 = tpu.memref_slice %arg10[%add3A_407, %dma_start3A_466] : memref<10240x128xf32, #tpu.memory_space<vmem_shared>> -> memref<80x128xf32, #tpu.memory_space<vmem_shared>>
      %dma_start3A_468 = arith.constant 0 : i32
      %dma_start3A_469 = arith.constant 0 : i32
      %dma_start3A_470 = tpu.memref_slice %arg14[%dma_start3A_468, %dma_start3A_469] : memref<80x128xf32, #tpu.memory_space<vmem>> -> memref<80x128xf32, #tpu.memory_space<vmem>>
      %dma_start3A_471 = arith.constant 0 : i32
      %dma_start3A_472 = tpu.memref_slice %arg10[%add3A_407, %dma_start3A_471] : memref<10240x128xf32, #tpu.memory_space<vmem_shared>> -> memref<80x128xf32, #tpu.memory_space<vmem_shared>>
      tpu.enqueue_dma source(%dma_start3A_472 : memref<80x128xf32, #tpu.memory_space<vmem_shared>>) target(%dma_start3A_470 : memref<80x128xf32, #tpu.memory_space<vmem>>) target_semaphore(%run_scoped3A_462 : memref<!tpu.dma_semaphore, #tpu.memory_space<semaphore_mem>>)
      %dma_wait3A_473 = arith.constant 0 : i32
      %dma_wait3A_474 = arith.constant 0 : i32
      %dma_wait3A_475 = tpu.memref_slice %arg14[%dma_wait3A_473, %dma_wait3A_474] : memref<80x128xf32, #tpu.memory_space<vmem>> -> memref<80x128xf32, #tpu.memory_space<vmem>>
      %dma_wait3A_476 = arith.constant 0 : i32
      %dma_wait3A_477 = tpu.memref_slice %arg10[%add3A_407, %dma_wait3A_476] : memref<10240x128xf32, #tpu.memory_space<vmem_shared>> -> memref<80x128xf32, #tpu.memory_space<vmem_shared>>
      %dma_wait3A_478 = arith.constant 0 : i32
      %dma_wait3A_479 = arith.constant 0 : i32
      %dma_wait3A_480 = tpu.memref_slice %arg14[%dma_wait3A_478, %dma_wait3A_479] : memref<80x128xf32, #tpu.memory_space<vmem>> -> memref<80x128xf32, #tpu.memory_space<vmem>>
      %dma_wait3A_481 = arith.constant 0 : i32
      %dma_wait3A_482 = tpu.memref_slice %arg10[%add3A_407, %dma_wait3A_481] : memref<10240x128xf32, #tpu.memory_space<vmem_shared>> -> memref<80x128xf32, #tpu.memory_space<vmem_shared>>
      tpu.wait_dma2 semaphore(%run_scoped3A_462 : memref<!tpu.dma_semaphore, #tpu.memory_space<semaphore_mem>>) src(%dma_wait3A_482 : memref<80x128xf32, #tpu.memory_space<vmem_shared>>) dst(%dma_wait3A_480 : memref<80x128xf32, #tpu.memory_space<vmem>>)
      tpu.yield
    }) : () -> ()
    %add3A_408 = arith.constant 80 : i32
    %add3A_409 = arith.addi %mul3A_2, %add3A_408 : i32
    "tpu.region"() ({
      %run_scoped3A_462 = tpu.sem_alloc : memref<!tpu.dma_semaphore, #tpu.memory_space<semaphore_mem>>
      %dma_start3A_463 = arith.constant 0 : i32
      %dma_start3A_464 = arith.constant 0 : i32
      %dma_start3A_465 = tpu.memref_slice %arg14[%dma_start3A_463, %dma_start3A_464] : memref<80x128xf32, #tpu.memory_space<vmem>> -> memref<80x128xf32, #tpu.memory_space<vmem>>
      %dma_start3A_466 = arith.constant 0 : i32
      %dma_start3A_467 = tpu.memref_slice %arg8[%arg0, %add3A_409, %dma_start3A_466] : memref<2x10240x128xf32, #tpu.memory_space<hbm>> -> memref<1x80x128xf32, #tpu.memory_space<hbm>>
      %dma_start3A_468 = tpu.memref_squeeze %dma_start3A_467 : memref<1x80x128xf32, #tpu.memory_space<hbm>> -> memref<80x128xf32, #tpu.memory_space<hbm>>
      %dma_start3A_469 = arith.constant 0 : i32
      %dma_start3A_470 = tpu.memref_slice %arg8[%arg0, %add3A_409, %dma_start3A_469] : memref<2x10240x128xf32, #tpu.memory_space<hbm>> -> memref<1x80x128xf32, #tpu.memory_space<hbm>>
      %dma_start3A_471 = tpu.memref_squeeze %dma_start3A_470 : memref<1x80x128xf32, #tpu.memory_space<hbm>> -> memref<80x128xf32, #tpu.memory_space<hbm>>
      %dma_start3A_472 = arith.constant 0 : i32
      %dma_start3A_473 = arith.constant 0 : i32
      %dma_start3A_474 = tpu.memref_slice %arg14[%dma_start3A_472, %dma_start3A_473] : memref<80x128xf32, #tpu.memory_space<vmem>> -> memref<80x128xf32, #tpu.memory_space<vmem>>
      tpu.enqueue_dma source(%dma_start3A_474 : memref<80x128xf32, #tpu.memory_space<vmem>>) target(%dma_start3A_471 : memref<80x128xf32, #tpu.memory_space<hbm>>) target_semaphore(%run_scoped3A_462 : memref<!tpu.dma_semaphore, #tpu.memory_space<semaphore_mem>>)
      %dma_wait3A_475 = arith.constant 0 : i32
      %dma_wait3A_476 = arith.constant 0 : i32
      %dma_wait3A_477 = tpu.memref_slice %arg14[%dma_wait3A_475, %dma_wait3A_476] : memref<80x128xf32, #tpu.memory_space<vmem>> -> memref<80x128xf32, #tpu.memory_space<vmem>>
      %dma_wait3A_478 = arith.constant 0 : i32
      %dma_wait3A_479 = tpu.memref_slice %arg8[%arg0, %add3A_409, %dma_wait3A_478] : memref<2x10240x128xf32, #tpu.memory_space<hbm>> -> memref<1x80x128xf32, #tpu.memory_space<hbm>>
      %dma_wait3A_480 = tpu.memref_squeeze %dma_wait3A_479 : memref<1x80x128xf32, #tpu.memory_space<hbm>> -> memref<80x128xf32, #tpu.memory_space<hbm>>
      %dma_wait3A_481 = arith.constant 0 : i32
      %dma_wait3A_482 = tpu.memref_slice %arg8[%arg0, %add3A_409, %dma_wait3A_481] : memref<2x10240x128xf32, #tpu.memory_space<hbm>> -> memref<1x80x128xf32, #tpu.memory_space<hbm>>
      %dma_wait3A_483 = tpu.memref_squeeze %dma_wait3A_482 : memref<1x80x128xf32, #tpu.memory_space<hbm>> -> memref<80x128xf32, #tpu.memory_space<hbm>>
      %dma_wait3A_484 = arith.constant 0 : i32
      %dma_wait3A_485 = arith.constant 0 : i32
      %dma_wait3A_486 = tpu.memref_slice %arg14[%dma_wait3A_484, %dma_wait3A_485] : memref<80x128xf32, #tpu.memory_space<vmem>> -> memref<80x128xf32, #tpu.memory_space<vmem>>
      tpu.wait_dma2 semaphore(%run_scoped3A_462 : memref<!tpu.dma_semaphore, #tpu.memory_space<semaphore_mem>>) src(%dma_wait3A_486 : memref<80x128xf32, #tpu.memory_space<vmem>>) dst(%dma_wait3A_483 : memref<80x128xf32, #tpu.memory_space<hbm>>)
      tpu.yield
    }) : () -> ()
    %add3A_410 = arith.constant 80 : i32
    %add3A_411 = arith.addi %mul3A_2, %add3A_410 : i32
    "tpu.region"() ({
      %run_scoped3A_462 = tpu.sem_alloc : memref<!tpu.dma_semaphore, #tpu.memory_space<semaphore_mem>>
      %dma_start3A_463 = arith.constant 0 : i32
      %dma_start3A_464 = arith.constant 0 : i32
      %dma_start3A_465 = tpu.memref_slice %arg16[%dma_start3A_463, %dma_start3A_464] : memref<80x16xf32, #tpu.memory_space<vmem>> -> memref<80x16xf32, #tpu.memory_space<vmem>>
      %dma_start3A_466 = arith.constant 0 : i32
      %dma_start3A_467 = tpu.memref_slice %arg11[%add3A_411, %dma_start3A_466] : memref<10240x16xf32, #tpu.memory_space<vmem_shared>> -> memref<80x16xf32, #tpu.memory_space<vmem_shared>>
      %dma_start3A_468 = arith.constant 0 : i32
      %dma_start3A_469 = arith.constant 0 : i32
      %dma_start3A_470 = tpu.memref_slice %arg16[%dma_start3A_468, %dma_start3A_469] : memref<80x16xf32, #tpu.memory_space<vmem>> -> memref<80x16xf32, #tpu.memory_space<vmem>>
      %dma_start3A_471 = arith.constant 0 : i32
      %dma_start3A_472 = tpu.memref_slice %arg11[%add3A_411, %dma_start3A_471] : memref<10240x16xf32, #tpu.memory_space<vmem_shared>> -> memref<80x16xf32, #tpu.memory_space<vmem_shared>>
      tpu.enqueue_dma source(%dma_start3A_472 : memref<80x16xf32, #tpu.memory_space<vmem_shared>>) target(%dma_start3A_470 : memref<80x16xf32, #tpu.memory_space<vmem>>) target_semaphore(%run_scoped3A_462 : memref<!tpu.dma_semaphore, #tpu.memory_space<semaphore_mem>>)
      %dma_wait3A_473 = arith.constant 0 : i32
      %dma_wait3A_474 = arith.constant 0 : i32
      %dma_wait3A_475 = tpu.memref_slice %arg16[%dma_wait3A_473, %dma_wait3A_474] : memref<80x16xf32, #tpu.memory_space<vmem>> -> memref<80x16xf32, #tpu.memory_space<vmem>>
      %dma_wait3A_476 = arith.constant 0 : i32
      %dma_wait3A_477 = tpu.memref_slice %arg11[%add3A_411, %dma_wait3A_476] : memref<10240x16xf32, #tpu.memory_space<vmem_shared>> -> memref<80x16xf32, #tpu.memory_space<vmem_shared>>
      %dma_wait3A_478 = arith.constant 0 : i32
      %dma_wait3A_479 = arith.constant 0 : i32
      %dma_wait3A_480 = tpu.memref_slice %arg16[%dma_wait3A_478, %dma_wait3A_479] : memref<80x16xf32, #tpu.memory_space<vmem>> -> memref<80x16xf32, #tpu.memory_space<vmem>>
      %dma_wait3A_481 = arith.constant 0 : i32
      %dma_wait3A_482 = tpu.memref_slice %arg11[%add3A_411, %dma_wait3A_481] : memref<10240x16xf32, #tpu.memory_space<vmem_shared>> -> memref<80x16xf32, #tpu.memory_space<vmem_shared>>
      tpu.wait_dma2 semaphore(%run_scoped3A_462 : memref<!tpu.dma_semaphore, #tpu.memory_space<semaphore_mem>>) src(%dma_wait3A_482 : memref<80x16xf32, #tpu.memory_space<vmem_shared>>) dst(%dma_wait3A_480 : memref<80x16xf32, #tpu.memory_space<vmem>>)
      tpu.yield
    }) : () -> ()
    %add3A_412 = arith.constant 80 : i32
    %add3A_413 = arith.addi %mul3A_2, %add3A_412 : i32
    "tpu.region"() ({
      %run_scoped3A_462 = tpu.sem_alloc : memref<!tpu.dma_semaphore, #tpu.memory_space<semaphore_mem>>
      %dma_start3A_463 = arith.constant 0 : i32
      %dma_start3A_464 = arith.constant 0 : i32
      %dma_start3A_465 = tpu.memref_slice %arg16[%dma_start3A_463, %dma_start3A_464] : memref<80x16xf32, #tpu.memory_space<vmem>> -> memref<80x16xf32, #tpu.memory_space<vmem>>
      %dma_start3A_466 = arith.constant 0 : i32
      %dma_start3A_467 = tpu.memref_slice %arg9[%arg0, %add3A_413, %dma_start3A_466] : memref<2x10240x16xf32, #tpu.memory_space<hbm>> -> memref<1x80x16xf32, #tpu.memory_space<hbm>>
      %dma_start3A_468 = tpu.memref_squeeze %dma_start3A_467 : memref<1x80x16xf32, #tpu.memory_space<hbm>> -> memref<80x16xf32, #tpu.memory_space<hbm>>
      %dma_start3A_469 = arith.constant 0 : i32
      %dma_start3A_470 = tpu.memref_slice %arg9[%arg0, %add3A_413, %dma_start3A_469] : memref<2x10240x16xf32, #tpu.memory_space<hbm>> -> memref<1x80x16xf32, #tpu.memory_space<hbm>>
      %dma_start3A_471 = tpu.memref_squeeze %dma_start3A_470 : memref<1x80x16xf32, #tpu.memory_space<hbm>> -> memref<80x16xf32, #tpu.memory_space<hbm>>
      %dma_start3A_472 = arith.constant 0 : i32
      %dma_start3A_473 = arith.constant 0 : i32
      %dma_start3A_474 = tpu.memref_slice %arg16[%dma_start3A_472, %dma_start3A_473] : memref<80x16xf32, #tpu.memory_space<vmem>> -> memref<80x16xf32, #tpu.memory_space<vmem>>
      tpu.enqueue_dma source(%dma_start3A_474 : memref<80x16xf32, #tpu.memory_space<vmem>>) target(%dma_start3A_471 : memref<80x16xf32, #tpu.memory_space<hbm>>) target_semaphore(%run_scoped3A_462 : memref<!tpu.dma_semaphore, #tpu.memory_space<semaphore_mem>>)
      %dma_wait3A_475 = arith.constant 0 : i32
      %dma_wait3A_476 = arith.constant 0 : i32
      %dma_wait3A_477 = tpu.memref_slice %arg16[%dma_wait3A_475, %dma_wait3A_476] : memref<80x16xf32, #tpu.memory_space<vmem>> -> memref<80x16xf32, #tpu.memory_space<vmem>>
      %dma_wait3A_478 = arith.constant 0 : i32
      %dma_wait3A_479 = tpu.memref_slice %arg9[%arg0, %add3A_413, %dma_wait3A_478] : memref<2x10240x16xf32, #tpu.memory_space<hbm>> -> memref<1x80x16xf32, #tpu.memory_space<hbm>>
      %dma_wait3A_480 = tpu.memref_squeeze %dma_wait3A_479 : memref<1x80x16xf32, #tpu.memory_space<hbm>> -> memref<80x16xf32, #tpu.memory_space<hbm>>
      %dma_wait3A_481 = arith.constant 0 : i32
      %dma_wait3A_482 = tpu.memref_slice %arg9[%arg0, %add3A_413, %dma_wait3A_481] : memref<2x10240x16xf32, #tpu.memory_space<hbm>> -> memref<1x80x16xf32, #tpu.memory_space<hbm>>
      %dma_wait3A_483 = tpu.memref_squeeze %dma_wait3A_482 : memref<1x80x16xf32, #tpu.memory_space<hbm>> -> memref<80x16xf32, #tpu.memory_space<hbm>>
      %dma_wait3A_484 = arith.constant 0 : i32
      %dma_wait3A_485 = arith.constant 0 : i32
      %dma_wait3A_486 = tpu.memref_slice %arg16[%dma_wait3A_484, %dma_wait3A_485] : memref<80x16xf32, #tpu.memory_space<vmem>> -> memref<80x16xf32, #tpu.memory_space<vmem>>
      tpu.wait_dma2 semaphore(%run_scoped3A_462 : memref<!tpu.dma_semaphore, #tpu.memory_space<semaphore_mem>>) src(%dma_wait3A_486 : memref<80x16xf32, #tpu.memory_space<vmem>>) dst(%dma_wait3A_483 : memref<80x16xf32, #tpu.memory_space<hbm>>)
      tpu.yield
    }) : () -> ()
    %add3A_414 = arith.constant 160 : i32
    %add3A_415 = arith.addi %mul3A_2, %add3A_414 : i32
    "tpu.region"() ({
      %run_scoped3A_462 = tpu.sem_alloc : memref<!tpu.dma_semaphore, #tpu.memory_space<semaphore_mem>>
      %dma_start3A_463 = arith.constant 0 : i32
      %dma_start3A_464 = arith.constant 0 : i32
      %dma_start3A_465 = tpu.memref_slice %arg14[%dma_start3A_463, %dma_start3A_464] : memref<80x128xf32, #tpu.memory_space<vmem>> -> memref<80x128xf32, #tpu.memory_space<vmem>>
      %dma_start3A_466 = arith.constant 0 : i32
      %dma_start3A_467 = tpu.memref_slice %arg10[%add3A_415, %dma_start3A_466] : memref<10240x128xf32, #tpu.memory_space<vmem_shared>> -> memref<80x128xf32, #tpu.memory_space<vmem_shared>>
      %dma_start3A_468 = arith.constant 0 : i32
      %dma_start3A_469 = arith.constant 0 : i32
      %dma_start3A_470 = tpu.memref_slice %arg14[%dma_start3A_468, %dma_start3A_469] : memref<80x128xf32, #tpu.memory_space<vmem>> -> memref<80x128xf32, #tpu.memory_space<vmem>>
      %dma_start3A_471 = arith.constant 0 : i32
      %dma_start3A_472 = tpu.memref_slice %arg10[%add3A_415, %dma_start3A_471] : memref<10240x128xf32, #tpu.memory_space<vmem_shared>> -> memref<80x128xf32, #tpu.memory_space<vmem_shared>>
      tpu.enqueue_dma source(%dma_start3A_472 : memref<80x128xf32, #tpu.memory_space<vmem_shared>>) target(%dma_start3A_470 : memref<80x128xf32, #tpu.memory_space<vmem>>) target_semaphore(%run_scoped3A_462 : memref<!tpu.dma_semaphore, #tpu.memory_space<semaphore_mem>>)
      %dma_wait3A_473 = arith.constant 0 : i32
      %dma_wait3A_474 = arith.constant 0 : i32
      %dma_wait3A_475 = tpu.memref_slice %arg14[%dma_wait3A_473, %dma_wait3A_474] : memref<80x128xf32, #tpu.memory_space<vmem>> -> memref<80x128xf32, #tpu.memory_space<vmem>>
      %dma_wait3A_476 = arith.constant 0 : i32
      %dma_wait3A_477 = tpu.memref_slice %arg10[%add3A_415, %dma_wait3A_476] : memref<10240x128xf32, #tpu.memory_space<vmem_shared>> -> memref<80x128xf32, #tpu.memory_space<vmem_shared>>
      %dma_wait3A_478 = arith.constant 0 : i32
      %dma_wait3A_479 = arith.constant 0 : i32
      %dma_wait3A_480 = tpu.memref_slice %arg14[%dma_wait3A_478, %dma_wait3A_479] : memref<80x128xf32, #tpu.memory_space<vmem>> -> memref<80x128xf32, #tpu.memory_space<vmem>>
      %dma_wait3A_481 = arith.constant 0 : i32
      %dma_wait3A_482 = tpu.memref_slice %arg10[%add3A_415, %dma_wait3A_481] : memref<10240x128xf32, #tpu.memory_space<vmem_shared>> -> memref<80x128xf32, #tpu.memory_space<vmem_shared>>
      tpu.wait_dma2 semaphore(%run_scoped3A_462 : memref<!tpu.dma_semaphore, #tpu.memory_space<semaphore_mem>>) src(%dma_wait3A_482 : memref<80x128xf32, #tpu.memory_space<vmem_shared>>) dst(%dma_wait3A_480 : memref<80x128xf32, #tpu.memory_space<vmem>>)
      tpu.yield
    }) : () -> ()
    %add3A_416 = arith.constant 160 : i32
    %add3A_417 = arith.addi %mul3A_2, %add3A_416 : i32
    "tpu.region"() ({
      %run_scoped3A_462 = tpu.sem_alloc : memref<!tpu.dma_semaphore, #tpu.memory_space<semaphore_mem>>
      %dma_start3A_463 = arith.constant 0 : i32
      %dma_start3A_464 = arith.constant 0 : i32
      %dma_start3A_465 = tpu.memref_slice %arg14[%dma_start3A_463, %dma_start3A_464] : memref<80x128xf32, #tpu.memory_space<vmem>> -> memref<80x128xf32, #tpu.memory_space<vmem>>
      %dma_start3A_466 = arith.constant 0 : i32
      %dma_start3A_467 = tpu.memref_slice %arg8[%arg0, %add3A_417, %dma_start3A_466] : memref<2x10240x128xf32, #tpu.memory_space<hbm>> -> memref<1x80x128xf32, #tpu.memory_space<hbm>>
      %dma_start3A_468 = tpu.memref_squeeze %dma_start3A_467 : memref<1x80x128xf32, #tpu.memory_space<hbm>> -> memref<80x128xf32, #tpu.memory_space<hbm>>
      %dma_start3A_469 = arith.constant 0 : i32
      %dma_start3A_470 = tpu.memref_slice %arg8[%arg0, %add3A_417, %dma_start3A_469] : memref<2x10240x128xf32, #tpu.memory_space<hbm>> -> memref<1x80x128xf32, #tpu.memory_space<hbm>>
      %dma_start3A_471 = tpu.memref_squeeze %dma_start3A_470 : memref<1x80x128xf32, #tpu.memory_space<hbm>> -> memref<80x128xf32, #tpu.memory_space<hbm>>
      %dma_start3A_472 = arith.constant 0 : i32
      %dma_start3A_473 = arith.constant 0 : i32
      %dma_start3A_474 = tpu.memref_slice %arg14[%dma_start3A_472, %dma_start3A_473] : memref<80x128xf32, #tpu.memory_space<vmem>> -> memref<80x128xf32, #tpu.memory_space<vmem>>
      tpu.enqueue_dma source(%dma_start3A_474 : memref<80x128xf32, #tpu.memory_space<vmem>>) target(%dma_start3A_471 : memref<80x128xf32, #tpu.memory_space<hbm>>) target_semaphore(%run_scoped3A_462 : memref<!tpu.dma_semaphore, #tpu.memory_space<semaphore_mem>>)
      %dma_wait3A_475 = arith.constant 0 : i32
      %dma_wait3A_476 = arith.constant 0 : i32
      %dma_wait3A_477 = tpu.memref_slice %arg14[%dma_wait3A_475, %dma_wait3A_476] : memref<80x128xf32, #tpu.memory_space<vmem>> -> memref<80x128xf32, #tpu.memory_space<vmem>>
      %dma_wait3A_478 = arith.constant 0 : i32
      %dma_wait3A_479 = tpu.memref_slice %arg8[%arg0, %add3A_417, %dma_wait3A_478] : memref<2x10240x128xf32, #tpu.memory_space<hbm>> -> memref<1x80x128xf32, #tpu.memory_space<hbm>>
      %dma_wait3A_480 = tpu.memref_squeeze %dma_wait3A_479 : memref<1x80x128xf32, #tpu.memory_space<hbm>> -> memref<80x128xf32, #tpu.memory_space<hbm>>
      %dma_wait3A_481 = arith.constant 0 : i32
      %dma_wait3A_482 = tpu.memref_slice %arg8[%arg0, %add3A_417, %dma_wait3A_481] : memref<2x10240x128xf32, #tpu.memory_space<hbm>> -> memref<1x80x128xf32, #tpu.memory_space<hbm>>
      %dma_wait3A_483 = tpu.memref_squeeze %dma_wait3A_482 : memref<1x80x128xf32, #tpu.memory_space<hbm>> -> memref<80x128xf32, #tpu.memory_space<hbm>>
      %dma_wait3A_484 = arith.constant 0 : i32
      %dma_wait3A_485 = arith.constant 0 : i32
      %dma_wait3A_486 = tpu.memref_slice %arg14[%dma_wait3A_484, %dma_wait3A_485] : memref<80x128xf32, #tpu.memory_space<vmem>> -> memref<80x128xf32, #tpu.memory_space<vmem>>
      tpu.wait_dma2 semaphore(%run_scoped3A_462 : memref<!tpu.dma_semaphore, #tpu.memory_space<semaphore_mem>>) src(%dma_wait3A_486 : memref<80x128xf32, #tpu.memory_space<vmem>>) dst(%dma_wait3A_483 : memref<80x128xf32, #tpu.memory_space<hbm>>)
      tpu.yield
    }) : () -> ()
    %add3A_418 = arith.constant 160 : i32
    %add3A_419 = arith.addi %mul3A_2, %add3A_418 : i32
    "tpu.region"() ({
      %run_scoped3A_462 = tpu.sem_alloc : memref<!tpu.dma_semaphore, #tpu.memory_space<semaphore_mem>>
      %dma_start3A_463 = arith.constant 0 : i32
      %dma_start3A_464 = arith.constant 0 : i32
      %dma_start3A_465 = tpu.memref_slice %arg16[%dma_start3A_463, %dma_start3A_464] : memref<80x16xf32, #tpu.memory_space<vmem>> -> memref<80x16xf32, #tpu.memory_space<vmem>>
      %dma_start3A_466 = arith.constant 0 : i32
      %dma_start3A_467 = tpu.memref_slice %arg11[%add3A_419, %dma_start3A_466] : memref<10240x16xf32, #tpu.memory_space<vmem_shared>> -> memref<80x16xf32, #tpu.memory_space<vmem_shared>>
      %dma_start3A_468 = arith.constant 0 : i32
      %dma_start3A_469 = arith.constant 0 : i32
      %dma_start3A_470 = tpu.memref_slice %arg16[%dma_start3A_468, %dma_start3A_469] : memref<80x16xf32, #tpu.memory_space<vmem>> -> memref<80x16xf32, #tpu.memory_space<vmem>>
      %dma_start3A_471 = arith.constant 0 : i32
      %dma_start3A_472 = tpu.memref_slice %arg11[%add3A_419, %dma_start3A_471] : memref<10240x16xf32, #tpu.memory_space<vmem_shared>> -> memref<80x16xf32, #tpu.memory_space<vmem_shared>>
      tpu.enqueue_dma source(%dma_start3A_472 : memref<80x16xf32, #tpu.memory_space<vmem_shared>>) target(%dma_start3A_470 : memref<80x16xf32, #tpu.memory_space<vmem>>) target_semaphore(%run_scoped3A_462 : memref<!tpu.dma_semaphore, #tpu.memory_space<semaphore_mem>>)
      %dma_wait3A_473 = arith.constant 0 : i32
      %dma_wait3A_474 = arith.constant 0 : i32
      %dma_wait3A_475 = tpu.memref_slice %arg16[%dma_wait3A_473, %dma_wait3A_474] : memref<80x16xf32, #tpu.memory_space<vmem>> -> memref<80x16xf32, #tpu.memory_space<vmem>>
      %dma_wait3A_476 = arith.constant 0 : i32
      %dma_wait3A_477 = tpu.memref_slice %arg11[%add3A_419, %dma_wait3A_476] : memref<10240x16xf32, #tpu.memory_space<vmem_shared>> -> memref<80x16xf32, #tpu.memory_space<vmem_shared>>
      %dma_wait3A_478 = arith.constant 0 : i32
      %dma_wait3A_479 = arith.constant 0 : i32
      %dma_wait3A_480 = tpu.memref_slice %arg16[%dma_wait3A_478, %dma_wait3A_479] : memref<80x16xf32, #tpu.memory_space<vmem>> -> memref<80x16xf32, #tpu.memory_space<vmem>>
      %dma_wait3A_481 = arith.constant 0 : i32
      %dma_wait3A_482 = tpu.memref_slice %arg11[%add3A_419, %dma_wait3A_481] : memref<10240x16xf32, #tpu.memory_space<vmem_shared>> -> memref<80x16xf32, #tpu.memory_space<vmem_shared>>
      tpu.wait_dma2 semaphore(%run_scoped3A_462 : memref<!tpu.dma_semaphore, #tpu.memory_space<semaphore_mem>>) src(%dma_wait3A_482 : memref<80x16xf32, #tpu.memory_space<vmem_shared>>) dst(%dma_wait3A_480 : memref<80x16xf32, #tpu.memory_space<vmem>>)
      tpu.yield
    }) : () -> ()
    %add3A_420 = arith.constant 160 : i32
    %add3A_421 = arith.addi %mul3A_2, %add3A_420 : i32
    "tpu.region"() ({
      %run_scoped3A_462 = tpu.sem_alloc : memref<!tpu.dma_semaphore, #tpu.memory_space<semaphore_mem>>
      %dma_start3A_463 = arith.constant 0 : i32
      %dma_start3A_464 = arith.constant 0 : i32
      %dma_start3A_465 = tpu.memref_slice %arg16[%dma_start3A_463, %dma_start3A_464] : memref<80x16xf32, #tpu.memory_space<vmem>> -> memref<80x16xf32, #tpu.memory_space<vmem>>
      %dma_start3A_466 = arith.constant 0 : i32
      %dma_start3A_467 = tpu.memref_slice %arg9[%arg0, %add3A_421, %dma_start3A_466] : memref<2x10240x16xf32, #tpu.memory_space<hbm>> -> memref<1x80x16xf32, #tpu.memory_space<hbm>>
      %dma_start3A_468 = tpu.memref_squeeze %dma_start3A_467 : memref<1x80x16xf32, #tpu.memory_space<hbm>> -> memref<80x16xf32, #tpu.memory_space<hbm>>
      %dma_start3A_469 = arith.constant 0 : i32
      %dma_start3A_470 = tpu.memref_slice %arg9[%arg0, %add3A_421, %dma_start3A_469] : memref<2x10240x16xf32, #tpu.memory_space<hbm>> -> memref<1x80x16xf32, #tpu.memory_space<hbm>>
      %dma_start3A_471 = tpu.memref_squeeze %dma_start3A_470 : memref<1x80x16xf32, #tpu.memory_space<hbm>> -> memref<80x16xf32, #tpu.memory_space<hbm>>
      %dma_start3A_472 = arith.constant 0 : i32
      %dma_start3A_473 = arith.constant 0 : i32
      %dma_start3A_474 = tpu.memref_slice %arg16[%dma_start3A_472, %dma_start3A_473] : memref<80x16xf32, #tpu.memory_space<vmem>> -> memref<80x16xf32, #tpu.memory_space<vmem>>
      tpu.enqueue_dma source(%dma_start3A_474 : memref<80x16xf32, #tpu.memory_space<vmem>>) target(%dma_start3A_471 : memref<80x16xf32, #tpu.memory_space<hbm>>) target_semaphore(%run_scoped3A_462 : memref<!tpu.dma_semaphore, #tpu.memory_space<semaphore_mem>>)
      %dma_wait3A_475 = arith.constant 0 : i32
      %dma_wait3A_476 = arith.constant 0 : i32
      %dma_wait3A_477 = tpu.memref_slice %arg16[%dma_wait3A_475, %dma_wait3A_476] : memref<80x16xf32, #tpu.memory_space<vmem>> -> memref<80x16xf32, #tpu.memory_space<vmem>>
      %dma_wait3A_478 = arith.constant 0 : i32
      %dma_wait3A_479 = tpu.memref_slice %arg9[%arg0, %add3A_421, %dma_wait3A_478] : memref<2x10240x16xf32, #tpu.memory_space<hbm>> -> memref<1x80x16xf32, #tpu.memory_space<hbm>>
      %dma_wait3A_480 = tpu.memref_squeeze %dma_wait3A_479 : memref<1x80x16xf32, #tpu.memory_space<hbm>> -> memref<80x16xf32, #tpu.memory_space<hbm>>
      %dma_wait3A_481 = arith.constant 0 : i32
      %dma_wait3A_482 = tpu.memref_slice %arg9[%arg0, %add3A_421, %dma_wait3A_481] : memref<2x10240x16xf32, #tpu.memory_space<hbm>> -> memref<1x80x16xf32, #tpu.memory_space<hbm>>
      %dma_wait3A_483 = tpu.memref_squeeze %dma_wait3A_482 : memref<1x80x16xf32, #tpu.memory_space<hbm>> -> memref<80x16xf32, #tpu.memory_space<hbm>>
      %dma_wait3A_484 = arith.constant 0 : i32
      %dma_wait3A_485 = arith.constant 0 : i32
      %dma_wait3A_486 = tpu.memref_slice %arg16[%dma_wait3A_484, %dma_wait3A_485] : memref<80x16xf32, #tpu.memory_space<vmem>> -> memref<80x16xf32, #tpu.memory_space<vmem>>
      tpu.wait_dma2 semaphore(%run_scoped3A_462 : memref<!tpu.dma_semaphore, #tpu.memory_space<semaphore_mem>>) src(%dma_wait3A_486 : memref<80x16xf32, #tpu.memory_space<vmem>>) dst(%dma_wait3A_483 : memref<80x16xf32, #tpu.memory_space<hbm>>)
      tpu.yield
    }) : () -> ()
    %add3A_422 = arith.constant 240 : i32
    %add3A_423 = arith.addi %mul3A_2, %add3A_422 : i32
    "tpu.region"() ({
      %run_scoped3A_462 = tpu.sem_alloc : memref<!tpu.dma_semaphore, #tpu.memory_space<semaphore_mem>>
      %dma_start3A_463 = arith.constant 0 : i32
      %dma_start3A_464 = arith.constant 0 : i32
      %dma_start3A_465 = tpu.memref_slice %arg14[%dma_start3A_463, %dma_start3A_464] : memref<80x128xf32, #tpu.memory_space<vmem>> -> memref<80x128xf32, #tpu.memory_space<vmem>>
      %dma_start3A_466 = arith.constant 0 : i32
      %dma_start3A_467 = tpu.memref_slice %arg10[%add3A_423, %dma_start3A_466] : memref<10240x128xf32, #tpu.memory_space<vmem_shared>> -> memref<80x128xf32, #tpu.memory_space<vmem_shared>>
      %dma_start3A_468 = arith.constant 0 : i32
      %dma_start3A_469 = arith.constant 0 : i32
      %dma_start3A_470 = tpu.memref_slice %arg14[%dma_start3A_468, %dma_start3A_469] : memref<80x128xf32, #tpu.memory_space<vmem>> -> memref<80x128xf32, #tpu.memory_space<vmem>>
      %dma_start3A_471 = arith.constant 0 : i32
      %dma_start3A_472 = tpu.memref_slice %arg10[%add3A_423, %dma_start3A_471] : memref<10240x128xf32, #tpu.memory_space<vmem_shared>> -> memref<80x128xf32, #tpu.memory_space<vmem_shared>>
      tpu.enqueue_dma source(%dma_start3A_472 : memref<80x128xf32, #tpu.memory_space<vmem_shared>>) target(%dma_start3A_470 : memref<80x128xf32, #tpu.memory_space<vmem>>) target_semaphore(%run_scoped3A_462 : memref<!tpu.dma_semaphore, #tpu.memory_space<semaphore_mem>>)
      %dma_wait3A_473 = arith.constant 0 : i32
      %dma_wait3A_474 = arith.constant 0 : i32
      %dma_wait3A_475 = tpu.memref_slice %arg14[%dma_wait3A_473, %dma_wait3A_474] : memref<80x128xf32, #tpu.memory_space<vmem>> -> memref<80x128xf32, #tpu.memory_space<vmem>>
      %dma_wait3A_476 = arith.constant 0 : i32
      %dma_wait3A_477 = tpu.memref_slice %arg10[%add3A_423, %dma_wait3A_476] : memref<10240x128xf32, #tpu.memory_space<vmem_shared>> -> memref<80x128xf32, #tpu.memory_space<vmem_shared>>
      %dma_wait3A_478 = arith.constant 0 : i32
      %dma_wait3A_479 = arith.constant 0 : i32
      %dma_wait3A_480 = tpu.memref_slice %arg14[%dma_wait3A_478, %dma_wait3A_479] : memref<80x128xf32, #tpu.memory_space<vmem>> -> memref<80x128xf32, #tpu.memory_space<vmem>>
      %dma_wait3A_481 = arith.constant 0 : i32
      %dma_wait3A_482 = tpu.memref_slice %arg10[%add3A_423, %dma_wait3A_481] : memref<10240x128xf32, #tpu.memory_space<vmem_shared>> -> memref<80x128xf32, #tpu.memory_space<vmem_shared>>
      tpu.wait_dma2 semaphore(%run_scoped3A_462 : memref<!tpu.dma_semaphore, #tpu.memory_space<semaphore_mem>>) src(%dma_wait3A_482 : memref<80x128xf32, #tpu.memory_space<vmem_shared>>) dst(%dma_wait3A_480 : memref<80x128xf32, #tpu.memory_space<vmem>>)
      tpu.yield
    }) : () -> ()
    %add3A_424 = arith.constant 240 : i32
    %add3A_425 = arith.addi %mul3A_2, %add3A_424 : i32
    "tpu.region"() ({
      %run_scoped3A_462 = tpu.sem_alloc : memref<!tpu.dma_semaphore, #tpu.memory_space<semaphore_mem>>
      %dma_start3A_463 = arith.constant 0 : i32
      %dma_start3A_464 = arith.constant 0 : i32
      %dma_start3A_465 = tpu.memref_slice %arg14[%dma_start3A_463, %dma_start3A_464] : memref<80x128xf32, #tpu.memory_space<vmem>> -> memref<80x128xf32, #tpu.memory_space<vmem>>
      %dma_start3A_466 = arith.constant 0 : i32
      %dma_start3A_467 = tpu.memref_slice %arg8[%arg0, %add3A_425, %dma_start3A_466] : memref<2x10240x128xf32, #tpu.memory_space<hbm>> -> memref<1x80x128xf32, #tpu.memory_space<hbm>>
      %dma_start3A_468 = tpu.memref_squeeze %dma_start3A_467 : memref<1x80x128xf32, #tpu.memory_space<hbm>> -> memref<80x128xf32, #tpu.memory_space<hbm>>
      %dma_start3A_469 = arith.constant 0 : i32
      %dma_start3A_470 = tpu.memref_slice %arg8[%arg0, %add3A_425, %dma_start3A_469] : memref<2x10240x128xf32, #tpu.memory_space<hbm>> -> memref<1x80x128xf32, #tpu.memory_space<hbm>>
      %dma_start3A_471 = tpu.memref_squeeze %dma_start3A_470 : memref<1x80x128xf32, #tpu.memory_space<hbm>> -> memref<80x128xf32, #tpu.memory_space<hbm>>
      %dma_start3A_472 = arith.constant 0 : i32
      %dma_start3A_473 = arith.constant 0 : i32
      %dma_start3A_474 = tpu.memref_slice %arg14[%dma_start3A_472, %dma_start3A_473] : memref<80x128xf32, #tpu.memory_space<vmem>> -> memref<80x128xf32, #tpu.memory_space<vmem>>
      tpu.enqueue_dma source(%dma_start3A_474 : memref<80x128xf32, #tpu.memory_space<vmem>>) target(%dma_start3A_471 : memref<80x128xf32, #tpu.memory_space<hbm>>) target_semaphore(%run_scoped3A_462 : memref<!tpu.dma_semaphore, #tpu.memory_space<semaphore_mem>>)
      %dma_wait3A_475 = arith.constant 0 : i32
      %dma_wait3A_476 = arith.constant 0 : i32
      %dma_wait3A_477 = tpu.memref_slice %arg14[%dma_wait3A_475, %dma_wait3A_476] : memref<80x128xf32, #tpu.memory_space<vmem>> -> memref<80x128xf32, #tpu.memory_space<vmem>>
      %dma_wait3A_478 = arith.constant 0 : i32
      %dma_wait3A_479 = tpu.memref_slice %arg8[%arg0, %add3A_425, %dma_wait3A_478] : memref<2x10240x128xf32, #tpu.memory_space<hbm>> -> memref<1x80x128xf32, #tpu.memory_space<hbm>>
      %dma_wait3A_480 = tpu.memref_squeeze %dma_wait3A_479 : memref<1x80x128xf32, #tpu.memory_space<hbm>> -> memref<80x128xf32, #tpu.memory_space<hbm>>
      %dma_wait3A_481 = arith.constant 0 : i32
      %dma_wait3A_482 = tpu.memref_slice %arg8[%arg0, %add3A_425, %dma_wait3A_481] : memref<2x10240x128xf32, #tpu.memory_space<hbm>> -> memref<1x80x128xf32, #tpu.memory_space<hbm>>
      %dma_wait3A_483 = tpu.memref_squeeze %dma_wait3A_482 : memref<1x80x128xf32, #tpu.memory_space<hbm>> -> memref<80x128xf32, #tpu.memory_space<hbm>>
      %dma_wait3A_484 = arith.constant 0 : i32
      %dma_wait3A_485 = arith.constant 0 : i32
      %dma_wait3A_486 = tpu.memref_slice %arg14[%dma_wait3A_484, %dma_wait3A_485] : memref<80x128xf32, #tpu.memory_space<vmem>> -> memref<80x128xf32, #tpu.memory_space<vmem>>
      tpu.wait_dma2 semaphore(%run_scoped3A_462 : memref<!tpu.dma_semaphore, #tpu.memory_space<semaphore_mem>>) src(%dma_wait3A_486 : memref<80x128xf32, #tpu.memory_space<vmem>>) dst(%dma_wait3A_483 : memref<80x128xf32, #tpu.memory_space<hbm>>)
      tpu.yield
    }) : () -> ()
    %add3A_426 = arith.constant 240 : i32
    %add3A_427 = arith.addi %mul3A_2, %add3A_426 : i32
    "tpu.region"() ({
      %run_scoped3A_462 = tpu.sem_alloc : memref<!tpu.dma_semaphore, #tpu.memory_space<semaphore_mem>>
      %dma_start3A_463 = arith.constant 0 : i32
      %dma_start3A_464 = arith.constant 0 : i32
      %dma_start3A_465 = tpu.memref_slice %arg16[%dma_start3A_463, %dma_start3A_464] : memref<80x16xf32, #tpu.memory_space<vmem>> -> memref<80x16xf32, #tpu.memory_space<vmem>>
      %dma_start3A_466 = arith.constant 0 : i32
      %dma_start3A_467 = tpu.memref_slice %arg11[%add3A_427, %dma_start3A_466] : memref<10240x16xf32, #tpu.memory_space<vmem_shared>> -> memref<80x16xf32, #tpu.memory_space<vmem_shared>>
      %dma_start3A_468 = arith.constant 0 : i32
      %dma_start3A_469 = arith.constant 0 : i32
      %dma_start3A_470 = tpu.memref_slice %arg16[%dma_start3A_468, %dma_start3A_469] : memref<80x16xf32, #tpu.memory_space<vmem>> -> memref<80x16xf32, #tpu.memory_space<vmem>>
      %dma_start3A_471 = arith.constant 0 : i32
      %dma_start3A_472 = tpu.memref_slice %arg11[%add3A_427, %dma_start3A_471] : memref<10240x16xf32, #tpu.memory_space<vmem_shared>> -> memref<80x16xf32, #tpu.memory_space<vmem_shared>>
      tpu.enqueue_dma source(%dma_start3A_472 : memref<80x16xf32, #tpu.memory_space<vmem_shared>>) target(%dma_start3A_470 : memref<80x16xf32, #tpu.memory_space<vmem>>) target_semaphore(%run_scoped3A_462 : memref<!tpu.dma_semaphore, #tpu.memory_space<semaphore_mem>>)
      %dma_wait3A_473 = arith.constant 0 : i32
      %dma_wait3A_474 = arith.constant 0 : i32
      %dma_wait3A_475 = tpu.memref_slice %arg16[%dma_wait3A_473, %dma_wait3A_474] : memref<80x16xf32, #tpu.memory_space<vmem>> -> memref<80x16xf32, #tpu.memory_space<vmem>>
      %dma_wait3A_476 = arith.constant 0 : i32
      %dma_wait3A_477 = tpu.memref_slice %arg11[%add3A_427, %dma_wait3A_476] : memref<10240x16xf32, #tpu.memory_space<vmem_shared>> -> memref<80x16xf32, #tpu.memory_space<vmem_shared>>
      %dma_wait3A_478 = arith.constant 0 : i32
      %dma_wait3A_479 = arith.constant 0 : i32
      %dma_wait3A_480 = tpu.memref_slice %arg16[%dma_wait3A_478, %dma_wait3A_479] : memref<80x16xf32, #tpu.memory_space<vmem>> -> memref<80x16xf32, #tpu.memory_space<vmem>>
      %dma_wait3A_481 = arith.constant 0 : i32
      %dma_wait3A_482 = tpu.memref_slice %arg11[%add3A_427, %dma_wait3A_481] : memref<10240x16xf32, #tpu.memory_space<vmem_shared>> -> memref<80x16xf32, #tpu.memory_space<vmem_shared>>
      tpu.wait_dma2 semaphore(%run_scoped3A_462 : memref<!tpu.dma_semaphore, #tpu.memory_space<semaphore_mem>>) src(%dma_wait3A_482 : memref<80x16xf32, #tpu.memory_space<vmem_shared>>) dst(%dma_wait3A_480 : memref<80x16xf32, #tpu.memory_space<vmem>>)
      tpu.yield
    }) : () -> ()
    %add3A_428 = arith.constant 240 : i32
    %add3A_429 = arith.addi %mul3A_2, %add3A_428 : i32
    "tpu.region"() ({
      %run_scoped3A_462 = tpu.sem_alloc : memref<!tpu.dma_semaphore, #tpu.memory_space<semaphore_mem>>
      %dma_start3A_463 = arith.constant 0 : i32
      %dma_start3A_464 = arith.constant 0 : i32
      %dma_start3A_465 = tpu.memref_slice %arg16[%dma_start3A_463, %dma_start3A_464] : memref<80x16xf32, #tpu.memory_space<vmem>> -> memref<80x16xf32, #tpu.memory_space<vmem>>
      %dma_start3A_466 = arith.constant 0 : i32
      %dma_start3A_467 = tpu.memref_slice %arg9[%arg0, %add3A_429, %dma_start3A_466] : memref<2x10240x16xf32, #tpu.memory_space<hbm>> -> memref<1x80x16xf32, #tpu.memory_space<hbm>>
      %dma_start3A_468 = tpu.memref_squeeze %dma_start3A_467 : memref<1x80x16xf32, #tpu.memory_space<hbm>> -> memref<80x16xf32, #tpu.memory_space<hbm>>
      %dma_start3A_469 = arith.constant 0 : i32
      %dma_start3A_470 = tpu.memref_slice %arg9[%arg0, %add3A_429, %dma_start3A_469] : memref<2x10240x16xf32, #tpu.memory_space<hbm>> -> memref<1x80x16xf32, #tpu.memory_space<hbm>>
      %dma_start3A_471 = tpu.memref_squeeze %dma_start3A_470 : memref<1x80x16xf32, #tpu.memory_space<hbm>> -> memref<80x16xf32, #tpu.memory_space<hbm>>
      %dma_start3A_472 = arith.constant 0 : i32
      %dma_start3A_473 = arith.constant 0 : i32
      %dma_start3A_474 = tpu.memref_slice %arg16[%dma_start3A_472, %dma_start3A_473] : memref<80x16xf32, #tpu.memory_space<vmem>> -> memref<80x16xf32, #tpu.memory_space<vmem>>
      tpu.enqueue_dma source(%dma_start3A_474 : memref<80x16xf32, #tpu.memory_space<vmem>>) target(%dma_start3A_471 : memref<80x16xf32, #tpu.memory_space<hbm>>) target_semaphore(%run_scoped3A_462 : memref<!tpu.dma_semaphore, #tpu.memory_space<semaphore_mem>>)
      %dma_wait3A_475 = arith.constant 0 : i32
      %dma_wait3A_476 = arith.constant 0 : i32
      %dma_wait3A_477 = tpu.memref_slice %arg16[%dma_wait3A_475, %dma_wait3A_476] : memref<80x16xf32, #tpu.memory_space<vmem>> -> memref<80x16xf32, #tpu.memory_space<vmem>>
      %dma_wait3A_478 = arith.constant 0 : i32
      %dma_wait3A_479 = tpu.memref_slice %arg9[%arg0, %add3A_429, %dma_wait3A_478] : memref<2x10240x16xf32, #tpu.memory_space<hbm>> -> memref<1x80x16xf32, #tpu.memory_space<hbm>>
      %dma_wait3A_480 = tpu.memref_squeeze %dma_wait3A_479 : memref<1x80x16xf32, #tpu.memory_space<hbm>> -> memref<80x16xf32, #tpu.memory_space<hbm>>
      %dma_wait3A_481 = arith.constant 0 : i32
      %dma_wait3A_482 = tpu.memref_slice %arg9[%arg0, %add3A_429, %dma_wait3A_481] : memref<2x10240x16xf32, #tpu.memory_space<hbm>> -> memref<1x80x16xf32, #tpu.memory_space<hbm>>
      %dma_wait3A_483 = tpu.memref_squeeze %dma_wait3A_482 : memref<1x80x16xf32, #tpu.memory_space<hbm>> -> memref<80x16xf32, #tpu.memory_space<hbm>>
      %dma_wait3A_484 = arith.constant 0 : i32
      %dma_wait3A_485 = arith.constant 0 : i32
      %dma_wait3A_486 = tpu.memref_slice %arg16[%dma_wait3A_484, %dma_wait3A_485] : memref<80x16xf32, #tpu.memory_space<vmem>> -> memref<80x16xf32, #tpu.memory_space<vmem>>
      tpu.wait_dma2 semaphore(%run_scoped3A_462 : memref<!tpu.dma_semaphore, #tpu.memory_space<semaphore_mem>>) src(%dma_wait3A_486 : memref<80x16xf32, #tpu.memory_space<vmem>>) dst(%dma_wait3A_483 : memref<80x16xf32, #tpu.memory_space<hbm>>)
      tpu.yield
    }) : () -> ()
    %add3A_430 = arith.constant 320 : i32
    %add3A_431 = arith.addi %mul3A_2, %add3A_430 : i32
    "tpu.region"() ({
      %run_scoped3A_462 = tpu.sem_alloc : memref<!tpu.dma_semaphore, #tpu.memory_space<semaphore_mem>>
      %dma_start3A_463 = arith.constant 0 : i32
      %dma_start3A_464 = arith.constant 0 : i32
      %dma_start3A_465 = tpu.memref_slice %arg14[%dma_start3A_463, %dma_start3A_464] : memref<80x128xf32, #tpu.memory_space<vmem>> -> memref<80x128xf32, #tpu.memory_space<vmem>>
      %dma_start3A_466 = arith.constant 0 : i32
      %dma_start3A_467 = tpu.memref_slice %arg10[%add3A_431, %dma_start3A_466] : memref<10240x128xf32, #tpu.memory_space<vmem_shared>> -> memref<80x128xf32, #tpu.memory_space<vmem_shared>>
      %dma_start3A_468 = arith.constant 0 : i32
      %dma_start3A_469 = arith.constant 0 : i32
      %dma_start3A_470 = tpu.memref_slice %arg14[%dma_start3A_468, %dma_start3A_469] : memref<80x128xf32, #tpu.memory_space<vmem>> -> memref<80x128xf32, #tpu.memory_space<vmem>>
      %dma_start3A_471 = arith.constant 0 : i32
      %dma_start3A_472 = tpu.memref_slice %arg10[%add3A_431, %dma_start3A_471] : memref<10240x128xf32, #tpu.memory_space<vmem_shared>> -> memref<80x128xf32, #tpu.memory_space<vmem_shared>>
      tpu.enqueue_dma source(%dma_start3A_472 : memref<80x128xf32, #tpu.memory_space<vmem_shared>>) target(%dma_start3A_470 : memref<80x128xf32, #tpu.memory_space<vmem>>) target_semaphore(%run_scoped3A_462 : memref<!tpu.dma_semaphore, #tpu.memory_space<semaphore_mem>>)
      %dma_wait3A_473 = arith.constant 0 : i32
      %dma_wait3A_474 = arith.constant 0 : i32
      %dma_wait3A_475 = tpu.memref_slice %arg14[%dma_wait3A_473, %dma_wait3A_474] : memref<80x128xf32, #tpu.memory_space<vmem>> -> memref<80x128xf32, #tpu.memory_space<vmem>>
      %dma_wait3A_476 = arith.constant 0 : i32
      %dma_wait3A_477 = tpu.memref_slice %arg10[%add3A_431, %dma_wait3A_476] : memref<10240x128xf32, #tpu.memory_space<vmem_shared>> -> memref<80x128xf32, #tpu.memory_space<vmem_shared>>
      %dma_wait3A_478 = arith.constant 0 : i32
      %dma_wait3A_479 = arith.constant 0 : i32
      %dma_wait3A_480 = tpu.memref_slice %arg14[%dma_wait3A_478, %dma_wait3A_479] : memref<80x128xf32, #tpu.memory_space<vmem>> -> memref<80x128xf32, #tpu.memory_space<vmem>>
      %dma_wait3A_481 = arith.constant 0 : i32
      %dma_wait3A_482 = tpu.memref_slice %arg10[%add3A_431, %dma_wait3A_481] : memref<10240x128xf32, #tpu.memory_space<vmem_shared>> -> memref<80x128xf32, #tpu.memory_space<vmem_shared>>
      tpu.wait_dma2 semaphore(%run_scoped3A_462 : memref<!tpu.dma_semaphore, #tpu.memory_space<semaphore_mem>>) src(%dma_wait3A_482 : memref<80x128xf32, #tpu.memory_space<vmem_shared>>) dst(%dma_wait3A_480 : memref<80x128xf32, #tpu.memory_space<vmem>>)
      tpu.yield
    }) : () -> ()
    %add3A_432 = arith.constant 320 : i32
    %add3A_433 = arith.addi %mul3A_2, %add3A_432 : i32
    "tpu.region"() ({
      %run_scoped3A_462 = tpu.sem_alloc : memref<!tpu.dma_semaphore, #tpu.memory_space<semaphore_mem>>
      %dma_start3A_463 = arith.constant 0 : i32
      %dma_start3A_464 = arith.constant 0 : i32
      %dma_start3A_465 = tpu.memref_slice %arg14[%dma_start3A_463, %dma_start3A_464] : memref<80x128xf32, #tpu.memory_space<vmem>> -> memref<80x128xf32, #tpu.memory_space<vmem>>
      %dma_start3A_466 = arith.constant 0 : i32
      %dma_start3A_467 = tpu.memref_slice %arg8[%arg0, %add3A_433, %dma_start3A_466] : memref<2x10240x128xf32, #tpu.memory_space<hbm>> -> memref<1x80x128xf32, #tpu.memory_space<hbm>>
      %dma_start3A_468 = tpu.memref_squeeze %dma_start3A_467 : memref<1x80x128xf32, #tpu.memory_space<hbm>> -> memref<80x128xf32, #tpu.memory_space<hbm>>
      %dma_start3A_469 = arith.constant 0 : i32
      %dma_start3A_470 = tpu.memref_slice %arg8[%arg0, %add3A_433, %dma_start3A_469] : memref<2x10240x128xf32, #tpu.memory_space<hbm>> -> memref<1x80x128xf32, #tpu.memory_space<hbm>>
      %dma_start3A_471 = tpu.memref_squeeze %dma_start3A_470 : memref<1x80x128xf32, #tpu.memory_space<hbm>> -> memref<80x128xf32, #tpu.memory_space<hbm>>
      %dma_start3A_472 = arith.constant 0 : i32
      %dma_start3A_473 = arith.constant 0 : i32
      %dma_start3A_474 = tpu.memref_slice %arg14[%dma_start3A_472, %dma_start3A_473] : memref<80x128xf32, #tpu.memory_space<vmem>> -> memref<80x128xf32, #tpu.memory_space<vmem>>
      tpu.enqueue_dma source(%dma_start3A_474 : memref<80x128xf32, #tpu.memory_space<vmem>>) target(%dma_start3A_471 : memref<80x128xf32, #tpu.memory_space<hbm>>) target_semaphore(%run_scoped3A_462 : memref<!tpu.dma_semaphore, #tpu.memory_space<semaphore_mem>>)
      %dma_wait3A_475 = arith.constant 0 : i32
      %dma_wait3A_476 = arith.constant 0 : i32
      %dma_wait3A_477 = tpu.memref_slice %arg14[%dma_wait3A_475, %dma_wait3A_476] : memref<80x128xf32, #tpu.memory_space<vmem>> -> memref<80x128xf32, #tpu.memory_space<vmem>>
      %dma_wait3A_478 = arith.constant 0 : i32
      %dma_wait3A_479 = tpu.memref_slice %arg8[%arg0, %add3A_433, %dma_wait3A_478] : memref<2x10240x128xf32, #tpu.memory_space<hbm>> -> memref<1x80x128xf32, #tpu.memory_space<hbm>>
      %dma_wait3A_480 = tpu.memref_squeeze %dma_wait3A_479 : memref<1x80x128xf32, #tpu.memory_space<hbm>> -> memref<80x128xf32, #tpu.memory_space<hbm>>
      %dma_wait3A_481 = arith.constant 0 : i32
      %dma_wait3A_482 = tpu.memref_slice %arg8[%arg0, %add3A_433, %dma_wait3A_481] : memref<2x10240x128xf32, #tpu.memory_space<hbm>> -> memref<1x80x128xf32, #tpu.memory_space<hbm>>
      %dma_wait3A_483 = tpu.memref_squeeze %dma_wait3A_482 : memref<1x80x128xf32, #tpu.memory_space<hbm>> -> memref<80x128xf32, #tpu.memory_space<hbm>>
      %dma_wait3A_484 = arith.constant 0 : i32
      %dma_wait3A_485 = arith.constant 0 : i32
      %dma_wait3A_486 = tpu.memref_slice %arg14[%dma_wait3A_484, %dma_wait3A_485] : memref<80x128xf32, #tpu.memory_space<vmem>> -> memref<80x128xf32, #tpu.memory_space<vmem>>
      tpu.wait_dma2 semaphore(%run_scoped3A_462 : memref<!tpu.dma_semaphore, #tpu.memory_space<semaphore_mem>>) src(%dma_wait3A_486 : memref<80x128xf32, #tpu.memory_space<vmem>>) dst(%dma_wait3A_483 : memref<80x128xf32, #tpu.memory_space<hbm>>)
      tpu.yield
    }) : () -> ()
    %add3A_434 = arith.constant 320 : i32
    %add3A_435 = arith.addi %mul3A_2, %add3A_434 : i32
    "tpu.region"() ({
      %run_scoped3A_462 = tpu.sem_alloc : memref<!tpu.dma_semaphore, #tpu.memory_space<semaphore_mem>>
      %dma_start3A_463 = arith.constant 0 : i32
      %dma_start3A_464 = arith.constant 0 : i32
      %dma_start3A_465 = tpu.memref_slice %arg16[%dma_start3A_463, %dma_start3A_464] : memref<80x16xf32, #tpu.memory_space<vmem>> -> memref<80x16xf32, #tpu.memory_space<vmem>>
      %dma_start3A_466 = arith.constant 0 : i32
      %dma_start3A_467 = tpu.memref_slice %arg11[%add3A_435, %dma_start3A_466] : memref<10240x16xf32, #tpu.memory_space<vmem_shared>> -> memref<80x16xf32, #tpu.memory_space<vmem_shared>>
      %dma_start3A_468 = arith.constant 0 : i32
      %dma_start3A_469 = arith.constant 0 : i32
      %dma_start3A_470 = tpu.memref_slice %arg16[%dma_start3A_468, %dma_start3A_469] : memref<80x16xf32, #tpu.memory_space<vmem>> -> memref<80x16xf32, #tpu.memory_space<vmem>>
      %dma_start3A_471 = arith.constant 0 : i32
      %dma_start3A_472 = tpu.memref_slice %arg11[%add3A_435, %dma_start3A_471] : memref<10240x16xf32, #tpu.memory_space<vmem_shared>> -> memref<80x16xf32, #tpu.memory_space<vmem_shared>>
      tpu.enqueue_dma source(%dma_start3A_472 : memref<80x16xf32, #tpu.memory_space<vmem_shared>>) target(%dma_start3A_470 : memref<80x16xf32, #tpu.memory_space<vmem>>) target_semaphore(%run_scoped3A_462 : memref<!tpu.dma_semaphore, #tpu.memory_space<semaphore_mem>>)
      %dma_wait3A_473 = arith.constant 0 : i32
      %dma_wait3A_474 = arith.constant 0 : i32
      %dma_wait3A_475 = tpu.memref_slice %arg16[%dma_wait3A_473, %dma_wait3A_474] : memref<80x16xf32, #tpu.memory_space<vmem>> -> memref<80x16xf32, #tpu.memory_space<vmem>>
      %dma_wait3A_476 = arith.constant 0 : i32
      %dma_wait3A_477 = tpu.memref_slice %arg11[%add3A_435, %dma_wait3A_476] : memref<10240x16xf32, #tpu.memory_space<vmem_shared>> -> memref<80x16xf32, #tpu.memory_space<vmem_shared>>
      %dma_wait3A_478 = arith.constant 0 : i32
      %dma_wait3A_479 = arith.constant 0 : i32
      %dma_wait3A_480 = tpu.memref_slice %arg16[%dma_wait3A_478, %dma_wait3A_479] : memref<80x16xf32, #tpu.memory_space<vmem>> -> memref<80x16xf32, #tpu.memory_space<vmem>>
      %dma_wait3A_481 = arith.constant 0 : i32
      %dma_wait3A_482 = tpu.memref_slice %arg11[%add3A_435, %dma_wait3A_481] : memref<10240x16xf32, #tpu.memory_space<vmem_shared>> -> memref<80x16xf32, #tpu.memory_space<vmem_shared>>
      tpu.wait_dma2 semaphore(%run_scoped3A_462 : memref<!tpu.dma_semaphore, #tpu.memory_space<semaphore_mem>>) src(%dma_wait3A_482 : memref<80x16xf32, #tpu.memory_space<vmem_shared>>) dst(%dma_wait3A_480 : memref<80x16xf32, #tpu.memory_space<vmem>>)
      tpu.yield
    }) : () -> ()
    %add3A_436 = arith.constant 320 : i32
    %add3A_437 = arith.addi %mul3A_2, %add3A_436 : i32
    "tpu.region"() ({
      %run_scoped3A_462 = tpu.sem_alloc : memref<!tpu.dma_semaphore, #tpu.memory_space<semaphore_mem>>
      %dma_start3A_463 = arith.constant 0 : i32
      %dma_start3A_464 = arith.constant 0 : i32
      %dma_start3A_465 = tpu.memref_slice %arg16[%dma_start3A_463, %dma_start3A_464] : memref<80x16xf32, #tpu.memory_space<vmem>> -> memref<80x16xf32, #tpu.memory_space<vmem>>
      %dma_start3A_466 = arith.constant 0 : i32
      %dma_start3A_467 = tpu.memref_slice %arg9[%arg0, %add3A_437, %dma_start3A_466] : memref<2x10240x16xf32, #tpu.memory_space<hbm>> -> memref<1x80x16xf32, #tpu.memory_space<hbm>>
      %dma_start3A_468 = tpu.memref_squeeze %dma_start3A_467 : memref<1x80x16xf32, #tpu.memory_space<hbm>> -> memref<80x16xf32, #tpu.memory_space<hbm>>
      %dma_start3A_469 = arith.constant 0 : i32
      %dma_start3A_470 = tpu.memref_slice %arg9[%arg0, %add3A_437, %dma_start3A_469] : memref<2x10240x16xf32, #tpu.memory_space<hbm>> -> memref<1x80x16xf32, #tpu.memory_space<hbm>>
      %dma_start3A_471 = tpu.memref_squeeze %dma_start3A_470 : memref<1x80x16xf32, #tpu.memory_space<hbm>> -> memref<80x16xf32, #tpu.memory_space<hbm>>
      %dma_start3A_472 = arith.constant 0 : i32
      %dma_start3A_473 = arith.constant 0 : i32
      %dma_start3A_474 = tpu.memref_slice %arg16[%dma_start3A_472, %dma_start3A_473] : memref<80x16xf32, #tpu.memory_space<vmem>> -> memref<80x16xf32, #tpu.memory_space<vmem>>
      tpu.enqueue_dma source(%dma_start3A_474 : memref<80x16xf32, #tpu.memory_space<vmem>>) target(%dma_start3A_471 : memref<80x16xf32, #tpu.memory_space<hbm>>) target_semaphore(%run_scoped3A_462 : memref<!tpu.dma_semaphore, #tpu.memory_space<semaphore_mem>>)
      %dma_wait3A_475 = arith.constant 0 : i32
      %dma_wait3A_476 = arith.constant 0 : i32
      %dma_wait3A_477 = tpu.memref_slice %arg16[%dma_wait3A_475, %dma_wait3A_476] : memref<80x16xf32, #tpu.memory_space<vmem>> -> memref<80x16xf32, #tpu.memory_space<vmem>>
      %dma_wait3A_478 = arith.constant 0 : i32
      %dma_wait3A_479 = tpu.memref_slice %arg9[%arg0, %add3A_437, %dma_wait3A_478] : memref<2x10240x16xf32, #tpu.memory_space<hbm>> -> memref<1x80x16xf32, #tpu.memory_space<hbm>>
      %dma_wait3A_480 = tpu.memref_squeeze %dma_wait3A_479 : memref<1x80x16xf32, #tpu.memory_space<hbm>> -> memref<80x16xf32, #tpu.memory_space<hbm>>
      %dma_wait3A_481 = arith.constant 0 : i32
      %dma_wait3A_482 = tpu.memref_slice %arg9[%arg0, %add3A_437, %dma_wait3A_481] : memref<2x10240x16xf32, #tpu.memory_space<hbm>> -> memref<1x80x16xf32, #tpu.memory_space<hbm>>
      %dma_wait3A_483 = tpu.memref_squeeze %dma_wait3A_482 : memref<1x80x16xf32, #tpu.memory_space<hbm>> -> memref<80x16xf32, #tpu.memory_space<hbm>>
      %dma_wait3A_484 = arith.constant 0 : i32
      %dma_wait3A_485 = arith.constant 0 : i32
      %dma_wait3A_486 = tpu.memref_slice %arg16[%dma_wait3A_484, %dma_wait3A_485] : memref<80x16xf32, #tpu.memory_space<vmem>> -> memref<80x16xf32, #tpu.memory_space<vmem>>
      tpu.wait_dma2 semaphore(%run_scoped3A_462 : memref<!tpu.dma_semaphore, #tpu.memory_space<semaphore_mem>>) src(%dma_wait3A_486 : memref<80x16xf32, #tpu.memory_space<vmem>>) dst(%dma_wait3A_483 : memref<80x16xf32, #tpu.memory_space<hbm>>)
      tpu.yield
    }) : () -> ()
    %add3A_438 = arith.constant 400 : i32
    %add3A_439 = arith.addi %mul3A_2, %add3A_438 : i32
    "tpu.region"() ({
      %run_scoped3A_462 = tpu.sem_alloc : memref<!tpu.dma_semaphore, #tpu.memory_space<semaphore_mem>>
      %dma_start3A_463 = arith.constant 0 : i32
      %dma_start3A_464 = arith.constant 0 : i32
      %dma_start3A_465 = tpu.memref_slice %arg14[%dma_start3A_463, %dma_start3A_464] : memref<80x128xf32, #tpu.memory_space<vmem>> -> memref<80x128xf32, #tpu.memory_space<vmem>>
      %dma_start3A_466 = arith.constant 0 : i32
      %dma_start3A_467 = tpu.memref_slice %arg10[%add3A_439, %dma_start3A_466] : memref<10240x128xf32, #tpu.memory_space<vmem_shared>> -> memref<80x128xf32, #tpu.memory_space<vmem_shared>>
      %dma_start3A_468 = arith.constant 0 : i32
      %dma_start3A_469 = arith.constant 0 : i32
      %dma_start3A_470 = tpu.memref_slice %arg14[%dma_start3A_468, %dma_start3A_469] : memref<80x128xf32, #tpu.memory_space<vmem>> -> memref<80x128xf32, #tpu.memory_space<vmem>>
      %dma_start3A_471 = arith.constant 0 : i32
      %dma_start3A_472 = tpu.memref_slice %arg10[%add3A_439, %dma_start3A_471] : memref<10240x128xf32, #tpu.memory_space<vmem_shared>> -> memref<80x128xf32, #tpu.memory_space<vmem_shared>>
      tpu.enqueue_dma source(%dma_start3A_472 : memref<80x128xf32, #tpu.memory_space<vmem_shared>>) target(%dma_start3A_470 : memref<80x128xf32, #tpu.memory_space<vmem>>) target_semaphore(%run_scoped3A_462 : memref<!tpu.dma_semaphore, #tpu.memory_space<semaphore_mem>>)
      %dma_wait3A_473 = arith.constant 0 : i32
      %dma_wait3A_474 = arith.constant 0 : i32
      %dma_wait3A_475 = tpu.memref_slice %arg14[%dma_wait3A_473, %dma_wait3A_474] : memref<80x128xf32, #tpu.memory_space<vmem>> -> memref<80x128xf32, #tpu.memory_space<vmem>>
      %dma_wait3A_476 = arith.constant 0 : i32
      %dma_wait3A_477 = tpu.memref_slice %arg10[%add3A_439, %dma_wait3A_476] : memref<10240x128xf32, #tpu.memory_space<vmem_shared>> -> memref<80x128xf32, #tpu.memory_space<vmem_shared>>
      %dma_wait3A_478 = arith.constant 0 : i32
      %dma_wait3A_479 = arith.constant 0 : i32
      %dma_wait3A_480 = tpu.memref_slice %arg14[%dma_wait3A_478, %dma_wait3A_479] : memref<80x128xf32, #tpu.memory_space<vmem>> -> memref<80x128xf32, #tpu.memory_space<vmem>>
      %dma_wait3A_481 = arith.constant 0 : i32
      %dma_wait3A_482 = tpu.memref_slice %arg10[%add3A_439, %dma_wait3A_481] : memref<10240x128xf32, #tpu.memory_space<vmem_shared>> -> memref<80x128xf32, #tpu.memory_space<vmem_shared>>
      tpu.wait_dma2 semaphore(%run_scoped3A_462 : memref<!tpu.dma_semaphore, #tpu.memory_space<semaphore_mem>>) src(%dma_wait3A_482 : memref<80x128xf32, #tpu.memory_space<vmem_shared>>) dst(%dma_wait3A_480 : memref<80x128xf32, #tpu.memory_space<vmem>>)
      tpu.yield
    }) : () -> ()
    %add3A_440 = arith.constant 400 : i32
    %add3A_441 = arith.addi %mul3A_2, %add3A_440 : i32
    "tpu.region"() ({
      %run_scoped3A_462 = tpu.sem_alloc : memref<!tpu.dma_semaphore, #tpu.memory_space<semaphore_mem>>
      %dma_start3A_463 = arith.constant 0 : i32
      %dma_start3A_464 = arith.constant 0 : i32
      %dma_start3A_465 = tpu.memref_slice %arg14[%dma_start3A_463, %dma_start3A_464] : memref<80x128xf32, #tpu.memory_space<vmem>> -> memref<80x128xf32, #tpu.memory_space<vmem>>
      %dma_start3A_466 = arith.constant 0 : i32
      %dma_start3A_467 = tpu.memref_slice %arg8[%arg0, %add3A_441, %dma_start3A_466] : memref<2x10240x128xf32, #tpu.memory_space<hbm>> -> memref<1x80x128xf32, #tpu.memory_space<hbm>>
      %dma_start3A_468 = tpu.memref_squeeze %dma_start3A_467 : memref<1x80x128xf32, #tpu.memory_space<hbm>> -> memref<80x128xf32, #tpu.memory_space<hbm>>
      %dma_start3A_469 = arith.constant 0 : i32
      %dma_start3A_470 = tpu.memref_slice %arg8[%arg0, %add3A_441, %dma_start3A_469] : memref<2x10240x128xf32, #tpu.memory_space<hbm>> -> memref<1x80x128xf32, #tpu.memory_space<hbm>>
      %dma_start3A_471 = tpu.memref_squeeze %dma_start3A_470 : memref<1x80x128xf32, #tpu.memory_space<hbm>> -> memref<80x128xf32, #tpu.memory_space<hbm>>
      %dma_start3A_472 = arith.constant 0 : i32
      %dma_start3A_473 = arith.constant 0 : i32
      %dma_start3A_474 = tpu.memref_slice %arg14[%dma_start3A_472, %dma_start3A_473] : memref<80x128xf32, #tpu.memory_space<vmem>> -> memref<80x128xf32, #tpu.memory_space<vmem>>
      tpu.enqueue_dma source(%dma_start3A_474 : memref<80x128xf32, #tpu.memory_space<vmem>>) target(%dma_start3A_471 : memref<80x128xf32, #tpu.memory_space<hbm>>) target_semaphore(%run_scoped3A_462 : memref<!tpu.dma_semaphore, #tpu.memory_space<semaphore_mem>>)
      %dma_wait3A_475 = arith.constant 0 : i32
      %dma_wait3A_476 = arith.constant 0 : i32
      %dma_wait3A_477 = tpu.memref_slice %arg14[%dma_wait3A_475, %dma_wait3A_476] : memref<80x128xf32, #tpu.memory_space<vmem>> -> memref<80x128xf32, #tpu.memory_space<vmem>>
      %dma_wait3A_478 = arith.constant 0 : i32
      %dma_wait3A_479 = tpu.memref_slice %arg8[%arg0, %add3A_441, %dma_wait3A_478] : memref<2x10240x128xf32, #tpu.memory_space<hbm>> -> memref<1x80x128xf32, #tpu.memory_space<hbm>>
      %dma_wait3A_480 = tpu.memref_squeeze %dma_wait3A_479 : memref<1x80x128xf32, #tpu.memory_space<hbm>> -> memref<80x128xf32, #tpu.memory_space<hbm>>
      %dma_wait3A_481 = arith.constant 0 : i32
      %dma_wait3A_482 = tpu.memref_slice %arg8[%arg0, %add3A_441, %dma_wait3A_481] : memref<2x10240x128xf32, #tpu.memory_space<hbm>> -> memref<1x80x128xf32, #tpu.memory_space<hbm>>
      %dma_wait3A_483 = tpu.memref_squeeze %dma_wait3A_482 : memref<1x80x128xf32, #tpu.memory_space<hbm>> -> memref<80x128xf32, #tpu.memory_space<hbm>>
      %dma_wait3A_484 = arith.constant 0 : i32
      %dma_wait3A_485 = arith.constant 0 : i32
      %dma_wait3A_486 = tpu.memref_slice %arg14[%dma_wait3A_484, %dma_wait3A_485] : memref<80x128xf32, #tpu.memory_space<vmem>> -> memref<80x128xf32, #tpu.memory_space<vmem>>
      tpu.wait_dma2 semaphore(%run_scoped3A_462 : memref<!tpu.dma_semaphore, #tpu.memory_space<semaphore_mem>>) src(%dma_wait3A_486 : memref<80x128xf32, #tpu.memory_space<vmem>>) dst(%dma_wait3A_483 : memref<80x128xf32, #tpu.memory_space<hbm>>)
      tpu.yield
    }) : () -> ()
    %add3A_442 = arith.constant 400 : i32
    %add3A_443 = arith.addi %mul3A_2, %add3A_442 : i32
    "tpu.region"() ({
      %run_scoped3A_462 = tpu.sem_alloc : memref<!tpu.dma_semaphore, #tpu.memory_space<semaphore_mem>>
      %dma_start3A_463 = arith.constant 0 : i32
      %dma_start3A_464 = arith.constant 0 : i32
      %dma_start3A_465 = tpu.memref_slice %arg16[%dma_start3A_463, %dma_start3A_464] : memref<80x16xf32, #tpu.memory_space<vmem>> -> memref<80x16xf32, #tpu.memory_space<vmem>>
      %dma_start3A_466 = arith.constant 0 : i32
      %dma_start3A_467 = tpu.memref_slice %arg11[%add3A_443, %dma_start3A_466] : memref<10240x16xf32, #tpu.memory_space<vmem_shared>> -> memref<80x16xf32, #tpu.memory_space<vmem_shared>>
      %dma_start3A_468 = arith.constant 0 : i32
      %dma_start3A_469 = arith.constant 0 : i32
      %dma_start3A_470 = tpu.memref_slice %arg16[%dma_start3A_468, %dma_start3A_469] : memref<80x16xf32, #tpu.memory_space<vmem>> -> memref<80x16xf32, #tpu.memory_space<vmem>>
      %dma_start3A_471 = arith.constant 0 : i32
      %dma_start3A_472 = tpu.memref_slice %arg11[%add3A_443, %dma_start3A_471] : memref<10240x16xf32, #tpu.memory_space<vmem_shared>> -> memref<80x16xf32, #tpu.memory_space<vmem_shared>>
      tpu.enqueue_dma source(%dma_start3A_472 : memref<80x16xf32, #tpu.memory_space<vmem_shared>>) target(%dma_start3A_470 : memref<80x16xf32, #tpu.memory_space<vmem>>) target_semaphore(%run_scoped3A_462 : memref<!tpu.dma_semaphore, #tpu.memory_space<semaphore_mem>>)
      %dma_wait3A_473 = arith.constant 0 : i32
      %dma_wait3A_474 = arith.constant 0 : i32
      %dma_wait3A_475 = tpu.memref_slice %arg16[%dma_wait3A_473, %dma_wait3A_474] : memref<80x16xf32, #tpu.memory_space<vmem>> -> memref<80x16xf32, #tpu.memory_space<vmem>>
      %dma_wait3A_476 = arith.constant 0 : i32
      %dma_wait3A_477 = tpu.memref_slice %arg11[%add3A_443, %dma_wait3A_476] : memref<10240x16xf32, #tpu.memory_space<vmem_shared>> -> memref<80x16xf32, #tpu.memory_space<vmem_shared>>
      %dma_wait3A_478 = arith.constant 0 : i32
      %dma_wait3A_479 = arith.constant 0 : i32
      %dma_wait3A_480 = tpu.memref_slice %arg16[%dma_wait3A_478, %dma_wait3A_479] : memref<80x16xf32, #tpu.memory_space<vmem>> -> memref<80x16xf32, #tpu.memory_space<vmem>>
      %dma_wait3A_481 = arith.constant 0 : i32
      %dma_wait3A_482 = tpu.memref_slice %arg11[%add3A_443, %dma_wait3A_481] : memref<10240x16xf32, #tpu.memory_space<vmem_shared>> -> memref<80x16xf32, #tpu.memory_space<vmem_shared>>
      tpu.wait_dma2 semaphore(%run_scoped3A_462 : memref<!tpu.dma_semaphore, #tpu.memory_space<semaphore_mem>>) src(%dma_wait3A_482 : memref<80x16xf32, #tpu.memory_space<vmem_shared>>) dst(%dma_wait3A_480 : memref<80x16xf32, #tpu.memory_space<vmem>>)
      tpu.yield
    }) : () -> ()
    %add3A_444 = arith.constant 400 : i32
    %add3A_445 = arith.addi %mul3A_2, %add3A_444 : i32
    "tpu.region"() ({
      %run_scoped3A_462 = tpu.sem_alloc : memref<!tpu.dma_semaphore, #tpu.memory_space<semaphore_mem>>
      %dma_start3A_463 = arith.constant 0 : i32
      %dma_start3A_464 = arith.constant 0 : i32
      %dma_start3A_465 = tpu.memref_slice %arg16[%dma_start3A_463, %dma_start3A_464] : memref<80x16xf32, #tpu.memory_space<vmem>> -> memref<80x16xf32, #tpu.memory_space<vmem>>
      %dma_start3A_466 = arith.constant 0 : i32
      %dma_start3A_467 = tpu.memref_slice %arg9[%arg0, %add3A_445, %dma_start3A_466] : memref<2x10240x16xf32, #tpu.memory_space<hbm>> -> memref<1x80x16xf32, #tpu.memory_space<hbm>>
      %dma_start3A_468 = tpu.memref_squeeze %dma_start3A_467 : memref<1x80x16xf32, #tpu.memory_space<hbm>> -> memref<80x16xf32, #tpu.memory_space<hbm>>
      %dma_start3A_469 = arith.constant 0 : i32
      %dma_start3A_470 = tpu.memref_slice %arg9[%arg0, %add3A_445, %dma_start3A_469] : memref<2x10240x16xf32, #tpu.memory_space<hbm>> -> memref<1x80x16xf32, #tpu.memory_space<hbm>>
      %dma_start3A_471 = tpu.memref_squeeze %dma_start3A_470 : memref<1x80x16xf32, #tpu.memory_space<hbm>> -> memref<80x16xf32, #tpu.memory_space<hbm>>
      %dma_start3A_472 = arith.constant 0 : i32
      %dma_start3A_473 = arith.constant 0 : i32
      %dma_start3A_474 = tpu.memref_slice %arg16[%dma_start3A_472, %dma_start3A_473] : memref<80x16xf32, #tpu.memory_space<vmem>> -> memref<80x16xf32, #tpu.memory_space<vmem>>
      tpu.enqueue_dma source(%dma_start3A_474 : memref<80x16xf32, #tpu.memory_space<vmem>>) target(%dma_start3A_471 : memref<80x16xf32, #tpu.memory_space<hbm>>) target_semaphore(%run_scoped3A_462 : memref<!tpu.dma_semaphore, #tpu.memory_space<semaphore_mem>>)
      %dma_wait3A_475 = arith.constant 0 : i32
      %dma_wait3A_476 = arith.constant 0 : i32
      %dma_wait3A_477 = tpu.memref_slice %arg16[%dma_wait3A_475, %dma_wait3A_476] : memref<80x16xf32, #tpu.memory_space<vmem>> -> memref<80x16xf32, #tpu.memory_space<vmem>>
      %dma_wait3A_478 = arith.constant 0 : i32
      %dma_wait3A_479 = tpu.memref_slice %arg9[%arg0, %add3A_445, %dma_wait3A_478] : memref<2x10240x16xf32, #tpu.memory_space<hbm>> -> memref<1x80x16xf32, #tpu.memory_space<hbm>>
      %dma_wait3A_480 = tpu.memref_squeeze %dma_wait3A_479 : memref<1x80x16xf32, #tpu.memory_space<hbm>> -> memref<80x16xf32, #tpu.memory_space<hbm>>
      %dma_wait3A_481 = arith.constant 0 : i32
      %dma_wait3A_482 = tpu.memref_slice %arg9[%arg0, %add3A_445, %dma_wait3A_481] : memref<2x10240x16xf32, #tpu.memory_space<hbm>> -> memref<1x80x16xf32, #tpu.memory_space<hbm>>
      %dma_wait3A_483 = tpu.memref_squeeze %dma_wait3A_482 : memref<1x80x16xf32, #tpu.memory_space<hbm>> -> memref<80x16xf32, #tpu.memory_space<hbm>>
      %dma_wait3A_484 = arith.constant 0 : i32
      %dma_wait3A_485 = arith.constant 0 : i32
      %dma_wait3A_486 = tpu.memref_slice %arg16[%dma_wait3A_484, %dma_wait3A_485] : memref<80x16xf32, #tpu.memory_space<vmem>> -> memref<80x16xf32, #tpu.memory_space<vmem>>
      tpu.wait_dma2 semaphore(%run_scoped3A_462 : memref<!tpu.dma_semaphore, #tpu.memory_space<semaphore_mem>>) src(%dma_wait3A_486 : memref<80x16xf32, #tpu.memory_space<vmem>>) dst(%dma_wait3A_483 : memref<80x16xf32, #tpu.memory_space<hbm>>)
      tpu.yield
    }) : () -> ()
    %add3A_446 = arith.constant 480 : i32
    %add3A_447 = arith.addi %mul3A_2, %add3A_446 : i32
    "tpu.region"() ({
      %run_scoped3A_462 = tpu.sem_alloc : memref<!tpu.dma_semaphore, #tpu.memory_space<semaphore_mem>>
      %dma_start3A_463 = arith.constant 0 : i32
      %dma_start3A_464 = arith.constant 0 : i32
      %dma_start3A_465 = tpu.memref_slice %arg14[%dma_start3A_463, %dma_start3A_464] : memref<80x128xf32, #tpu.memory_space<vmem>> -> memref<80x128xf32, #tpu.memory_space<vmem>>
      %dma_start3A_466 = arith.constant 0 : i32
      %dma_start3A_467 = tpu.memref_slice %arg10[%add3A_447, %dma_start3A_466] : memref<10240x128xf32, #tpu.memory_space<vmem_shared>> -> memref<80x128xf32, #tpu.memory_space<vmem_shared>>
      %dma_start3A_468 = arith.constant 0 : i32
      %dma_start3A_469 = arith.constant 0 : i32
      %dma_start3A_470 = tpu.memref_slice %arg14[%dma_start3A_468, %dma_start3A_469] : memref<80x128xf32, #tpu.memory_space<vmem>> -> memref<80x128xf32, #tpu.memory_space<vmem>>
      %dma_start3A_471 = arith.constant 0 : i32
      %dma_start3A_472 = tpu.memref_slice %arg10[%add3A_447, %dma_start3A_471] : memref<10240x128xf32, #tpu.memory_space<vmem_shared>> -> memref<80x128xf32, #tpu.memory_space<vmem_shared>>
      tpu.enqueue_dma source(%dma_start3A_472 : memref<80x128xf32, #tpu.memory_space<vmem_shared>>) target(%dma_start3A_470 : memref<80x128xf32, #tpu.memory_space<vmem>>) target_semaphore(%run_scoped3A_462 : memref<!tpu.dma_semaphore, #tpu.memory_space<semaphore_mem>>)
      %dma_wait3A_473 = arith.constant 0 : i32
      %dma_wait3A_474 = arith.constant 0 : i32
      %dma_wait3A_475 = tpu.memref_slice %arg14[%dma_wait3A_473, %dma_wait3A_474] : memref<80x128xf32, #tpu.memory_space<vmem>> -> memref<80x128xf32, #tpu.memory_space<vmem>>
      %dma_wait3A_476 = arith.constant 0 : i32
      %dma_wait3A_477 = tpu.memref_slice %arg10[%add3A_447, %dma_wait3A_476] : memref<10240x128xf32, #tpu.memory_space<vmem_shared>> -> memref<80x128xf32, #tpu.memory_space<vmem_shared>>
      %dma_wait3A_478 = arith.constant 0 : i32
      %dma_wait3A_479 = arith.constant 0 : i32
      %dma_wait3A_480 = tpu.memref_slice %arg14[%dma_wait3A_478, %dma_wait3A_479] : memref<80x128xf32, #tpu.memory_space<vmem>> -> memref<80x128xf32, #tpu.memory_space<vmem>>
      %dma_wait3A_481 = arith.constant 0 : i32
      %dma_wait3A_482 = tpu.memref_slice %arg10[%add3A_447, %dma_wait3A_481] : memref<10240x128xf32, #tpu.memory_space<vmem_shared>> -> memref<80x128xf32, #tpu.memory_space<vmem_shared>>
      tpu.wait_dma2 semaphore(%run_scoped3A_462 : memref<!tpu.dma_semaphore, #tpu.memory_space<semaphore_mem>>) src(%dma_wait3A_482 : memref<80x128xf32, #tpu.memory_space<vmem_shared>>) dst(%dma_wait3A_480 : memref<80x128xf32, #tpu.memory_space<vmem>>)
      tpu.yield
    }) : () -> ()
    %add3A_448 = arith.constant 480 : i32
    %add3A_449 = arith.addi %mul3A_2, %add3A_448 : i32
    "tpu.region"() ({
      %run_scoped3A_462 = tpu.sem_alloc : memref<!tpu.dma_semaphore, #tpu.memory_space<semaphore_mem>>
      %dma_start3A_463 = arith.constant 0 : i32
      %dma_start3A_464 = arith.constant 0 : i32
      %dma_start3A_465 = tpu.memref_slice %arg14[%dma_start3A_463, %dma_start3A_464] : memref<80x128xf32, #tpu.memory_space<vmem>> -> memref<80x128xf32, #tpu.memory_space<vmem>>
      %dma_start3A_466 = arith.constant 0 : i32
      %dma_start3A_467 = tpu.memref_slice %arg8[%arg0, %add3A_449, %dma_start3A_466] : memref<2x10240x128xf32, #tpu.memory_space<hbm>> -> memref<1x80x128xf32, #tpu.memory_space<hbm>>
      %dma_start3A_468 = tpu.memref_squeeze %dma_start3A_467 : memref<1x80x128xf32, #tpu.memory_space<hbm>> -> memref<80x128xf32, #tpu.memory_space<hbm>>
      %dma_start3A_469 = arith.constant 0 : i32
      %dma_start3A_470 = tpu.memref_slice %arg8[%arg0, %add3A_449, %dma_start3A_469] : memref<2x10240x128xf32, #tpu.memory_space<hbm>> -> memref<1x80x128xf32, #tpu.memory_space<hbm>>
      %dma_start3A_471 = tpu.memref_squeeze %dma_start3A_470 : memref<1x80x128xf32, #tpu.memory_space<hbm>> -> memref<80x128xf32, #tpu.memory_space<hbm>>
      %dma_start3A_472 = arith.constant 0 : i32
      %dma_start3A_473 = arith.constant 0 : i32
      %dma_start3A_474 = tpu.memref_slice %arg14[%dma_start3A_472, %dma_start3A_473] : memref<80x128xf32, #tpu.memory_space<vmem>> -> memref<80x128xf32, #tpu.memory_space<vmem>>
      tpu.enqueue_dma source(%dma_start3A_474 : memref<80x128xf32, #tpu.memory_space<vmem>>) target(%dma_start3A_471 : memref<80x128xf32, #tpu.memory_space<hbm>>) target_semaphore(%run_scoped3A_462 : memref<!tpu.dma_semaphore, #tpu.memory_space<semaphore_mem>>)
      %dma_wait3A_475 = arith.constant 0 : i32
      %dma_wait3A_476 = arith.constant 0 : i32
      %dma_wait3A_477 = tpu.memref_slice %arg14[%dma_wait3A_475, %dma_wait3A_476] : memref<80x128xf32, #tpu.memory_space<vmem>> -> memref<80x128xf32, #tpu.memory_space<vmem>>
      %dma_wait3A_478 = arith.constant 0 : i32
      %dma_wait3A_479 = tpu.memref_slice %arg8[%arg0, %add3A_449, %dma_wait3A_478] : memref<2x10240x128xf32, #tpu.memory_space<hbm>> -> memref<1x80x128xf32, #tpu.memory_space<hbm>>
      %dma_wait3A_480 = tpu.memref_squeeze %dma_wait3A_479 : memref<1x80x128xf32, #tpu.memory_space<hbm>> -> memref<80x128xf32, #tpu.memory_space<hbm>>
      %dma_wait3A_481 = arith.constant 0 : i32
      %dma_wait3A_482 = tpu.memref_slice %arg8[%arg0, %add3A_449, %dma_wait3A_481] : memref<2x10240x128xf32, #tpu.memory_space<hbm>> -> memref<1x80x128xf32, #tpu.memory_space<hbm>>
      %dma_wait3A_483 = tpu.memref_squeeze %dma_wait3A_482 : memref<1x80x128xf32, #tpu.memory_space<hbm>> -> memref<80x128xf32, #tpu.memory_space<hbm>>
      %dma_wait3A_484 = arith.constant 0 : i32
      %dma_wait3A_485 = arith.constant 0 : i32
      %dma_wait3A_486 = tpu.memref_slice %arg14[%dma_wait3A_484, %dma_wait3A_485] : memref<80x128xf32, #tpu.memory_space<vmem>> -> memref<80x128xf32, #tpu.memory_space<vmem>>
      tpu.wait_dma2 semaphore(%run_scoped3A_462 : memref<!tpu.dma_semaphore, #tpu.memory_space<semaphore_mem>>) src(%dma_wait3A_486 : memref<80x128xf32, #tpu.memory_space<vmem>>) dst(%dma_wait3A_483 : memref<80x128xf32, #tpu.memory_space<hbm>>)
      tpu.yield
    }) : () -> ()
    %add3A_450 = arith.constant 480 : i32
    %add3A_451 = arith.addi %mul3A_2, %add3A_450 : i32
    "tpu.region"() ({
      %run_scoped3A_462 = tpu.sem_alloc : memref<!tpu.dma_semaphore, #tpu.memory_space<semaphore_mem>>
      %dma_start3A_463 = arith.constant 0 : i32
      %dma_start3A_464 = arith.constant 0 : i32
      %dma_start3A_465 = tpu.memref_slice %arg16[%dma_start3A_463, %dma_start3A_464] : memref<80x16xf32, #tpu.memory_space<vmem>> -> memref<80x16xf32, #tpu.memory_space<vmem>>
      %dma_start3A_466 = arith.constant 0 : i32
      %dma_start3A_467 = tpu.memref_slice %arg11[%add3A_451, %dma_start3A_466] : memref<10240x16xf32, #tpu.memory_space<vmem_shared>> -> memref<80x16xf32, #tpu.memory_space<vmem_shared>>
      %dma_start3A_468 = arith.constant 0 : i32
      %dma_start3A_469 = arith.constant 0 : i32
      %dma_start3A_470 = tpu.memref_slice %arg16[%dma_start3A_468, %dma_start3A_469] : memref<80x16xf32, #tpu.memory_space<vmem>> -> memref<80x16xf32, #tpu.memory_space<vmem>>
      %dma_start3A_471 = arith.constant 0 : i32
      %dma_start3A_472 = tpu.memref_slice %arg11[%add3A_451, %dma_start3A_471] : memref<10240x16xf32, #tpu.memory_space<vmem_shared>> -> memref<80x16xf32, #tpu.memory_space<vmem_shared>>
      tpu.enqueue_dma source(%dma_start3A_472 : memref<80x16xf32, #tpu.memory_space<vmem_shared>>) target(%dma_start3A_470 : memref<80x16xf32, #tpu.memory_space<vmem>>) target_semaphore(%run_scoped3A_462 : memref<!tpu.dma_semaphore, #tpu.memory_space<semaphore_mem>>)
      %dma_wait3A_473 = arith.constant 0 : i32
      %dma_wait3A_474 = arith.constant 0 : i32
      %dma_wait3A_475 = tpu.memref_slice %arg16[%dma_wait3A_473, %dma_wait3A_474] : memref<80x16xf32, #tpu.memory_space<vmem>> -> memref<80x16xf32, #tpu.memory_space<vmem>>
      %dma_wait3A_476 = arith.constant 0 : i32
      %dma_wait3A_477 = tpu.memref_slice %arg11[%add3A_451, %dma_wait3A_476] : memref<10240x16xf32, #tpu.memory_space<vmem_shared>> -> memref<80x16xf32, #tpu.memory_space<vmem_shared>>
      %dma_wait3A_478 = arith.constant 0 : i32
      %dma_wait3A_479 = arith.constant 0 : i32
      %dma_wait3A_480 = tpu.memref_slice %arg16[%dma_wait3A_478, %dma_wait3A_479] : memref<80x16xf32, #tpu.memory_space<vmem>> -> memref<80x16xf32, #tpu.memory_space<vmem>>
      %dma_wait3A_481 = arith.constant 0 : i32
      %dma_wait3A_482 = tpu.memref_slice %arg11[%add3A_451, %dma_wait3A_481] : memref<10240x16xf32, #tpu.memory_space<vmem_shared>> -> memref<80x16xf32, #tpu.memory_space<vmem_shared>>
      tpu.wait_dma2 semaphore(%run_scoped3A_462 : memref<!tpu.dma_semaphore, #tpu.memory_space<semaphore_mem>>) src(%dma_wait3A_482 : memref<80x16xf32, #tpu.memory_space<vmem_shared>>) dst(%dma_wait3A_480 : memref<80x16xf32, #tpu.memory_space<vmem>>)
      tpu.yield
    }) : () -> ()
    %add3A_452 = arith.constant 480 : i32
    %add3A_453 = arith.addi %mul3A_2, %add3A_452 : i32
    "tpu.region"() ({
      %run_scoped3A_462 = tpu.sem_alloc : memref<!tpu.dma_semaphore, #tpu.memory_space<semaphore_mem>>
      %dma_start3A_463 = arith.constant 0 : i32
      %dma_start3A_464 = arith.constant 0 : i32
      %dma_start3A_465 = tpu.memref_slice %arg16[%dma_start3A_463, %dma_start3A_464] : memref<80x16xf32, #tpu.memory_space<vmem>> -> memref<80x16xf32, #tpu.memory_space<vmem>>
      %dma_start3A_466 = arith.constant 0 : i32
      %dma_start3A_467 = tpu.memref_slice %arg9[%arg0, %add3A_453, %dma_start3A_466] : memref<2x10240x16xf32, #tpu.memory_space<hbm>> -> memref<1x80x16xf32, #tpu.memory_space<hbm>>
      %dma_start3A_468 = tpu.memref_squeeze %dma_start3A_467 : memref<1x80x16xf32, #tpu.memory_space<hbm>> -> memref<80x16xf32, #tpu.memory_space<hbm>>
      %dma_start3A_469 = arith.constant 0 : i32
      %dma_start3A_470 = tpu.memref_slice %arg9[%arg0, %add3A_453, %dma_start3A_469] : memref<2x10240x16xf32, #tpu.memory_space<hbm>> -> memref<1x80x16xf32, #tpu.memory_space<hbm>>
      %dma_start3A_471 = tpu.memref_squeeze %dma_start3A_470 : memref<1x80x16xf32, #tpu.memory_space<hbm>> -> memref<80x16xf32, #tpu.memory_space<hbm>>
      %dma_start3A_472 = arith.constant 0 : i32
      %dma_start3A_473 = arith.constant 0 : i32
      %dma_start3A_474 = tpu.memref_slice %arg16[%dma_start3A_472, %dma_start3A_473] : memref<80x16xf32, #tpu.memory_space<vmem>> -> memref<80x16xf32, #tpu.memory_space<vmem>>
      tpu.enqueue_dma source(%dma_start3A_474 : memref<80x16xf32, #tpu.memory_space<vmem>>) target(%dma_start3A_471 : memref<80x16xf32, #tpu.memory_space<hbm>>) target_semaphore(%run_scoped3A_462 : memref<!tpu.dma_semaphore, #tpu.memory_space<semaphore_mem>>)
      %dma_wait3A_475 = arith.constant 0 : i32
      %dma_wait3A_476 = arith.constant 0 : i32
      %dma_wait3A_477 = tpu.memref_slice %arg16[%dma_wait3A_475, %dma_wait3A_476] : memref<80x16xf32, #tpu.memory_space<vmem>> -> memref<80x16xf32, #tpu.memory_space<vmem>>
      %dma_wait3A_478 = arith.constant 0 : i32
      %dma_wait3A_479 = tpu.memref_slice %arg9[%arg0, %add3A_453, %dma_wait3A_478] : memref<2x10240x16xf32, #tpu.memory_space<hbm>> -> memref<1x80x16xf32, #tpu.memory_space<hbm>>
      %dma_wait3A_480 = tpu.memref_squeeze %dma_wait3A_479 : memref<1x80x16xf32, #tpu.memory_space<hbm>> -> memref<80x16xf32, #tpu.memory_space<hbm>>
      %dma_wait3A_481 = arith.constant 0 : i32
      %dma_wait3A_482 = tpu.memref_slice %arg9[%arg0, %add3A_453, %dma_wait3A_481] : memref<2x10240x16xf32, #tpu.memory_space<hbm>> -> memref<1x80x16xf32, #tpu.memory_space<hbm>>
      %dma_wait3A_483 = tpu.memref_squeeze %dma_wait3A_482 : memref<1x80x16xf32, #tpu.memory_space<hbm>> -> memref<80x16xf32, #tpu.memory_space<hbm>>
      %dma_wait3A_484 = arith.constant 0 : i32
      %dma_wait3A_485 = arith.constant 0 : i32
      %dma_wait3A_486 = tpu.memref_slice %arg16[%dma_wait3A_484, %dma_wait3A_485] : memref<80x16xf32, #tpu.memory_space<vmem>> -> memref<80x16xf32, #tpu.memory_space<vmem>>
      tpu.wait_dma2 semaphore(%run_scoped3A_462 : memref<!tpu.dma_semaphore, #tpu.memory_space<semaphore_mem>>) src(%dma_wait3A_486 : memref<80x16xf32, #tpu.memory_space<vmem>>) dst(%dma_wait3A_483 : memref<80x16xf32, #tpu.memory_space<hbm>>)
      tpu.yield
    }) : () -> ()
    %add3A_454 = arith.constant 560 : i32
    %add3A_455 = arith.addi %mul3A_2, %add3A_454 : i32
    "tpu.region"() ({
      %run_scoped3A_462 = tpu.sem_alloc : memref<!tpu.dma_semaphore, #tpu.memory_space<semaphore_mem>>
      %dma_start3A_463 = arith.constant 0 : i32
      %dma_start3A_464 = arith.constant 0 : i32
      %dma_start3A_465 = tpu.memref_slice %arg14[%dma_start3A_463, %dma_start3A_464] : memref<80x128xf32, #tpu.memory_space<vmem>> -> memref<80x128xf32, #tpu.memory_space<vmem>>
      %dma_start3A_466 = arith.constant 0 : i32
      %dma_start3A_467 = tpu.memref_slice %arg10[%add3A_455, %dma_start3A_466] : memref<10240x128xf32, #tpu.memory_space<vmem_shared>> -> memref<80x128xf32, #tpu.memory_space<vmem_shared>>
      %dma_start3A_468 = arith.constant 0 : i32
      %dma_start3A_469 = arith.constant 0 : i32
      %dma_start3A_470 = tpu.memref_slice %arg14[%dma_start3A_468, %dma_start3A_469] : memref<80x128xf32, #tpu.memory_space<vmem>> -> memref<80x128xf32, #tpu.memory_space<vmem>>
      %dma_start3A_471 = arith.constant 0 : i32
      %dma_start3A_472 = tpu.memref_slice %arg10[%add3A_455, %dma_start3A_471] : memref<10240x128xf32, #tpu.memory_space<vmem_shared>> -> memref<80x128xf32, #tpu.memory_space<vmem_shared>>
      tpu.enqueue_dma source(%dma_start3A_472 : memref<80x128xf32, #tpu.memory_space<vmem_shared>>) target(%dma_start3A_470 : memref<80x128xf32, #tpu.memory_space<vmem>>) target_semaphore(%run_scoped3A_462 : memref<!tpu.dma_semaphore, #tpu.memory_space<semaphore_mem>>)
      %dma_wait3A_473 = arith.constant 0 : i32
      %dma_wait3A_474 = arith.constant 0 : i32
      %dma_wait3A_475 = tpu.memref_slice %arg14[%dma_wait3A_473, %dma_wait3A_474] : memref<80x128xf32, #tpu.memory_space<vmem>> -> memref<80x128xf32, #tpu.memory_space<vmem>>
      %dma_wait3A_476 = arith.constant 0 : i32
      %dma_wait3A_477 = tpu.memref_slice %arg10[%add3A_455, %dma_wait3A_476] : memref<10240x128xf32, #tpu.memory_space<vmem_shared>> -> memref<80x128xf32, #tpu.memory_space<vmem_shared>>
      %dma_wait3A_478 = arith.constant 0 : i32
      %dma_wait3A_479 = arith.constant 0 : i32
      %dma_wait3A_480 = tpu.memref_slice %arg14[%dma_wait3A_478, %dma_wait3A_479] : memref<80x128xf32, #tpu.memory_space<vmem>> -> memref<80x128xf32, #tpu.memory_space<vmem>>
      %dma_wait3A_481 = arith.constant 0 : i32
      %dma_wait3A_482 = tpu.memref_slice %arg10[%add3A_455, %dma_wait3A_481] : memref<10240x128xf32, #tpu.memory_space<vmem_shared>> -> memref<80x128xf32, #tpu.memory_space<vmem_shared>>
      tpu.wait_dma2 semaphore(%run_scoped3A_462 : memref<!tpu.dma_semaphore, #tpu.memory_space<semaphore_mem>>) src(%dma_wait3A_482 : memref<80x128xf32, #tpu.memory_space<vmem_shared>>) dst(%dma_wait3A_480 : memref<80x128xf32, #tpu.memory_space<vmem>>)
      tpu.yield
    }) : () -> ()
    %add3A_456 = arith.constant 560 : i32
    %add3A_457 = arith.addi %mul3A_2, %add3A_456 : i32
    "tpu.region"() ({
      %run_scoped3A_462 = tpu.sem_alloc : memref<!tpu.dma_semaphore, #tpu.memory_space<semaphore_mem>>
      %dma_start3A_463 = arith.constant 0 : i32
      %dma_start3A_464 = arith.constant 0 : i32
      %dma_start3A_465 = tpu.memref_slice %arg14[%dma_start3A_463, %dma_start3A_464] : memref<80x128xf32, #tpu.memory_space<vmem>> -> memref<80x128xf32, #tpu.memory_space<vmem>>
      %dma_start3A_466 = arith.constant 0 : i32
      %dma_start3A_467 = tpu.memref_slice %arg8[%arg0, %add3A_457, %dma_start3A_466] : memref<2x10240x128xf32, #tpu.memory_space<hbm>> -> memref<1x80x128xf32, #tpu.memory_space<hbm>>
      %dma_start3A_468 = tpu.memref_squeeze %dma_start3A_467 : memref<1x80x128xf32, #tpu.memory_space<hbm>> -> memref<80x128xf32, #tpu.memory_space<hbm>>
      %dma_start3A_469 = arith.constant 0 : i32
      %dma_start3A_470 = tpu.memref_slice %arg8[%arg0, %add3A_457, %dma_start3A_469] : memref<2x10240x128xf32, #tpu.memory_space<hbm>> -> memref<1x80x128xf32, #tpu.memory_space<hbm>>
      %dma_start3A_471 = tpu.memref_squeeze %dma_start3A_470 : memref<1x80x128xf32, #tpu.memory_space<hbm>> -> memref<80x128xf32, #tpu.memory_space<hbm>>
      %dma_start3A_472 = arith.constant 0 : i32
      %dma_start3A_473 = arith.constant 0 : i32
      %dma_start3A_474 = tpu.memref_slice %arg14[%dma_start3A_472, %dma_start3A_473] : memref<80x128xf32, #tpu.memory_space<vmem>> -> memref<80x128xf32, #tpu.memory_space<vmem>>
      tpu.enqueue_dma source(%dma_start3A_474 : memref<80x128xf32, #tpu.memory_space<vmem>>) target(%dma_start3A_471 : memref<80x128xf32, #tpu.memory_space<hbm>>) target_semaphore(%run_scoped3A_462 : memref<!tpu.dma_semaphore, #tpu.memory_space<semaphore_mem>>)
      %dma_wait3A_475 = arith.constant 0 : i32
      %dma_wait3A_476 = arith.constant 0 : i32
      %dma_wait3A_477 = tpu.memref_slice %arg14[%dma_wait3A_475, %dma_wait3A_476] : memref<80x128xf32, #tpu.memory_space<vmem>> -> memref<80x128xf32, #tpu.memory_space<vmem>>
      %dma_wait3A_478 = arith.constant 0 : i32
      %dma_wait3A_479 = tpu.memref_slice %arg8[%arg0, %add3A_457, %dma_wait3A_478] : memref<2x10240x128xf32, #tpu.memory_space<hbm>> -> memref<1x80x128xf32, #tpu.memory_space<hbm>>
      %dma_wait3A_480 = tpu.memref_squeeze %dma_wait3A_479 : memref<1x80x128xf32, #tpu.memory_space<hbm>> -> memref<80x128xf32, #tpu.memory_space<hbm>>
      %dma_wait3A_481 = arith.constant 0 : i32
      %dma_wait3A_482 = tpu.memref_slice %arg8[%arg0, %add3A_457, %dma_wait3A_481] : memref<2x10240x128xf32, #tpu.memory_space<hbm>> -> memref<1x80x128xf32, #tpu.memory_space<hbm>>
      %dma_wait3A_483 = tpu.memref_squeeze %dma_wait3A_482 : memref<1x80x128xf32, #tpu.memory_space<hbm>> -> memref<80x128xf32, #tpu.memory_space<hbm>>
      %dma_wait3A_484 = arith.constant 0 : i32
      %dma_wait3A_485 = arith.constant 0 : i32
      %dma_wait3A_486 = tpu.memref_slice %arg14[%dma_wait3A_484, %dma_wait3A_485] : memref<80x128xf32, #tpu.memory_space<vmem>> -> memref<80x128xf32, #tpu.memory_space<vmem>>
      tpu.wait_dma2 semaphore(%run_scoped3A_462 : memref<!tpu.dma_semaphore, #tpu.memory_space<semaphore_mem>>) src(%dma_wait3A_486 : memref<80x128xf32, #tpu.memory_space<vmem>>) dst(%dma_wait3A_483 : memref<80x128xf32, #tpu.memory_space<hbm>>)
      tpu.yield
    }) : () -> ()
    %add3A_458 = arith.constant 560 : i32
    %add3A_459 = arith.addi %mul3A_2, %add3A_458 : i32
    "tpu.region"() ({
      %run_scoped3A_462 = tpu.sem_alloc : memref<!tpu.dma_semaphore, #tpu.memory_space<semaphore_mem>>
      %dma_start3A_463 = arith.constant 0 : i32
      %dma_start3A_464 = arith.constant 0 : i32
      %dma_start3A_465 = tpu.memref_slice %arg16[%dma_start3A_463, %dma_start3A_464] : memref<80x16xf32, #tpu.memory_space<vmem>> -> memref<80x16xf32, #tpu.memory_space<vmem>>
      %dma_start3A_466 = arith.constant 0 : i32
      %dma_start3A_467 = tpu.memref_slice %arg11[%add3A_459, %dma_start3A_466] : memref<10240x16xf32, #tpu.memory_space<vmem_shared>> -> memref<80x16xf32, #tpu.memory_space<vmem_shared>>
      %dma_start3A_468 = arith.constant 0 : i32
      %dma_start3A_469 = arith.constant 0 : i32
      %dma_start3A_470 = tpu.memref_slice %arg16[%dma_start3A_468, %dma_start3A_469] : memref<80x16xf32, #tpu.memory_space<vmem>> -> memref<80x16xf32, #tpu.memory_space<vmem>>
      %dma_start3A_471 = arith.constant 0 : i32
      %dma_start3A_472 = tpu.memref_slice %arg11[%add3A_459, %dma_start3A_471] : memref<10240x16xf32, #tpu.memory_space<vmem_shared>> -> memref<80x16xf32, #tpu.memory_space<vmem_shared>>
      tpu.enqueue_dma source(%dma_start3A_472 : memref<80x16xf32, #tpu.memory_space<vmem_shared>>) target(%dma_start3A_470 : memref<80x16xf32, #tpu.memory_space<vmem>>) target_semaphore(%run_scoped3A_462 : memref<!tpu.dma_semaphore, #tpu.memory_space<semaphore_mem>>)
      %dma_wait3A_473 = arith.constant 0 : i32
      %dma_wait3A_474 = arith.constant 0 : i32
      %dma_wait3A_475 = tpu.memref_slice %arg16[%dma_wait3A_473, %dma_wait3A_474] : memref<80x16xf32, #tpu.memory_space<vmem>> -> memref<80x16xf32, #tpu.memory_space<vmem>>
      %dma_wait3A_476 = arith.constant 0 : i32
      %dma_wait3A_477 = tpu.memref_slice %arg11[%add3A_459, %dma_wait3A_476] : memref<10240x16xf32, #tpu.memory_space<vmem_shared>> -> memref<80x16xf32, #tpu.memory_space<vmem_shared>>
      %dma_wait3A_478 = arith.constant 0 : i32
      %dma_wait3A_479 = arith.constant 0 : i32
      %dma_wait3A_480 = tpu.memref_slice %arg16[%dma_wait3A_478, %dma_wait3A_479] : memref<80x16xf32, #tpu.memory_space<vmem>> -> memref<80x16xf32, #tpu.memory_space<vmem>>
      %dma_wait3A_481 = arith.constant 0 : i32
      %dma_wait3A_482 = tpu.memref_slice %arg11[%add3A_459, %dma_wait3A_481] : memref<10240x16xf32, #tpu.memory_space<vmem_shared>> -> memref<80x16xf32, #tpu.memory_space<vmem_shared>>
      tpu.wait_dma2 semaphore(%run_scoped3A_462 : memref<!tpu.dma_semaphore, #tpu.memory_space<semaphore_mem>>) src(%dma_wait3A_482 : memref<80x16xf32, #tpu.memory_space<vmem_shared>>) dst(%dma_wait3A_480 : memref<80x16xf32, #tpu.memory_space<vmem>>)
      tpu.yield
    }) : () -> ()
    %add3A_460 = arith.constant 560 : i32
    %add3A_461 = arith.addi %mul3A_2, %add3A_460 : i32
    "tpu.region"() ({
      %run_scoped3A_462 = tpu.sem_alloc : memref<!tpu.dma_semaphore, #tpu.memory_space<semaphore_mem>>
      %dma_start3A_463 = arith.constant 0 : i32
      %dma_start3A_464 = arith.constant 0 : i32
      %dma_start3A_465 = tpu.memref_slice %arg16[%dma_start3A_463, %dma_start3A_464] : memref<80x16xf32, #tpu.memory_space<vmem>> -> memref<80x16xf32, #tpu.memory_space<vmem>>
      %dma_start3A_466 = arith.constant 0 : i32
      %dma_start3A_467 = tpu.memref_slice %arg9[%arg0, %add3A_461, %dma_start3A_466] : memref<2x10240x16xf32, #tpu.memory_space<hbm>> -> memref<1x80x16xf32, #tpu.memory_space<hbm>>
      %dma_start3A_468 = tpu.memref_squeeze %dma_start3A_467 : memref<1x80x16xf32, #tpu.memory_space<hbm>> -> memref<80x16xf32, #tpu.memory_space<hbm>>
      %dma_start3A_469 = arith.constant 0 : i32
      %dma_start3A_470 = tpu.memref_slice %arg9[%arg0, %add3A_461, %dma_start3A_469] : memref<2x10240x16xf32, #tpu.memory_space<hbm>> -> memref<1x80x16xf32, #tpu.memory_space<hbm>>
      %dma_start3A_471 = tpu.memref_squeeze %dma_start3A_470 : memref<1x80x16xf32, #tpu.memory_space<hbm>> -> memref<80x16xf32, #tpu.memory_space<hbm>>
      %dma_start3A_472 = arith.constant 0 : i32
      %dma_start3A_473 = arith.constant 0 : i32
      %dma_start3A_474 = tpu.memref_slice %arg16[%dma_start3A_472, %dma_start3A_473] : memref<80x16xf32, #tpu.memory_space<vmem>> -> memref<80x16xf32, #tpu.memory_space<vmem>>
      tpu.enqueue_dma source(%dma_start3A_474 : memref<80x16xf32, #tpu.memory_space<vmem>>) target(%dma_start3A_471 : memref<80x16xf32, #tpu.memory_space<hbm>>) target_semaphore(%run_scoped3A_462 : memref<!tpu.dma_semaphore, #tpu.memory_space<semaphore_mem>>)
      %dma_wait3A_475 = arith.constant 0 : i32
      %dma_wait3A_476 = arith.constant 0 : i32
      %dma_wait3A_477 = tpu.memref_slice %arg16[%dma_wait3A_475, %dma_wait3A_476] : memref<80x16xf32, #tpu.memory_space<vmem>> -> memref<80x16xf32, #tpu.memory_space<vmem>>
      %dma_wait3A_478 = arith.constant 0 : i32
      %dma_wait3A_479 = tpu.memref_slice %arg9[%arg0, %add3A_461, %dma_wait3A_478] : memref<2x10240x16xf32, #tpu.memory_space<hbm>> -> memref<1x80x16xf32, #tpu.memory_space<hbm>>
      %dma_wait3A_480 = tpu.memref_squeeze %dma_wait3A_479 : memref<1x80x16xf32, #tpu.memory_space<hbm>> -> memref<80x16xf32, #tpu.memory_space<hbm>>
      %dma_wait3A_481 = arith.constant 0 : i32
      %dma_wait3A_482 = tpu.memref_slice %arg9[%arg0, %add3A_461, %dma_wait3A_481] : memref<2x10240x16xf32, #tpu.memory_space<hbm>> -> memref<1x80x16xf32, #tpu.memory_space<hbm>>
      %dma_wait3A_483 = tpu.memref_squeeze %dma_wait3A_482 : memref<1x80x16xf32, #tpu.memory_space<hbm>> -> memref<80x16xf32, #tpu.memory_space<hbm>>
      %dma_wait3A_484 = arith.constant 0 : i32
      %dma_wait3A_485 = arith.constant 0 : i32
      %dma_wait3A_486 = tpu.memref_slice %arg16[%dma_wait3A_484, %dma_wait3A_485] : memref<80x16xf32, #tpu.memory_space<vmem>> -> memref<80x16xf32, #tpu.memory_space<vmem>>
      tpu.wait_dma2 semaphore(%run_scoped3A_462 : memref<!tpu.dma_semaphore, #tpu.memory_space<semaphore_mem>>) src(%dma_wait3A_486 : memref<80x16xf32, #tpu.memory_space<vmem>>) dst(%dma_wait3A_483 : memref<80x16xf32, #tpu.memory_space<hbm>>)
      tpu.yield
    }) : () -> ()
    return
  }
}

module attributes {stable_mosaic.version = 14 : i64} {
  func.func @_ln_body(%arg0: i32, %arg1: memref<1000x128xf32, #tpu.memory_space<vmem>>, %arg2: memref<1x128xf32, #tpu.memory_space<vmem>>, %arg3: memref<1x128xf32, #tpu.memory_space<vmem>>, %arg4: memref<1000x128xf32, #tpu.memory_space<vmem>>) attributes {dimension_semantics = [#tpu.dimension_semantics<arbitrary>], iteration_bounds = array<i64: 10>, scalar_prefetch = 0 : i64, scratch_operands = 0 : i64, tpu.core_type = #tpu.core_type<tc>, window_params = [{transform_indices = @transform_0, window_bounds = array<i64: 1000, 128>}, {pipeline_mode = #tpu.pipeline_mode<synchronous>, transform_indices = @transform_1, window_bounds = array<i64: 1, 128>}, {pipeline_mode = #tpu.pipeline_mode<synchronous>, transform_indices = @transform_2, window_bounds = array<i64: 1, 128>}, {transform_indices = @transform_3, window_bounds = array<i64: 1000, 128>}]} {
    %get3A = arith.constant 0 : index
    %get3A_0 = arith.constant 0 : index
    %get3A_1 = vector.load %arg1[%get3A, %get3A_0] : memref<1000x128xf32, #tpu.memory_space<vmem>>, vector<1000x128xf32>
    %reduce_sum3A = arith.constant dense<0.000000e+00> : vector<1000xf32>
    %reduce_sum3A_2 = vector.multi_reduction <add>, %get3A_1, %reduce_sum3A [1] : vector<1000x128xf32> to vector<1000xf32>
    %broadcast_in_dim3A = vector.shape_cast %reduce_sum3A_2 : vector<1000xf32> to vector<1000x1xf32>
    %div3A = arith.constant 1.280000e+02 : f32
    %div3A_3 = vector.broadcast %div3A : f32 to vector<1000x1xf32>
    %div3A_4 = arith.divf %broadcast_in_dim3A, %div3A_3 : vector<1000x1xf32>
    %sub3A = vector.broadcast %div3A_4 : vector<1000x1xf32> to vector<1000x128xf32>
    %sub3A_5 = arith.subf %get3A_1, %sub3A : vector<1000x128xf32>
    %integer_pow3A = arith.mulf %sub3A_5, %sub3A_5 : vector<1000x128xf32>
    %reduce_sum3A_6 = arith.constant dense<0.000000e+00> : vector<1000xf32>
    %reduce_sum3A_7 = vector.multi_reduction <add>, %integer_pow3A, %reduce_sum3A_6 [1] : vector<1000x128xf32> to vector<1000xf32>
    %broadcast_in_dim3A_8 = vector.shape_cast %reduce_sum3A_7 : vector<1000xf32> to vector<1000x1xf32>
    %div3A_9 = arith.constant 1.280000e+02 : f32
    %div3A_10 = vector.broadcast %div3A_9 : f32 to vector<1000x1xf32>
    %div3A_11 = arith.divf %broadcast_in_dim3A_8, %div3A_10 : vector<1000x1xf32>
    %sub3A_12 = vector.broadcast %div3A_4 : vector<1000x1xf32> to vector<1000x128xf32>
    %sub3A_13 = arith.subf %get3A_1, %sub3A_12 : vector<1000x128xf32>
    %add3A = arith.constant 9.99999974E-6 : f32
    %add3A_14 = vector.broadcast %add3A : f32 to vector<1000x1xf32>
    %add3A_15 = arith.addf %div3A_11, %add3A_14 : vector<1000x1xf32>
    %rsqrt3A = math.rsqrt %add3A_15 : vector<1000x1xf32>
    %mul3A = vector.broadcast %rsqrt3A : vector<1000x1xf32> to vector<1000x128xf32>
    %mul3A_16 = arith.mulf %sub3A_13, %mul3A : vector<1000x128xf32>
    %get3A_17 = arith.constant 0 : index
    %get3A_18 = arith.constant 0 : index
    %get3A_19 = vector.load %arg2[%get3A_17, %get3A_18] : memref<1x128xf32, #tpu.memory_space<vmem>>, vector<1x128xf32>
    %mul3A_20 = vector.broadcast %get3A_19 : vector<1x128xf32> to vector<1000x128xf32>
    %mul3A_21 = arith.mulf %mul3A_16, %mul3A_20 : vector<1000x128xf32>
    %get3A_22 = arith.constant 0 : index
    %get3A_23 = arith.constant 0 : index
    %get3A_24 = vector.load %arg3[%get3A_22, %get3A_23] : memref<1x128xf32, #tpu.memory_space<vmem>>, vector<1x128xf32>
    %add3A_25 = vector.broadcast %get3A_24 : vector<1x128xf32> to vector<1000x128xf32>
    %add3A_26 = arith.addf %mul3A_21, %add3A_25 : vector<1000x128xf32>
    %swap3A = arith.constant 0 : index
    %swap3A_27 = arith.constant 0 : index
    %swap3A_28 = vector.load %arg4[%swap3A, %swap3A_27] : memref<1000x128xf32, #tpu.memory_space<vmem>>, vector<1000x128xf32>
    tpu.vector_store %arg4[%swap3A, %swap3A_27], %add3A_26 {strides = array<i32>} : memref<1000x128xf32, #tpu.memory_space<vmem>>, vector<1000x128xf32>,
    return
  }
  func.func @transform_0(%arg0: i32) -> (i32, i32) {
    %c0_i32 = arith.constant 0 : i32
    %c0_i32_0 = arith.constant 0 : i32
    return %arg0, %c0_i32 : i32, i32
  }
  func.func @transform_1(%arg0: i32) -> (i32, i32) {
    %c0_i32 = arith.constant 0 : i32
    %c0_i32_0 = arith.constant 0 : i32
    %c0_i32_1 = arith.constant 0 : i32
    return %c0_i32, %c0_i32_0 : i32, i32
  }
  func.func @transform_2(%arg0: i32) -> (i32, i32) {
    %c0_i32 = arith.constant 0 : i32
    %c0_i32_0 = arith.constant 0 : i32
    %c0_i32_1 = arith.constant 0 : i32
    return %c0_i32, %c0_i32_0 : i32, i32
  }
  func.func @transform_3(%arg0: i32) -> (i32, i32) {
    %c0_i32 = arith.constant 0 : i32
    %c0_i32_0 = arith.constant 0 : i32
    return %arg0, %c0_i32 : i32, i32
  }
}

module attributes {stable_mosaic.version = 14 : i64} {
  func.func @_combine_body(%arg0: i32, %arg1: memref<2x1000x128xf32, #tpu.memory_space<vmem>>, %arg2: memref<2x1000x16xf32, #tpu.memory_space<vmem>>, %arg3: memref<1000x128xf32, #tpu.memory_space<vmem>>, %arg4: memref<1x1x1000xi32, #tpu.memory_space<vmem>>, %arg5: memref<128x128xf32, #tpu.memory_space<vmem>>, %arg6: memref<128x128xf32, #tpu.memory_space<vmem>>, %arg7: memref<1x128xf32, #tpu.memory_space<vmem>>, %arg8: memref<1x128xf32, #tpu.memory_space<vmem>>, %arg9: memref<1x128xf32, #tpu.memory_space<vmem>>, %arg10: memref<64x128xf32, #tpu.memory_space<vmem>>, %arg11: memref<64x128xf32, #tpu.memory_space<vmem>>, %arg12: memref<64x128xf32, #tpu.memory_space<vmem>>) attributes {dimension_semantics = [#tpu.dimension_semantics<arbitrary>], iteration_bounds = array<i64: 10>, scalar_prefetch = 0 : i64, scratch_operands = 2 : i64, tpu.core_type = #tpu.core_type<tc>, window_params = [{transform_indices = @transform_0, window_bounds = array<i64: 2, 1000, 128>}, {transform_indices = @transform_1, window_bounds = array<i64: 2, 1000, 16>}, {transform_indices = @transform_2, window_bounds = array<i64: 1000, 128>}, {transform_indices = @transform_3, window_bounds = array<i64: 1, 1, 1000>}, {pipeline_mode = #tpu.pipeline_mode<synchronous>, transform_indices = @transform_4, window_bounds = array<i64: 128, 128>}, {pipeline_mode = #tpu.pipeline_mode<synchronous>, transform_indices = @transform_5, window_bounds = array<i64: 128, 128>}, {pipeline_mode = #tpu.pipeline_mode<synchronous>, transform_indices = @transform_6, window_bounds = array<i64: 1, 128>}, {pipeline_mode = #tpu.pipeline_mode<synchronous>, transform_indices = @transform_7, window_bounds = array<i64: 1, 128>}, {pipeline_mode = #tpu.pipeline_mode<synchronous>, transform_indices = @transform_8, window_bounds = array<i64: 1, 128>}, {pipeline_mode = #tpu.pipeline_mode<synchronous>, transform_indices = @transform_9, window_bounds = array<i64: 64, 128>}]} {
    %get3A = arith.constant 0 : index
    %get3A_0 = arith.constant 0 : index
    %get3A_1 = arith.constant 0 : index
    %get3A_2 = vector.load %arg1[%get3A, %get3A_0, %get3A_1] : memref<2x1000x128xf32, #tpu.memory_space<vmem>>, vector<1x1000x128xf32>
    %get3A_3 = vector.shape_cast %get3A_2 : vector<1x1000x128xf32> to vector<1000x128xf32>
    %get3A_4 = arith.constant 1 : index
    %get3A_5 = arith.constant 0 : index
    %get3A_6 = arith.constant 0 : index
    %get3A_7 = vector.load %arg1[%get3A_4, %get3A_5, %get3A_6] : memref<2x1000x128xf32, #tpu.memory_space<vmem>>, vector<1x1000x128xf32>
    %get3A_8 = vector.shape_cast %get3A_7 : vector<1x1000x128xf32> to vector<1000x128xf32>
    %add3A = arith.addf %get3A_3, %get3A_8 : vector<1000x128xf32>
    %get3A_9 = arith.constant 0 : index
    %get3A_10 = arith.constant 0 : index
    %get3A_11 = arith.constant 0 : index
    %get3A_12 = vector.load %arg2[%get3A_9, %get3A_10, %get3A_11] : memref<2x1000x16xf32, #tpu.memory_space<vmem>>, vector<1x1000x1xf32>
    %get3A_13 = vector.shape_cast %get3A_12 : vector<1x1000x1xf32> to vector<1000x1xf32>
    %get3A_14 = arith.constant 1 : index
    %get3A_15 = arith.constant 0 : index
    %get3A_16 = arith.constant 0 : index
    %get3A_17 = vector.load %arg2[%get3A_14, %get3A_15, %get3A_16] : memref<2x1000x16xf32, #tpu.memory_space<vmem>>, vector<1x1000x1xf32>
    %get3A_18 = vector.shape_cast %get3A_17 : vector<1x1000x1xf32> to vector<1000x1xf32>
    %add3A_19 = arith.addf %get3A_13, %get3A_18 : vector<1000x1xf32>
    %max3A = arith.constant 1.000000e+00 : f32
    %max3A_20 = vector.broadcast %max3A : f32 to vector<1000x1xf32>
    %max3A_21 = arith.maximumf %add3A_19, %max3A_20 : vector<1000x1xf32>
    %div3A = vector.broadcast %max3A_21 : vector<1000x1xf32> to vector<1000x128xf32>
    %div3A_22 = arith.divf %add3A, %div3A : vector<1000x128xf32>
    %get3A_23 = arith.constant 0 : index
    %get3A_24 = arith.constant 0 : index
    %get3A_25 = vector.load %arg3[%get3A_23, %get3A_24] : memref<1000x128xf32, #tpu.memory_space<vmem>>, vector<1000x128xf32>
    %get3A_26 = arith.constant 0 : index
    %get3A_27 = arith.constant 0 : index
    %get3A_28 = vector.load %arg5[%get3A_26, %get3A_27] : memref<128x128xf32, #tpu.memory_space<vmem>>, vector<128x128xf32>
    %dot_general3A = arith.constant dense<0.000000e+00> : vector<1000x128xf32>
    %dot_general3A_29 = tpu.matmul %div3A_22, %get3A_28, %dot_general3A {dimension_numbers = #tpu.dot_dimension_numbers<[1], [1], [0], [0], [0, 0, 1, 0], [], []>, transpose_lhs_hint = false} : vector<1000x128xf32>, vector<128x128xf32>, vector<1000x128xf32> -> vector<1000x128xf32>
    %get3A_30 = arith.constant 0 : index
    %get3A_31 = arith.constant 0 : index
    %get3A_32 = vector.load %arg7[%get3A_30, %get3A_31] : memref<1x128xf32, #tpu.memory_space<vmem>>, vector<1x128xf32>
    %add3A_33 = vector.broadcast %get3A_32 : vector<1x128xf32> to vector<1000x128xf32>
    %add3A_34 = arith.addf %dot_general3A_29, %add3A_33 : vector<1000x128xf32>
    %get3A_35 = arith.constant 0 : index
    %get3A_36 = arith.constant 0 : index
    %get3A_37 = vector.load %arg6[%get3A_35, %get3A_36] : memref<128x128xf32, #tpu.memory_space<vmem>>, vector<128x128xf32>
    %dot_general3A_38 = arith.constant dense<0.000000e+00> : vector<1000x128xf32>
    %dot_general3A_39 = tpu.matmul %get3A_25, %get3A_37, %dot_general3A_38 {dimension_numbers = #tpu.dot_dimension_numbers<[1], [1], [0], [0], [0, 0, 1, 0], [], []>, transpose_lhs_hint = false} : vector<1000x128xf32>, vector<128x128xf32>, vector<1000x128xf32> -> vector<1000x128xf32>
    %add3A_40 = arith.addf %add3A_34, %dot_general3A_39 : vector<1000x128xf32>
    %max3A_41 = arith.constant 0.000000e+00 : f32
    %max3A_42 = vector.broadcast %max3A_41 : f32 to vector<1000x128xf32>
    %max3A_43 = arith.maximumf %add3A_40, %max3A_42 : vector<1000x128xf32>
    %reduce_sum3A = arith.constant dense<0.000000e+00> : vector<1000xf32>
    %reduce_sum3A_44 = vector.multi_reduction <add>, %max3A_43, %reduce_sum3A [1] : vector<1000x128xf32> to vector<1000xf32>
    %broadcast_in_dim3A = vector.shape_cast %reduce_sum3A_44 : vector<1000xf32> to vector<1000x1xf32>
    %div3A_45 = arith.constant 1.280000e+02 : f32
    %div3A_46 = vector.broadcast %div3A_45 : f32 to vector<1000x1xf32>
    %div3A_47 = arith.divf %broadcast_in_dim3A, %div3A_46 : vector<1000x1xf32>
    %sub3A = vector.broadcast %div3A_47 : vector<1000x1xf32> to vector<1000x128xf32>
    %sub3A_48 = arith.subf %max3A_43, %sub3A : vector<1000x128xf32>
    %integer_pow3A = arith.mulf %sub3A_48, %sub3A_48 : vector<1000x128xf32>
    %reduce_sum3A_49 = arith.constant dense<0.000000e+00> : vector<1000xf32>
    %reduce_sum3A_50 = vector.multi_reduction <add>, %integer_pow3A, %reduce_sum3A_49 [1] : vector<1000x128xf32> to vector<1000xf32>
    %broadcast_in_dim3A_51 = vector.shape_cast %reduce_sum3A_50 : vector<1000xf32> to vector<1000x1xf32>
    %div3A_52 = arith.constant 1.280000e+02 : f32
    %div3A_53 = vector.broadcast %div3A_52 : f32 to vector<1000x1xf32>
    %div3A_54 = arith.divf %broadcast_in_dim3A_51, %div3A_53 : vector<1000x1xf32>
    %sub3A_55 = vector.broadcast %div3A_47 : vector<1000x1xf32> to vector<1000x128xf32>
    %sub3A_56 = arith.subf %max3A_43, %sub3A_55 : vector<1000x128xf32>
    %add3A_57 = arith.constant 9.99999974E-6 : f32
    %add3A_58 = vector.broadcast %add3A_57 : f32 to vector<1000x1xf32>
    %add3A_59 = arith.addf %div3A_54, %add3A_58 : vector<1000x1xf32>
    %rsqrt3A = math.rsqrt %add3A_59 : vector<1000x1xf32>
    %mul3A = vector.broadcast %rsqrt3A : vector<1000x1xf32> to vector<1000x128xf32>
    %mul3A_60 = arith.mulf %sub3A_56, %mul3A : vector<1000x128xf32>
    %get3A_61 = arith.constant 0 : index
    %get3A_62 = arith.constant 0 : index
    %get3A_63 = vector.load %arg8[%get3A_61, %get3A_62] : memref<1x128xf32, #tpu.memory_space<vmem>>, vector<1x128xf32>
    %mul3A_64 = vector.broadcast %get3A_63 : vector<1x128xf32> to vector<1000x128xf32>
    %mul3A_65 = arith.mulf %mul3A_60, %mul3A_64 : vector<1000x128xf32>
    %get3A_66 = arith.constant 0 : index
    %get3A_67 = arith.constant 0 : index
    %get3A_68 = vector.load %arg9[%get3A_66, %get3A_67] : memref<1x128xf32, #tpu.memory_space<vmem>>, vector<1x128xf32>
    %add3A_69 = vector.broadcast %get3A_68 : vector<1x128xf32> to vector<1000x128xf32>
    %add3A_70 = arith.addf %mul3A_65, %add3A_69 : vector<1000x128xf32>
    %get3A_71 = arith.constant 0 : index
    %get3A_72 = arith.constant 0 : index
    %get3A_73 = arith.constant 0 : index
    %get3A_74 = vector.load %arg4[%get3A_71, %get3A_72, %get3A_73] : memref<1x1x1000xi32, #tpu.memory_space<vmem>>, vector<1x1x1000xi32>
    %get3A_75 = vector.shape_cast %get3A_74 : vector<1x1x1000xi32> to vector<1000xi32>
    %broadcast_in_dim3A_76 = vector.shape_cast %get3A_75 : vector<1000xi32> to vector<1000x1xi32>
    %iota3A = tpu.iota {dimensions = array<i32: 1>} : vector<1000x64xi32>
    %eq3A = vector.broadcast %broadcast_in_dim3A_76 : vector<1000x1xi32> to vector<1000x64xi32>
    %eq3A_77 = arith.cmpi eq, %eq3A, %iota3A : vector<1000x64xi32>
    %convert_element_type3A = arith.extui %eq3A_77 : vector<1000x64xi1> to vector<1000x64xi32>
    %convert_element_type3A_78 = arith.sitofp %convert_element_type3A : vector<1000x64xi32> to vector<1000x64xf32>
    %eq3A_79 = arith.constant 0 : i32
    %eq3A_80 = arith.cmpi eq, %arg0, %eq3A_79 : i32
    %convert_element_type3A_81 = arith.extui %eq3A_80 : i1 to i32
    %cond3A = arith.constant 0 : i32
    %cond3A_82 = arith.cmpi ne, %convert_element_type3A_81, %cond3A : i32
    scf.if %cond3A_82 {
      %broadcast_in_dim3A_107 = arith.constant 0.000000e+00 : f32
      %broadcast_in_dim3A_108 = vector.broadcast %broadcast_in_dim3A_107 : f32 to vector<64x128xf32>
      %swap3A_109 = arith.constant 0 : index
      %swap3A_110 = arith.constant 0 : index
      %swap3A_111 = vector.load %arg11[%swap3A_109, %swap3A_110] : memref<64x128xf32, #tpu.memory_space<vmem>>, vector<64x128xf32>
      tpu.vector_store %arg11[%swap3A_109, %swap3A_110], %broadcast_in_dim3A_108 {strides = array<i32>} : memref<64x128xf32, #tpu.memory_space<vmem>>, vector<64x128xf32>,
      %broadcast_in_dim3A_112 = arith.constant 0.000000e+00 : f32
      %broadcast_in_dim3A_113 = vector.broadcast %broadcast_in_dim3A_112 : f32 to vector<64x128xf32>
      %swap3A_114 = arith.constant 0 : index
      %swap3A_115 = arith.constant 0 : index
      %swap3A_116 = vector.load %arg12[%swap3A_114, %swap3A_115] : memref<64x128xf32, #tpu.memory_space<vmem>>, vector<64x128xf32>
      tpu.vector_store %arg12[%swap3A_114, %swap3A_115], %broadcast_in_dim3A_113 {strides = array<i32>} : memref<64x128xf32, #tpu.memory_space<vmem>>, vector<64x128xf32>,
    } else {
    }
    %get3A_83 = arith.constant 0 : index
    %get3A_84 = arith.constant 0 : index
    %get3A_85 = vector.load %arg11[%get3A_83, %get3A_84] : memref<64x128xf32, #tpu.memory_space<vmem>>, vector<64x128xf32>
    %dot_general3A_86 = arith.constant dense<0.000000e+00> : vector<64x128xf32>
    %dot_general3A_87 = tpu.matmul %convert_element_type3A_78, %add3A_70, %dot_general3A_86 {dimension_numbers = #tpu.dot_dimension_numbers<[0], [0], [1], [1], [0, 1, 1, 1], [], []>, transpose_lhs_hint = false} : vector<1000x64xf32>, vector<1000x128xf32>, vector<64x128xf32> -> vector<64x128xf32>
    %add3A_88 = arith.addf %get3A_85, %dot_general3A_87 : vector<64x128xf32>
    %swap3A = arith.constant 0 : index
    %swap3A_89 = arith.constant 0 : index
    %swap3A_90 = vector.load %arg11[%swap3A, %swap3A_89] : memref<64x128xf32, #tpu.memory_space<vmem>>, vector<64x128xf32>
    tpu.vector_store %arg11[%swap3A, %swap3A_89], %add3A_88 {strides = array<i32>} : memref<64x128xf32, #tpu.memory_space<vmem>>, vector<64x128xf32>,
    %get3A_91 = arith.constant 0 : index
    %get3A_92 = arith.constant 0 : index
    %get3A_93 = vector.load %arg12[%get3A_91, %get3A_92] : memref<64x128xf32, #tpu.memory_space<vmem>>, vector<64x128xf32>
    %broadcast_in_dim3A_94 = arith.constant 1.000000e+00 : f32
    %broadcast_in_dim3A_95 = vector.broadcast %broadcast_in_dim3A_94 : f32 to vector<1000x128xf32>
    %dot_general3A_96 = arith.constant dense<0.000000e+00> : vector<64x128xf32>
    %dot_general3A_97 = tpu.matmul %convert_element_type3A_78, %broadcast_in_dim3A_95, %dot_general3A_96 {dimension_numbers = #tpu.dot_dimension_numbers<[0], [0], [1], [1], [0, 1, 1, 1], [], []>, transpose_lhs_hint = false} : vector<1000x64xf32>, vector<1000x128xf32>, vector<64x128xf32> -> vector<64x128xf32>
    %add3A_98 = arith.addf %get3A_93, %dot_general3A_97 : vector<64x128xf32>
    %swap3A_99 = arith.constant 0 : index
    %swap3A_100 = arith.constant 0 : index
    %swap3A_101 = vector.load %arg12[%swap3A_99, %swap3A_100] : memref<64x128xf32, #tpu.memory_space<vmem>>, vector<64x128xf32>
    tpu.vector_store %arg12[%swap3A_99, %swap3A_100], %add3A_98 {strides = array<i32>} : memref<64x128xf32, #tpu.memory_space<vmem>>, vector<64x128xf32>,
    %eq3A_102 = arith.constant 9 : i32
    %eq3A_103 = arith.cmpi eq, %arg0, %eq3A_102 : i32
    %convert_element_type3A_104 = arith.extui %eq3A_103 : i1 to i32
    %cond3A_105 = arith.constant 0 : i32
    %cond3A_106 = arith.cmpi ne, %convert_element_type3A_104, %cond3A_105 : i32
    scf.if %cond3A_106 {
      %get3A_107 = arith.constant 0 : index
      %get3A_108 = arith.constant 0 : index
      %get3A_109 = vector.load %arg11[%get3A_107, %get3A_108] : memref<64x128xf32, #tpu.memory_space<vmem>>, vector<64x128xf32>
      %get3A_110 = arith.constant 0 : index
      %get3A_111 = arith.constant 0 : index
      %get3A_112 = vector.load %arg12[%get3A_110, %get3A_111] : memref<64x128xf32, #tpu.memory_space<vmem>>, vector<64x128xf32>
      %max3A_113 = arith.constant 1.000000e+00 : f32
      %max3A_114 = vector.broadcast %max3A_113 : f32 to vector<64x128xf32>
      %max3A_115 = arith.maximumf %get3A_112, %max3A_114 : vector<64x128xf32>
      %div3A_116 = arith.divf %get3A_109, %max3A_115 : vector<64x128xf32>
      %swap3A_117 = arith.constant 0 : index
      %swap3A_118 = arith.constant 0 : index
      %swap3A_119 = vector.load %arg10[%swap3A_117, %swap3A_118] : memref<64x128xf32, #tpu.memory_space<vmem>>, vector<64x128xf32>
      tpu.vector_store %arg10[%swap3A_117, %swap3A_118], %div3A_116 {strides = array<i32>} : memref<64x128xf32, #tpu.memory_space<vmem>>, vector<64x128xf32>,
    } else {
    }
    return
  }
  func.func @transform_0(%arg0: i32) -> (i32, i32, i32) {
    %c0_i32 = arith.constant 0 : i32
    %c0_i32_0 = arith.constant 0 : i32
    %c0_i32_1 = arith.constant 0 : i32
    return %c0_i32, %arg0, %c0_i32_0 : i32, i32, i32
  }
  func.func @transform_1(%arg0: i32) -> (i32, i32, i32) {
    %c0_i32 = arith.constant 0 : i32
    %c0_i32_0 = arith.constant 0 : i32
    %c0_i32_1 = arith.constant 0 : i32
    return %c0_i32, %arg0, %c0_i32_0 : i32, i32, i32
  }
  func.func @transform_2(%arg0: i32) -> (i32, i32) {
    %c0_i32 = arith.constant 0 : i32
    %c0_i32_0 = arith.constant 0 : i32
    return %arg0, %c0_i32 : i32, i32
  }
  func.func @transform_3(%arg0: i32) -> (i32, i32, i32) {
    %c0_i32 = arith.constant 0 : i32
    %c0_i32_0 = arith.constant 0 : i32
    %c0_i32_1 = arith.constant 0 : i32
    return %arg0, %c0_i32, %c0_i32_0 : i32, i32, i32
  }
  func.func @transform_4(%arg0: i32) -> (i32, i32) {
    %c0_i32 = arith.constant 0 : i32
    %c0_i32_0 = arith.constant 0 : i32
    %c0_i32_1 = arith.constant 0 : i32
    return %c0_i32, %c0_i32_0 : i32, i32
  }
  func.func @transform_5(%arg0: i32) -> (i32, i32) {
    %c0_i32 = arith.constant 0 : i32
    %c0_i32_0 = arith.constant 0 : i32
    %c0_i32_1 = arith.constant 0 : i32
    return %c0_i32, %c0_i32_0 : i32, i32
  }
  func.func @transform_6(%arg0: i32) -> (i32, i32) {
    %c0_i32 = arith.constant 0 : i32
    %c0_i32_0 = arith.constant 0 : i32
    %c0_i32_1 = arith.constant 0 : i32
    return %c0_i32, %c0_i32_0 : i32, i32
  }
  func.func @transform_7(%arg0: i32) -> (i32, i32) {
    %c0_i32 = arith.constant 0 : i32
    %c0_i32_0 = arith.constant 0 : i32
    %c0_i32_1 = arith.constant 0 : i32
    return %c0_i32, %c0_i32_0 : i32, i32
  }
  func.func @transform_8(%arg0: i32) -> (i32, i32) {
    %c0_i32 = arith.constant 0 : i32
    %c0_i32_0 = arith.constant 0 : i32
    %c0_i32_1 = arith.constant 0 : i32
    return %c0_i32, %c0_i32_0 : i32, i32
  }
  func.func @transform_9(%arg0: i32) -> (i32, i32) {
    %c0_i32 = arith.constant 0 : i32
    %c0_i32_0 = arith.constant 0 : i32
    %c0_i32_1 = arith.constant 0 : i32
    return %c0_i32, %c0_i32_0 : i32, i32
  }
}

</mosaic_0001>

<sc_bundles>
// kernel: kernel.5.cloned.1.call-start
scs
__scs_entry_jumppad:
0x0: {  	(pc) =	sbr.rel $0x88, $3  }
0x1: {  	(tag) =	ssettag $0x0;
	lr =	simm.s32 $0x1  }
0x2: {  	[smem:$0x3F97] =	sst lr;
	_ =	strace $0xD0000000  }
0x3: {  	_ = 	snop  }
0x4: {  	_ = 	snop  }
0x5: {  	_ = 	snop  }
0x6: {  	_ = 	snop  }
0x7: {  	_ = 	snop  }
__scs_overlays_trampoline_lowered:
0x8: {  	[smem:$0x3FA6] =	sst s0  }
0x9: {  	[smem:$0x3FA7] =	sst s1  }
0xa: {  	[smem:$0x3FA8] =	sst s2  }
0xb: {  	[smem:$0x3FA9] =	sst s3  }
0xc: {  	[smem:$0x3FAA] =	sst s4  }
0xd: {  	[smem:$0x3FAB] =	sst s5  }
0xe: {  	[smem:$0x3FAC] =	sst s6  }
0xf: {  	[smem:$0x3FAD] =	sst s7  }
0x10: {  	[smem:$0x3FAE] =	sst s8  }
0x11: {  	[smem:$0x3FAF] =	sst s9;
	s0 =	simm.s32 @!p0 $0x0  }
0x12: {  	s1 =	sld [smem:$0x3F95];
	s0 =	simm.s32 @p0 $0x1  }
0x13: {  	[smem:$0x3FB0] =	sst s0;
	s0 =	simm.s32 @!p1 $0x0  }
0x14: {  	s2 =	sld [smem:$0x3F94];
	s0 =	simm.s32 @p1 $0x1  }
0x15: {  	[smem:$0x3FB1] =	sst s0;
	s0 =	simm.s32 @!p2 $0x0  }
0x16: {  	s3 =	sld [smem:$0x3FDB];
	s0 =	simm.s32 @p2 $0x1  }
0x17: {  	s4 =	simm.s32 $0x1BF5;
	[smem:$0x3FB3] =	sst s0  }
0x18: {  	s0 =	sld [smem:$0x3F96];
	_ =	swait.ge [sflag:s4], $0x0  }
0x19: {  	s7 =	sld [smem:$0x3F97]  }
0x1a: {  	s8 =	sadd.s32 $0xFFFFE003, lr  }
0x1b: {  	s9 =	sadd.s32 $0xFFFFFEF7, lr;
	s5 =	simm.s32 $0xFFFFFFFF;
	p2 =	slt.u32 s8, $0xFFFFF086  }
0x1c: {  	p1 =	slt.u32 s9, $0xF7A;
	s5 =	simm.s32 @!p2 $0x0  }
0x1d: {  	s5 =	simm.s32 @p1 $0x1;
	p0 =	seq.s32 s7, s2  }
0x1e: {  	s7 =	smul.u32 @!p0 $0xF7A, s2;
	p2 =	seq.s32 @!p0 s5, $0x0  }
0x1f: {  	s9 =	smul.u32 $0xF7A, s1;
	s8 =	simm.s32 @!p0 $0x1BF5;
	p2 =	por !p2, p0  }
0x20: {  	[sflag:s8] =	ssyncset.s32 @!p0 $0xFFFFF086;
	s6 =	sadd.s32 @!p0 s3, s7;
	s7 =	simm.s32 @!p0 $0x108  }
0x21: {  	s3 =	sadd.s32 s3, s9;
	s6 =	sadd.s32 @!p0 $0x88, s6;
	s7 =	simm.s32 @p2 $0x1082  }
0x22: {  	[simem:s7], [sflag:s8] =	dma.local @!p0 [hbm:s6], $0xF7A  }
0x23: {  	s9 =	sor.u32 $0xD0000000, s2;
	s6 =	simm.s32 $0x108;
	_ =	swait.ge @!p0 [sflag:s8], $0x0  }
0x24: {  	s3 =	sadd.s32 $0x88, s3;
	s6 =	simm.s32 @!p1 $0x1082;
	[sflag:s4] =	ssyncset.s32 $0xFFFFF086  }
0x25: {  	[simem:s6], [sflag:s4] =	dma.local [hbm:s3], $0xF7A  }
0x26: {  	[smem:$0x3F97] =	sst s1;
	(tag) =	ssettag s2;
	_ =	strace s9  }
0x27: {  	s1 =	sld [smem:$0x3FA7]  }
0x28: {  	s2 =	sld [smem:$0x3FA8]  }
0x29: {  	s4 =	sld [smem:$0x3FAA]  }
0x2a: {  	p0 =	seq.s32 s5, $0x0;
	s5 =	sld [smem:$0x3FAB]  }
0x2b: {  	s6 =	sld [smem:$0x3FAC]  }
0x2c: {  	s7 =	sld [smem:$0x3FAD]  }
0x2d: {  	s3 =	simm.s32 $0x108;
	s8 =	sld [smem:$0x3FAE]  }
0x2e: {  	s3 =	simm.s32 @!p0 $0x1082;
	s9 =	sld [smem:$0x3FAF]  }
0x2f: {  	lr =	sadd.s32 s0, s3;
	s0 =	sld [smem:$0x3FA6]  }
0x30: {  	s3 =	sld [smem:$0x3FA9]  }
0x31: {  	[smem:$0x3FB2] =	sst s10  }
0x32: {  	s10 =	sld [smem:$0x3FB0];
	_ =	sdelay $0x3  }
0x33: {  	p0 =	seq.s32 s10, $0x1;
	s10 =	sld [smem:$0x3FB2];
	_ =	sdelay $0x3  }
0x34: {  	[smem:$0x3FB2] =	sst s10  }
0x35: {  	s10 =	sld [smem:$0x3FB1];
	_ =	sdelay $0x3  }
0x36: {  	p1 =	seq.s32 s10, $0x1;
	s10 =	sld [smem:$0x3FB2];
	_ =	sdelay $0x3  }
0x37: {  	[smem:$0x3FB2] =	sst s10  }
0x38: {  	s10 =	sld [smem:$0x3FB3]  }
0x39: {  	_ = 	snop;
	(pc) =	sbr.ind lr, $3  }
0x3a: {  	_ = 	snop  }
0x3b: {  	_ = 	snop  }
0x3c: {  	p2 =	seq.s32 s10, $0x1;
	s10 =	sld [smem:$0x3FB2]  }
0x3d: {  	_ =	shalt  }
0x3e: {  	_ =	shalt  }
0x3f: {  	_ =	shalt  }
0x40: {  	_ =	shalt  }
0x41: {  	_ =	shalt  }
0x42: {  	_ =	shalt  }
0x43: {  	_ =	shalt  }
0x44: {  	_ =	shalt  }
0x45: {  	_ =	shalt  }
0x46: {  	_ =	shalt  }
0x47: {  	_ =	shalt  }
0x48: {  	_ =	shalt  }
0x49: {  	_ =	shalt  }
0x4a: {  	_ =	shalt  }
0x4b: {  	_ =	shalt  }
0x4c: {  	_ =	shalt  }
0x4d: {  	_ =	shalt  }
0x4e: {  	_ =	shalt  }
0x4f: {  	_ =	shalt  }
0x50: {  	_ =	shalt  }
0x51: {  	_ =	shalt  }
0x52: {  	_ =	shalt  }
0x53: {  	_ =	shalt  }
0x54: {  	_ =	shalt  }
0x55: {  	_ =	shalt  }
0x56: {  	_ =	shalt  }
0x57: {  	_ =	shalt  }
0x58: {  	_ =	shalt  }
0x59: {  	_ =	shalt  }
0x5a: {  	_ =	shalt  }
0x5b: {  	_ =	shalt  }
0x5c: {  	_ =	shalt  }
0x5d: {  	_ =	shalt  }
0x5e: {  	_ =	shalt  }
0x5f: {  	_ =	shalt  }
0x60: {  	_ =	shalt  }
0x61: {  	_ =	shalt  }
0x62: {  	_ =	shalt  }
0x63: {  	_ =	shalt  }
0x64: {  	_ =	shalt  }
0x65: {  	_ =	shalt  }
0x66: {  	_ =	shalt  }
0x67: {  	_ =	shalt  }
0x68: {  	_ =	shalt  }
0x69: {  	_ =	shalt  }
0x6a: {  	_ =	shalt  }
0x6b: {  	_ =	shalt  }
0x6c: {  	_ =	shalt  }
0x6d: {  	_ =	shalt  }
0x6e: {  	_ =	shalt  }
0x6f: {  	_ =	shalt  }
0x70: {  	_ =	shalt  }
0x71: {  	_ =	shalt  }
0x72: {  	_ =	shalt  }
0x73: {  	_ =	shalt  }
0x74: {  	_ =	shalt  }
0x75: {  	_ =	shalt  }
0x76: {  	_ =	shalt  }
0x77: {  	_ =	shalt  }
0x78: {  	_ =	shalt  }
0x79: {  	_ =	shalt  }
0x7a: {  	_ =	shalt  }
0x7b: {  	_ =	shalt  }
0x7c: {  	_ =	shalt  }
0x7d: {  	_ =	shalt  }
0x7e: {  	_ =	shalt  }
0x7f: {  	_ =	shalt  }
0x80: {  	_ =	shalt  }
0x81: {  	_ =	shalt  }
0x82: {  	_ =	shalt  }
0x83: {  	_ =	shalt  }
0x84: {  	_ =	shalt  }
0x85: {  	_ =	shalt  }
0x86: {  	_ =	shalt  }
0x87: {  	_ =	shalt  }
.Lfunc_end0:
.L_simem_size_0:
called_computation_lowered:
.L_overlay_start_0:
0x88: {  	s2 =	sld [smem:$0x3FD9]  }
0x89: {  	s3 =	sld [smem:$0x3FFE];
	_ =	sdelay $0x1  }
0x8a: {  	s1 =	srdreg.scid  }
0x8b: {  	s0 =	sand.u32 $0x1, s1  }
0x8c: {  	s17 =	sshll.u32 s0, $0xA;
	s2 =	sadd.s32 s3, s2  }
0x8d: {  	s2 =	sadd.s32 s2, s17  }
0x8e: {  	[smem:$0x3FBE] =	sst s2  }
0x8f: {  	_ = 	snop  }
0x90: {  	s2 =	sld [smem:$0x3FD0];
	(tm) =	ssettm $0x1  }
0x91: {  	s18 =	sld [smem:$0x3FFB];
	_ =	sdelay $0x3  }
0x92: {  	_ =	strace s18  }
0x93: {  	s3 =	sld [smem:$0x3FFC];
	_ =	sdelay $0x3  }
0x94: {  	_ =	strace s3  }
0x95: {  	s3 =	sld [smem:$0x3FFD];
	_ =	sdelay $0x3  }
0x96: {  	_ =	strace s3  }
0x97: {  	_ =	strace $0x8FFFFFFF  }
0x98: {  	s19 =	sld [smem:$0x3FDB];
	_ =	sdelay $0x1  }
0x99: {  	s4 =	simm.s32 $_scs_section_size  }
0x9a: {  	s5 =	simm.s32 $_size__tile_overlayer_lowered;
	s6 =	simm.s32 $_tile_overlayer_lowered  }
0x9b: {  	s22 =	simm.s32 $0x1BFF;
	s21 =	sshll.u32 s6, $0x1;
	s3 =	sadd.s32 s4, s19  }
0x9c: {  	s7 =	simm.s32 $0x0;
	s20 =	sshll.u32 s5, $0x1;
	s5 =	sadd.s32 s21, s3  }
0x9d: {  	[timem:s7], [sflag:s22] =	dma.local [hbm:s5], s20  }
0x9e: {  	_ =	swait.ge [sflag:s22], s20  }
0x9f: {  	s4 =	ssub.s32 $0x0, s20;
	[sflag:s22] =	ssyncset.done $0x0  }
0xa0: {  	[sflag:s22] =	ssyncadd.s32 s4;
	_ =	sdelay $0x1  }
0xa1: {  	s23 =	simm.s32 $0x1B8B  }
0xa2: {  	_ =	swait.ge [sflag:s23], $0x1  }
0xa3: {  	[sflag:s23] =	ssyncset.done $0x0  }
0xa4: {  	s25 =	simm.s32 $0x1B8E;
	s24 =	sld [smem:$0x3FFE];
	[sflag:s23] =	ssyncadd.s32 $0xFFFFFFFF  }
0xa5: {  	s26 =	simm.s32 $execute0_lowered;
	[smem:$0x3FD2] =	sst s25  }
0xa6: {  	s5 =	sshll.u32 s26, $0x1;
	_ =	strace $0x80000046;
	[dreg:$0x1] =	wrdreg $0xFFFFFFFF  }
0xa7: {  	s28 =	simm.s32 $_size_execute0_lowered;
	s3 =	sadd.s32 s3, s5;
	[dreg:$0x0] =	wrdreg $0x0  }
0xa8: {  	s5 =	sshll.u32 s28, $0x1;
	[dreg:$0x2] =	wrdreg s3  }
0xa9: {  	[dreg:$0x3] =	wrdreg s5  }
0xaa: {  	[dreg:$0x4] =	wrdreg $0xC0  }
0xab: {  	_ =	task [dreg:s7], $0x5FFFF  }
0xac: {  	[dreg:$0x1] =	wrdreg $0xFFFFFFFF  }
0xad: {  	[dreg:$0x0] =	wrdreg $0x60  }
0xae: {  	[dreg:$0x2] =	wrdreg s24  }
0xaf: {  	[dreg:$0x3] =	wrdreg s2  }
0xb0: {  	[dreg:$0x4] =	wrdreg $0x0  }
0xb1: {  	[dreg:$0x5] =	wrdreg $0x140000  }
0xb2: {  	[dreg:$0x6] =	wrdreg $0x9  }
0xb3: {  	_ =	task.clear_ibuf [dreg:s7], $0x7FFFF;
	_ =	strace $0x90000046  }
0xb4: {  	s29 =	simm.s32 $0x9;
	_ =	strace $0x80000048  }
0xb5: {  	_ =	swait.ge [sflag:s29], $0x1  }
0xb6: {  	[sflag:s29] =	ssyncadd.s32 $0xFFFFFFFF  }
0xb7: {  	_ =	strace $0x90000048  }
0xb8: {  	_ =	sfence  }
0xb9: {  	s30 =	sld [smem:$0x0];
	_ =	sdelay $0x2  }
0xba: {  	s31 =	sshll.u32 s1, $0xD;
	s1 =	sshrl.u32 s1, $0x2  }
0xbb: {  	s3 =	sand.u32 $0x4000, s31;
	s1 =	sadd.s32 s1, s30  }
0xbc: {  	s0 =	sor.u32 s3, s0;
	s1 =	sshll.u32 s1, $0x11  }
0xbd: {  	s0 =	sor.u32 s1, s0  }
0xbe: {  	s0 =	sadd.s32 $0x8F2B, s0  }
0xbf: {  	[sflag:s0] =	ssyncadd.remote.s32 $0x1  }
0xc0: {  	_ =	sfence.sel $0xFFFF  }
0xc1: {  	[dreg:$0x0] =	wrdreg $0xFFFFFFFF;
	(pc) =	sbr.abs _section_cstart, $3  }
0xc2: {  	[dreg:$0x1] =	wrdreg $0xFFFFFFFF  }
0xc3: {  	_ =	task.clear_ibuf [dreg:s7], $0x2FFFF;
	_ =	strace $0x9FFFFFFF  }
0xc4: {  	(tm) =	ssettm $0x7FFFFFFF  }
0xc5: {  	_ =	shalt  }
tec
execute0_lowered:
.L_overlay_start_1:
0x0: {  	(tag) =	ssettag $0x1  }
0x1: {  	s4 =	rddreg [dreg:$0x0]  }
0x2: {  	s2 =	rddreg [dreg:$0x2]  }
0x3: {  	s3 =	rddreg [dreg:$0x3]  }
0x4: {  	s0 =	srdreg.scid;
	s1 =	stileid.u32  }
0x5: {  	s5 =	simm.s32 $0x0;
	s25 =	stileid.u32;
	s12 =	smul.u32 $0x280, s1  }
0x6: {  	[smem:$0x7FF] =	sst s5;
	s26 =	smul.u32 $0x2710, s25  }
0x7: {  	s7 =	sand.u32 $0x1, s0;
	s6 =	sadd.s32 $0x1E00, s4;
	s8 =	smul.u32 $0x14000, s25  }
0x8: {  	s17 =	sadd.s32 $0x47400, s4;
	s29 =	sadd.s32 $0x3D400, s4;
	s11 =	smul.u32 $0x27100, s7  }
0x9: {  	_ =	strace $0x80000047;
	s0 =	ssub.s32 $0x2, s7;
	s14 =	smul.u32 $0x140000, s7  }
0xa: {  	s24 =	sshrl.u32 s0, $0x1;
	s18 =	sor.u32 $0x50, s12;
	s19 =	sadd.s32 $0xA0, s12  }
0xb: {  	s20 =	sadd.s32 $0xF0, s12;
	s21 =	sadd.s32 $0x140, s12;
	s23 =	sadd.s32 $0x190, s12  }
0xc: {  	s25 =	sadd.s32 $0x230, s12;
	s0 =	ssub.s32 s0, s24;
	s10 =	sshll.u32 s18, $0x7  }
0xd: {  	s1 =	sadd.s32 s26, s11;
	s11 =	sshll.u32 s20, $0x7;
	s9 =	sadd.s32 s8, s14  }
0xe: {  	s24 =	sadd.s32 $0x1E0, s12;
	s31 =	sshll.u32 s25, $0x7;
	s20 =	sshll.u32 s20, $0x4  }
0xf: {  	s25 =	sshll.u32 s25, $0x4;
	[smem:$0x7F6] =	sst s0;
	s0 =	sshll.u32 s19, $0x7  }
0x10: {  	s13 =	sadd.s32 $0x230, s1;
	s26 =	sadd.s32 s14, s10;
	s19 =	sshll.u32 s19, $0x4  }
0x11: {  	s10 =	sadd.s32 s10, s2;
	[smem:$0x7E3] =	sst s0;
	s22 =	sshrl.u32 s13, $0x3  }
0x12: {  	s13 =	sshrl.u32 s9, $0x3;
	s12 =	sshrl.u32 s26, $0x3;
	s0 =	sadd.s32 s14, s0  }
0x13: {  	s9 =	sadd.s32 s14, s11;
	[dreg:$0x1f] =	wrdreg s10;
	s15 =	sadd.s32 s22, s6  }
0x14: {  	s16 =	sadd.s32 s17, s13;
	s12 =	sadd.s32 s17, s12;
	[dreg:$0x5] =	wrdreg s15  }
0x15: {  	s13 =	sshrl.u32 s0, $0x3;
	s0 =	sshll.u32 s21, $0x7;
	[dreg:$0xb] =	wrdreg s16  }
0x16: {  	[dreg:$0xc] =	wrdreg s12;
	s15 =	sshrl.u32 s9, $0x3;
	s12 =	sadd.s32 s17, s13  }
0x17: {  	s9 =	sshll.u32 s23, $0x7;
	[dreg:$0xd] =	wrdreg s12;
	s16 =	sadd.s32 s17, s15  }
0x18: {  	s12 =	sshll.u32 s24, $0x7;
	s26 =	sadd.s32 s14, s9;
	[dreg:$0xe] =	wrdreg s16  }
0x19: {  	s16 =	sadd.s32 s14, s0;
	s28 =	sadd.s32 s14, s12;
	s26 =	sshrl.u32 s26, $0x3  }
0x1a: {  	s0 =	sadd.s32 s0, s2;
	s16 =	sshrl.u32 s16, $0x3;
	s13 =	sshrl.u32 s28, $0x3  }
0x1b: {  	s28 =	sadd.s32 $0x1E0, s1;
	[smem:$0x7E8] =	sst s0;
	s16 =	sadd.s32 s17, s16  }
0x1c: {  	s15 =	sadd.s32 s17, s13;
	[dreg:$0xf] =	wrdreg s16;
	s16 =	sadd.s32 s17, s26  }
0x1d: {  	[dreg:$0x10] =	wrdreg s16;
	s16 =	sadd.s32 s14, s31;
	s14 =	sadd.s32 $0xBC00, s4  }
0x1e: {  	s28 =	sshrl.u32 s28, $0x3;
	s13 =	stileid.u32;
	s22 =	sadd.s32 s22, s14  }
0x1f: {  	s26 =	sshrl.u32 s16, $0x3;
	[dreg:$0x6] =	wrdreg s22;
	s22 =	sadd.s32 s28, s6  }
0x20: {  	s17 =	sadd.s32 s17, s26;
	[dreg:$0x7] =	wrdreg s22;
	s22 =	smul.u32 $0x2800, s13  }
0x21: {  	[dreg:$0x12] =	wrdreg s17;
	s17 =	sshll.u32 s18, $0x4;
	s18 =	smul.u32 $0x28000, s7  }
0x22: {  	s21 =	sshll.u32 s21, $0x4;
	[dreg:$0x11] =	wrdreg s15;
	s26 =	sadd.s32 s28, s14  }
0x23: {  	s23 =	sshll.u32 s23, $0x4;
	[dreg:$0x8] =	wrdreg s26;
	s15 =	sadd.s32 s22, s18  }
0x24: {  	s26 =	sshll.u32 s24, $0x4;
	s28 =	sadd.s32 s18, s17;
	s24 =	sshrl.u32 s15, $0x3  }
0x25: {  	s30 =	sadd.s32 s18, s19;
	s28 =	sshrl.u32 s28, $0x3;
	s24 =	sadd.s32 s29, s24  }
0x26: {  	s15 =	sshrl.u32 s30, $0x3;
	s16 =	sadd.s32 s29, s28;
	[dreg:$0x13] =	wrdreg s24  }
0x27: {  	s30 =	sadd.s32 s18, s23;
	s28 =	sadd.s32 s18, s21;
	[dreg:$0x14] =	wrdreg s16  }
0x28: {  	s24 =	sadd.s32 s29, s15;
	s16 =	sadd.s32 s18, s20;
	s28 =	sshrl.u32 s28, $0x3  }
0x29: {  	[dreg:$0x15] =	wrdreg s24;
	s24 =	sshrl.u32 s16, $0x3;
	s15 =	sadd.s32 s29, s28  }
0x2a: {  	s16 =	sshrl.u32 s30, $0x3;
	s28 =	sadd.s32 $0x190, s1;
	s24 =	sadd.s32 s29, s24  }
0x2b: {  	[dreg:$0x17] =	wrdreg s15;
	s15 =	sadd.s32 s18, s26;
	s18 =	sadd.s32 s18, s25  }
0x2c: {  	s28 =	sshrl.u32 s28, $0x3;
	[dreg:$0x16] =	wrdreg s24;
	s24 =	sadd.s32 s29, s16  }
0x2d: {  	s18 =	sshrl.u32 s18, $0x3;
	s16 =	sadd.s32 s28, s6;
	[dreg:$0x18] =	wrdreg s24  }
0x2e: {  	s18 =	sadd.s32 s29, s18;
	[dreg:$0x9] =	wrdreg s16  }
0x2f: {  	s24 =	sshrl.u32 s15, $0x3;
	s15 =	sadd.s32 s28, s14;
	[dreg:$0x1a] =	wrdreg s18  }
0x30: {  	s16 =	sadd.s32 $0x3CC00, s4;
	[dreg:$0xa] =	wrdreg s15  }
0x31: {  	[dreg:$0x1b] =	wrdreg s16  }
0x32: {  	s24 =	sadd.s32 s29, s24;
	s16 =	sld [smem:$0x7E3]  }
0x33: {  	s18 =	sadd.s32 s11, s2;
	[dreg:$0x19] =	wrdreg s24  }
0x34: {  	s15 =	sadd.s32 s8, s2;
	[smem:$0x7E6] =	sst s18  }
0x35: {  	s7 =	sshll.u32 s7, $0x4;
	s11 =	sadd.s32 s26, s3;
	[dreg:$0x1d] =	wrdreg s15  }
0x36: {  	s24 =	sadd.s32 $0x15A00, s4;
	s4 =	sadd.s32 $0x3D200, s4;
	[smem:$0x7FB] =	sst s11  }
0x37: {  	[dreg:$0x1c] =	wrdreg s4;
	s4 =	sor.u32 s13, s7;
	s7 =	sadd.s32 s22, s3  }
0x38: {  	s13 =	sadd.s32 s17, s3;
	[dreg:$0x1e] =	wrdreg s7  }
0x39: {  	s17 =	sadd.s32 s19, s3;
	[smem:$0x7E2] =	sst s13  }
0x3a: {  	s19 =	sadd.s32 s20, s3;
	[smem:$0x7E5] =	sst s17  }
0x3b: {  	s20 =	sadd.s32 s21, s3;
	[smem:$0x7E7] =	sst s19  }
0x3c: {  	s21 =	sadd.s32 s9, s2;
	[smem:$0x7E9] =	sst s20  }
0x3d: {  	s22 =	sadd.s32 s23, s3;
	[smem:$0x7EA] =	sst s21  }
0x3e: {  	s8 =	sadd.s32 s16, s2;
	[smem:$0x7EB] =	sst s22  }
0x3f: {  	s4 =	smul.u32 $0x2710, s4;
	s19 =	sadd.s32 s12, s2;
	[smem:$0x7E4] =	sst s8  }
0x40: {  	s16 =	sadd.s32 s31, s2;
	[smem:$0x7FA] =	sst s19  }
0x41: {  	s13 =	sadd.s32 s25, s3;
	[smem:$0x7FC] =	sst s16;
	s4 =	sshrl.u32 s4, $0x3  }
0x42: {  	s30 =	simm.s32 $0x16A30;
	[smem:$0x7FD] =	sst s13;
	s20 =	sadd.s32 s14, s4  }
0x43: {  	s23 =	sadd.s32 $0xA, s4;
	s21 =	sadd.s32 s6, s4;
	[smem:$0x7F2] =	sst s20  }
0x44: {  	s28 =	simm.s32 $0x169E0;
	s25 =	sadd.s32 s14, s23;
	[smem:$0x7F3] =	sst s21  }
0x45: {  	s26 =	sadd.s32 $0x14, s4;
	s7 =	sadd.s32 s6, s23;
	[smem:$0x7EC] =	sst s25  }
0x46: {  	s29 =	simm.s32 $0x168F0;
	s9 =	sadd.s32 s14, s26;
	[smem:$0x7ED] =	sst s7  }
0x47: {  	s10 =	sadd.s32 $0x1E, s4;
	s12 =	sadd.s32 s6, s26;
	[smem:$0x7EE] =	sst s9  }
0x48: {  	s31 =	simm.s32 $0x1;
	s17 =	sadd.s32 s14, s10;
	[smem:$0x7EF] =	sst s12  }
0x49: {  	s4 =	sadd.s32 $0x4D8, s4;
	s18 =	sadd.s32 s6, s10;
	[smem:$0x7F0] =	sst s17  }
0x4a: {  	s8 =	simm.s32 $0x3;
	s22 =	sadd.s32 s14, s4;
	[smem:$0x7F1] =	sst s18  }
0x4b: {  	s23 =	sadd.s32 s6, s4;
	s26 =	sadd.s32 $0x140, s1;
	[smem:$0x7F4] =	sst s22  }
0x4c: {  	s20 =	simm.s32 $0x16A80;
	s21 =	simm.s32 $0x7;
	[smem:$0x7F5] =	sst s23  }
0x4d: {  	s4 =	simm.s32 $0x2;
	s1 =	simm.s32 $0x19280;
	s25 =	sld [smem:$0x7F6]  }
0x4e: {  	s10 =	simm.s32 $0x4;
	[smem:$0x7F8] =	sst s26;
	s22 =	simm.s32 $0x1BA80  }
0x4f: {  	s23 =	simm.s32 $0x16800;
	s26 =	simm.s32 $0x16850;
	s17 =	simm.s32 $0x16990  }
0x50: {  	s18 =	simm.s32 $0x168A0;
	s7 =	simm.s32 $0x5;
	s12 =	simm.s32 $0x0  }
0x51: {  	s9 =	simm.s32 $0x6;
	[smem:$0x7F9] =	sst s12;
	s0 =	smax.u32 s25, $0x1  }
0x52: {  	s25 =	simm.s32 $0x16940;
	[smem:$0x7F7] =	sst s0;
	s0 =	simm.s32 $0x50  }
.LBB2_1:
0x53: {  	s12 =	rddreg [dreg:$0x1b]  }
0x54: {  	[tilespmem:s20], [sflag:$0x7] =	stream.linear.gather [hbm4b:s12+s5], $0x2800, $0x38;
	[tilespmem:$0x1BF80] =	vst v63  }
0x55: {  	_ =	swait.ge [sflag:s21], $0x2800  }
0x56: {  	[sflag:s21] =	ssyncset.done $0x0  }
0x57: {  	[sflag:s21] =	ssyncadd.s32 $0xFFFFD800  }
0x58: {  	s12 =	rddreg [dreg:$0x1]  }
0x59: {  	[tilespmem:s22], [sflag:$0x7] =	stream.linear.gather [hbm4b:s12+s5], $0x500, $0x38;
	[tilespmem:$0x1BF80] =	vst v63  }
0x5a: {  	_ =	swait.ge [sflag:s21], $0x500  }
0x5b: {  	[sflag:s21] =	ssyncset.done $0x0  }
0x5c: {  	[sflag:s21] =	ssyncadd.s32 $0xFFFFFB00  }
0x5d: {  	[spmem:s15] =	stream.linear.scatter [tilespmem:s20], [sflag:$0x7], $0x2800, $0x38;
	[tilespmem:$0x1BF80] =	vst v63  }
0x5e: {  	_ =	swait.ge [sflag:s21], $0x2800  }
0x5f: {  	[sflag:s21] =	ssyncset.done $0x0  }
0x60: {  	s15 =	rddreg [dreg:$0x1e];
	[sflag:s21] =	ssyncadd.s32 $0xFFFFD800  }
0x61: {  	[spmem:s15] =	stream.linear.scatter [tilespmem:s22], [sflag:$0x7], $0x500, $0x38;
	[tilespmem:$0x1BF80] =	vst v63  }
0x62: {  	_ =	swait.ge [sflag:s21], $0x500  }
0x63: {  	[sflag:s21] =	ssyncset.done $0x0  }
0x64: {  	s15 =	rddreg [dreg:$0x1f];
	[sflag:s21] =	ssyncadd.s32 $0xFFFFFB00  }
0x65: {  	[spmem:s15] =	stream.linear.scatter [tilespmem:s20], [sflag:$0x7], $0x2800, $0x38;
	[tilespmem:$0x1BF80] =	vst v63  }
0x66: {  	_ =	swait.ge [sflag:s21], $0x2800  }
0x67: {  	s15 =	sld [smem:$0x7E2]  }
0x68: {  	[sflag:s21] =	ssyncset.done $0x0  }
0x69: {  	[sflag:s21] =	ssyncadd.s32 $0xFFFFD800  }
0x6a: {  	[spmem:s15] =	stream.linear.scatter [tilespmem:s22], [sflag:$0x7], $0x500, $0x38;
	[tilespmem:$0x1BF80] =	vst v63  }
0x6b: {  	_ =	swait.ge [sflag:s21], $0x500  }
0x6c: {  	s15 =	sld [smem:$0x7E4]  }
0x6d: {  	[sflag:s21] =	ssyncset.done $0x0  }
0x6e: {  	[sflag:s21] =	ssyncadd.s32 $0xFFFFFB00  }
0x6f: {  	[spmem:s15] =	stream.linear.scatter [tilespmem:s20], [sflag:$0x7], $0x2800, $0x38;
	[tilespmem:$0x1BF80] =	vst v63  }
0x70: {  	_ =	swait.ge [sflag:s21], $0x2800  }
0x71: {  	s15 =	sld [smem:$0x7E5]  }
0x72: {  	[sflag:s21] =	ssyncset.done $0x0  }
0x73: {  	[sflag:s21] =	ssyncadd.s32 $0xFFFFD800  }
0x74: {  	[spmem:s15] =	stream.linear.scatter [tilespmem:s22], [sflag:$0x7], $0x500, $0x38;
	[tilespmem:$0x1BF80] =	vst v63  }
0x75: {  	_ =	swait.ge [sflag:s21], $0x500  }
0x76: {  	s15 =	sld [smem:$0x7E6]  }
0x77: {  	[sflag:s21] =	ssyncset.done $0x0  }
0x78: {  	[sflag:s21] =	ssyncadd.s32 $0xFFFFFB00  }
0x79: {  	[spmem:s15] =	stream.linear.scatter [tilespmem:s20], [sflag:$0x7], $0x2800, $0x38;
	[tilespmem:$0x1BF80] =	vst v63  }
0x7a: {  	_ =	swait.ge [sflag:s21], $0x2800  }
0x7b: {  	s15 =	sld [smem:$0x7E7]  }
0x7c: {  	[sflag:s21] =	ssyncset.done $0x0  }
0x7d: {  	[sflag:s21] =	ssyncadd.s32 $0xFFFFD800  }
0x7e: {  	[spmem:s15] =	stream.linear.scatter [tilespmem:s22], [sflag:$0x7], $0x500, $0x38;
	[tilespmem:$0x1BF80] =	vst v63  }
0x7f: {  	_ =	swait.ge [sflag:s21], $0x500  }
0x80: {  	s15 =	sld [smem:$0x7E8]  }
0x81: {  	[sflag:s21] =	ssyncset.done $0x0  }
0x82: {  	[sflag:s21] =	ssyncadd.s32 $0xFFFFFB00  }
0x83: {  	[spmem:s15] =	stream.linear.scatter [tilespmem:s20], [sflag:$0x7], $0x2800, $0x38;
	[tilespmem:$0x1BF80] =	vst v63  }
0x84: {  	_ =	swait.ge [sflag:s21], $0x2800  }
0x85: {  	s15 =	sld [smem:$0x7E9]  }
0x86: {  	[sflag:s21] =	ssyncset.done $0x0  }
0x87: {  	[sflag:s21] =	ssyncadd.s32 $0xFFFFD800  }
0x88: {  	[spmem:s15] =	stream.linear.scatter [tilespmem:s22], [sflag:$0x7], $0x500, $0x38;
	[tilespmem:$0x1BF80] =	vst v63  }
0x89: {  	_ =	swait.ge [sflag:s21], $0x500  }
0x8a: {  	s15 =	sld [smem:$0x7EA]  }
0x8b: {  	[sflag:s21] =	ssyncset.done $0x0  }
0x8c: {  	[sflag:s21] =	ssyncadd.s32 $0xFFFFFB00  }
0x8d: {  	[spmem:s15] =	stream.linear.scatter [tilespmem:s20], [sflag:$0x7], $0x2800, $0x38;
	[tilespmem:$0x1BF80] =	vst v63  }
0x8e: {  	_ =	swait.ge [sflag:s21], $0x2800  }
0x8f: {  	s15 =	sld [smem:$0x7EB]  }
0x90: {  	[sflag:s21] =	ssyncset.done $0x0  }
0x91: {  	[sflag:s21] =	ssyncadd.s32 $0xFFFFD800  }
0x92: {  	[spmem:s15] =	stream.linear.scatter [tilespmem:s22], [sflag:$0x7], $0x500, $0x38;
	[tilespmem:$0x1BF80] =	vst v63  }
0x93: {  	_ =	swait.ge [sflag:s21], $0x500  }
0x94: {  	[sflag:s21] =	ssyncset.done $0x0  }
0x95: {  	[sflag:s21] =	ssyncadd.s32 $0xFFFFFB00  }
0x96: {  	[spmem:s19] =	stream.linear.scatter [tilespmem:s20], [sflag:$0x7], $0x2800, $0x38;
	[tilespmem:$0x1BF80] =	vst v63  }
0x97: {  	_ =	swait.ge [sflag:s21], $0x2800  }
0x98: {  	[sflag:s21] =	ssyncset.done $0x0  }
0x99: {  	[sflag:s21] =	ssyncadd.s32 $0xFFFFD800  }
0x9a: {  	[spmem:s11] =	stream.linear.scatter [tilespmem:s22], [sflag:$0x7], $0x500, $0x38;
	[tilespmem:$0x1BF80] =	vst v63  }
0x9b: {  	_ =	swait.ge [sflag:s21], $0x500  }
0x9c: {  	[sflag:s21] =	ssyncset.done $0x0  }
0x9d: {  	[sflag:s21] =	ssyncadd.s32 $0xFFFFFB00  }
0x9e: {  	[spmem:s16] =	stream.linear.scatter [tilespmem:s20], [sflag:$0x7], $0x2800, $0x38;
	[tilespmem:$0x1BF80] =	vst v63  }
0x9f: {  	_ =	swait.ge [sflag:s21], $0x2800  }
0xa0: {  	[sflag:s21] =	ssyncset.done $0x0  }
0xa1: {  	[sflag:s21] =	ssyncadd.s32 $0xFFFFD800  }
0xa2: {  	[spmem:s13] =	stream.linear.scatter [tilespmem:s22], [sflag:$0x7], $0x500, $0x38;
	[tilespmem:$0x1BF80] =	vst v63  }
0xa3: {  	_ =	swait.ge [sflag:s21], $0x500  }
0xa4: {  	[sflag:s21] =	ssyncset.done $0x0  }
0xa5: {  	s11 =	rddreg [dreg:$0x1c];
	[sflag:s21] =	ssyncadd.s32 $0xFFFFFB00  }
0xa6: {  	[tilespmem:s22], [sflag:$0x7] =	stream.linear.gather [hbm4b:s11+s5], $0x500, $0x38;
	[tilespmem:$0x1BF80] =	vst v63  }
0xa7: {  	_ =	swait.ge [sflag:s21], $0x500  }
0xa8: {  	[sflag:s21] =	ssyncset.done $0x0  }
0xa9: {  	[sflag:s21] =	ssyncadd.s32 $0xFFFFFB00  }
0xaa: {  	[bflag:$0x0] =	sbarrier.arrive $0xFFFF  }
0xab: {  	s13 =	sld [smem:$0x7F2];
	_ =	sdelay $0x1  }
0xac: {  	s15 =	sld [smem:$0x7F3]  }
0xad: {  	[tilespmem:s23], [sflag:$0x1] =	stream.linear.gather [hbm4b:s13+s5], $0x50, $0x38;
	[tilespmem:$0x1BF80] =	vst v63  }
0xae: {  	s16 =	sld [smem:$0x7EC]  }
0xaf: {  	[tilespmem:s25], [sflag:$0x1] =	stream.linear.gather [hbm4b:s15+s5], $0x50, $0x38;
	[tilespmem:$0x1BF80] =	vst v63  }
0xb0: {  	s19 =	sld [smem:$0x7ED]  }
0xb1: {  	[tilespmem:s26], [sflag:$0x2] =	stream.linear.gather [hbm4b:s16+s5], $0x50, $0x38;
	[tilespmem:$0x1BF80] =	vst v63  }
0xb2: {  	s12 =	sld [smem:$0x7EE]  }
0xb3: {  	[tilespmem:s17], [sflag:$0x2] =	stream.linear.gather [hbm4b:s19+s5], $0x50, $0x38;
	[tilespmem:$0x1BF80] =	vst v63  }
0xb4: {  	s13 =	sld [smem:$0x7EF]  }
0xb5: {  	[tilespmem:s18], [sflag:$0x3] =	stream.linear.gather [hbm4b:s12+s5], $0x50, $0x38;
	[tilespmem:$0x1BF80] =	vst v63  }
0xb6: {  	s15 =	sld [smem:$0x7F0]  }
0xb7: {  	[tilespmem:s28], [sflag:$0x3] =	stream.linear.gather [hbm4b:s13+s5], $0x50, $0x38;
	[tilespmem:$0x1BF80] =	vst v63  }
0xb8: {  	s16 =	sld [smem:$0x7F1]  }
0xb9: {  	[tilespmem:s29], [sflag:$0x4] =	stream.linear.gather [hbm4b:s15+s5], $0x50, $0x38;
	[tilespmem:$0x1BF80] =	vst v63  }
0xba: {  	_ = 	snop  }
0xbb: {  	[tilespmem:s30], [sflag:$0x4] =	stream.linear.gather [hbm4b:s16+s5], $0x50, $0x38;
	[tilespmem:$0x1BF80] =	vst v63  }
0xbc: {  	_ =	swait.ge [sflag:s31], $0x50  }
0xbd: {  	[sflag:s31] =	ssyncset.done $0x0  }
0xbe: {  	[sflag:s31] =	ssyncadd.s32 $0xFFFFFFB0  }
0xbf: {  	_ =	swait.ge [sflag:s31], $0x50  }
0xc0: {  	[sflag:s31] =	ssyncset.done $0x0  }
0xc1: {  	[sflag:s31] =	ssyncadd.s32 $0xFFFFFFB0  }
0xc2: {  	[tilespmem:s20], [sflag:$0x5] =	stream.indirect.gather [hbm4b:s24+s0], $0x80, s23, s0, $0xb8;
	[tilespmem:$0x1BF80] =	vst v63  }
0xc3: {  	_ =	swait.ge [sflag:s4], $0x50  }
0xc4: {  	[sflag:s4] =	ssyncset.done $0x0  }
0xc5: {  	[sflag:s4] =	ssyncadd.s32 $0xFFFFFFB0  }
0xc6: {  	_ =	swait.ge [sflag:s4], $0x50  }
0xc7: {  	[sflag:s4] =	ssyncset.done $0x0  }
0xc8: {  	[sflag:s4] =	ssyncadd.s32 $0xFFFFFFB0  }
0xc9: {  	[tilespmem:s1], [sflag:$0x6] =	stream.indirect.gather [hbm4b:s24+s0], $0x80, s26, s0, $0xb8;
	[tilespmem:$0x1BF80] =	vst v63  }
0xca: {  	_ =	swait.ge [sflag:s7], $0x2800  }
0xcb: {  	[sflag:s7] =	ssyncset.done $0x0  }
0xcc: {  	[sflag:s7] =	ssyncadd.s32 $0xFFFFD800  }
0xcd: {  	[spmem:s2] =	stream.indirect.scatter.add.f32 [tilespmem:s20], [sflag:$0x7], $0x80, s25, s0, $0xb8;
	[tilespmem:$0x1BF80] =	vst v63  }
0xce: {  	_ =	swait.ge [sflag:s21], $0x2800  }
0xcf: {  	[sflag:s21] =	ssyncset.done $0x0  }
0xd0: {  	[sflag:s21] =	ssyncadd.s32 $0xFFFFD800  }
0xd1: {  	[spmem:s3] =	stream.indirect.scatter.add.f32 [tilespmem:s22], [sflag:$0x7], $0x10, s25, s0, $0xb8;
	[tilespmem:$0x1BF80] =	vst v63  }
0xd2: {  	_ =	swait.ge [sflag:s21], $0x500  }
0xd3: {  	s11 =	sld [smem:$0x7F8];
	_ =	sdelay $0x2  }
0xd4: {  	[sflag:s21] =	ssyncset.done $0x0;
	s19 =	sshrl.u32 s11, $0x3  }
0xd5: {  	[sflag:s21] =	ssyncadd.s32 $0xFFFFFB00;
	s15 =	sadd.s32 s14, s19  }
0xd6: {  	[tilespmem:s23], [sflag:$0x1] =	stream.linear.gather [hbm4b:s15+s5], $0x50, $0x38;
	[tilespmem:$0x1BF80] =	vst v63  }
0xd7: {  	s12 =	sadd.s32 s6, s19  }
0xd8: {  	[tilespmem:s25], [sflag:$0x1] =	stream.linear.gather [hbm4b:s12+s5], $0x50, $0x38;
	[tilespmem:$0x1BF80] =	vst v63  }
0xd9: {  	_ =	swait.ge [sflag:s8], $0x50  }
0xda: {  	[sflag:s8] =	ssyncset.done $0x0  }
0xdb: {  	[sflag:s8] =	ssyncadd.s32 $0xFFFFFFB0  }
0xdc: {  	_ =	swait.ge [sflag:s8], $0x50  }
0xdd: {  	[sflag:s8] =	ssyncset.done $0x0  }
0xde: {  	[sflag:s8] =	ssyncadd.s32 $0xFFFFFFB0  }
0xdf: {  	[tilespmem:s20], [sflag:$0x5] =	stream.indirect.gather [hbm4b:s24+s0], $0x80, s18, s0, $0xb8;
	[tilespmem:$0x1BF80] =	vst v63  }
0xe0: {  	_ =	swait.ge [sflag:s9], $0x2800  }
0xe1: {  	[sflag:s9] =	ssyncset.done $0x0  }
0xe2: {  	[sflag:s9] =	ssyncadd.s32 $0xFFFFD800  }
0xe3: {  	[spmem:s2] =	stream.indirect.scatter.add.f32 [tilespmem:s1], [sflag:$0x7], $0x80, s17, s0, $0xb8;
	[tilespmem:$0x1BF80] =	vst v63  }
0xe4: {  	_ =	swait.ge [sflag:s21], $0x2800  }
0xe5: {  	[sflag:s21] =	ssyncset.done $0x0  }
0xe6: {  	[sflag:s21] =	ssyncadd.s32 $0xFFFFD800  }
0xe7: {  	[spmem:s3] =	stream.indirect.scatter.add.f32 [tilespmem:s22], [sflag:$0x7], $0x10, s17, s0, $0xb8;
	[tilespmem:$0x1BF80] =	vst v63  }
0xe8: {  	_ =	swait.ge [sflag:s21], $0x500  }
0xe9: {  	s16 =	rddreg [dreg:$0xa];
	[sflag:s21] =	ssyncset.done $0x0  }
0xea: {  	s19 =	rddreg [dreg:$0x9];
	[sflag:s21] =	ssyncadd.s32 $0xFFFFFB00;
	s12 =	sadd.s32 $0x0, s16  }
0xeb: {  	[tilespmem:s26], [sflag:$0x2] =	stream.linear.gather [hbm4b:s12+s5], $0x50, $0x38;
	[tilespmem:$0x1BF80] =	vst v63  }
0xec: {  	s15 =	sadd.s32 $0x0, s19  }
0xed: {  	[tilespmem:s17], [sflag:$0x2] =	stream.linear.gather [hbm4b:s15+s5], $0x50, $0x38;
	[tilespmem:$0x1BF80] =	vst v63  }
0xee: {  	_ =	swait.ge [sflag:s10], $0x50  }
0xef: {  	[sflag:s10] =	ssyncset.done $0x0  }
0xf0: {  	[sflag:s10] =	ssyncadd.s32 $0xFFFFFFB0  }
0xf1: {  	_ =	swait.ge [sflag:s10], $0x50  }
0xf2: {  	[sflag:s10] =	ssyncset.done $0x0  }
0xf3: {  	[sflag:s10] =	ssyncadd.s32 $0xFFFFFFB0  }
0xf4: {  	[tilespmem:s1], [sflag:$0x6] =	stream.indirect.gather [hbm4b:s24+s0], $0x80, s29, s0, $0xb8;
	[tilespmem:$0x1BF80] =	vst v63  }
0xf5: {  	_ =	swait.ge [sflag:s7], $0x2800  }
0xf6: {  	[sflag:s7] =	ssyncset.done $0x0  }
0xf7: {  	[sflag:s7] =	ssyncadd.s32 $0xFFFFD800  }
0xf8: {  	[spmem:s2] =	stream.indirect.scatter.add.f32 [tilespmem:s20], [sflag:$0x7], $0x80, s28, s0, $0xb8;
	[tilespmem:$0x1BF80] =	vst v63  }
0xf9: {  	_ =	swait.ge [sflag:s21], $0x2800  }
0xfa: {  	[sflag:s21] =	ssyncset.done $0x0  }
0xfb: {  	[sflag:s21] =	ssyncadd.s32 $0xFFFFD800  }
0xfc: {  	[spmem:s3] =	stream.indirect.scatter.add.f32 [tilespmem:s22], [sflag:$0x7], $0x10, s28, s0, $0xb8;
	[tilespmem:$0x1BF80] =	vst v63  }
0xfd: {  	_ =	swait.ge [sflag:s21], $0x500  }
0xfe: {  	s16 =	rddreg [dreg:$0x8];
	[sflag:s21] =	ssyncset.done $0x0  }
0xff: {  	s19 =	rddreg [dreg:$0x7];
	[sflag:s21] =	ssyncadd.s32 $0xFFFFFB00;
	s12 =	sadd.s32 $0x0, s16  }
0x100: {  	[tilespmem:s18], [sflag:$0x3] =	stream.linear.gather [hbm4b:s12+s5], $0x50, $0x38;
	[tilespmem:$0x1BF80] =	vst v63  }
0x101: {  	s13 =	sadd.s32 $0x0, s19  }
0x102: {  	[tilespmem:s28], [sflag:$0x3] =	stream.linear.gather [hbm4b:s13+s5], $0x50, $0x38;
	[tilespmem:$0x1BF80] =	vst v63  }
0x103: {  	_ =	swait.ge [sflag:s31], $0x50  }
0x104: {  	[sflag:s31] =	ssyncset.done $0x0  }
0x105: {  	[sflag:s31] =	ssyncadd.s32 $0xFFFFFFB0  }
0x106: {  	_ =	swait.ge [sflag:s31], $0x50  }
0x107: {  	[sflag:s31] =	ssyncset.done $0x0  }
0x108: {  	[sflag:s31] =	ssyncadd.s32 $0xFFFFFFB0  }
0x109: {  	[tilespmem:s20], [sflag:$0x5] =	stream.indirect.gather [hbm4b:s24+s0], $0x80, s23, s0, $0xb8;
	[tilespmem:$0x1BF80] =	vst v63  }
0x10a: {  	_ =	swait.ge [sflag:s9], $0x2800  }
0x10b: {  	[sflag:s9] =	ssyncset.done $0x0  }
0x10c: {  	[sflag:s9] =	ssyncadd.s32 $0xFFFFD800  }
0x10d: {  	[spmem:s2] =	stream.indirect.scatter.add.f32 [tilespmem:s1], [sflag:$0x7], $0x80, s30, s0, $0xb8;
	[tilespmem:$0x1BF80] =	vst v63  }
0x10e: {  	_ =	swait.ge [sflag:s21], $0x2800  }
0x10f: {  	[sflag:s21] =	ssyncset.done $0x0  }
0x110: {  	[sflag:s21] =	ssyncadd.s32 $0xFFFFD800  }
0x111: {  	[spmem:s3] =	stream.indirect.scatter.add.f32 [tilespmem:s22], [sflag:$0x7], $0x10, s30, s0, $0xb8;
	[tilespmem:$0x1BF80] =	vst v63  }
0x112: {  	_ =	swait.ge [sflag:s21], $0x500  }
0x113: {  	s15 =	rddreg [dreg:$0x6];
	[sflag:s21] =	ssyncset.done $0x0  }
0x114: {  	s16 =	rddreg [dreg:$0x5];
	[sflag:s21] =	ssyncadd.s32 $0xFFFFFB00;
	s12 =	sadd.s32 $0x0, s15  }
0x115: {  	[tilespmem:s29], [sflag:$0x4] =	stream.linear.gather [hbm4b:s12+s5], $0x50, $0x38;
	[tilespmem:$0x1BF80] =	vst v63  }
0x116: {  	s19 =	sadd.s32 $0x0, s16  }
0x117: {  	[tilespmem:s30], [sflag:$0x4] =	stream.linear.gather [hbm4b:s19+s5], $0x50, $0x38;
	[tilespmem:$0x1BF80] =	vst v63  }
0x118: {  	_ =	swait.ge [sflag:s4], $0x50  }
0x119: {  	[sflag:s4] =	ssyncset.done $0x0  }
0x11a: {  	[sflag:s4] =	ssyncadd.s32 $0xFFFFFFB0  }
0x11b: {  	_ =	swait.ge [sflag:s4], $0x50  }
0x11c: {  	[sflag:s4] =	ssyncset.done $0x0  }
0x11d: {  	s13 =	sadd.s32 $0x140, s11;
	s12 =	simm.s32 $0x28;
	[sflag:s4] =	ssyncadd.s32 $0xFFFFFFB0  }
.LBB2_2:
0x11e: {  	[tilespmem:s1], [sflag:$0x6] =	stream.indirect.gather [hbm4b:s24+s0], $0x80, s26, s0, $0xb8;
	[tilespmem:$0x1BF80] =	vst v63  }
0x11f: {  	_ =	swait.ge [sflag:s7], $0x2800  }
0x120: {  	[sflag:s7] =	ssyncset.done $0x0  }
0x121: {  	[sflag:s7] =	ssyncadd.s32 $0xFFFFD800  }
0x122: {  	[spmem:s2] =	stream.indirect.scatter.add.f32 [tilespmem:s20], [sflag:$0x7], $0x80, s25, s0, $0xb8;
	[tilespmem:$0x1BF80] =	vst v63  }
0x123: {  	_ =	swait.ge [sflag:s21], $0x2800  }
0x124: {  	[sflag:s21] =	ssyncset.done $0x0  }
0x125: {  	[sflag:s21] =	ssyncadd.s32 $0xFFFFD800  }
0x126: {  	[spmem:s3] =	stream.indirect.scatter.add.f32 [tilespmem:s22], [sflag:$0x7], $0x10, s25, s0, $0xb8;
	[tilespmem:$0x1BF80] =	vst v63  }
0x127: {  	_ =	swait.ge [sflag:s21], $0x500  }
0x128: {  	s16 =	sshrl.u32 s13, $0x3;
	[sflag:s21] =	ssyncset.done $0x0  }
0x129: {  	s19 =	sadd.s32 s14, s16;
	[sflag:s21] =	ssyncadd.s32 $0xFFFFFB00  }
0x12a: {  	[tilespmem:s23], [sflag:$0x1] =	stream.linear.gather [hbm4b:s19+s5], $0x50, $0x38;
	[tilespmem:$0x1BF80] =	vst v63  }
0x12b: {  	s16 =	sadd.s32 s6, s16  }
0x12c: {  	[tilespmem:s25], [sflag:$0x1] =	stream.linear.gather [hbm4b:s16+s5], $0x50, $0x38;
	[tilespmem:$0x1BF80] =	vst v63  }
0x12d: {  	_ =	swait.ge [sflag:s8], $0x50  }
0x12e: {  	[sflag:s8] =	ssyncset.done $0x0  }
0x12f: {  	[sflag:s8] =	ssyncadd.s32 $0xFFFFFFB0  }
0x130: {  	_ =	swait.ge [sflag:s8], $0x50  }
0x131: {  	[sflag:s8] =	ssyncset.done $0x0  }
0x132: {  	[sflag:s8] =	ssyncadd.s32 $0xFFFFFFB0  }
0x133: {  	[tilespmem:s20], [sflag:$0x5] =	stream.indirect.gather [hbm4b:s24+s0], $0x80, s18, s0, $0xb8;
	[tilespmem:$0x1BF80] =	vst v63  }
0x134: {  	_ =	swait.ge [sflag:s9], $0x2800  }
0x135: {  	[sflag:s9] =	ssyncset.done $0x0  }
0x136: {  	[sflag:s9] =	ssyncadd.s32 $0xFFFFD800  }
0x137: {  	[spmem:s2] =	stream.indirect.scatter.add.f32 [tilespmem:s1], [sflag:$0x7], $0x80, s17, s0, $0xb8;
	[tilespmem:$0x1BF80] =	vst v63  }
0x138: {  	_ =	swait.ge [sflag:s21], $0x2800  }
0x139: {  	[sflag:s21] =	ssyncset.done $0x0  }
0x13a: {  	[sflag:s21] =	ssyncadd.s32 $0xFFFFD800  }
0x13b: {  	[spmem:s3] =	stream.indirect.scatter.add.f32 [tilespmem:s22], [sflag:$0x7], $0x10, s17, s0, $0xb8;
	[tilespmem:$0x1BF80] =	vst v63  }
0x13c: {  	_ =	swait.ge [sflag:s21], $0x500  }
0x13d: {  	s15 =	smov.u32 s12;
	s19 =	rddreg [dreg:$0xa];
	[sflag:s21] =	ssyncset.done $0x0  }
0x13e: {  	s11 =	rddreg [dreg:$0x9];
	[sflag:s21] =	ssyncadd.s32 $0xFFFFFB00;
	s16 =	sadd.s32 s15, s19  }
0x13f: {  	[tilespmem:s26], [sflag:$0x2] =	stream.linear.gather [hbm4b:s16+s5], $0x50, $0x38;
	[tilespmem:$0x1BF80] =	vst v63  }
0x140: {  	s11 =	sadd.s32 s15, s11  }
0x141: {  	[tilespmem:s17], [sflag:$0x2] =	stream.linear.gather [hbm4b:s11+s5], $0x50, $0x38;
	[tilespmem:$0x1BF80] =	vst v63  }
0x142: {  	_ =	swait.ge [sflag:s10], $0x50  }
0x143: {  	[sflag:s10] =	ssyncset.done $0x0  }
0x144: {  	[sflag:s10] =	ssyncadd.s32 $0xFFFFFFB0  }
0x145: {  	_ =	swait.ge [sflag:s10], $0x50  }
0x146: {  	[sflag:s10] =	ssyncset.done $0x0  }
0x147: {  	[sflag:s10] =	ssyncadd.s32 $0xFFFFFFB0  }
0x148: {  	[tilespmem:s1], [sflag:$0x6] =	stream.indirect.gather [hbm4b:s24+s0], $0x80, s29, s0, $0xb8;
	[tilespmem:$0x1BF80] =	vst v63  }
0x149: {  	_ =	swait.ge [sflag:s7], $0x2800  }
0x14a: {  	[sflag:s7] =	ssyncset.done $0x0  }
0x14b: {  	[sflag:s7] =	ssyncadd.s32 $0xFFFFD800  }
0x14c: {  	[spmem:s2] =	stream.indirect.scatter.add.f32 [tilespmem:s20], [sflag:$0x7], $0x80, s28, s0, $0xb8;
	[tilespmem:$0x1BF80] =	vst v63  }
0x14d: {  	_ =	swait.ge [sflag:s21], $0x2800  }
0x14e: {  	[sflag:s21] =	ssyncset.done $0x0  }
0x14f: {  	[sflag:s21] =	ssyncadd.s32 $0xFFFFD800  }
0x150: {  	[spmem:s3] =	stream.indirect.scatter.add.f32 [tilespmem:s22], [sflag:$0x7], $0x10, s28, s0, $0xb8;
	[tilespmem:$0x1BF80] =	vst v63  }
0x151: {  	_ =	swait.ge [sflag:s21], $0x500  }
0x152: {  	s19 =	rddreg [dreg:$0x8];
	[sflag:s21] =	ssyncset.done $0x0  }
0x153: {  	s11 =	rddreg [dreg:$0x7];
	[sflag:s21] =	ssyncadd.s32 $0xFFFFFB00;
	s16 =	sadd.s32 s15, s19  }
0x154: {  	[tilespmem:s18], [sflag:$0x3] =	stream.linear.gather [hbm4b:s16+s5], $0x50, $0x38;
	[tilespmem:$0x1BF80] =	vst v63  }
0x155: {  	s11 =	sadd.s32 s15, s11  }
0x156: {  	[tilespmem:s28], [sflag:$0x3] =	stream.linear.gather [hbm4b:s11+s5], $0x50, $0x38;
	[tilespmem:$0x1BF80] =	vst v63  }
0x157: {  	_ =	swait.ge [sflag:s31], $0x50  }
0x158: {  	[sflag:s31] =	ssyncset.done $0x0  }
0x159: {  	[sflag:s31] =	ssyncadd.s32 $0xFFFFFFB0  }
0x15a: {  	_ =	swait.ge [sflag:s31], $0x50  }
0x15b: {  	[sflag:s31] =	ssyncset.done $0x0  }
0x15c: {  	[sflag:s31] =	ssyncadd.s32 $0xFFFFFFB0  }
0x15d: {  	[tilespmem:s20], [sflag:$0x5] =	stream.indirect.gather [hbm4b:s24+s0], $0x80, s23, s0, $0xb8;
	[tilespmem:$0x1BF80] =	vst v63  }
0x15e: {  	_ =	swait.ge [sflag:s9], $0x2800  }
0x15f: {  	[sflag:s9] =	ssyncset.done $0x0  }
0x160: {  	[sflag:s9] =	ssyncadd.s32 $0xFFFFD800  }
0x161: {  	[spmem:s2] =	stream.indirect.scatter.add.f32 [tilespmem:s1], [sflag:$0x7], $0x80, s30, s0, $0xb8;
	[tilespmem:$0x1BF80] =	vst v63  }
0x162: {  	_ =	swait.ge [sflag:s21], $0x2800  }
0x163: {  	[sflag:s21] =	ssyncset.done $0x0  }
0x164: {  	[sflag:s21] =	ssyncadd.s32 $0xFFFFD800  }
0x165: {  	[spmem:s3] =	stream.indirect.scatter.add.f32 [tilespmem:s22], [sflag:$0x7], $0x10, s30, s0, $0xb8;
	[tilespmem:$0x1BF80] =	vst v63  }
0x166: {  	_ =	swait.ge [sflag:s21], $0x500  }
0x167: {  	s19 =	rddreg [dreg:$0x6];
	[sflag:s21] =	ssyncset.done $0x0  }
0x168: {  	s11 =	rddreg [dreg:$0x5];
	[sflag:s21] =	ssyncadd.s32 $0xFFFFFB00;
	s16 =	sadd.s32 s15, s19  }
0x169: {  	[tilespmem:s29], [sflag:$0x4] =	stream.linear.gather [hbm4b:s16+s5], $0x50, $0x38;
	[tilespmem:$0x1BF80] =	vst v63  }
0x16a: {  	s15 =	sadd.s32 s15, s11  }
0x16b: {  	[tilespmem:s30], [sflag:$0x4] =	stream.linear.gather [hbm4b:s15+s5], $0x50, $0x38;
	[tilespmem:$0x1BF80] =	vst v63  }
0x16c: {  	p0 =	sne.s32 s12, $0x488;
	_ =	swait.ge [sflag:s4], $0x50  }
.Ltmp0:
0x16d: {  	[sflag:s4] =	ssyncset.done $0x0;
	(pc) =	sbr.rel @p0 .LBB2_2-.Ltmp0, $4  }
0x16e: {  	[sflag:s4] =	ssyncadd.s32 $0xFFFFFFB0  }
0x16f: {  	_ =	swait.ge [sflag:s4], $0x50  }
0x170: {  	[sflag:s4] =	ssyncset.done $0x0  }
0x171: {  	s12 =	sadd.s32 $0x28, s12;
	s13 =	sadd.s32 $0x140, s13;
	[sflag:s4] =	ssyncadd.s32 $0xFFFFFFB0  }
0x172: {  	[tilespmem:s1], [sflag:$0x6] =	stream.indirect.gather [hbm4b:s24+s0], $0x80, s26, s0, $0xb8;
	[tilespmem:$0x1BF80] =	vst v63  }
0x173: {  	_ =	swait.ge [sflag:s7], $0x2800  }
0x174: {  	[sflag:s7] =	ssyncset.done $0x0  }
0x175: {  	[sflag:s7] =	ssyncadd.s32 $0xFFFFD800  }
0x176: {  	[spmem:s2] =	stream.indirect.scatter.add.f32 [tilespmem:s20], [sflag:$0x7], $0x80, s25, s0, $0xb8;
	[tilespmem:$0x1BF80] =	vst v63  }
0x177: {  	_ =	swait.ge [sflag:s21], $0x2800  }
0x178: {  	[sflag:s21] =	ssyncset.done $0x0  }
0x179: {  	[sflag:s21] =	ssyncadd.s32 $0xFFFFD800  }
0x17a: {  	[spmem:s3] =	stream.indirect.scatter.add.f32 [tilespmem:s22], [sflag:$0x7], $0x10, s25, s0, $0xb8;
	[tilespmem:$0x1BF80] =	vst v63  }
0x17b: {  	_ =	swait.ge [sflag:s21], $0x500  }
0x17c: {  	s11 =	sld [smem:$0x7F4]  }
0x17d: {  	[sflag:s21] =	ssyncset.done $0x0  }
0x17e: {  	s15 =	sld [smem:$0x7F5];
	[sflag:s21] =	ssyncadd.s32 $0xFFFFFB00  }
0x17f: {  	[tilespmem:s23], [sflag:$0x1] =	stream.linear.gather [hbm4b:s11+s5], $0x50, $0x38;
	[tilespmem:$0x1BF80] =	vst v63  }
0x180: {  	_ = 	snop  }
0x181: {  	[tilespmem:s25], [sflag:$0x1] =	stream.linear.gather [hbm4b:s15+s5], $0x50, $0x38;
	[tilespmem:$0x1BF80] =	vst v63  }
0x182: {  	_ =	swait.ge [sflag:s8], $0x50  }
0x183: {  	[sflag:s8] =	ssyncset.done $0x0  }
0x184: {  	[sflag:s8] =	ssyncadd.s32 $0xFFFFFFB0  }
0x185: {  	_ =	swait.ge [sflag:s8], $0x50  }
0x186: {  	[sflag:s8] =	ssyncset.done $0x0  }
0x187: {  	[sflag:s8] =	ssyncadd.s32 $0xFFFFFFB0  }
0x188: {  	[tilespmem:s20], [sflag:$0x5] =	stream.indirect.gather [hbm4b:s24+s0], $0x80, s18, s0, $0xb8;
	[tilespmem:$0x1BF80] =	vst v63  }
0x189: {  	_ =	swait.ge [sflag:s9], $0x2800  }
0x18a: {  	[sflag:s9] =	ssyncset.done $0x0  }
0x18b: {  	[sflag:s9] =	ssyncadd.s32 $0xFFFFD800  }
0x18c: {  	[spmem:s2] =	stream.indirect.scatter.add.f32 [tilespmem:s1], [sflag:$0x7], $0x80, s17, s0, $0xb8;
	[tilespmem:$0x1BF80] =	vst v63  }
0x18d: {  	_ =	swait.ge [sflag:s21], $0x2800  }
0x18e: {  	[sflag:s21] =	ssyncset.done $0x0  }
0x18f: {  	[sflag:s21] =	ssyncadd.s32 $0xFFFFD800  }
0x190: {  	[spmem:s3] =	stream.indirect.scatter.add.f32 [tilespmem:s22], [sflag:$0x7], $0x10, s17, s0, $0xb8;
	[tilespmem:$0x1BF80] =	vst v63  }
0x191: {  	_ =	swait.ge [sflag:s21], $0x500  }
0x192: {  	[sflag:s21] =	ssyncset.done $0x0  }
0x193: {  	[sflag:s21] =	ssyncadd.s32 $0xFFFFFB00  }
0x194: {  	_ =	swait.ge [sflag:s10], $0x50  }
0x195: {  	[sflag:s10] =	ssyncset.done $0x0  }
0x196: {  	[sflag:s10] =	ssyncadd.s32 $0xFFFFFFB0  }
0x197: {  	_ =	swait.ge [sflag:s10], $0x50  }
0x198: {  	[sflag:s10] =	ssyncset.done $0x0  }
0x199: {  	[sflag:s10] =	ssyncadd.s32 $0xFFFFFFB0  }
0x19a: {  	[tilespmem:s1], [sflag:$0x6] =	stream.indirect.gather [hbm4b:s24+s0], $0x80, s29, s0, $0xb8;
	[tilespmem:$0x1BF80] =	vst v63  }
0x19b: {  	_ =	swait.ge [sflag:s7], $0x2800  }
0x19c: {  	[sflag:s7] =	ssyncset.done $0x0  }
0x19d: {  	[sflag:s7] =	ssyncadd.s32 $0xFFFFD800  }
0x19e: {  	[spmem:s2] =	stream.indirect.scatter.add.f32 [tilespmem:s20], [sflag:$0x7], $0x80, s28, s0, $0xb8;
	[tilespmem:$0x1BF80] =	vst v63  }
0x19f: {  	_ =	swait.ge [sflag:s21], $0x2800  }
0x1a0: {  	[sflag:s21] =	ssyncset.done $0x0  }
0x1a1: {  	[sflag:s21] =	ssyncadd.s32 $0xFFFFD800  }
0x1a2: {  	[spmem:s3] =	stream.indirect.scatter.add.f32 [tilespmem:s22], [sflag:$0x7], $0x10, s28, s0, $0xb8;
	[tilespmem:$0x1BF80] =	vst v63  }
0x1a3: {  	_ =	swait.ge [sflag:s21], $0x500  }
0x1a4: {  	[sflag:s21] =	ssyncset.done $0x0  }
0x1a5: {  	[sflag:s21] =	ssyncadd.s32 $0xFFFFFB00  }
0x1a6: {  	_ =	swait.ge [sflag:s31], $0x50  }
0x1a7: {  	[sflag:s31] =	ssyncset.done $0x0  }
0x1a8: {  	[sflag:s31] =	ssyncadd.s32 $0xFFFFFFB0  }
0x1a9: {  	_ =	swait.ge [sflag:s31], $0x50  }
0x1aa: {  	[sflag:s31] =	ssyncset.done $0x0  }
0x1ab: {  	[sflag:s31] =	ssyncadd.s32 $0xFFFFFFB0  }
0x1ac: {  	[tilespmem:s20], [sflag:$0x5] =	stream.indirect.gather [hbm4b:s24+s0], $0x80, s23, s0, $0xb8;
	[tilespmem:$0x1BF80] =	vst v63  }
0x1ad: {  	_ =	swait.ge [sflag:s9], $0x2800  }
0x1ae: {  	[sflag:s9] =	ssyncset.done $0x0  }
0x1af: {  	[sflag:s9] =	ssyncadd.s32 $0xFFFFD800  }
0x1b0: {  	[spmem:s2] =	stream.indirect.scatter.add.f32 [tilespmem:s1], [sflag:$0x7], $0x80, s30, s0, $0xb8;
	[tilespmem:$0x1BF80] =	vst v63  }
0x1b1: {  	_ =	swait.ge [sflag:s21], $0x2800  }
0x1b2: {  	[sflag:s21] =	ssyncset.done $0x0  }
0x1b3: {  	[sflag:s21] =	ssyncadd.s32 $0xFFFFD800  }
0x1b4: {  	[spmem:s3] =	stream.indirect.scatter.add.f32 [tilespmem:s22], [sflag:$0x7], $0x10, s30, s0, $0xb8;
	[tilespmem:$0x1BF80] =	vst v63  }
0x1b5: {  	_ =	swait.ge [sflag:s21], $0x500  }
0x1b6: {  	[sflag:s21] =	ssyncset.done $0x0  }
0x1b7: {  	[sflag:s21] =	ssyncadd.s32 $0xFFFFFB00  }
0x1b8: {  	_ =	swait.ge [sflag:s7], $0x2800  }
0x1b9: {  	[sflag:s7] =	ssyncset.done $0x0  }
0x1ba: {  	[sflag:s7] =	ssyncadd.s32 $0xFFFFD800  }
0x1bb: {  	[spmem:s2] =	stream.indirect.scatter.add.f32 [tilespmem:s20], [sflag:$0x7], $0x80, s25, s0, $0xb8;
	[tilespmem:$0x1BF80] =	vst v63  }
0x1bc: {  	_ =	swait.ge [sflag:s21], $0x2800  }
0x1bd: {  	[sflag:s21] =	ssyncset.done $0x0  }
0x1be: {  	[sflag:s21] =	ssyncadd.s32 $0xFFFFD800  }
0x1bf: {  	[spmem:s3] =	stream.indirect.scatter.add.f32 [tilespmem:s22], [sflag:$0x7], $0x10, s25, s0, $0xb8;
	[tilespmem:$0x1BF80] =	vst v63  }
0x1c0: {  	_ =	swait.ge [sflag:s21], $0x500  }
0x1c1: {  	[sflag:s21] =	ssyncset.done $0x0  }
0x1c2: {  	[sflag:s21] =	ssyncadd.s32 $0xFFFFFB00  }
0x1c3: {  	[bflag:$0x0] =	sbarrier.arrive $0xFFFF  }
0x1c4: {  	s16 =	rddreg [dreg:$0x1d]  }
0x1c5: {  	[tilespmem:s20], [sflag:$0x7] =	stream.linear.gather [spmem:s16], $0x2800, $0x38;
	[tilespmem:$0x1BF80] =	vst v63  }
0x1c6: {  	_ =	swait.ge [sflag:s21], $0x2800  }
0x1c7: {  	[sflag:s21] =	ssyncset.done $0x0  }
0x1c8: {  	s12 =	rddreg [dreg:$0xb];
	[sflag:s21] =	ssyncadd.s32 $0xFFFFD800  }
0x1c9: {  	[hbm4b:s12+s5] =	stream.linear.scatter [tilespmem:s20], [sflag:$0x7], $0x2800, $0x38;
	[tilespmem:$0x1BF80] =	vst v63  }
0x1ca: {  	_ =	swait.ge [sflag:s21], $0x2800  }
0x1cb: {  	[sflag:s21] =	ssyncset.done $0x0  }
0x1cc: {  	s19 =	rddreg [dreg:$0x1e];
	[sflag:s21] =	ssyncadd.s32 $0xFFFFD800  }
0x1cd: {  	[tilespmem:s22], [sflag:$0x7] =	stream.linear.gather [spmem:s19], $0x500, $0x38;
	[tilespmem:$0x1BF80] =	vst v63  }
0x1ce: {  	_ =	swait.ge [sflag:s21], $0x500  }
0x1cf: {  	[sflag:s21] =	ssyncset.done $0x0  }
0x1d0: {  	s11 =	rddreg [dreg:$0x13];
	[sflag:s21] =	ssyncadd.s32 $0xFFFFFB00  }
0x1d1: {  	[hbm4b:s11+s5] =	stream.linear.scatter [tilespmem:s22], [sflag:$0x7], $0x500, $0x38;
	[tilespmem:$0x1BF80] =	vst v63  }
0x1d2: {  	_ =	swait.ge [sflag:s21], $0x500  }
0x1d3: {  	[sflag:s21] =	ssyncset.done $0x0  }
0x1d4: {  	s12 =	rddreg [dreg:$0x1f];
	[sflag:s21] =	ssyncadd.s32 $0xFFFFFB00  }
0x1d5: {  	[tilespmem:s20], [sflag:$0x7] =	stream.linear.gather [spmem:s12], $0x2800, $0x38;
	[tilespmem:$0x1BF80] =	vst v63  }
0x1d6: {  	_ =	swait.ge [sflag:s21], $0x2800  }
0x1d7: {  	[sflag:s21] =	ssyncset.done $0x0  }
0x1d8: {  	s13 =	rddreg [dreg:$0xc];
	[sflag:s21] =	ssyncadd.s32 $0xFFFFD800  }
0x1d9: {  	[hbm4b:s13+s5] =	stream.linear.scatter [tilespmem:s20], [sflag:$0x7], $0x2800, $0x38;
	[tilespmem:$0x1BF80] =	vst v63  }
0x1da: {  	_ =	swait.ge [sflag:s21], $0x2800  }
0x1db: {  	s15 =	sld [smem:$0x7E2]  }
0x1dc: {  	[sflag:s21] =	ssyncset.done $0x0  }
0x1dd: {  	[sflag:s21] =	ssyncadd.s32 $0xFFFFD800  }
0x1de: {  	[tilespmem:s22], [sflag:$0x7] =	stream.linear.gather [spmem:s15], $0x500, $0x38;
	[tilespmem:$0x1BF80] =	vst v63  }
0x1df: {  	_ =	swait.ge [sflag:s21], $0x500  }
0x1e0: {  	[sflag:s21] =	ssyncset.done $0x0  }
0x1e1: {  	s16 =	rddreg [dreg:$0x14];
	[sflag:s21] =	ssyncadd.s32 $0xFFFFFB00  }
0x1e2: {  	[hbm4b:s16+s5] =	stream.linear.scatter [tilespmem:s22], [sflag:$0x7], $0x500, $0x38;
	[tilespmem:$0x1BF80] =	vst v63  }
0x1e3: {  	_ =	swait.ge [sflag:s21], $0x500  }
0x1e4: {  	s19 =	sld [smem:$0x7E4]  }
0x1e5: {  	[sflag:s21] =	ssyncset.done $0x0  }
0x1e6: {  	[sflag:s21] =	ssyncadd.s32 $0xFFFFFB00  }
0x1e7: {  	[tilespmem:s20], [sflag:$0x7] =	stream.linear.gather [spmem:s19], $0x2800, $0x38;
	[tilespmem:$0x1BF80] =	vst v63  }
0x1e8: {  	_ =	swait.ge [sflag:s21], $0x2800  }
0x1e9: {  	[sflag:s21] =	ssyncset.done $0x0  }
0x1ea: {  	s11 =	rddreg [dreg:$0xd];
	[sflag:s21] =	ssyncadd.s32 $0xFFFFD800  }
0x1eb: {  	[hbm4b:s11+s5] =	stream.linear.scatter [tilespmem:s20], [sflag:$0x7], $0x2800, $0x38;
	[tilespmem:$0x1BF80] =	vst v63  }
0x1ec: {  	_ =	swait.ge [sflag:s21], $0x2800  }
0x1ed: {  	s12 =	sld [smem:$0x7E5]  }
0x1ee: {  	[sflag:s21] =	ssyncset.done $0x0  }
0x1ef: {  	[sflag:s21] =	ssyncadd.s32 $0xFFFFD800  }
0x1f0: {  	[tilespmem:s22], [sflag:$0x7] =	stream.linear.gather [spmem:s12], $0x500, $0x38;
	[tilespmem:$0x1BF80] =	vst v63  }
0x1f1: {  	_ =	swait.ge [sflag:s21], $0x500  }
0x1f2: {  	[sflag:s21] =	ssyncset.done $0x0  }
0x1f3: {  	s13 =	rddreg [dreg:$0x15];
	[sflag:s21] =	ssyncadd.s32 $0xFFFFFB00  }
0x1f4: {  	[hbm4b:s13+s5] =	stream.linear.scatter [tilespmem:s22], [sflag:$0x7], $0x500, $0x38;
	[tilespmem:$0x1BF80] =	vst v63  }
0x1f5: {  	_ =	swait.ge [sflag:s21], $0x500  }
0x1f6: {  	s15 =	sld [smem:$0x7E6]  }
0x1f7: {  	[sflag:s21] =	ssyncset.done $0x0  }
0x1f8: {  	[sflag:s21] =	ssyncadd.s32 $0xFFFFFB00  }
0x1f9: {  	[tilespmem:s20], [sflag:$0x7] =	stream.linear.gather [spmem:s15], $0x2800, $0x38;
	[tilespmem:$0x1BF80] =	vst v63  }
0x1fa: {  	_ =	swait.ge [sflag:s21], $0x2800  }
0x1fb: {  	[sflag:s21] =	ssyncset.done $0x0  }
0x1fc: {  	s16 =	rddreg [dreg:$0xe];
	[sflag:s21] =	ssyncadd.s32 $0xFFFFD800  }
0x1fd: {  	[hbm4b:s16+s5] =	stream.linear.scatter [tilespmem:s20], [sflag:$0x7], $0x2800, $0x38;
	[tilespmem:$0x1BF80] =	vst v63  }
0x1fe: {  	_ =	swait.ge [sflag:s21], $0x2800  }
0x1ff: {  	s19 =	sld [smem:$0x7E7]  }
0x200: {  	[sflag:s21] =	ssyncset.done $0x0  }
0x201: {  	[sflag:s21] =	ssyncadd.s32 $0xFFFFD800  }
0x202: {  	[tilespmem:s22], [sflag:$0x7] =	stream.linear.gather [spmem:s19], $0x500, $0x38;
	[tilespmem:$0x1BF80] =	vst v63  }
0x203: {  	_ =	swait.ge [sflag:s21], $0x500  }
0x204: {  	[sflag:s21] =	ssyncset.done $0x0  }
0x205: {  	s11 =	rddreg [dreg:$0x16];
	[sflag:s21] =	ssyncadd.s32 $0xFFFFFB00  }
0x206: {  	[hbm4b:s11+s5] =	stream.linear.scatter [tilespmem:s22], [sflag:$0x7], $0x500, $0x38;
	[tilespmem:$0x1BF80] =	vst v63  }
0x207: {  	_ =	swait.ge [sflag:s21], $0x500  }
0x208: {  	s12 =	sld [smem:$0x7E8]  }
0x209: {  	[sflag:s21] =	ssyncset.done $0x0  }
0x20a: {  	[sflag:s21] =	ssyncadd.s32 $0xFFFFFB00  }
0x20b: {  	[tilespmem:s20], [sflag:$0x7] =	stream.linear.gather [spmem:s12], $0x2800, $0x38;
	[tilespmem:$0x1BF80] =	vst v63  }
0x20c: {  	_ =	swait.ge [sflag:s21], $0x2800  }
0x20d: {  	[sflag:s21] =	ssyncset.done $0x0  }
0x20e: {  	s13 =	rddreg [dreg:$0xf];
	[sflag:s21] =	ssyncadd.s32 $0xFFFFD800  }
0x20f: {  	[hbm4b:s13+s5] =	stream.linear.scatter [tilespmem:s20], [sflag:$0x7], $0x2800, $0x38;
	[tilespmem:$0x1BF80] =	vst v63  }
0x210: {  	_ =	swait.ge [sflag:s21], $0x2800  }
0x211: {  	s15 =	sld [smem:$0x7E9]  }
0x212: {  	[sflag:s21] =	ssyncset.done $0x0  }
0x213: {  	[sflag:s21] =	ssyncadd.s32 $0xFFFFD800  }
0x214: {  	[tilespmem:s22], [sflag:$0x7] =	stream.linear.gather [spmem:s15], $0x500, $0x38;
	[tilespmem:$0x1BF80] =	vst v63  }
0x215: {  	_ =	swait.ge [sflag:s21], $0x500  }
0x216: {  	[sflag:s21] =	ssyncset.done $0x0  }
0x217: {  	s16 =	rddreg [dreg:$0x17];
	[sflag:s21] =	ssyncadd.s32 $0xFFFFFB00  }
0x218: {  	[hbm4b:s16+s5] =	stream.linear.scatter [tilespmem:s22], [sflag:$0x7], $0x500, $0x38;
	[tilespmem:$0x1BF80] =	vst v63  }
0x219: {  	_ =	swait.ge [sflag:s21], $0x500  }
0x21a: {  	s19 =	sld [smem:$0x7EA]  }
0x21b: {  	[sflag:s21] =	ssyncset.done $0x0  }
0x21c: {  	[sflag:s21] =	ssyncadd.s32 $0xFFFFFB00  }
0x21d: {  	[tilespmem:s20], [sflag:$0x7] =	stream.linear.gather [spmem:s19], $0x2800, $0x38;
	[tilespmem:$0x1BF80] =	vst v63  }
0x21e: {  	_ =	swait.ge [sflag:s21], $0x2800  }
0x21f: {  	[sflag:s21] =	ssyncset.done $0x0  }
0x220: {  	s11 =	rddreg [dreg:$0x10];
	[sflag:s21] =	ssyncadd.s32 $0xFFFFD800  }
0x221: {  	[hbm4b:s11+s5] =	stream.linear.scatter [tilespmem:s20], [sflag:$0x7], $0x2800, $0x38;
	[tilespmem:$0x1BF80] =	vst v63  }
0x222: {  	_ =	swait.ge [sflag:s21], $0x2800  }
0x223: {  	s12 =	sld [smem:$0x7EB]  }
0x224: {  	[sflag:s21] =	ssyncset.done $0x0  }
0x225: {  	[sflag:s21] =	ssyncadd.s32 $0xFFFFD800  }
0x226: {  	[tilespmem:s22], [sflag:$0x7] =	stream.linear.gather [spmem:s12], $0x500, $0x38;
	[tilespmem:$0x1BF80] =	vst v63  }
0x227: {  	_ =	swait.ge [sflag:s21], $0x500  }
0x228: {  	[sflag:s21] =	ssyncset.done $0x0  }
0x229: {  	s13 =	rddreg [dreg:$0x18];
	[sflag:s21] =	ssyncadd.s32 $0xFFFFFB00  }
0x22a: {  	[hbm4b:s13+s5] =	stream.linear.scatter [tilespmem:s22], [sflag:$0x7], $0x500, $0x38;
	[tilespmem:$0x1BF80] =	vst v63  }
0x22b: {  	_ =	swait.ge [sflag:s21], $0x500  }
0x22c: {  	s19 =	sld [smem:$0x7FA]  }
0x22d: {  	[sflag:s21] =	ssyncset.done $0x0  }
0x22e: {  	[sflag:s21] =	ssyncadd.s32 $0xFFFFFB00  }
0x22f: {  	[tilespmem:s20], [sflag:$0x7] =	stream.linear.gather [spmem:s19], $0x2800, $0x38;
	[tilespmem:$0x1BF80] =	vst v63  }
0x230: {  	_ =	swait.ge [sflag:s21], $0x2800  }
0x231: {  	[sflag:s21] =	ssyncset.done $0x0  }
0x232: {  	s15 =	rddreg [dreg:$0x11];
	[sflag:s21] =	ssyncadd.s32 $0xFFFFD800  }
0x233: {  	[hbm4b:s15+s5] =	stream.linear.scatter [tilespmem:s20], [sflag:$0x7], $0x2800, $0x38;
	[tilespmem:$0x1BF80] =	vst v63  }
0x234: {  	_ =	swait.ge [sflag:s21], $0x2800  }
0x235: {  	s11 =	sld [smem:$0x7FB]  }
0x236: {  	[sflag:s21] =	ssyncset.done $0x0  }
0x237: {  	[sflag:s21] =	ssyncadd.s32 $0xFFFFD800  }
0x238: {  	[tilespmem:s22], [sflag:$0x7] =	stream.linear.gather [spmem:s11], $0x500, $0x38;
	[tilespmem:$0x1BF80] =	vst v63  }
0x239: {  	_ =	swait.ge [sflag:s21], $0x500  }
0x23a: {  	[sflag:s21] =	ssyncset.done $0x0  }
0x23b: {  	s16 =	rddreg [dreg:$0x19];
	[sflag:s21] =	ssyncadd.s32 $0xFFFFFB00  }
0x23c: {  	[hbm4b:s16+s5] =	stream.linear.scatter [tilespmem:s22], [sflag:$0x7], $0x500, $0x38;
	[tilespmem:$0x1BF80] =	vst v63  }
0x23d: {  	_ =	swait.ge [sflag:s21], $0x500  }
0x23e: {  	s16 =	sld [smem:$0x7FC]  }
0x23f: {  	[sflag:s21] =	ssyncset.done $0x0  }
0x240: {  	[sflag:s21] =	ssyncadd.s32 $0xFFFFFB00  }
0x241: {  	[tilespmem:s20], [sflag:$0x7] =	stream.linear.gather [spmem:s16], $0x2800, $0x38;
	[tilespmem:$0x1BF80] =	vst v63  }
0x242: {  	_ =	swait.ge [sflag:s21], $0x2800  }
0x243: {  	[sflag:s21] =	ssyncset.done $0x0  }
0x244: {  	s13 =	rddreg [dreg:$0x12];
	[sflag:s21] =	ssyncadd.s32 $0xFFFFD800  }
0x245: {  	[hbm4b:s13+s5] =	stream.linear.scatter [tilespmem:s20], [sflag:$0x7], $0x2800, $0x38;
	[tilespmem:$0x1BF80] =	vst v63  }
0x246: {  	_ =	swait.ge [sflag:s21], $0x2800  }
0x247: {  	s13 =	sld [smem:$0x7FD]  }
0x248: {  	[sflag:s21] =	ssyncset.done $0x0  }
0x249: {  	[sflag:s21] =	ssyncadd.s32 $0xFFFFD800  }
0x24a: {  	[tilespmem:s22], [sflag:$0x7] =	stream.linear.gather [spmem:s13], $0x500, $0x38;
	[tilespmem:$0x1BF80] =	vst v63  }
0x24b: {  	_ =	swait.ge [sflag:s21], $0x500  }
0x24c: {  	[sflag:s21] =	ssyncset.done $0x0  }
0x24d: {  	s15 =	rddreg [dreg:$0x1a];
	[sflag:s21] =	ssyncadd.s32 $0xFFFFFB00  }
0x24e: {  	[hbm4b:s15+s5] =	stream.linear.scatter [tilespmem:s22], [sflag:$0x7], $0x500, $0x38;
	[tilespmem:$0x1BF80] =	vst v63  }
0x24f: {  	_ =	swait.ge [sflag:s21], $0x500  }
0x250: {  	s15 =	sld [smem:$0x7F9]  }
0x251: {  	s12 =	sld [smem:$0x7F7];
	_ =	sdelay $0x1  }
0x252: {  	s15 =	sadd.s32 $0x1, s15  }
0x253: {  	p0 =	sne.s32 s15, s12  }
.Ltmp1:
0x254: {  	_ = 	snop;
	(pc) =	sbr.rel @p0 .LBB2_1-.Ltmp1, $3  }
0x255: {  	_ =	sdelay $0x1  }
0x256: {  	[sflag:s21] =	ssyncset.done $0x0;
	[smem:$0x7F9] =	sst s15  }
0x257: {  	[sflag:s21] =	ssyncadd.s32 $0xFFFFFB00;
	s15 =	rddreg [dreg:$0x1d]  }
0x258: {  	_ =	sfence.sel $0x180000  }
0x259: {  	[bflag:$0x0] =	sbarrier.arrive $0xFFFF  }
0x25a: {  	_ =	strace $0x90000047  }
0x25b: {  	s0 =	stileid.u32;
	[bflag:$0x2] =	sbarrier.arrive $0xFFFF  }
0x25c: {  	p0 =	sne.s32 s0, $0x0;
	s0 =	rddreg [dreg:$0x4]  }
0x25d: {  	s0 =	sadd.s32 @!p0 $0x100000, s0  }
0x25e: {  	[sflag:s0] =	ssyncadd.tile.s32 @!p0 $0x1;
	_ =	shalt  }
.Lfunc_end2:
_tile_overlayer_lowered:
.L_overlay_start_2:
0x25f: {  	(tag) =	ssettag $0x2  }
0x260: {  	s0 =	rddreg [dreg:$0x0];
	s2 =	stileid.u32  }
0x261: {  	s1 =	rddreg [dreg:$0x1];
	p0 =	sne.s32 s2, $0x0  }
0x262: {  	s3 =	rddreg [dreg:$0x2];
	[bflag:$0x3] =	sbarrier.arrive $0xFFFF;
	s2 =	simm.s32 @!p0 $0x1C07  }
0x263: {  	[timem:s3], [sflag:s2] =	dma.local @!p0 [hbm:s0], s1  }
0x264: {  	s0 =	simm.s32 @!p0 $0x7  }
0x265: {  	_ =	swait.ge @!p0 [sflag:s0], s1  }
0x266: {  	s1 =	ssub.s32 @!p0 $0x0, s1;
	[sflag:s0] =	ssyncset.done @!p0 $0x0  }
0x267: {  	[sflag:s0] =	ssyncadd.s32 @!p0 s1  }
0x268: {  	[bflag:$0x3] =	sbarrier.arrive $0xFFFF  }
0x269: {  	_ =	shalt  }

</sc_bundles>
